<compile_context>
chip_gen: v7x
topology: tpu7x:2x2x1
jax: 0.10.2.dev20260603
libtpu: 0.0.44.dev20260713+nightly
codegen_flags: <defaults>
</compile_context>

<pallas_src>
import functools

import jax
import jax.numpy as jnp
from jax import lax
from jax.experimental import pallas as pl
from jax.experimental.pallas import tpu as pltpu
from jax.experimental.pallas import tpu_sc as plsc

B = 1024
FDIM = 128
SAMPLE_NUM = 8192
N = 100000
N_PAD = 100352
TILE = 2048
NBLK = N_PAD // 128
KSEL = 16
NNBR = SAMPLE_NUM // B + 1
NEG_INF = -3.0e38



NBT = TILE // 128


def _scores_body(fn_ref, w_ref, d_ref, s_ref, agg_ref, sel_ref, m1t_v):
    t = pl.program_id(0)
    wn = w_ref[...] / d_ref[...].reshape(TILE, 1)
    s = jax.lax.dot_general(
        fn_ref[...], wn,
        (((1,), (1,)), ((), ())),
        preferred_element_type=jnp.float32,
    )
    col = t * TILE + lax.broadcasted_iota(jnp.int32, (1, TILE), 1)
    s = jnp.where(col < N, s, NEG_INF)
    s_ref[...] = jnp.stack([s[:, 128 * b:128 * (b + 1)] for b in range(NBT)],
                           axis=0)
    maxes = [jnp.max(s[:, 128 * b:128 * (b + 1)], axis=1) for b in range(NBT)]
    m1t_v[pl.ds(t * NBT, NBT), :] = jnp.stack(maxes, axis=0)
    agg_ref[...] = jnp.max(s, axis=0)

    @pl.when(t == N_PAD // TILE - 1)
    def _():
        v = m1t_v[...]
        blk = lax.broadcasted_iota(jnp.int32, (NBLK, B), 0)
        rows = []
        for _ in range(KSEL):
            m = jnp.max(v, axis=0, keepdims=True)
            bi = jnp.min(jnp.where(v == m, blk, NBLK), axis=0, keepdims=True)
            rows.append(bi)
            v = jnp.where(blk == bi, NEG_INF, v)
        q = lax.broadcasted_iota(jnp.int32, (KSEL, B), 1)
        sel_ref[...] = jnp.concatenate(rows, axis=0) * B + q


def _scores_call(fn, weight, denom):
    grid = N_PAD // TILE
    return pl.pallas_call(
        _scores_body,
        grid=(grid,),
        in_specs=[
            pl.BlockSpec((B, FDIM), lambda t: (0, 0)),
            pl.BlockSpec((TILE, FDIM), lambda t: (t, 0)),
            pl.BlockSpec((TILE,), lambda t: (t,)),
        ],
        out_specs=[
            pl.BlockSpec((NBT, B, 128), lambda t: (t, 0, 0)),
            pl.BlockSpec((TILE,), lambda t: (t,)),
            pl.BlockSpec((KSEL, B), lambda t: (0, 0)),
        ],
        out_shape=[
            jax.ShapeDtypeStruct((NBLK, B, 128), jnp.float32),
            jax.ShapeDtypeStruct((N_PAD,), jnp.float32),
            jax.ShapeDtypeStruct((KSEL, B), jnp.int32),
        ],
        scratch_shapes=[pltpu.VMEM((NBLK, B), jnp.float32)],
    )(fn, weight, denom)



def _blocksel_body(m1t_ref, sel_ref):
    v = m1t_ref[...]
    blk = lax.broadcasted_iota(jnp.int32, (NBLK, B), 0)
    rows = []
    for _ in range(KSEL):
        m = jnp.max(v, axis=0, keepdims=True)
        bi = jnp.min(jnp.where(v == m, blk, NBLK), axis=0, keepdims=True)
        rows.append(bi)
        v = jnp.where(blk == bi, NEG_INF, v)
    q = lax.broadcasted_iota(jnp.int32, (KSEL, B), 1)
    sel_ref[...] = jnp.concatenate(rows, axis=0) * B + q


def _blocksel_call(m1t):
    return pl.pallas_call(
        _blocksel_body,
        in_specs=[pl.BlockSpec((NBLK, B), lambda: (0, 0))],
        out_specs=pl.BlockSpec((KSEL, B), lambda: (0, 0)),
        out_shape=jax.ShapeDtypeStruct((KSEL, B), jnp.int32),
    )(m1t)



def _sc_gather(table, idx, rows_out_shape):
    info = plsc.get_sparse_core_info()
    nw = info.num_cores * info.num_subcores
    n_idx = idx.shape[0]
    d = table.shape[1]
    b_per_w = n_idx // nw
    mesh = plsc.VectorSubcoreMesh(core_axis_name="c", subcore_axis_name="s")

    @functools.partial(
        pl.kernel, mesh=mesh,
        out_type=jax.ShapeDtypeStruct(rows_out_shape, table.dtype),
        scratch_types=[
            pltpu.VMEM((b_per_w,), jnp.int32),
            pltpu.VMEM((b_per_w, d), table.dtype),
            pltpu.SemaphoreType.DMA,
        ],
    )
    def k(table_hbm, idx_hbm, out_hbm, idx_v, rows_v, sem):
        wid = lax.axis_index("s") * info.num_cores + lax.axis_index("c")
        base = wid * b_per_w
        pltpu.sync_copy(idx_hbm.at[pl.ds(base, b_per_w)], idx_v)
        pltpu.async_copy(table_hbm.at[idx_v], rows_v, sem).wait()
        pltpu.sync_copy(rows_v, out_hbm.at[pl.ds(base, b_per_w)])

    return k(table, idx)



def _top9_body(g_ref, bsel_ref, out_ref):
    v = g_ref[...]
    lane = lax.broadcasted_iota(jnp.int32, (1, 128), 1)
    chunks = []
    for k in range(KSEL):
        b = bsel_ref[:, k:k + 1] // B
        chunks.append(b * 128 + lane)
    gidx = jnp.concatenate(chunks, axis=1)
    outs = []
    for r in range(NNBR):
        m = jnp.max(v, axis=1, keepdims=True)
        g = jnp.min(jnp.where(v == m, gidx, N_PAD), axis=1, keepdims=True)
        outs.append(g)
        v = jnp.where(gidx == g, NEG_INF, v)
    outs += [outs[0]] * (KSEL - NNBR)
    out_ref[...] = jnp.concatenate(outs, axis=1)


def _top9_call(gath2d, bsel):
    return pl.pallas_call(
        _top9_body,
        in_specs=[
            pl.BlockSpec((B, KSEL * 128), lambda: (0, 0)),
            pl.BlockSpec((B, KSEL), lambda: (0, 0)),
        ],
        out_specs=pl.BlockSpec((B, KSEL), lambda: (0, 0)),
        out_shape=jax.ShapeDtypeStruct((B, KSEL), jnp.int32),
    )(gath2d, bsel)



RNUM = SAMPLE_NUM - B
NCAND = KSEL * B
CPAD = 9216


def _prefix_body(cand_ref, pos_ref, lab2_ref, lab_ref, p_ref, q_ref,
                 inv_ref, fo_ref):
    cand = cand_ref[...]
    pos = pos_ref[...]
    candnp = cand * (1.0 - pos)
    jr = lax.broadcasted_iota(jnp.int32, (NBLK, 128), 0)
    jc = lax.broadcasted_iota(jnp.int32, (NBLK, 128), 1)
    valid = (jr * 128 + jc) < N
    fb = jnp.where(valid, (1.0 - cand) * (1.0 - pos), 0.0)

    ia = lax.broadcasted_iota(jnp.int32, (NBLK, NBLK), 0)
    ib = lax.broadcasted_iota(jnp.int32, (NBLK, NBLK), 1)
    slt = (ia > ib).astype(jnp.float32)
    ua = lax.broadcasted_iota(jnp.int32, (128, 128), 0)
    ub = lax.broadcasted_iota(jnp.int32, (128, 128), 1)
    su = (ua < ub).astype(jnp.float32)
    ones = jnp.ones((128, 128), jnp.float32)

    def mm(a, b):
        return jax.lax.dot_general(a, b, (((1,), (0,)), ((), ())),
                                   preferred_element_type=jnp.float32)

    p_ref[...] = mm(slt, mm(candnp, ones)) + mm(candnp, su)
    q_ref[...] = mm(slt, mm(fb, ones)) + mm(fb, su)

    la = lab2_ref[...]
    lb = lab_ref[...].reshape(1, B)
    pa = lax.broadcasted_iota(jnp.int32, (B, B), 0)
    pb = lax.broadcasted_iota(jnp.int32, (B, B), 1)
    earlier = ((la == lb) & (pa < pb)).astype(jnp.float32)
    fo = jnp.sum(earlier, axis=0) == 0.0
    lt = (la < lb).astype(jnp.float32)
    fo8 = jnp.broadcast_to(fo.astype(jnp.float32).reshape(1, B), (8, B))
    invm = mm(fo8, lt)
    inv_ref[...] = invm[0].astype(jnp.int32)
    fo_ref[...] = fo.astype(jnp.int32)


def _prefix_call(cand2d, pos2d, labels2d, labels):
    return pl.pallas_call(
        _prefix_body,
        in_specs=[
            pl.BlockSpec((NBLK, 128), lambda: (0, 0)),
            pl.BlockSpec((NBLK, 128), lambda: (0, 0)),
            pl.BlockSpec((B, 1), lambda: (0, 0)),
            pl.BlockSpec((B,), lambda: (0,)),
        ],
        out_specs=[
            pl.BlockSpec((NBLK, 128), lambda: (0, 0)),
            pl.BlockSpec((NBLK, 128), lambda: (0, 0)),
            pl.BlockSpec((B,), lambda: (0,)),
            pl.BlockSpec((B,), lambda: (0,)),
        ],
        out_shape=[
            jax.ShapeDtypeStruct((NBLK, 128), jnp.float32),
            jax.ShapeDtypeStruct((NBLK, 128), jnp.float32),
            jax.ShapeDtypeStruct((B,), jnp.int32),
            jax.ShapeDtypeStruct((B,), jnp.int32),
        ],
    )(cand2d, pos2d, labels2d, labels)



GI = 512


def _rank_body(a2_ref, i2_ref, af_ref, if_ref, r_ref):
    ai = a2_ref[...]
    ii = i2_ref[...]
    aj = af_ref[...].reshape(1, CPAD)
    ij = if_ref[...].reshape(1, CPAD)
    gt = (aj > ai) | ((aj == ai) & (ij < ii))
    r_ref[...] = jnp.sum(gt.astype(jnp.float32), axis=1,
                         keepdims=True).astype(jnp.int32)


def _rank_call(aggc, candidx):
    return pl.pallas_call(
        _rank_body,
        grid=(CPAD // GI,),
        in_specs=[
            pl.BlockSpec((GI, 1), lambda t: (t, 0)),
            pl.BlockSpec((GI, 1), lambda t: (t, 0)),
            pl.BlockSpec((CPAD,), lambda t: (0,)),
            pl.BlockSpec((CPAD,), lambda t: (0,)),
        ],
        out_specs=pl.BlockSpec((GI, 1), lambda t: (t, 0)),
        out_shape=jax.ShapeDtypeStruct((CPAD, 1), jnp.int32),
    )(aggc.reshape(CPAD, 1), candidx.reshape(CPAD, 1), aggc, candidx)



def _sc_masks(topidx_flat, labels):
    mesh = plsc.VectorSubcoreMesh(core_axis_name="c", subcore_axis_name="s")
    info = plsc.get_sparse_core_info()

    @functools.partial(
        pl.kernel, mesh=mesh,
        compiler_params=pltpu.CompilerParams(needs_layout_passes=False),
        out_type=[
            jax.ShapeDtypeStruct((N_PAD,), jnp.float32),
            jax.ShapeDtypeStruct((N_PAD,), jnp.float32),
        ],
        scratch_types=[
            pltpu.VMEM((N_PAD,), jnp.float32),
            pltpu.VMEM((NCAND,), jnp.int32),
        ],
    )
    def k(ti_hbm, lab_hbm, cand_hbm, pos_hbm, mask_v, idx_v):
        wid = lax.axis_index("s") * info.num_cores + lax.axis_index("c")
        ones16 = jnp.ones((16,), jnp.float32)

        @pl.when(wid == 0)
        def _():
            def zf(i, _):
                mask_v[pl.ds(i * 16, 16)] = jnp.zeros((16,), jnp.float32)
                return 0
            lax.fori_loop(0, N_PAD // 16, zf, 0)
            pltpu.sync_copy(ti_hbm, idx_v)

            def sc(i, _):
                iv = idx_v[pl.ds(i * 16, 16)]
                plsc.store_scatter(mask_v, [iv], ones16)
                return 0
            lax.fori_loop(0, NCAND // 16, sc, 0)
            pltpu.sync_copy(mask_v, cand_hbm)

        @pl.when(wid == 1)
        def _():
            def zf(i, _):
                mask_v[pl.ds(i * 16, 16)] = jnp.zeros((16,), jnp.float32)
                return 0
            lax.fori_loop(0, N_PAD // 16, zf, 0)
            pltpu.sync_copy(lab_hbm, idx_v.at[pl.ds(0, B)])

            def sc(i, _):
                iv = idx_v[pl.ds(i * 16, 16)]
                plsc.store_scatter(mask_v, [iv], ones16)
                return 0
            lax.fori_loop(0, B // 16, sc, 0)
            pltpu.sync_copy(mask_v, pos_hbm)

    return k(topidx_flat, labels)



FCH = 14336
NCHUNK = N_PAD // FCH


def _sc_compact(cand, pos, pflat, qflat, agg, labels, fo, inv, cvec, fvec):
    mesh = plsc.VectorSubcoreMesh(core_axis_name="c", subcore_axis_name="s")
    info = plsc.get_sparse_core_info()

    @functools.partial(
        pl.kernel, mesh=mesh,
        compiler_params=pltpu.CompilerParams(needs_layout_passes=False),
        out_type=[
            jax.ShapeDtypeStruct((CPAD,), jnp.float32),
            jax.ShapeDtypeStruct((CPAD,), jnp.int32),
            jax.ShapeDtypeStruct((SAMPLE_NUM,), jnp.int32),
        ],
        scratch_types=[
            pltpu.VMEM((CPAD,), jnp.float32),
            pltpu.VMEM((CPAD,), jnp.int32),
            pltpu.VMEM((SAMPLE_NUM,), jnp.int32),
            pltpu.VMEM((FCH,), jnp.float32),
            pltpu.VMEM((FCH,), jnp.float32),
            pltpu.VMEM((FCH,), jnp.int32),
            pltpu.VMEM((FCH,), jnp.float32),
            pltpu.VMEM((B,), jnp.int32),
            pltpu.VMEM((B,), jnp.int32),
            pltpu.VMEM((B,), jnp.int32),
            pltpu.VMEM((16,), jnp.int32),
            pltpu.VMEM((16,), jnp.int32),
            pltpu.SemaphoreType.DMA,
        ],
    )
    def k(cand_h, pos_h, p_h, q_h, agg_h, lab_h, fo_h, inv_h, cv_h, fv_h,
          aggc_o, candidx_o, rows_o,
          aggc_v, cidx_v, rows_v, cc_v, pc_v, pq_v, ac_v,
          lab_v, fo_v, inv_v, cvec_v, fvec_v, sem):
        wid = lax.axis_index("s") * info.num_cores + lax.axis_index("c")

        @pl.when(wid == 0)
        def _():
            def init(i, _):
                aggc_v[pl.ds(i * 16, 16)] = jnp.full((16,), NEG_INF, jnp.float32)
                cidx_v[pl.ds(i * 16, 16)] = jnp.full((16,), -1, jnp.int32)
                return 0
            lax.fori_loop(0, CPAD // 16, init, 0)

            for c in range(NCHUNK):
                sl = pl.ds(c * FCH, FCH)
                h1 = pltpu.async_copy(cand_h.at[sl], cc_v, sem)
                h2 = pltpu.async_copy(pos_h.at[sl], pc_v, sem)
                h3 = pltpu.async_copy(p_h.at[sl], pq_v, sem)
                h4 = pltpu.async_copy(agg_h.at[sl], ac_v, sem)
                h1.wait(); h2.wait(); h3.wait(); h4.wait()
                base = c * FCH

                def sweep(i, _):
                    jv = lax.iota(jnp.int32, 16) + (base + i * 16)
                    cv = cc_v[pl.ds(i * 16, 16)]
                    pv = pc_v[pl.ds(i * 16, 16)]
                    Pv = pq_v[pl.ds(i * 16, 16)]
                    av = ac_v[pl.ds(i * 16, 16)]
                    isc = (cv > 0.0) & (pv == 0.0)
                    Pc = jnp.minimum(Pv, CPAD - 1)
                    plsc.store_scatter(aggc_v, [Pc], av, mask=isc)
                    plsc.store_scatter(cidx_v, [Pc], jv, mask=isc)
                    return 0
                lax.fori_loop(0, FCH // 16, sweep, 0)

            pltpu.sync_copy(aggc_v, aggc_o)
            pltpu.sync_copy(cidx_v, candidx_o)

        @pl.when(wid == 1)
        def _():
            def zrow(i, _):
                rows_v[pl.ds(i * 16, 16)] = jnp.zeros((16,), jnp.int32)
                return 0
            lax.fori_loop(0, B // 16, zrow, 0)

            pltpu.sync_copy(lab_h, lab_v)
            pltpu.sync_copy(fo_h, fo_v)
            pltpu.sync_copy(inv_h, inv_v)
            pltpu.sync_copy(cv_h, cvec_v)
            pltpu.sync_copy(fv_h, fvec_v)

            def usc(i, _):
                lab = lab_v[pl.ds(i * 16, 16)]
                dst = inv_v[pl.ds(i * 16, 16)]
                m = fo_v[pl.ds(i * 16, 16)] != 0
                plsc.store_scatter(rows_v, [jnp.minimum(dst, B - 1)], lab,
                                   mask=m)
                return 0
            lax.fori_loop(0, B // 16, usc, 0)

            cvec = cvec_v[pl.ds(0, 16)]
            fvec = fvec_v[pl.ds(0, 16)]
            for c in range(NCHUNK):
                sl = pl.ds(c * FCH, FCH)
                h1 = pltpu.async_copy(cand_h.at[sl], cc_v, sem)
                h2 = pltpu.async_copy(pos_h.at[sl], pc_v, sem)
                h3 = pltpu.async_copy(q_h.at[sl], pq_v, sem)
                h1.wait(); h2.wait(); h3.wait()
                base = c * FCH

                def fsw(i, _):
                    jv = lax.iota(jnp.int32, 16) + (base + i * 16)
                    cv = cc_v[pl.ds(i * 16, 16)]
                    pv = pc_v[pl.ds(i * 16, 16)]
                    Qv = pq_v[pl.ds(i * 16, 16)]
                    fbm = ((cv == 0.0) & (pv == 0.0) & (jv < N)
                           & (Qv < fvec))
                    dst = jnp.minimum(cvec + Qv, SAMPLE_NUM - 1)
                    plsc.store_scatter(rows_v, [dst], jv, mask=fbm)
                    return 0
                lax.fori_loop(0, FCH // 16, fsw, 0)

            pltpu.sync_copy(rows_v, rows_o)

    return k(cand, pos, pflat, qflat, agg, labels, fo, inv, cvec, fvec)



def _sc_rows(rows_part, rank, candidx):
    mesh = plsc.VectorSubcoreMesh(core_axis_name="c", subcore_axis_name="s")
    info = plsc.get_sparse_core_info()

    @functools.partial(
        pl.kernel, mesh=mesh,
        compiler_params=pltpu.CompilerParams(needs_layout_passes=False),
        out_type=jax.ShapeDtypeStruct((SAMPLE_NUM,), jnp.int32),
        scratch_types=[
            pltpu.VMEM((SAMPLE_NUM,), jnp.int32),
            pltpu.VMEM((CPAD,), jnp.int32),
            pltpu.VMEM((CPAD,), jnp.int32),
        ],
    )
    def k(rp_h, rk_h, ci_h, rows_o, rows_v, rk_v, ci_v):
        wid = lax.axis_index("s") * info.num_cores + lax.axis_index("c")

        @pl.when(wid == 0)
        def _():
            pltpu.sync_copy(rp_h, rows_v)
            pltpu.sync_copy(rk_h, rk_v)
            pltpu.sync_copy(ci_h, ci_v)

            def sc(i, _):
                rv = rk_v[pl.ds(i * 16, 16)]
                cv = ci_v[pl.ds(i * 16, 16)]
                m = (rv < RNUM) & (cv >= 0)
                dst = B + jnp.minimum(rv, RNUM - 1)
                plsc.store_scatter(rows_v, [dst], cv, mask=m)
                return 0
            lax.fori_loop(0, CPAD // 16, sc, 0)
            pltpu.sync_copy(rows_v, rows_o)

    return k(rows_part, rank, candidx)



def kernel(features, labels, weight):
    bsz = features.shape[0]

    fn = features / (jnp.linalg.norm(features, axis=1, keepdims=True) + 1e-12)
    denom = jnp.linalg.norm(weight, axis=1) + 1e-12
    denom = jnp.pad(denom, (0, N_PAD - N), constant_values=1.0)

    scores, agg, selT = _scores_call(fn, weight, denom)
    sel = selT.T
    gath = _sc_gather(scores.reshape(NBLK * B, 128), sel.reshape(-1),
                      (B * KSEL, 128))
    topidx = _top9_call(gath.reshape(B, KSEL * 128), sel)

    cand, pos = _sc_masks(topidx.reshape(-1), labels)

    p2d, q2d, inv, fo = _prefix_call(cand.reshape(NBLK, 128),
                                     pos.reshape(NBLK, 128),
                                     labels.reshape(B, 1), labels)
    pflat = p2d.reshape(-1).astype(jnp.int32)
    qflat = q2d.reshape(-1).astype(jnp.int32)
    c_tot = pflat[-1]
    f_tot = jnp.maximum(RNUM - c_tot, 0)
    cvec = jnp.full((16,), B, jnp.int32) + c_tot
    fvec = jnp.full((16,), 0, jnp.int32) + f_tot

    aggc, candidx, rows_part = _sc_compact(
        cand, pos, pflat, qflat, agg, labels, fo, inv, cvec, fvec)

    rank = _rank_call(aggc, candidx).reshape(-1)

    rows = _sc_rows(rows_part, rank, candidx)

    w_sel = _sc_gather(weight, rows, (SAMPLE_NUM, FDIM))
    bias = jnp.zeros((SAMPLE_NUM,), jnp.float32)
    return w_sel, bias, inv.astype(jnp.int64)

# --- scband reference (transcript-rebuilt; emitter-appended) ---
"""Pipeline reference for scband-hfsampler-34059090657997 (READ-ONLY COPY).

The authoritative reference and input builder live on the scoring server;
editing this copy changes nothing except your own understanding.
"""

import jax, jax.numpy as jnp
import numpy as np

B = 1024
FDIM = 128
SAMPLE_NUM = 8192
NUM_OUTPUT = 100000


def setup_inputs(seed: int = 0) -> dict:
    key = jax.random.key(seed)
    k1, k2, k3 = jax.random.split(key, 3)
    features = jax.random.normal(k1, (B, FDIM), dtype=jnp.float32)
    labels = jax.random.randint(k2, (B,), 0, NUM_OUTPUT)
    # parameter-server weight matrix W[num_output, fdim]
    weight = jax.random.normal(k3, (NUM_OUTPUT, FDIM), dtype=jnp.float32) * 0.02
    return {"features": features, "labels": labels, "weight": weight}


def reference(features, labels, weight):
    # HFSampler.forward (training path), deterministic JAX translation.
    # Annoy angular kNN -> exact cosine-similarity top-k against the class table.
    bsz = features.shape[0]
    n_nbr = SAMPLE_NUM // bsz + 1  # self.n_nbr

    fn = features / (jnp.linalg.norm(features, axis=1, keepdims=True) + 1e-12)
    wn = weight / (jnp.linalg.norm(weight, axis=1, keepdims=True) + 1e-12)
    scores = fn @ wn.T  # [B, NUM_OUTPUT]

    # per-query approximate-NN candidates (emulates _annoy_thread)
    _, topi = jax.lax.top_k(scores, n_nbr)  # [B, n_nbr]
    cand = jnp.zeros((NUM_OUTPUT,), jnp.float32).at[topi.reshape(-1)].set(1.0)
    pos = jnp.zeros((NUM_OUTPUT,), jnp.float32).at[labels].set(1.0)

    # _gen_idxs: relative labels inside the batch
    uniq, inv = jnp.unique(labels, size=bsz, fill_value=0, return_inverse=True)
    inv = inv.reshape((bsz,)).astype(jnp.int64)

    # pick rnum negatives: candidates minus positives; deterministic fallback
    # over the remaining class ids (emulates random.sample over rneg)
    agg = jnp.max(scores, axis=0)
    fallback = -1e30 - jnp.arange(NUM_OUTPUT, dtype=jnp.float32)
    neg_score = jnp.where((cand > 0) & (pos == 0), agg,
                          jnp.where(pos > 0, jnp.full_like(agg, -1e35), fallback))
    rnum = SAMPLE_NUM - bsz
    neg_rows = jax.lax.top_k(neg_score, rnum)[1]

    rows = jnp.concatenate([uniq.astype(jnp.int32), neg_rows.astype(jnp.int32)])  # selected_cls

    # client.get_value_by_rows(midw, rows) -> row gather from the big table
    w_sel = jnp.take(weight, rows, axis=0)  # [SAMPLE_NUM, FDIM]
    bias = jnp.zeros((SAMPLE_NUM,), jnp.float32)  # bias=False path
    return w_sel, bias, inv

if __name__ == "__main__":
    import jax
    _d = setup_inputs()
    print(jax.jit(kernel)(*tuple(_d.values())))

</pallas_src>

<mosaic_0001>
#map = affine_map<(d0, d1) -> (0, 0)>
#map1 = affine_map<(d0, d1) -> (0)>
module attributes {stable_mosaic.version = 14 : i64} {
  func.func @k(%arg0: i32, %arg1: i32, %arg2: memref<802816x128xf32, #tpu.memory_space<hbm>>, %arg3: memref<16384xi32, #tpu.memory_space<hbm>>, %arg4: memref<16384x128xf32, #tpu.memory_space<hbm>>, %arg5: memref<512xi32, #tpu.memory_space<vmem>>, %arg6: memref<512x128xf32, #tpu.memory_space<vmem>>, %arg7: memref<!tpu.dma_semaphore, #tpu.memory_space<semaphore_mem>>) attributes {dimension_semantics = [#tpu.dimension_semantics<core_parallel>, #tpu.dimension_semantics<subcore_parallel>], iteration_bounds = array<i64: 2, 16>, scalar_prefetch = 0 : i64, scratch_operands = 3 : i64, tpu.core_type = #tpu.core_type<sc_vector_subcore>, window_params = [{transform_indices = #map}, {transform_indices = #map1}, {transform_indices = #map}]} {
    %mul3A = arith.constant 2 : i32
    %mul3A_0 = arith.muli %arg1, %mul3A : i32
    %add3A = arith.addi %mul3A_0, %arg0 : i32
    %mul3A_1 = arith.constant 512 : i32
    %mul3A_2 = arith.muli %add3A, %mul3A_1 : i32
    "tpu.region"() ({
      %run_scoped3A = tpu.sem_alloc : memref<!tpu.dma_semaphore, #tpu.memory_space<semaphore_mem>>
      %dma_start3A_7 = tpu.memref_slice %arg3[%mul3A_2] : memref<16384xi32, #tpu.memory_space<hbm>> -> memref<512xi32, #tpu.memory_space<hbm>>
      %dma_start3A_8 = tpu.memref_slice %arg3[%mul3A_2] : memref<16384xi32, #tpu.memory_space<hbm>> -> memref<512xi32, #tpu.memory_space<hbm>>
      tpu.enqueue_dma source(%dma_start3A_8 : memref<512xi32, #tpu.memory_space<hbm>>) target(%arg5 : memref<512xi32, #tpu.memory_space<vmem>>) target_semaphore(%run_scoped3A : memref<!tpu.dma_semaphore, #tpu.memory_space<semaphore_mem>>)
      %dma_wait3A_9 = tpu.memref_slice %arg3[%mul3A_2] : memref<16384xi32, #tpu.memory_space<hbm>> -> memref<512xi32, #tpu.memory_space<hbm>>
      %dma_wait3A_10 = tpu.memref_slice %arg3[%mul3A_2] : memref<16384xi32, #tpu.memory_space<hbm>> -> memref<512xi32, #tpu.memory_space<hbm>>
      tpu.wait_dma2 semaphore(%run_scoped3A : memref<!tpu.dma_semaphore, #tpu.memory_space<semaphore_mem>>) src(%dma_wait3A_10 : memref<512xi32, #tpu.memory_space<hbm>>) dst(%arg5 : memref<512xi32, #tpu.memory_space<vmem>>)
      tpu.yield
    }) : () -> ()
    %dma_start3A = arith.constant 0 : i32
    %dma_start3A_3 = arith.constant 0 : i32
    %dma_start3A_4 = tpu.memref_slice %arg2[%dma_start3A, %dma_start3A_3] : memref<802816x128xf32, #tpu.memory_space<hbm>> -> memref<802816x128xf32, #tpu.memory_space<hbm>>
    tpu.enqueue_indirect_dma source(%dma_start3A_4 : memref<802816x128xf32, #tpu.memory_space<hbm>>) target(%arg6 : memref<512x128xf32, #tpu.memory_space<vmem>>) offsets(%arg5 : memref<512xi32, #tpu.memory_space<vmem>>) semaphore(%arg7 : memref<!tpu.dma_semaphore, #tpu.memory_space<semaphore_mem>>)
    %dma_wait3A = arith.constant 0 : i32
    %dma_wait3A_5 = arith.constant 0 : i32
    %dma_wait3A_6 = tpu.memref_slice %arg2[%dma_wait3A, %dma_wait3A_5] : memref<802816x128xf32, #tpu.memory_space<hbm>> -> memref<802816x128xf32, #tpu.memory_space<hbm>>
    tpu.wait_indirect_dma semaphore(%arg7 : memref<!tpu.dma_semaphore, #tpu.memory_space<semaphore_mem>>) src(%dma_wait3A_6 : memref<802816x128xf32, #tpu.memory_space<hbm>>) dst(%arg6 : memref<512x128xf32, #tpu.memory_space<vmem>>)
    "tpu.region"() ({
      %run_scoped3A = tpu.sem_alloc : memref<!tpu.dma_semaphore, #tpu.memory_space<semaphore_mem>>
      %dma_start3A_7 = arith.constant 0 : i32
      %dma_start3A_8 = tpu.memref_slice %arg4[%mul3A_2, %dma_start3A_7] : memref<16384x128xf32, #tpu.memory_space<hbm>> -> memref<512x128xf32, #tpu.memory_space<hbm>>
      %dma_start3A_9 = arith.constant 0 : i32
      %dma_start3A_10 = tpu.memref_slice %arg4[%mul3A_2, %dma_start3A_9] : memref<16384x128xf32, #tpu.memory_space<hbm>> -> memref<512x128xf32, #tpu.memory_space<hbm>>
      tpu.enqueue_dma source(%arg6 : memref<512x128xf32, #tpu.memory_space<vmem>>) target(%dma_start3A_10 : memref<512x128xf32, #tpu.memory_space<hbm>>) target_semaphore(%run_scoped3A : memref<!tpu.dma_semaphore, #tpu.memory_space<semaphore_mem>>)
      %dma_wait3A_11 = arith.constant 0 : i32
      %dma_wait3A_12 = tpu.memref_slice %arg4[%mul3A_2, %dma_wait3A_11] : memref<16384x128xf32, #tpu.memory_space<hbm>> -> memref<512x128xf32, #tpu.memory_space<hbm>>
      %dma_wait3A_13 = arith.constant 0 : i32
      %dma_wait3A_14 = tpu.memref_slice %arg4[%mul3A_2, %dma_wait3A_13] : memref<16384x128xf32, #tpu.memory_space<hbm>> -> memref<512x128xf32, #tpu.memory_space<hbm>>
      tpu.wait_dma2 semaphore(%run_scoped3A : memref<!tpu.dma_semaphore, #tpu.memory_space<semaphore_mem>>) src(%arg6 : memref<512x128xf32, #tpu.memory_space<vmem>>) dst(%dma_wait3A_14 : memref<512x128xf32, #tpu.memory_space<hbm>>)
      tpu.yield
    }) : () -> ()
    return
  }
}

#map = affine_map<(d0, d1) -> (0)>
module attributes {stable_mosaic.version = 14 : i64} {
  func.func @k(%arg0: i32, %arg1: i32, %arg2: memref<16384xi32, #tpu.memory_space<hbm>>, %arg3: memref<1024xi32, #tpu.memory_space<hbm>>, %arg4: memref<100352xf32, #tpu.memory_space<hbm>>, %arg5: memref<100352xf32, #tpu.memory_space<hbm>>, %arg6: memref<100352xf32, #tpu.memory_space<vmem>>, %arg7: memref<16384xi32, #tpu.memory_space<vmem>>) attributes {dimension_semantics = [#tpu.dimension_semantics<core_parallel>, #tpu.dimension_semantics<subcore_parallel>], iteration_bounds = array<i64: 2, 16>, scalar_prefetch = 0 : i64, scratch_operands = 2 : i64, tpu.core_type = #tpu.core_type<sc_vector_subcore>, window_params = [{transform_indices = #map}, {transform_indices = #map}, {transform_indices = #map}, {transform_indices = #map}]} {
    %mul3A = arith.constant 2 : i32
    %mul3A_0 = arith.muli %arg1, %mul3A : i32
    %add3A = arith.addi %mul3A_0, %arg0 : i32
    %broadcast_in_dim3A = arith.constant 1.000000e+00 : f32
    %broadcast_in_dim3A_1 = vector.broadcast %broadcast_in_dim3A : f32 to vector<16xf32>
    %eq3A = arith.constant 0 : i32
    %eq3A_2 = arith.cmpi eq, %add3A, %eq3A : i32
    %convert_element_type3A = arith.extui %eq3A_2 : i1 to i32
    %cond3A = arith.constant 0 : i32
    %cond3A_3 = arith.cmpi ne, %convert_element_type3A, %cond3A : i32
    scf.if %cond3A_3 {
      %scan3A = arith.constant 0 : i32
      %scan3A_9 = arith.constant 0 : i32
      %scan3A_10 = arith.constant 6272 : i32
      %scan3A_11 = arith.addi %scan3A_9, %scan3A_10 : i32
      %scan3A_12 = arith.constant 1 : i32
      %scan3A_13 = scf.for %scan3A_22 = %scan3A_9 to %scan3A_11 step %scan3A_12 iter_args(%scan3A_23 = %scan3A) -> (i32)  : i32 {
        %broadcast_in_dim3A_24 = arith.constant 0.000000e+00 : f32
        %broadcast_in_dim3A_25 = vector.broadcast %broadcast_in_dim3A_24 : f32 to vector<16xf32>
        %mul3A_26 = arith.constant 16 : i32
        %mul3A_27 = arith.muli %scan3A_22, %mul3A_26 : i32
        %swap3A = arith.index_cast %mul3A_27 : i32 to index
        %swap3A_28 = tpu.vector_load %arg6[%swap3A] {strides = array<i32>} : memref<100352xf32, #tpu.memory_space<vmem>>, vector<16xf32>,
        tpu.vector_store %arg6[%swap3A], %broadcast_in_dim3A_25 {strides = array<i32>} : memref<100352xf32, #tpu.memory_space<vmem>>, vector<16xf32>,
        %scan3A_29 = arith.constant 0 : i32
        scf.yield %scan3A_29 : i32
      }
      %scan3A_14 = arith.constant 6272 : i32
      "tpu.region"() ({
        %run_scoped3A = tpu.sem_alloc : memref<!tpu.dma_semaphore, #tpu.memory_space<semaphore_mem>>
        tpu.enqueue_dma source(%arg2 : memref<16384xi32, #tpu.memory_space<hbm>>) target(%arg7 : memref<16384xi32, #tpu.memory_space<vmem>>) target_semaphore(%run_scoped3A : memref<!tpu.dma_semaphore, #tpu.memory_space<semaphore_mem>>)
        tpu.wait_dma2 semaphore(%run_scoped3A : memref<!tpu.dma_semaphore, #tpu.memory_space<semaphore_mem>>) src(%arg2 : memref<16384xi32, #tpu.memory_space<hbm>>) dst(%arg7 : memref<16384xi32, #tpu.memory_space<vmem>>)
        tpu.yield
      }) : () -> ()
      %scan3A_15 = arith.constant 0 : i32
      %scan3A_16 = arith.constant 0 : i32
      %scan3A_17 = arith.constant 1024 : i32
      %scan3A_18 = arith.addi %scan3A_16, %scan3A_17 : i32
      %scan3A_19 = arith.constant 1 : i32
      %scan3A_20 = scf.for %scan3A_22 = %scan3A_16 to %scan3A_18 step %scan3A_19 iter_args(%scan3A_23 = %scan3A_15) -> (i32)  : i32 {
        %mul3A_24 = arith.constant 16 : i32
        %mul3A_25 = arith.muli %scan3A_22, %mul3A_24 : i32
        %get3A = arith.index_cast %mul3A_25 : i32 to index
        %get3A_26 = tpu.vector_load %arg7[%get3A] {strides = array<i32>} : memref<16384xi32, #tpu.memory_space<vmem>>, vector<16xi32>,
        tpu.vector_store_idx %arg6[%get3A_26], %broadcast_in_dim3A_1 : memref<100352xf32, #tpu.memory_space<vmem>>[vector<16xi32>], vector<16xf32>,
        %scan3A_27 = arith.constant 0 : i32
        scf.yield %scan3A_27 : i32
      }
      %scan3A_21 = arith.constant 1024 : i32
      "tpu.region"() ({
        %run_scoped3A = tpu.sem_alloc : memref<!tpu.dma_semaphore, #tpu.memory_space<semaphore_mem>>
        tpu.enqueue_dma source(%arg6 : memref<100352xf32, #tpu.memory_space<vmem>>) target(%arg4 : memref<100352xf32, #tpu.memory_space<hbm>>) target_semaphore(%run_scoped3A : memref<!tpu.dma_semaphore, #tpu.memory_space<semaphore_mem>>)
        tpu.wait_dma2 semaphore(%run_scoped3A : memref<!tpu.dma_semaphore, #tpu.memory_space<semaphore_mem>>) src(%arg6 : memref<100352xf32, #tpu.memory_space<vmem>>) dst(%arg4 : memref<100352xf32, #tpu.memory_space<hbm>>)
        tpu.yield
      }) : () -> ()
    } else {
    }
    %eq3A_4 = arith.constant 1 : i32
    %eq3A_5 = arith.cmpi eq, %add3A, %eq3A_4 : i32
    %convert_element_type3A_6 = arith.extui %eq3A_5 : i1 to i32
    %cond3A_7 = arith.constant 0 : i32
    %cond3A_8 = arith.cmpi ne, %convert_element_type3A_6, %cond3A_7 : i32
    scf.if %cond3A_8 {
      %scan3A = arith.constant 0 : i32
      %scan3A_9 = arith.constant 0 : i32
      %scan3A_10 = arith.constant 6272 : i32
      %scan3A_11 = arith.addi %scan3A_9, %scan3A_10 : i32
      %scan3A_12 = arith.constant 1 : i32
      %scan3A_13 = scf.for %scan3A_22 = %scan3A_9 to %scan3A_11 step %scan3A_12 iter_args(%scan3A_23 = %scan3A) -> (i32)  : i32 {
        %broadcast_in_dim3A_24 = arith.constant 0.000000e+00 : f32
        %broadcast_in_dim3A_25 = vector.broadcast %broadcast_in_dim3A_24 : f32 to vector<16xf32>
        %mul3A_26 = arith.constant 16 : i32
        %mul3A_27 = arith.muli %scan3A_22, %mul3A_26 : i32
        %swap3A = arith.index_cast %mul3A_27 : i32 to index
        %swap3A_28 = tpu.vector_load %arg6[%swap3A] {strides = array<i32>} : memref<100352xf32, #tpu.memory_space<vmem>>, vector<16xf32>,
        tpu.vector_store %arg6[%swap3A], %broadcast_in_dim3A_25 {strides = array<i32>} : memref<100352xf32, #tpu.memory_space<vmem>>, vector<16xf32>,
        %scan3A_29 = arith.constant 0 : i32
        scf.yield %scan3A_29 : i32
      }
      %scan3A_14 = arith.constant 6272 : i32
      "tpu.region"() ({
        %run_scoped3A = tpu.sem_alloc : memref<!tpu.dma_semaphore, #tpu.memory_space<semaphore_mem>>
        %dma_start3A = arith.constant 0 : i32
        %dma_start3A_22 = tpu.memref_slice %arg7[%dma_start3A] : memref<16384xi32, #tpu.memory_space<vmem>> -> memref<1024xi32, #tpu.memory_space<vmem>>
        %dma_start3A_23 = arith.constant 0 : i32
        %dma_start3A_24 = tpu.memref_slice %arg7[%dma_start3A_23] : memref<16384xi32, #tpu.memory_space<vmem>> -> memref<1024xi32, #tpu.memory_space<vmem>>
        tpu.enqueue_dma source(%arg3 : memref<1024xi32, #tpu.memory_space<hbm>>) target(%dma_start3A_24 : memref<1024xi32, #tpu.memory_space<vmem>>) target_semaphore(%run_scoped3A : memref<!tpu.dma_semaphore, #tpu.memory_space<semaphore_mem>>)
        %dma_wait3A = arith.constant 0 : i32
        %dma_wait3A_25 = tpu.memref_slice %arg7[%dma_wait3A] : memref<16384xi32, #tpu.memory_space<vmem>> -> memref<1024xi32, #tpu.memory_space<vmem>>
        %dma_wait3A_26 = arith.constant 0 : i32
        %dma_wait3A_27 = tpu.memref_slice %arg7[%dma_wait3A_26] : memref<16384xi32, #tpu.memory_space<vmem>> -> memref<1024xi32, #tpu.memory_space<vmem>>
        tpu.wait_dma2 semaphore(%run_scoped3A : memref<!tpu.dma_semaphore, #tpu.memory_space<semaphore_mem>>) src(%arg3 : memref<1024xi32, #tpu.memory_space<hbm>>) dst(%dma_wait3A_27 : memref<1024xi32, #tpu.memory_space<vmem>>)
        tpu.yield
      }) : () -> ()
      %scan3A_15 = arith.constant 0 : i32
      %scan3A_16 = arith.constant 0 : i32
      %scan3A_17 = arith.constant 64 : i32
      %scan3A_18 = arith.addi %scan3A_16, %scan3A_17 : i32
      %scan3A_19 = arith.constant 1 : i32
      %scan3A_20 = scf.for %scan3A_22 = %scan3A_16 to %scan3A_18 step %scan3A_19 iter_args(%scan3A_23 = %scan3A_15) -> (i32)  : i32 {
        %mul3A_24 = arith.constant 16 : i32
        %mul3A_25 = arith.muli %scan3A_22, %mul3A_24 : i32
        %get3A = arith.index_cast %mul3A_25 : i32 to index
        %get3A_26 = tpu.vector_load %arg7[%get3A] {strides = array<i32>} : memref<16384xi32, #tpu.memory_space<vmem>>, vector<16xi32>,
        tpu.vector_store_idx %arg6[%get3A_26], %broadcast_in_dim3A_1 : memref<100352xf32, #tpu.memory_space<vmem>>[vector<16xi32>], vector<16xf32>,
        %scan3A_27 = arith.constant 0 : i32
        scf.yield %scan3A_27 : i32
      }
      %scan3A_21 = arith.constant 64 : i32
      "tpu.region"() ({
        %run_scoped3A = tpu.sem_alloc : memref<!tpu.dma_semaphore, #tpu.memory_space<semaphore_mem>>
        tpu.enqueue_dma source(%arg6 : memref<100352xf32, #tpu.memory_space<vmem>>) target(%arg5 : memref<100352xf32, #tpu.memory_space<hbm>>) target_semaphore(%run_scoped3A : memref<!tpu.dma_semaphore, #tpu.memory_space<semaphore_mem>>)
        tpu.wait_dma2 semaphore(%run_scoped3A : memref<!tpu.dma_semaphore, #tpu.memory_space<semaphore_mem>>) src(%arg6 : memref<100352xf32, #tpu.memory_space<vmem>>) dst(%arg5 : memref<100352xf32, #tpu.memory_space<hbm>>)
        tpu.yield
      }) : () -> ()
    } else {
    }
    return
  }
}

#map = affine_map<(d0, d1) -> (0)>
module attributes {stable_mosaic.version = 14 : i64} {
  func.func @k(%arg0: i32, %arg1: i32, %arg2: memref<8192xi32, #tpu.memory_space<hbm>>, %arg3: memref<9216xi32, #tpu.memory_space<hbm>>, %arg4: memref<9216xi32, #tpu.memory_space<hbm>>, %arg5: memref<8192xi32, #tpu.memory_space<hbm>>, %arg6: memref<8192xi32, #tpu.memory_space<vmem>>, %arg7: memref<9216xi32, #tpu.memory_space<vmem>>, %arg8: memref<9216xi32, #tpu.memory_space<vmem>>) attributes {dimension_semantics = [#tpu.dimension_semantics<core_parallel>, #tpu.dimension_semantics<subcore_parallel>], iteration_bounds = array<i64: 2, 16>, scalar_prefetch = 0 : i64, scratch_operands = 3 : i64, tpu.core_type = #tpu.core_type<sc_vector_subcore>, window_params = [{transform_indices = #map}, {transform_indices = #map}, {transform_indices = #map}, {transform_indices = #map}]} {
    %mul3A = arith.constant 2 : i32
    %mul3A_0 = arith.muli %arg1, %mul3A : i32
    %add3A = arith.addi %mul3A_0, %arg0 : i32
    %eq3A = arith.constant 0 : i32
    %eq3A_1 = arith.cmpi eq, %add3A, %eq3A : i32
    %convert_element_type3A = arith.extui %eq3A_1 : i1 to i32
    %cond3A = arith.constant 0 : i32
    %cond3A_2 = arith.cmpi ne, %convert_element_type3A, %cond3A : i32
    scf.if %cond3A_2 {
      "tpu.region"() ({
        %run_scoped3A = tpu.sem_alloc : memref<!tpu.dma_semaphore, #tpu.memory_space<semaphore_mem>>
        tpu.enqueue_dma source(%arg2 : memref<8192xi32, #tpu.memory_space<hbm>>) target(%arg6 : memref<8192xi32, #tpu.memory_space<vmem>>) target_semaphore(%run_scoped3A : memref<!tpu.dma_semaphore, #tpu.memory_space<semaphore_mem>>)
        tpu.wait_dma2 semaphore(%run_scoped3A : memref<!tpu.dma_semaphore, #tpu.memory_space<semaphore_mem>>) src(%arg2 : memref<8192xi32, #tpu.memory_space<hbm>>) dst(%arg6 : memref<8192xi32, #tpu.memory_space<vmem>>)
        tpu.yield
      }) : () -> ()
      "tpu.region"() ({
        %run_scoped3A = tpu.sem_alloc : memref<!tpu.dma_semaphore, #tpu.memory_space<semaphore_mem>>
        tpu.enqueue_dma source(%arg3 : memref<9216xi32, #tpu.memory_space<hbm>>) target(%arg7 : memref<9216xi32, #tpu.memory_space<vmem>>) target_semaphore(%run_scoped3A : memref<!tpu.dma_semaphore, #tpu.memory_space<semaphore_mem>>)
        tpu.wait_dma2 semaphore(%run_scoped3A : memref<!tpu.dma_semaphore, #tpu.memory_space<semaphore_mem>>) src(%arg3 : memref<9216xi32, #tpu.memory_space<hbm>>) dst(%arg7 : memref<9216xi32, #tpu.memory_space<vmem>>)
        tpu.yield
      }) : () -> ()
      "tpu.region"() ({
        %run_scoped3A = tpu.sem_alloc : memref<!tpu.dma_semaphore, #tpu.memory_space<semaphore_mem>>
        tpu.enqueue_dma source(%arg4 : memref<9216xi32, #tpu.memory_space<hbm>>) target(%arg8 : memref<9216xi32, #tpu.memory_space<vmem>>) target_semaphore(%run_scoped3A : memref<!tpu.dma_semaphore, #tpu.memory_space<semaphore_mem>>)
        tpu.wait_dma2 semaphore(%run_scoped3A : memref<!tpu.dma_semaphore, #tpu.memory_space<semaphore_mem>>) src(%arg4 : memref<9216xi32, #tpu.memory_space<hbm>>) dst(%arg8 : memref<9216xi32, #tpu.memory_space<vmem>>)
        tpu.yield
      }) : () -> ()
      %scan3A = arith.constant 0 : i32
      %scan3A_3 = arith.constant 0 : i32
      %scan3A_4 = arith.constant 576 : i32
      %scan3A_5 = arith.addi %scan3A_3, %scan3A_4 : i32
      %scan3A_6 = arith.constant 1 : i32
      %scan3A_7 = scf.for %scan3A_9 = %scan3A_3 to %scan3A_5 step %scan3A_6 iter_args(%scan3A_10 = %scan3A) -> (i32)  : i32 {
        %mul3A_11 = arith.constant 16 : i32
        %mul3A_12 = arith.muli %scan3A_9, %mul3A_11 : i32
        %get3A = arith.index_cast %mul3A_12 : i32 to index
        %get3A_13 = tpu.vector_load %arg7[%get3A] {strides = array<i32>} : memref<9216xi32, #tpu.memory_space<vmem>>, vector<16xi32>,
        %mul3A_14 = arith.constant 16 : i32
        %mul3A_15 = arith.muli %scan3A_9, %mul3A_14 : i32
        %get3A_16 = arith.index_cast %mul3A_15 : i32 to index
        %get3A_17 = tpu.vector_load %arg8[%get3A_16] {strides = array<i32>} : memref<9216xi32, #tpu.memory_space<vmem>>, vector<16xi32>,
        %lt3A = arith.constant 7168 : i32
        %lt3A_18 = vector.broadcast %lt3A : i32 to vector<16xi32>
        %lt3A_19 = arith.cmpi slt, %get3A_13, %lt3A_18 : vector<16xi32>
        %ge3A = arith.constant 0 : i32
        %ge3A_20 = vector.broadcast %ge3A : i32 to vector<16xi32>
        %ge3A_21 = arith.cmpi sge, %get3A_17, %ge3A_20 : vector<16xi32>
        %and3A = arith.andi %lt3A_19, %ge3A_21 : vector<16xi1>
        %min3A = arith.constant 7167 : i32
        %min3A_22 = vector.broadcast %min3A : i32 to vector<16xi32>
        %min3A_23 = arith.minsi %get3A_13, %min3A_22 : vector<16xi32>
        %add3A_24 = arith.constant 1024 : i32
        %add3A_25 = vector.broadcast %add3A_24 : i32 to vector<16xi32>
        %add3A_26 = arith.addi %add3A_25, %min3A_23 : vector<16xi32>
        tpu.vector_store_idx %arg6[%add3A_26], %get3A_17 masked %and3A : memref<8192xi32, #tpu.memory_space<vmem>>[vector<16xi32>], vector<16xi32>, vector<16xi1>
        %scan3A_27 = arith.constant 0 : i32
        scf.yield %scan3A_27 : i32
      }
      %scan3A_8 = arith.constant 576 : i32
      "tpu.region"() ({
        %run_scoped3A = tpu.sem_alloc : memref<!tpu.dma_semaphore, #tpu.memory_space<semaphore_mem>>
        tpu.enqueue_dma source(%arg6 : memref<8192xi32, #tpu.memory_space<vmem>>) target(%arg5 : memref<8192xi32, #tpu.memory_space<hbm>>) target_semaphore(%run_scoped3A : memref<!tpu.dma_semaphore, #tpu.memory_space<semaphore_mem>>)
        tpu.wait_dma2 semaphore(%run_scoped3A : memref<!tpu.dma_semaphore, #tpu.memory_space<semaphore_mem>>) src(%arg6 : memref<8192xi32, #tpu.memory_space<vmem>>) dst(%arg5 : memref<8192xi32, #tpu.memory_space<hbm>>)
        tpu.yield
      }) : () -> ()
    } else {
    }
    return
  }
}

#map = affine_map<(d0, d1) -> (0)>
module attributes {stable_mosaic.version = 14 : i64} {
  func.func @k(%arg0: i32, %arg1: i32, %arg2: memref<100352xf32, #tpu.memory_space<hbm>>, %arg3: memref<100352xf32, #tpu.memory_space<hbm>>, %arg4: memref<100352xi32, #tpu.memory_space<hbm>>, %arg5: memref<100352xi32, #tpu.memory_space<hbm>>, %arg6: memref<100352xf32, #tpu.memory_space<hbm>>, %arg7: memref<1024xi32, #tpu.memory_space<hbm>>, %arg8: memref<1024xi32, #tpu.memory_space<hbm>>, %arg9: memref<1024xi32, #tpu.memory_space<hbm>>, %arg10: memref<16xi32, #tpu.memory_space<hbm>>, %arg11: memref<16xi32, #tpu.memory_space<hbm>>, %arg12: memref<9216xf32, #tpu.memory_space<hbm>>, %arg13: memref<9216xi32, #tpu.memory_space<hbm>>, %arg14: memref<8192xi32, #tpu.memory_space<hbm>>, %arg15: memref<9216xf32, #tpu.memory_space<vmem>>, %arg16: memref<9216xi32, #tpu.memory_space<vmem>>, %arg17: memref<8192xi32, #tpu.memory_space<vmem>>, %arg18: memref<14336xf32, #tpu.memory_space<vmem>>, %arg19: memref<14336xf32, #tpu.memory_space<vmem>>, %arg20: memref<14336xi32, #tpu.memory_space<vmem>>, %arg21: memref<14336xf32, #tpu.memory_space<vmem>>, %arg22: memref<1024xi32, #tpu.memory_space<vmem>>, %arg23: memref<1024xi32, #tpu.memory_space<vmem>>, %arg24: memref<1024xi32, #tpu.memory_space<vmem>>, %arg25: memref<16xi32, #tpu.memory_space<vmem>>, %arg26: memref<16xi32, #tpu.memory_space<vmem>>, %arg27: memref<!tpu.dma_semaphore, #tpu.memory_space<semaphore_mem>>) attributes {dimension_semantics = [#tpu.dimension_semantics<core_parallel>, #tpu.dimension_semantics<subcore_parallel>], iteration_bounds = array<i64: 2, 16>, scalar_prefetch = 0 : i64, scratch_operands = 13 : i64, tpu.core_type = #tpu.core_type<sc_vector_subcore>, window_params = [{transform_indices = #map}, {transform_indices = #map}, {transform_indices = #map}, {transform_indices = #map}, {transform_indices = #map}, {transform_indices = #map}, {transform_indices = #map}, {transform_indices = #map}, {transform_indices = #map}, {transform_indices = #map}, {transform_indices = #map}, {transform_indices = #map}, {transform_indices = #map}]} {
    %mul3A = arith.constant 2 : i32
    %mul3A_0 = arith.muli %arg1, %mul3A : i32
    %add3A = arith.addi %mul3A_0, %arg0 : i32
    %eq3A = arith.constant 0 : i32
    %eq3A_1 = arith.cmpi eq, %add3A, %eq3A : i32
    %convert_element_type3A = arith.extui %eq3A_1 : i1 to i32
    %cond3A = arith.constant 0 : i32
    %cond3A_2 = arith.cmpi ne, %convert_element_type3A, %cond3A : i32
    scf.if %cond3A_2 {
      %scan3A = arith.constant 0 : i32
      %scan3A_8 = arith.constant 0 : i32
      %scan3A_9 = arith.constant 576 : i32
      %scan3A_10 = arith.addi %scan3A_8, %scan3A_9 : i32
      %scan3A_11 = arith.constant 1 : i32
      %scan3A_12 = scf.for %scan3A_285 = %scan3A_8 to %scan3A_10 step %scan3A_11 iter_args(%scan3A_286 = %scan3A) -> (i32)  : i32 {
        %broadcast_in_dim3A = arith.constant -3.000000e+38 : f32
        %broadcast_in_dim3A_287 = vector.broadcast %broadcast_in_dim3A : f32 to vector<16xf32>
        %mul3A_288 = arith.constant 16 : i32
        %mul3A_289 = arith.muli %scan3A_285, %mul3A_288 : i32
        %swap3A = arith.index_cast %mul3A_289 : i32 to index
        %swap3A_290 = tpu.vector_load %arg15[%swap3A] {strides = array<i32>} : memref<9216xf32, #tpu.memory_space<vmem>>, vector<16xf32>,
        tpu.vector_store %arg15[%swap3A], %broadcast_in_dim3A_287 {strides = array<i32>} : memref<9216xf32, #tpu.memory_space<vmem>>, vector<16xf32>,
        %broadcast_in_dim3A_291 = arith.constant -1 : i32
        %broadcast_in_dim3A_292 = vector.broadcast %broadcast_in_dim3A_291 : i32 to vector<16xi32>
        %mul3A_293 = arith.constant 16 : i32
        %mul3A_294 = arith.muli %scan3A_285, %mul3A_293 : i32
        %swap3A_295 = arith.index_cast %mul3A_294 : i32 to index
        %swap3A_296 = tpu.vector_load %arg16[%swap3A_295] {strides = array<i32>} : memref<9216xi32, #tpu.memory_space<vmem>>, vector<16xi32>,
        tpu.vector_store %arg16[%swap3A_295], %broadcast_in_dim3A_292 {strides = array<i32>} : memref<9216xi32, #tpu.memory_space<vmem>>, vector<16xi32>,
        %scan3A_297 = arith.constant 0 : i32
        scf.yield %scan3A_297 : i32
      }
      %scan3A_13 = arith.constant 576 : i32
      %dma_start3A = arith.constant 0 : i32
      %dma_start3A_14 = tpu.memref_slice %arg2[%dma_start3A] : memref<100352xf32, #tpu.memory_space<hbm>> -> memref<14336xf32, #tpu.memory_space<hbm>>
      %dma_start3A_15 = arith.constant 0 : i32
      %dma_start3A_16 = tpu.memref_slice %arg2[%dma_start3A_15] : memref<100352xf32, #tpu.memory_space<hbm>> -> memref<14336xf32, #tpu.memory_space<hbm>>
      tpu.enqueue_dma source(%dma_start3A_16 : memref<14336xf32, #tpu.memory_space<hbm>>) target(%arg18 : memref<14336xf32, #tpu.memory_space<vmem>>) target_semaphore(%arg27 : memref<!tpu.dma_semaphore, #tpu.memory_space<semaphore_mem>>)
      %dma_start3A_17 = arith.constant 0 : i32
      %dma_start3A_18 = tpu.memref_slice %arg3[%dma_start3A_17] : memref<100352xf32, #tpu.memory_space<hbm>> -> memref<14336xf32, #tpu.memory_space<hbm>>
      %dma_start3A_19 = arith.constant 0 : i32
      %dma_start3A_20 = tpu.memref_slice %arg3[%dma_start3A_19] : memref<100352xf32, #tpu.memory_space<hbm>> -> memref<14336xf32, #tpu.memory_space<hbm>>
      tpu.enqueue_dma source(%dma_start3A_20 : memref<14336xf32, #tpu.memory_space<hbm>>) target(%arg19 : memref<14336xf32, #tpu.memory_space<vmem>>) target_semaphore(%arg27 : memref<!tpu.dma_semaphore, #tpu.memory_space<semaphore_mem>>)
      %dma_start3A_21 = arith.constant 0 : i32
      %dma_start3A_22 = tpu.memref_slice %arg4[%dma_start3A_21] : memref<100352xi32, #tpu.memory_space<hbm>> -> memref<14336xi32, #tpu.memory_space<hbm>>
      %dma_start3A_23 = arith.constant 0 : i32
      %dma_start3A_24 = tpu.memref_slice %arg4[%dma_start3A_23] : memref<100352xi32, #tpu.memory_space<hbm>> -> memref<14336xi32, #tpu.memory_space<hbm>>
      tpu.enqueue_dma source(%dma_start3A_24 : memref<14336xi32, #tpu.memory_space<hbm>>) target(%arg20 : memref<14336xi32, #tpu.memory_space<vmem>>) target_semaphore(%arg27 : memref<!tpu.dma_semaphore, #tpu.memory_space<semaphore_mem>>)
      %dma_start3A_25 = arith.constant 0 : i32
      %dma_start3A_26 = tpu.memref_slice %arg6[%dma_start3A_25] : memref<100352xf32, #tpu.memory_space<hbm>> -> memref<14336xf32, #tpu.memory_space<hbm>>
      %dma_start3A_27 = arith.constant 0 : i32
      %dma_start3A_28 = tpu.memref_slice %arg6[%dma_start3A_27] : memref<100352xf32, #tpu.memory_space<hbm>> -> memref<14336xf32, #tpu.memory_space<hbm>>
      tpu.enqueue_dma source(%dma_start3A_28 : memref<14336xf32, #tpu.memory_space<hbm>>) target(%arg21 : memref<14336xf32, #tpu.memory_space<vmem>>) target_semaphore(%arg27 : memref<!tpu.dma_semaphore, #tpu.memory_space<semaphore_mem>>)
      %dma_wait3A = arith.constant 0 : i32
      %dma_wait3A_29 = tpu.memref_slice %arg2[%dma_wait3A] : memref<100352xf32, #tpu.memory_space<hbm>> -> memref<14336xf32, #tpu.memory_space<hbm>>
      %dma_wait3A_30 = arith.constant 0 : i32
      %dma_wait3A_31 = tpu.memref_slice %arg2[%dma_wait3A_30] : memref<100352xf32, #tpu.memory_space<hbm>> -> memref<14336xf32, #tpu.memory_space<hbm>>
      tpu.wait_dma2 semaphore(%arg27 : memref<!tpu.dma_semaphore, #tpu.memory_space<semaphore_mem>>) src(%dma_wait3A_31 : memref<14336xf32, #tpu.memory_space<hbm>>) dst(%arg18 : memref<14336xf32, #tpu.memory_space<vmem>>)
      %dma_wait3A_32 = arith.constant 0 : i32
      %dma_wait3A_33 = tpu.memref_slice %arg3[%dma_wait3A_32] : memref<100352xf32, #tpu.memory_space<hbm>> -> memref<14336xf32, #tpu.memory_space<hbm>>
      %dma_wait3A_34 = arith.constant 0 : i32
      %dma_wait3A_35 = tpu.memref_slice %arg3[%dma_wait3A_34] : memref<100352xf32, #tpu.memory_space<hbm>> -> memref<14336xf32, #tpu.memory_space<hbm>>
      tpu.wait_dma2 semaphore(%arg27 : memref<!tpu.dma_semaphore, #tpu.memory_space<semaphore_mem>>) src(%dma_wait3A_35 : memref<14336xf32, #tpu.memory_space<hbm>>) dst(%arg19 : memref<14336xf32, #tpu.memory_space<vmem>>)
      %dma_wait3A_36 = arith.constant 0 : i32
      %dma_wait3A_37 = tpu.memref_slice %arg4[%dma_wait3A_36] : memref<100352xi32, #tpu.memory_space<hbm>> -> memref<14336xi32, #tpu.memory_space<hbm>>
      %dma_wait3A_38 = arith.constant 0 : i32
      %dma_wait3A_39 = tpu.memref_slice %arg4[%dma_wait3A_38] : memref<100352xi32, #tpu.memory_space<hbm>> -> memref<14336xi32, #tpu.memory_space<hbm>>
      tpu.wait_dma2 semaphore(%arg27 : memref<!tpu.dma_semaphore, #tpu.memory_space<semaphore_mem>>) src(%dma_wait3A_39 : memref<14336xi32, #tpu.memory_space<hbm>>) dst(%arg20 : memref<14336xi32, #tpu.memory_space<vmem>>)
      %dma_wait3A_40 = arith.constant 0 : i32
      %dma_wait3A_41 = tpu.memref_slice %arg6[%dma_wait3A_40] : memref<100352xf32, #tpu.memory_space<hbm>> -> memref<14336xf32, #tpu.memory_space<hbm>>
      %dma_wait3A_42 = arith.constant 0 : i32
      %dma_wait3A_43 = tpu.memref_slice %arg6[%dma_wait3A_42] : memref<100352xf32, #tpu.memory_space<hbm>> -> memref<14336xf32, #tpu.memory_space<hbm>>
      tpu.wait_dma2 semaphore(%arg27 : memref<!tpu.dma_semaphore, #tpu.memory_space<semaphore_mem>>) src(%dma_wait3A_43 : memref<14336xf32, #tpu.memory_space<hbm>>) dst(%arg21 : memref<14336xf32, #tpu.memory_space<vmem>>)
      %scan3A_44 = arith.constant 0 : i32
      %scan3A_45 = arith.constant 0 : i32
      %scan3A_46 = arith.constant 896 : i32
      %scan3A_47 = arith.addi %scan3A_45, %scan3A_46 : i32
      %scan3A_48 = arith.constant 1 : i32
      %scan3A_49 = scf.for %scan3A_285 = %scan3A_45 to %scan3A_47 step %scan3A_48 iter_args(%scan3A_286 = %scan3A_44) -> (i32)  : i32 {
        %iota3A = tpu.iota {dimensions = array<i32: 0>} : vector<16xi32>
        %mul3A_287 = arith.constant 16 : i32
        %mul3A_288 = arith.muli %scan3A_285, %mul3A_287 : i32
        %add3A_289 = arith.constant 0 : i32
        %add3A_290 = arith.addi %add3A_289, %mul3A_288 : i32
        %add3A_291 = vector.broadcast %add3A_290 : i32 to vector<16xi32>
        %add3A_292 = arith.addi %iota3A, %add3A_291 : vector<16xi32>
        %mul3A_293 = arith.constant 16 : i32
        %mul3A_294 = arith.muli %scan3A_285, %mul3A_293 : i32
        %get3A = arith.index_cast %mul3A_294 : i32 to index
        %get3A_295 = tpu.vector_load %arg18[%get3A] {strides = array<i32>} : memref<14336xf32, #tpu.memory_space<vmem>>, vector<16xf32>,
        %mul3A_296 = arith.constant 16 : i32
        %mul3A_297 = arith.muli %scan3A_285, %mul3A_296 : i32
        %get3A_298 = arith.index_cast %mul3A_297 : i32 to index
        %get3A_299 = tpu.vector_load %arg19[%get3A_298] {strides = array<i32>} : memref<14336xf32, #tpu.memory_space<vmem>>, vector<16xf32>,
        %mul3A_300 = arith.constant 16 : i32
        %mul3A_301 = arith.muli %scan3A_285, %mul3A_300 : i32
        %get3A_302 = arith.index_cast %mul3A_301 : i32 to index
        %get3A_303 = tpu.vector_load %arg20[%get3A_302] {strides = array<i32>} : memref<14336xi32, #tpu.memory_space<vmem>>, vector<16xi32>,
        %mul3A_304 = arith.constant 16 : i32
        %mul3A_305 = arith.muli %scan3A_285, %mul3A_304 : i32
        %get3A_306 = arith.index_cast %mul3A_305 : i32 to index
        %get3A_307 = tpu.vector_load %arg21[%get3A_306] {strides = array<i32>} : memref<14336xf32, #tpu.memory_space<vmem>>, vector<16xf32>,
        %gt3A = arith.constant 0.000000e+00 : f32
        %gt3A_308 = vector.broadcast %gt3A : f32 to vector<16xf32>
        %gt3A_309 = arith.cmpf ogt, %get3A_295, %gt3A_308 : vector<16xf32>
        %eq3A_310 = arith.constant 0.000000e+00 : f32
        %eq3A_311 = vector.broadcast %eq3A_310 : f32 to vector<16xf32>
        %eq3A_312 = arith.cmpf oeq, %get3A_299, %eq3A_311 : vector<16xf32>
        %and3A = arith.andi %gt3A_309, %eq3A_312 : vector<16xi1>
        %min3A = arith.constant 9215 : i32
        %min3A_313 = vector.broadcast %min3A : i32 to vector<16xi32>
        %min3A_314 = arith.minsi %get3A_303, %min3A_313 : vector<16xi32>
        tpu.vector_store_idx %arg15[%min3A_314], %get3A_307 masked %and3A : memref<9216xf32, #tpu.memory_space<vmem>>[vector<16xi32>], vector<16xf32>, vector<16xi1>
        tpu.vector_store_idx %arg16[%min3A_314], %add3A_292 masked %and3A : memref<9216xi32, #tpu.memory_space<vmem>>[vector<16xi32>], vector<16xi32>, vector<16xi1>
        %scan3A_315 = arith.constant 0 : i32
        scf.yield %scan3A_315 : i32
      }
      %scan3A_50 = arith.constant 896 : i32
      %dma_start3A_51 = arith.constant 14336 : i32
      %dma_start3A_52 = tpu.memref_slice %arg2[%dma_start3A_51] : memref<100352xf32, #tpu.memory_space<hbm>> -> memref<14336xf32, #tpu.memory_space<hbm>>
      %dma_start3A_53 = arith.constant 14336 : i32
      %dma_start3A_54 = tpu.memref_slice %arg2[%dma_start3A_53] : memref<100352xf32, #tpu.memory_space<hbm>> -> memref<14336xf32, #tpu.memory_space<hbm>>
      tpu.enqueue_dma source(%dma_start3A_54 : memref<14336xf32, #tpu.memory_space<hbm>>) target(%arg18 : memref<14336xf32, #tpu.memory_space<vmem>>) target_semaphore(%arg27 : memref<!tpu.dma_semaphore, #tpu.memory_space<semaphore_mem>>)
      %dma_start3A_55 = arith.constant 14336 : i32
      %dma_start3A_56 = tpu.memref_slice %arg3[%dma_start3A_55] : memref<100352xf32, #tpu.memory_space<hbm>> -> memref<14336xf32, #tpu.memory_space<hbm>>
      %dma_start3A_57 = arith.constant 14336 : i32
      %dma_start3A_58 = tpu.memref_slice %arg3[%dma_start3A_57] : memref<100352xf32, #tpu.memory_space<hbm>> -> memref<14336xf32, #tpu.memory_space<hbm>>
      tpu.enqueue_dma source(%dma_start3A_58 : memref<14336xf32, #tpu.memory_space<hbm>>) target(%arg19 : memref<14336xf32, #tpu.memory_space<vmem>>) target_semaphore(%arg27 : memref<!tpu.dma_semaphore, #tpu.memory_space<semaphore_mem>>)
      %dma_start3A_59 = arith.constant 14336 : i32
      %dma_start3A_60 = tpu.memref_slice %arg4[%dma_start3A_59] : memref<100352xi32, #tpu.memory_space<hbm>> -> memref<14336xi32, #tpu.memory_space<hbm>>
      %dma_start3A_61 = arith.constant 14336 : i32
      %dma_start3A_62 = tpu.memref_slice %arg4[%dma_start3A_61] : memref<100352xi32, #tpu.memory_space<hbm>> -> memref<14336xi32, #tpu.memory_space<hbm>>
      tpu.enqueue_dma source(%dma_start3A_62 : memref<14336xi32, #tpu.memory_space<hbm>>) target(%arg20 : memref<14336xi32, #tpu.memory_space<vmem>>) target_semaphore(%arg27 : memref<!tpu.dma_semaphore, #tpu.memory_space<semaphore_mem>>)
      %dma_start3A_63 = arith.constant 14336 : i32
      %dma_start3A_64 = tpu.memref_slice %arg6[%dma_start3A_63] : memref<100352xf32, #tpu.memory_space<hbm>> -> memref<14336xf32, #tpu.memory_space<hbm>>
      %dma_start3A_65 = arith.constant 14336 : i32
      %dma_start3A_66 = tpu.memref_slice %arg6[%dma_start3A_65] : memref<100352xf32, #tpu.memory_space<hbm>> -> memref<14336xf32, #tpu.memory_space<hbm>>
      tpu.enqueue_dma source(%dma_start3A_66 : memref<14336xf32, #tpu.memory_space<hbm>>) target(%arg21 : memref<14336xf32, #tpu.memory_space<vmem>>) target_semaphore(%arg27 : memref<!tpu.dma_semaphore, #tpu.memory_space<semaphore_mem>>)
      %dma_wait3A_67 = arith.constant 14336 : i32
      %dma_wait3A_68 = tpu.memref_slice %arg2[%dma_wait3A_67] : memref<100352xf32, #tpu.memory_space<hbm>> -> memref<14336xf32, #tpu.memory_space<hbm>>
      %dma_wait3A_69 = arith.constant 14336 : i32
      %dma_wait3A_70 = tpu.memref_slice %arg2[%dma_wait3A_69] : memref<100352xf32, #tpu.memory_space<hbm>> -> memref<14336xf32, #tpu.memory_space<hbm>>
      tpu.wait_dma2 semaphore(%arg27 : memref<!tpu.dma_semaphore, #tpu.memory_space<semaphore_mem>>) src(%dma_wait3A_70 : memref<14336xf32, #tpu.memory_space<hbm>>) dst(%arg18 : memref<14336xf32, #tpu.memory_space<vmem>>)
      %dma_wait3A_71 = arith.constant 14336 : i32
      %dma_wait3A_72 = tpu.memref_slice %arg3[%dma_wait3A_71] : memref<100352xf32, #tpu.memory_space<hbm>> -> memref<14336xf32, #tpu.memory_space<hbm>>
      %dma_wait3A_73 = arith.constant 14336 : i32
      %dma_wait3A_74 = tpu.memref_slice %arg3[%dma_wait3A_73] : memref<100352xf32, #tpu.memory_space<hbm>> -> memref<14336xf32, #tpu.memory_space<hbm>>
      tpu.wait_dma2 semaphore(%arg27 : memref<!tpu.dma_semaphore, #tpu.memory_space<semaphore_mem>>) src(%dma_wait3A_74 : memref<14336xf32, #tpu.memory_space<hbm>>) dst(%arg19 : memref<14336xf32, #tpu.memory_space<vmem>>)
      %dma_wait3A_75 = arith.constant 14336 : i32
      %dma_wait3A_76 = tpu.memref_slice %arg4[%dma_wait3A_75] : memref<100352xi32, #tpu.memory_space<hbm>> -> memref<14336xi32, #tpu.memory_space<hbm>>
      %dma_wait3A_77 = arith.constant 14336 : i32
      %dma_wait3A_78 = tpu.memref_slice %arg4[%dma_wait3A_77] : memref<100352xi32, #tpu.memory_space<hbm>> -> memref<14336xi32, #tpu.memory_space<hbm>>
      tpu.wait_dma2 semaphore(%arg27 : memref<!tpu.dma_semaphore, #tpu.memory_space<semaphore_mem>>) src(%dma_wait3A_78 : memref<14336xi32, #tpu.memory_space<hbm>>) dst(%arg20 : memref<14336xi32, #tpu.memory_space<vmem>>)
      %dma_wait3A_79 = arith.constant 14336 : i32
      %dma_wait3A_80 = tpu.memref_slice %arg6[%dma_wait3A_79] : memref<100352xf32, #tpu.memory_space<hbm>> -> memref<14336xf32, #tpu.memory_space<hbm>>
      %dma_wait3A_81 = arith.constant 14336 : i32
      %dma_wait3A_82 = tpu.memref_slice %arg6[%dma_wait3A_81] : memref<100352xf32, #tpu.memory_space<hbm>> -> memref<14336xf32, #tpu.memory_space<hbm>>
      tpu.wait_dma2 semaphore(%arg27 : memref<!tpu.dma_semaphore, #tpu.memory_space<semaphore_mem>>) src(%dma_wait3A_82 : memref<14336xf32, #tpu.memory_space<hbm>>) dst(%arg21 : memref<14336xf32, #tpu.memory_space<vmem>>)
      %scan3A_83 = arith.constant 0 : i32
      %scan3A_84 = arith.constant 0 : i32
      %scan3A_85 = arith.constant 896 : i32
      %scan3A_86 = arith.addi %scan3A_84, %scan3A_85 : i32
      %scan3A_87 = arith.constant 1 : i32
      %scan3A_88 = scf.for %scan3A_285 = %scan3A_84 to %scan3A_86 step %scan3A_87 iter_args(%scan3A_286 = %scan3A_83) -> (i32)  : i32 {
        %iota3A = tpu.iota {dimensions = array<i32: 0>} : vector<16xi32>
        %mul3A_287 = arith.constant 16 : i32
        %mul3A_288 = arith.muli %scan3A_285, %mul3A_287 : i32
        %add3A_289 = arith.constant 14336 : i32
        %add3A_290 = arith.addi %add3A_289, %mul3A_288 : i32
        %add3A_291 = vector.broadcast %add3A_290 : i32 to vector<16xi32>
        %add3A_292 = arith.addi %iota3A, %add3A_291 : vector<16xi32>
        %mul3A_293 = arith.constant 16 : i32
        %mul3A_294 = arith.muli %scan3A_285, %mul3A_293 : i32
        %get3A = arith.index_cast %mul3A_294 : i32 to index
        %get3A_295 = tpu.vector_load %arg18[%get3A] {strides = array<i32>} : memref<14336xf32, #tpu.memory_space<vmem>>, vector<16xf32>,
        %mul3A_296 = arith.constant 16 : i32
        %mul3A_297 = arith.muli %scan3A_285, %mul3A_296 : i32
        %get3A_298 = arith.index_cast %mul3A_297 : i32 to index
        %get3A_299 = tpu.vector_load %arg19[%get3A_298] {strides = array<i32>} : memref<14336xf32, #tpu.memory_space<vmem>>, vector<16xf32>,
        %mul3A_300 = arith.constant 16 : i32
        %mul3A_301 = arith.muli %scan3A_285, %mul3A_300 : i32
        %get3A_302 = arith.index_cast %mul3A_301 : i32 to index
        %get3A_303 = tpu.vector_load %arg20[%get3A_302] {strides = array<i32>} : memref<14336xi32, #tpu.memory_space<vmem>>, vector<16xi32>,
        %mul3A_304 = arith.constant 16 : i32
        %mul3A_305 = arith.muli %scan3A_285, %mul3A_304 : i32
        %get3A_306 = arith.index_cast %mul3A_305 : i32 to index
        %get3A_307 = tpu.vector_load %arg21[%get3A_306] {strides = array<i32>} : memref<14336xf32, #tpu.memory_space<vmem>>, vector<16xf32>,
        %gt3A = arith.constant 0.000000e+00 : f32
        %gt3A_308 = vector.broadcast %gt3A : f32 to vector<16xf32>
        %gt3A_309 = arith.cmpf ogt, %get3A_295, %gt3A_308 : vector<16xf32>
        %eq3A_310 = arith.constant 0.000000e+00 : f32
        %eq3A_311 = vector.broadcast %eq3A_310 : f32 to vector<16xf32>
        %eq3A_312 = arith.cmpf oeq, %get3A_299, %eq3A_311 : vector<16xf32>
        %and3A = arith.andi %gt3A_309, %eq3A_312 : vector<16xi1>
        %min3A = arith.constant 9215 : i32
        %min3A_313 = vector.broadcast %min3A : i32 to vector<16xi32>
        %min3A_314 = arith.minsi %get3A_303, %min3A_313 : vector<16xi32>
        tpu.vector_store_idx %arg15[%min3A_314], %get3A_307 masked %and3A : memref<9216xf32, #tpu.memory_space<vmem>>[vector<16xi32>], vector<16xf32>, vector<16xi1>
        tpu.vector_store_idx %arg16[%min3A_314], %add3A_292 masked %and3A : memref<9216xi32, #tpu.memory_space<vmem>>[vector<16xi32>], vector<16xi32>, vector<16xi1>
        %scan3A_315 = arith.constant 0 : i32
        scf.yield %scan3A_315 : i32
      }
      %scan3A_89 = arith.constant 896 : i32
      %dma_start3A_90 = arith.constant 28672 : i32
      %dma_start3A_91 = tpu.memref_slice %arg2[%dma_start3A_90] : memref<100352xf32, #tpu.memory_space<hbm>> -> memref<14336xf32, #tpu.memory_space<hbm>>
      %dma_start3A_92 = arith.constant 28672 : i32
      %dma_start3A_93 = tpu.memref_slice %arg2[%dma_start3A_92] : memref<100352xf32, #tpu.memory_space<hbm>> -> memref<14336xf32, #tpu.memory_space<hbm>>
      tpu.enqueue_dma source(%dma_start3A_93 : memref<14336xf32, #tpu.memory_space<hbm>>) target(%arg18 : memref<14336xf32, #tpu.memory_space<vmem>>) target_semaphore(%arg27 : memref<!tpu.dma_semaphore, #tpu.memory_space<semaphore_mem>>)
      %dma_start3A_94 = arith.constant 28672 : i32
      %dma_start3A_95 = tpu.memref_slice %arg3[%dma_start3A_94] : memref<100352xf32, #tpu.memory_space<hbm>> -> memref<14336xf32, #tpu.memory_space<hbm>>
      %dma_start3A_96 = arith.constant 28672 : i32
      %dma_start3A_97 = tpu.memref_slice %arg3[%dma_start3A_96] : memref<100352xf32, #tpu.memory_space<hbm>> -> memref<14336xf32, #tpu.memory_space<hbm>>
      tpu.enqueue_dma source(%dma_start3A_97 : memref<14336xf32, #tpu.memory_space<hbm>>) target(%arg19 : memref<14336xf32, #tpu.memory_space<vmem>>) target_semaphore(%arg27 : memref<!tpu.dma_semaphore, #tpu.memory_space<semaphore_mem>>)
      %dma_start3A_98 = arith.constant 28672 : i32
      %dma_start3A_99 = tpu.memref_slice %arg4[%dma_start3A_98] : memref<100352xi32, #tpu.memory_space<hbm>> -> memref<14336xi32, #tpu.memory_space<hbm>>
      %dma_start3A_100 = arith.constant 28672 : i32
      %dma_start3A_101 = tpu.memref_slice %arg4[%dma_start3A_100] : memref<100352xi32, #tpu.memory_space<hbm>> -> memref<14336xi32, #tpu.memory_space<hbm>>
      tpu.enqueue_dma source(%dma_start3A_101 : memref<14336xi32, #tpu.memory_space<hbm>>) target(%arg20 : memref<14336xi32, #tpu.memory_space<vmem>>) target_semaphore(%arg27 : memref<!tpu.dma_semaphore, #tpu.memory_space<semaphore_mem>>)
      %dma_start3A_102 = arith.constant 28672 : i32
      %dma_start3A_103 = tpu.memref_slice %arg6[%dma_start3A_102] : memref<100352xf32, #tpu.memory_space<hbm>> -> memref<14336xf32, #tpu.memory_space<hbm>>
      %dma_start3A_104 = arith.constant 28672 : i32
      %dma_start3A_105 = tpu.memref_slice %arg6[%dma_start3A_104] : memref<100352xf32, #tpu.memory_space<hbm>> -> memref<14336xf32, #tpu.memory_space<hbm>>
      tpu.enqueue_dma source(%dma_start3A_105 : memref<14336xf32, #tpu.memory_space<hbm>>) target(%arg21 : memref<14336xf32, #tpu.memory_space<vmem>>) target_semaphore(%arg27 : memref<!tpu.dma_semaphore, #tpu.memory_space<semaphore_mem>>)
      %dma_wait3A_106 = arith.constant 28672 : i32
      %dma_wait3A_107 = tpu.memref_slice %arg2[%dma_wait3A_106] : memref<100352xf32, #tpu.memory_space<hbm>> -> memref<14336xf32, #tpu.memory_space<hbm>>
      %dma_wait3A_108 = arith.constant 28672 : i32
      %dma_wait3A_109 = tpu.memref_slice %arg2[%dma_wait3A_108] : memref<100352xf32, #tpu.memory_space<hbm>> -> memref<14336xf32, #tpu.memory_space<hbm>>
      tpu.wait_dma2 semaphore(%arg27 : memref<!tpu.dma_semaphore, #tpu.memory_space<semaphore_mem>>) src(%dma_wait3A_109 : memref<14336xf32, #tpu.memory_space<hbm>>) dst(%arg18 : memref<14336xf32, #tpu.memory_space<vmem>>)
      %dma_wait3A_110 = arith.constant 28672 : i32
      %dma_wait3A_111 = tpu.memref_slice %arg3[%dma_wait3A_110] : memref<100352xf32, #tpu.memory_space<hbm>> -> memref<14336xf32, #tpu.memory_space<hbm>>
      %dma_wait3A_112 = arith.constant 28672 : i32
      %dma_wait3A_113 = tpu.memref_slice %arg3[%dma_wait3A_112] : memref<100352xf32, #tpu.memory_space<hbm>> -> memref<14336xf32, #tpu.memory_space<hbm>>
      tpu.wait_dma2 semaphore(%arg27 : memref<!tpu.dma_semaphore, #tpu.memory_space<semaphore_mem>>) src(%dma_wait3A_113 : memref<14336xf32, #tpu.memory_space<hbm>>) dst(%arg19 : memref<14336xf32, #tpu.memory_space<vmem>>)
      %dma_wait3A_114 = arith.constant 28672 : i32
      %dma_wait3A_115 = tpu.memref_slice %arg4[%dma_wait3A_114] : memref<100352xi32, #tpu.memory_space<hbm>> -> memref<14336xi32, #tpu.memory_space<hbm>>
      %dma_wait3A_116 = arith.constant 28672 : i32
      %dma_wait3A_117 = tpu.memref_slice %arg4[%dma_wait3A_116] : memref<100352xi32, #tpu.memory_space<hbm>> -> memref<14336xi32, #tpu.memory_space<hbm>>
      tpu.wait_dma2 semaphore(%arg27 : memref<!tpu.dma_semaphore, #tpu.memory_space<semaphore_mem>>) src(%dma_wait3A_117 : memref<14336xi32, #tpu.memory_space<hbm>>) dst(%arg20 : memref<14336xi32, #tpu.memory_space<vmem>>)
      %dma_wait3A_118 = arith.constant 28672 : i32
      %dma_wait3A_119 = tpu.memref_slice %arg6[%dma_wait3A_118] : memref<100352xf32, #tpu.memory_space<hbm>> -> memref<14336xf32, #tpu.memory_space<hbm>>
      %dma_wait3A_120 = arith.constant 28672 : i32
      %dma_wait3A_121 = tpu.memref_slice %arg6[%dma_wait3A_120] : memref<100352xf32, #tpu.memory_space<hbm>> -> memref<14336xf32, #tpu.memory_space<hbm>>
      tpu.wait_dma2 semaphore(%arg27 : memref<!tpu.dma_semaphore, #tpu.memory_space<semaphore_mem>>) src(%dma_wait3A_121 : memref<14336xf32, #tpu.memory_space<hbm>>) dst(%arg21 : memref<14336xf32, #tpu.memory_space<vmem>>)
      %scan3A_122 = arith.constant 0 : i32
      %scan3A_123 = arith.constant 0 : i32
      %scan3A_124 = arith.constant 896 : i32
      %scan3A_125 = arith.addi %scan3A_123, %scan3A_124 : i32
      %scan3A_126 = arith.constant 1 : i32
      %scan3A_127 = scf.for %scan3A_285 = %scan3A_123 to %scan3A_125 step %scan3A_126 iter_args(%scan3A_286 = %scan3A_122) -> (i32)  : i32 {
        %iota3A = tpu.iota {dimensions = array<i32: 0>} : vector<16xi32>
        %mul3A_287 = arith.constant 16 : i32
        %mul3A_288 = arith.muli %scan3A_285, %mul3A_287 : i32
        %add3A_289 = arith.constant 28672 : i32
        %add3A_290 = arith.addi %add3A_289, %mul3A_288 : i32
        %add3A_291 = vector.broadcast %add3A_290 : i32 to vector<16xi32>
        %add3A_292 = arith.addi %iota3A, %add3A_291 : vector<16xi32>
        %mul3A_293 = arith.constant 16 : i32
        %mul3A_294 = arith.muli %scan3A_285, %mul3A_293 : i32
        %get3A = arith.index_cast %mul3A_294 : i32 to index
        %get3A_295 = tpu.vector_load %arg18[%get3A] {strides = array<i32>} : memref<14336xf32, #tpu.memory_space<vmem>>, vector<16xf32>,
        %mul3A_296 = arith.constant 16 : i32
        %mul3A_297 = arith.muli %scan3A_285, %mul3A_296 : i32
        %get3A_298 = arith.index_cast %mul3A_297 : i32 to index
        %get3A_299 = tpu.vector_load %arg19[%get3A_298] {strides = array<i32>} : memref<14336xf32, #tpu.memory_space<vmem>>, vector<16xf32>,
        %mul3A_300 = arith.constant 16 : i32
        %mul3A_301 = arith.muli %scan3A_285, %mul3A_300 : i32
        %get3A_302 = arith.index_cast %mul3A_301 : i32 to index
        %get3A_303 = tpu.vector_load %arg20[%get3A_302] {strides = array<i32>} : memref<14336xi32, #tpu.memory_space<vmem>>, vector<16xi32>,
        %mul3A_304 = arith.constant 16 : i32
        %mul3A_305 = arith.muli %scan3A_285, %mul3A_304 : i32
        %get3A_306 = arith.index_cast %mul3A_305 : i32 to index
        %get3A_307 = tpu.vector_load %arg21[%get3A_306] {strides = array<i32>} : memref<14336xf32, #tpu.memory_space<vmem>>, vector<16xf32>,
        %gt3A = arith.constant 0.000000e+00 : f32
        %gt3A_308 = vector.broadcast %gt3A : f32 to vector<16xf32>
        %gt3A_309 = arith.cmpf ogt, %get3A_295, %gt3A_308 : vector<16xf32>
        %eq3A_310 = arith.constant 0.000000e+00 : f32
        %eq3A_311 = vector.broadcast %eq3A_310 : f32 to vector<16xf32>
        %eq3A_312 = arith.cmpf oeq, %get3A_299, %eq3A_311 : vector<16xf32>
        %and3A = arith.andi %gt3A_309, %eq3A_312 : vector<16xi1>
        %min3A = arith.constant 9215 : i32
        %min3A_313 = vector.broadcast %min3A : i32 to vector<16xi32>
        %min3A_314 = arith.minsi %get3A_303, %min3A_313 : vector<16xi32>
        tpu.vector_store_idx %arg15[%min3A_314], %get3A_307 masked %and3A : memref<9216xf32, #tpu.memory_space<vmem>>[vector<16xi32>], vector<16xf32>, vector<16xi1>
        tpu.vector_store_idx %arg16[%min3A_314], %add3A_292 masked %and3A : memref<9216xi32, #tpu.memory_space<vmem>>[vector<16xi32>], vector<16xi32>, vector<16xi1>
        %scan3A_315 = arith.constant 0 : i32
        scf.yield %scan3A_315 : i32
      }
      %scan3A_128 = arith.constant 896 : i32
      %dma_start3A_129 = arith.constant 43008 : i32
      %dma_start3A_130 = tpu.memref_slice %arg2[%dma_start3A_129] : memref<100352xf32, #tpu.memory_space<hbm>> -> memref<14336xf32, #tpu.memory_space<hbm>>
      %dma_start3A_131 = arith.constant 43008 : i32
      %dma_start3A_132 = tpu.memref_slice %arg2[%dma_start3A_131] : memref<100352xf32, #tpu.memory_space<hbm>> -> memref<14336xf32, #tpu.memory_space<hbm>>
      tpu.enqueue_dma source(%dma_start3A_132 : memref<14336xf32, #tpu.memory_space<hbm>>) target(%arg18 : memref<14336xf32, #tpu.memory_space<vmem>>) target_semaphore(%arg27 : memref<!tpu.dma_semaphore, #tpu.memory_space<semaphore_mem>>)
      %dma_start3A_133 = arith.constant 43008 : i32
      %dma_start3A_134 = tpu.memref_slice %arg3[%dma_start3A_133] : memref<100352xf32, #tpu.memory_space<hbm>> -> memref<14336xf32, #tpu.memory_space<hbm>>
      %dma_start3A_135 = arith.constant 43008 : i32
      %dma_start3A_136 = tpu.memref_slice %arg3[%dma_start3A_135] : memref<100352xf32, #tpu.memory_space<hbm>> -> memref<14336xf32, #tpu.memory_space<hbm>>
      tpu.enqueue_dma source(%dma_start3A_136 : memref<14336xf32, #tpu.memory_space<hbm>>) target(%arg19 : memref<14336xf32, #tpu.memory_space<vmem>>) target_semaphore(%arg27 : memref<!tpu.dma_semaphore, #tpu.memory_space<semaphore_mem>>)
      %dma_start3A_137 = arith.constant 43008 : i32
      %dma_start3A_138 = tpu.memref_slice %arg4[%dma_start3A_137] : memref<100352xi32, #tpu.memory_space<hbm>> -> memref<14336xi32, #tpu.memory_space<hbm>>
      %dma_start3A_139 = arith.constant 43008 : i32
      %dma_start3A_140 = tpu.memref_slice %arg4[%dma_start3A_139] : memref<100352xi32, #tpu.memory_space<hbm>> -> memref<14336xi32, #tpu.memory_space<hbm>>
      tpu.enqueue_dma source(%dma_start3A_140 : memref<14336xi32, #tpu.memory_space<hbm>>) target(%arg20 : memref<14336xi32, #tpu.memory_space<vmem>>) target_semaphore(%arg27 : memref<!tpu.dma_semaphore, #tpu.memory_space<semaphore_mem>>)
      %dma_start3A_141 = arith.constant 43008 : i32
      %dma_start3A_142 = tpu.memref_slice %arg6[%dma_start3A_141] : memref<100352xf32, #tpu.memory_space<hbm>> -> memref<14336xf32, #tpu.memory_space<hbm>>
      %dma_start3A_143 = arith.constant 43008 : i32
      %dma_start3A_144 = tpu.memref_slice %arg6[%dma_start3A_143] : memref<100352xf32, #tpu.memory_space<hbm>> -> memref<14336xf32, #tpu.memory_space<hbm>>
      tpu.enqueue_dma source(%dma_start3A_144 : memref<14336xf32, #tpu.memory_space<hbm>>) target(%arg21 : memref<14336xf32, #tpu.memory_space<vmem>>) target_semaphore(%arg27 : memref<!tpu.dma_semaphore, #tpu.memory_space<semaphore_mem>>)
      %dma_wait3A_145 = arith.constant 43008 : i32
      %dma_wait3A_146 = tpu.memref_slice %arg2[%dma_wait3A_145] : memref<100352xf32, #tpu.memory_space<hbm>> -> memref<14336xf32, #tpu.memory_space<hbm>>
      %dma_wait3A_147 = arith.constant 43008 : i32
      %dma_wait3A_148 = tpu.memref_slice %arg2[%dma_wait3A_147] : memref<100352xf32, #tpu.memory_space<hbm>> -> memref<14336xf32, #tpu.memory_space<hbm>>
      tpu.wait_dma2 semaphore(%arg27 : memref<!tpu.dma_semaphore, #tpu.memory_space<semaphore_mem>>) src(%dma_wait3A_148 : memref<14336xf32, #tpu.memory_space<hbm>>) dst(%arg18 : memref<14336xf32, #tpu.memory_space<vmem>>)
      %dma_wait3A_149 = arith.constant 43008 : i32
      %dma_wait3A_150 = tpu.memref_slice %arg3[%dma_wait3A_149] : memref<100352xf32, #tpu.memory_space<hbm>> -> memref<14336xf32, #tpu.memory_space<hbm>>
      %dma_wait3A_151 = arith.constant 43008 : i32
      %dma_wait3A_152 = tpu.memref_slice %arg3[%dma_wait3A_151] : memref<100352xf32, #tpu.memory_space<hbm>> -> memref<14336xf32, #tpu.memory_space<hbm>>
      tpu.wait_dma2 semaphore(%arg27 : memref<!tpu.dma_semaphore, #tpu.memory_space<semaphore_mem>>) src(%dma_wait3A_152 : memref<14336xf32, #tpu.memory_space<hbm>>) dst(%arg19 : memref<14336xf32, #tpu.memory_space<vmem>>)
      %dma_wait3A_153 = arith.constant 43008 : i32
      %dma_wait3A_154 = tpu.memref_slice %arg4[%dma_wait3A_153] : memref<100352xi32, #tpu.memory_space<hbm>> -> memref<14336xi32, #tpu.memory_space<hbm>>
      %dma_wait3A_155 = arith.constant 43008 : i32
      %dma_wait3A_156 = tpu.memref_slice %arg4[%dma_wait3A_155] : memref<100352xi32, #tpu.memory_space<hbm>> -> memref<14336xi32, #tpu.memory_space<hbm>>
      tpu.wait_dma2 semaphore(%arg27 : memref<!tpu.dma_semaphore, #tpu.memory_space<semaphore_mem>>) src(%dma_wait3A_156 : memref<14336xi32, #tpu.memory_space<hbm>>) dst(%arg20 : memref<14336xi32, #tpu.memory_space<vmem>>)
      %dma_wait3A_157 = arith.constant 43008 : i32
      %dma_wait3A_158 = tpu.memref_slice %arg6[%dma_wait3A_157] : memref<100352xf32, #tpu.memory_space<hbm>> -> memref<14336xf32, #tpu.memory_space<hbm>>
      %dma_wait3A_159 = arith.constant 43008 : i32
      %dma_wait3A_160 = tpu.memref_slice %arg6[%dma_wait3A_159] : memref<100352xf32, #tpu.memory_space<hbm>> -> memref<14336xf32, #tpu.memory_space<hbm>>
      tpu.wait_dma2 semaphore(%arg27 : memref<!tpu.dma_semaphore, #tpu.memory_space<semaphore_mem>>) src(%dma_wait3A_160 : memref<14336xf32, #tpu.memory_space<hbm>>) dst(%arg21 : memref<14336xf32, #tpu.memory_space<vmem>>)
      %scan3A_161 = arith.constant 0 : i32
      %scan3A_162 = arith.constant 0 : i32
      %scan3A_163 = arith.constant 896 : i32
      %scan3A_164 = arith.addi %scan3A_162, %scan3A_163 : i32
      %scan3A_165 = arith.constant 1 : i32
      %scan3A_166 = scf.for %scan3A_285 = %scan3A_162 to %scan3A_164 step %scan3A_165 iter_args(%scan3A_286 = %scan3A_161) -> (i32)  : i32 {
        %iota3A = tpu.iota {dimensions = array<i32: 0>} : vector<16xi32>
        %mul3A_287 = arith.constant 16 : i32
        %mul3A_288 = arith.muli %scan3A_285, %mul3A_287 : i32
        %add3A_289 = arith.constant 43008 : i32
        %add3A_290 = arith.addi %add3A_289, %mul3A_288 : i32
        %add3A_291 = vector.broadcast %add3A_290 : i32 to vector<16xi32>
        %add3A_292 = arith.addi %iota3A, %add3A_291 : vector<16xi32>
        %mul3A_293 = arith.constant 16 : i32
        %mul3A_294 = arith.muli %scan3A_285, %mul3A_293 : i32
        %get3A = arith.index_cast %mul3A_294 : i32 to index
        %get3A_295 = tpu.vector_load %arg18[%get3A] {strides = array<i32>} : memref<14336xf32, #tpu.memory_space<vmem>>, vector<16xf32>,
        %mul3A_296 = arith.constant 16 : i32
        %mul3A_297 = arith.muli %scan3A_285, %mul3A_296 : i32
        %get3A_298 = arith.index_cast %mul3A_297 : i32 to index
        %get3A_299 = tpu.vector_load %arg19[%get3A_298] {strides = array<i32>} : memref<14336xf32, #tpu.memory_space<vmem>>, vector<16xf32>,
        %mul3A_300 = arith.constant 16 : i32
        %mul3A_301 = arith.muli %scan3A_285, %mul3A_300 : i32
        %get3A_302 = arith.index_cast %mul3A_301 : i32 to index
        %get3A_303 = tpu.vector_load %arg20[%get3A_302] {strides = array<i32>} : memref<14336xi32, #tpu.memory_space<vmem>>, vector<16xi32>,
        %mul3A_304 = arith.constant 16 : i32
        %mul3A_305 = arith.muli %scan3A_285, %mul3A_304 : i32
        %get3A_306 = arith.index_cast %mul3A_305 : i32 to index
        %get3A_307 = tpu.vector_load %arg21[%get3A_306] {strides = array<i32>} : memref<14336xf32, #tpu.memory_space<vmem>>, vector<16xf32>,
        %gt3A = arith.constant 0.000000e+00 : f32
        %gt3A_308 = vector.broadcast %gt3A : f32 to vector<16xf32>
        %gt3A_309 = arith.cmpf ogt, %get3A_295, %gt3A_308 : vector<16xf32>
        %eq3A_310 = arith.constant 0.000000e+00 : f32
        %eq3A_311 = vector.broadcast %eq3A_310 : f32 to vector<16xf32>
        %eq3A_312 = arith.cmpf oeq, %get3A_299, %eq3A_311 : vector<16xf32>
        %and3A = arith.andi %gt3A_309, %eq3A_312 : vector<16xi1>
        %min3A = arith.constant 9215 : i32
        %min3A_313 = vector.broadcast %min3A : i32 to vector<16xi32>
        %min3A_314 = arith.minsi %get3A_303, %min3A_313 : vector<16xi32>
        tpu.vector_store_idx %arg15[%min3A_314], %get3A_307 masked %and3A : memref<9216xf32, #tpu.memory_space<vmem>>[vector<16xi32>], vector<16xf32>, vector<16xi1>
        tpu.vector_store_idx %arg16[%min3A_314], %add3A_292 masked %and3A : memref<9216xi32, #tpu.memory_space<vmem>>[vector<16xi32>], vector<16xi32>, vector<16xi1>
        %scan3A_315 = arith.constant 0 : i32
        scf.yield %scan3A_315 : i32
      }
      %scan3A_167 = arith.constant 896 : i32
      %dma_start3A_168 = arith.constant 57344 : i32
      %dma_start3A_169 = tpu.memref_slice %arg2[%dma_start3A_168] : memref<100352xf32, #tpu.memory_space<hbm>> -> memref<14336xf32, #tpu.memory_space<hbm>>
      %dma_start3A_170 = arith.constant 57344 : i32
      %dma_start3A_171 = tpu.memref_slice %arg2[%dma_start3A_170] : memref<100352xf32, #tpu.memory_space<hbm>> -> memref<14336xf32, #tpu.memory_space<hbm>>
      tpu.enqueue_dma source(%dma_start3A_171 : memref<14336xf32, #tpu.memory_space<hbm>>) target(%arg18 : memref<14336xf32, #tpu.memory_space<vmem>>) target_semaphore(%arg27 : memref<!tpu.dma_semaphore, #tpu.memory_space<semaphore_mem>>)
      %dma_start3A_172 = arith.constant 57344 : i32
      %dma_start3A_173 = tpu.memref_slice %arg3[%dma_start3A_172] : memref<100352xf32, #tpu.memory_space<hbm>> -> memref<14336xf32, #tpu.memory_space<hbm>>
      %dma_start3A_174 = arith.constant 57344 : i32
      %dma_start3A_175 = tpu.memref_slice %arg3[%dma_start3A_174] : memref<100352xf32, #tpu.memory_space<hbm>> -> memref<14336xf32, #tpu.memory_space<hbm>>
      tpu.enqueue_dma source(%dma_start3A_175 : memref<14336xf32, #tpu.memory_space<hbm>>) target(%arg19 : memref<14336xf32, #tpu.memory_space<vmem>>) target_semaphore(%arg27 : memref<!tpu.dma_semaphore, #tpu.memory_space<semaphore_mem>>)
      %dma_start3A_176 = arith.constant 57344 : i32
      %dma_start3A_177 = tpu.memref_slice %arg4[%dma_start3A_176] : memref<100352xi32, #tpu.memory_space<hbm>> -> memref<14336xi32, #tpu.memory_space<hbm>>
      %dma_start3A_178 = arith.constant 57344 : i32
      %dma_start3A_179 = tpu.memref_slice %arg4[%dma_start3A_178] : memref<100352xi32, #tpu.memory_space<hbm>> -> memref<14336xi32, #tpu.memory_space<hbm>>
      tpu.enqueue_dma source(%dma_start3A_179 : memref<14336xi32, #tpu.memory_space<hbm>>) target(%arg20 : memref<14336xi32, #tpu.memory_space<vmem>>) target_semaphore(%arg27 : memref<!tpu.dma_semaphore, #tpu.memory_space<semaphore_mem>>)
      %dma_start3A_180 = arith.constant 57344 : i32
      %dma_start3A_181 = tpu.memref_slice %arg6[%dma_start3A_180] : memref<100352xf32, #tpu.memory_space<hbm>> -> memref<14336xf32, #tpu.memory_space<hbm>>
      %dma_start3A_182 = arith.constant 57344 : i32
      %dma_start3A_183 = tpu.memref_slice %arg6[%dma_start3A_182] : memref<100352xf32, #tpu.memory_space<hbm>> -> memref<14336xf32, #tpu.memory_space<hbm>>
      tpu.enqueue_dma source(%dma_start3A_183 : memref<14336xf32, #tpu.memory_space<hbm>>) target(%arg21 : memref<14336xf32, #tpu.memory_space<vmem>>) target_semaphore(%arg27 : memref<!tpu.dma_semaphore, #tpu.memory_space<semaphore_mem>>)
      %dma_wait3A_184 = arith.constant 57344 : i32
      %dma_wait3A_185 = tpu.memref_slice %arg2[%dma_wait3A_184] : memref<100352xf32, #tpu.memory_space<hbm>> -> memref<14336xf32, #tpu.memory_space<hbm>>
      %dma_wait3A_186 = arith.constant 57344 : i32
      %dma_wait3A_187 = tpu.memref_slice %arg2[%dma_wait3A_186] : memref<100352xf32, #tpu.memory_space<hbm>> -> memref<14336xf32, #tpu.memory_space<hbm>>
      tpu.wait_dma2 semaphore(%arg27 : memref<!tpu.dma_semaphore, #tpu.memory_space<semaphore_mem>>) src(%dma_wait3A_187 : memref<14336xf32, #tpu.memory_space<hbm>>) dst(%arg18 : memref<14336xf32, #tpu.memory_space<vmem>>)
      %dma_wait3A_188 = arith.constant 57344 : i32
      %dma_wait3A_189 = tpu.memref_slice %arg3[%dma_wait3A_188] : memref<100352xf32, #tpu.memory_space<hbm>> -> memref<14336xf32, #tpu.memory_space<hbm>>
      %dma_wait3A_190 = arith.constant 57344 : i32
      %dma_wait3A_191 = tpu.memref_slice %arg3[%dma_wait3A_190] : memref<100352xf32, #tpu.memory_space<hbm>> -> memref<14336xf32, #tpu.memory_space<hbm>>
      tpu.wait_dma2 semaphore(%arg27 : memref<!tpu.dma_semaphore, #tpu.memory_space<semaphore_mem>>) src(%dma_wait3A_191 : memref<14336xf32, #tpu.memory_space<hbm>>) dst(%arg19 : memref<14336xf32, #tpu.memory_space<vmem>>)
      %dma_wait3A_192 = arith.constant 57344 : i32
      %dma_wait3A_193 = tpu.memref_slice %arg4[%dma_wait3A_192] : memref<100352xi32, #tpu.memory_space<hbm>> -> memref<14336xi32, #tpu.memory_space<hbm>>
      %dma_wait3A_194 = arith.constant 57344 : i32
      %dma_wait3A_195 = tpu.memref_slice %arg4[%dma_wait3A_194] : memref<100352xi32, #tpu.memory_space<hbm>> -> memref<14336xi32, #tpu.memory_space<hbm>>
      tpu.wait_dma2 semaphore(%arg27 : memref<!tpu.dma_semaphore, #tpu.memory_space<semaphore_mem>>) src(%dma_wait3A_195 : memref<14336xi32, #tpu.memory_space<hbm>>) dst(%arg20 : memref<14336xi32, #tpu.memory_space<vmem>>)
      %dma_wait3A_196 = arith.constant 57344 : i32
      %dma_wait3A_197 = tpu.memref_slice %arg6[%dma_wait3A_196] : memref<100352xf32, #tpu.memory_space<hbm>> -> memref<14336xf32, #tpu.memory_space<hbm>>
      %dma_wait3A_198 = arith.constant 57344 : i32
      %dma_wait3A_199 = tpu.memref_slice %arg6[%dma_wait3A_198] : memref<100352xf32, #tpu.memory_space<hbm>> -> memref<14336xf32, #tpu.memory_space<hbm>>
      tpu.wait_dma2 semaphore(%arg27 : memref<!tpu.dma_semaphore, #tpu.memory_space<semaphore_mem>>) src(%dma_wait3A_199 : memref<14336xf32, #tpu.memory_space<hbm>>) dst(%arg21 : memref<14336xf32, #tpu.memory_space<vmem>>)
      %scan3A_200 = arith.constant 0 : i32
      %scan3A_201 = arith.constant 0 : i32
      %scan3A_202 = arith.constant 896 : i32
      %scan3A_203 = arith.addi %scan3A_201, %scan3A_202 : i32
      %scan3A_204 = arith.constant 1 : i32
      %scan3A_205 = scf.for %scan3A_285 = %scan3A_201 to %scan3A_203 step %scan3A_204 iter_args(%scan3A_286 = %scan3A_200) -> (i32)  : i32 {
        %iota3A = tpu.iota {dimensions = array<i32: 0>} : vector<16xi32>
        %mul3A_287 = arith.constant 16 : i32
        %mul3A_288 = arith.muli %scan3A_285, %mul3A_287 : i32
        %add3A_289 = arith.constant 57344 : i32
        %add3A_290 = arith.addi %add3A_289, %mul3A_288 : i32
        %add3A_291 = vector.broadcast %add3A_290 : i32 to vector<16xi32>
        %add3A_292 = arith.addi %iota3A, %add3A_291 : vector<16xi32>
        %mul3A_293 = arith.constant 16 : i32
        %mul3A_294 = arith.muli %scan3A_285, %mul3A_293 : i32
        %get3A = arith.index_cast %mul3A_294 : i32 to index
        %get3A_295 = tpu.vector_load %arg18[%get3A] {strides = array<i32>} : memref<14336xf32, #tpu.memory_space<vmem>>, vector<16xf32>,
        %mul3A_296 = arith.constant 16 : i32
        %mul3A_297 = arith.muli %scan3A_285, %mul3A_296 : i32
        %get3A_298 = arith.index_cast %mul3A_297 : i32 to index
        %get3A_299 = tpu.vector_load %arg19[%get3A_298] {strides = array<i32>} : memref<14336xf32, #tpu.memory_space<vmem>>, vector<16xf32>,
        %mul3A_300 = arith.constant 16 : i32
        %mul3A_301 = arith.muli %scan3A_285, %mul3A_300 : i32
        %get3A_302 = arith.index_cast %mul3A_301 : i32 to index
        %get3A_303 = tpu.vector_load %arg20[%get3A_302] {strides = array<i32>} : memref<14336xi32, #tpu.memory_space<vmem>>, vector<16xi32>,
        %mul3A_304 = arith.constant 16 : i32
        %mul3A_305 = arith.muli %scan3A_285, %mul3A_304 : i32
        %get3A_306 = arith.index_cast %mul3A_305 : i32 to index
        %get3A_307 = tpu.vector_load %arg21[%get3A_306] {strides = array<i32>} : memref<14336xf32, #tpu.memory_space<vmem>>, vector<16xf32>,
        %gt3A = arith.constant 0.000000e+00 : f32
        %gt3A_308 = vector.broadcast %gt3A : f32 to vector<16xf32>
        %gt3A_309 = arith.cmpf ogt, %get3A_295, %gt3A_308 : vector<16xf32>
        %eq3A_310 = arith.constant 0.000000e+00 : f32
        %eq3A_311 = vector.broadcast %eq3A_310 : f32 to vector<16xf32>
        %eq3A_312 = arith.cmpf oeq, %get3A_299, %eq3A_311 : vector<16xf32>
        %and3A = arith.andi %gt3A_309, %eq3A_312 : vector<16xi1>
        %min3A = arith.constant 9215 : i32
        %min3A_313 = vector.broadcast %min3A : i32 to vector<16xi32>
        %min3A_314 = arith.minsi %get3A_303, %min3A_313 : vector<16xi32>
        tpu.vector_store_idx %arg15[%min3A_314], %get3A_307 masked %and3A : memref<9216xf32, #tpu.memory_space<vmem>>[vector<16xi32>], vector<16xf32>, vector<16xi1>
        tpu.vector_store_idx %arg16[%min3A_314], %add3A_292 masked %and3A : memref<9216xi32, #tpu.memory_space<vmem>>[vector<16xi32>], vector<16xi32>, vector<16xi1>
        %scan3A_315 = arith.constant 0 : i32
        scf.yield %scan3A_315 : i32
      }
      %scan3A_206 = arith.constant 896 : i32
      %dma_start3A_207 = arith.constant 71680 : i32
      %dma_start3A_208 = tpu.memref_slice %arg2[%dma_start3A_207] : memref<100352xf32, #tpu.memory_space<hbm>> -> memref<14336xf32, #tpu.memory_space<hbm>>
      %dma_start3A_209 = arith.constant 71680 : i32
      %dma_start3A_210 = tpu.memref_slice %arg2[%dma_start3A_209] : memref<100352xf32, #tpu.memory_space<hbm>> -> memref<14336xf32, #tpu.memory_space<hbm>>
      tpu.enqueue_dma source(%dma_start3A_210 : memref<14336xf32, #tpu.memory_space<hbm>>) target(%arg18 : memref<14336xf32, #tpu.memory_space<vmem>>) target_semaphore(%arg27 : memref<!tpu.dma_semaphore, #tpu.memory_space<semaphore_mem>>)
      %dma_start3A_211 = arith.constant 71680 : i32
      %dma_start3A_212 = tpu.memref_slice %arg3[%dma_start3A_211] : memref<100352xf32, #tpu.memory_space<hbm>> -> memref<14336xf32, #tpu.memory_space<hbm>>
      %dma_start3A_213 = arith.constant 71680 : i32
      %dma_start3A_214 = tpu.memref_slice %arg3[%dma_start3A_213] : memref<100352xf32, #tpu.memory_space<hbm>> -> memref<14336xf32, #tpu.memory_space<hbm>>
      tpu.enqueue_dma source(%dma_start3A_214 : memref<14336xf32, #tpu.memory_space<hbm>>) target(%arg19 : memref<14336xf32, #tpu.memory_space<vmem>>) target_semaphore(%arg27 : memref<!tpu.dma_semaphore, #tpu.memory_space<semaphore_mem>>)
      %dma_start3A_215 = arith.constant 71680 : i32
      %dma_start3A_216 = tpu.memref_slice %arg4[%dma_start3A_215] : memref<100352xi32, #tpu.memory_space<hbm>> -> memref<14336xi32, #tpu.memory_space<hbm>>
      %dma_start3A_217 = arith.constant 71680 : i32
      %dma_start3A_218 = tpu.memref_slice %arg4[%dma_start3A_217] : memref<100352xi32, #tpu.memory_space<hbm>> -> memref<14336xi32, #tpu.memory_space<hbm>>
      tpu.enqueue_dma source(%dma_start3A_218 : memref<14336xi32, #tpu.memory_space<hbm>>) target(%arg20 : memref<14336xi32, #tpu.memory_space<vmem>>) target_semaphore(%arg27 : memref<!tpu.dma_semaphore, #tpu.memory_space<semaphore_mem>>)
      %dma_start3A_219 = arith.constant 71680 : i32
      %dma_start3A_220 = tpu.memref_slice %arg6[%dma_start3A_219] : memref<100352xf32, #tpu.memory_space<hbm>> -> memref<14336xf32, #tpu.memory_space<hbm>>
      %dma_start3A_221 = arith.constant 71680 : i32
      %dma_start3A_222 = tpu.memref_slice %arg6[%dma_start3A_221] : memref<100352xf32, #tpu.memory_space<hbm>> -> memref<14336xf32, #tpu.memory_space<hbm>>
      tpu.enqueue_dma source(%dma_start3A_222 : memref<14336xf32, #tpu.memory_space<hbm>>) target(%arg21 : memref<14336xf32, #tpu.memory_space<vmem>>) target_semaphore(%arg27 : memref<!tpu.dma_semaphore, #tpu.memory_space<semaphore_mem>>)
      %dma_wait3A_223 = arith.constant 71680 : i32
      %dma_wait3A_224 = tpu.memref_slice %arg2[%dma_wait3A_223] : memref<100352xf32, #tpu.memory_space<hbm>> -> memref<14336xf32, #tpu.memory_space<hbm>>
      %dma_wait3A_225 = arith.constant 71680 : i32
      %dma_wait3A_226 = tpu.memref_slice %arg2[%dma_wait3A_225] : memref<100352xf32, #tpu.memory_space<hbm>> -> memref<14336xf32, #tpu.memory_space<hbm>>
      tpu.wait_dma2 semaphore(%arg27 : memref<!tpu.dma_semaphore, #tpu.memory_space<semaphore_mem>>) src(%dma_wait3A_226 : memref<14336xf32, #tpu.memory_space<hbm>>) dst(%arg18 : memref<14336xf32, #tpu.memory_space<vmem>>)
      %dma_wait3A_227 = arith.constant 71680 : i32
      %dma_wait3A_228 = tpu.memref_slice %arg3[%dma_wait3A_227] : memref<100352xf32, #tpu.memory_space<hbm>> -> memref<14336xf32, #tpu.memory_space<hbm>>
      %dma_wait3A_229 = arith.constant 71680 : i32
      %dma_wait3A_230 = tpu.memref_slice %arg3[%dma_wait3A_229] : memref<100352xf32, #tpu.memory_space<hbm>> -> memref<14336xf32, #tpu.memory_space<hbm>>
      tpu.wait_dma2 semaphore(%arg27 : memref<!tpu.dma_semaphore, #tpu.memory_space<semaphore_mem>>) src(%dma_wait3A_230 : memref<14336xf32, #tpu.memory_space<hbm>>) dst(%arg19 : memref<14336xf32, #tpu.memory_space<vmem>>)
      %dma_wait3A_231 = arith.constant 71680 : i32
      %dma_wait3A_232 = tpu.memref_slice %arg4[%dma_wait3A_231] : memref<100352xi32, #tpu.memory_space<hbm>> -> memref<14336xi32, #tpu.memory_space<hbm>>
      %dma_wait3A_233 = arith.constant 71680 : i32
      %dma_wait3A_234 = tpu.memref_slice %arg4[%dma_wait3A_233] : memref<100352xi32, #tpu.memory_space<hbm>> -> memref<14336xi32, #tpu.memory_space<hbm>>
      tpu.wait_dma2 semaphore(%arg27 : memref<!tpu.dma_semaphore, #tpu.memory_space<semaphore_mem>>) src(%dma_wait3A_234 : memref<14336xi32, #tpu.memory_space<hbm>>) dst(%arg20 : memref<14336xi32, #tpu.memory_space<vmem>>)
      %dma_wait3A_235 = arith.constant 71680 : i32
      %dma_wait3A_236 = tpu.memref_slice %arg6[%dma_wait3A_235] : memref<100352xf32, #tpu.memory_space<hbm>> -> memref<14336xf32, #tpu.memory_space<hbm>>
      %dma_wait3A_237 = arith.constant 71680 : i32
      %dma_wait3A_238 = tpu.memref_slice %arg6[%dma_wait3A_237] : memref<100352xf32, #tpu.memory_space<hbm>> -> memref<14336xf32, #tpu.memory_space<hbm>>
      tpu.wait_dma2 semaphore(%arg27 : memref<!tpu.dma_semaphore, #tpu.memory_space<semaphore_mem>>) src(%dma_wait3A_238 : memref<14336xf32, #tpu.memory_space<hbm>>) dst(%arg21 : memref<14336xf32, #tpu.memory_space<vmem>>)
      %scan3A_239 = arith.constant 0 : i32
      %scan3A_240 = arith.constant 0 : i32
      %scan3A_241 = arith.constant 896 : i32
      %scan3A_242 = arith.addi %scan3A_240, %scan3A_241 : i32
      %scan3A_243 = arith.constant 1 : i32
      %scan3A_244 = scf.for %scan3A_285 = %scan3A_240 to %scan3A_242 step %scan3A_243 iter_args(%scan3A_286 = %scan3A_239) -> (i32)  : i32 {
        %iota3A = tpu.iota {dimensions = array<i32: 0>} : vector<16xi32>
        %mul3A_287 = arith.constant 16 : i32
        %mul3A_288 = arith.muli %scan3A_285, %mul3A_287 : i32
        %add3A_289 = arith.constant 71680 : i32
        %add3A_290 = arith.addi %add3A_289, %mul3A_288 : i32
        %add3A_291 = vector.broadcast %add3A_290 : i32 to vector<16xi32>
        %add3A_292 = arith.addi %iota3A, %add3A_291 : vector<16xi32>
        %mul3A_293 = arith.constant 16 : i32
        %mul3A_294 = arith.muli %scan3A_285, %mul3A_293 : i32
        %get3A = arith.index_cast %mul3A_294 : i32 to index
        %get3A_295 = tpu.vector_load %arg18[%get3A] {strides = array<i32>} : memref<14336xf32, #tpu.memory_space<vmem>>, vector<16xf32>,
        %mul3A_296 = arith.constant 16 : i32
        %mul3A_297 = arith.muli %scan3A_285, %mul3A_296 : i32
        %get3A_298 = arith.index_cast %mul3A_297 : i32 to index
        %get3A_299 = tpu.vector_load %arg19[%get3A_298] {strides = array<i32>} : memref<14336xf32, #tpu.memory_space<vmem>>, vector<16xf32>,
        %mul3A_300 = arith.constant 16 : i32
        %mul3A_301 = arith.muli %scan3A_285, %mul3A_300 : i32
        %get3A_302 = arith.index_cast %mul3A_301 : i32 to index
        %get3A_303 = tpu.vector_load %arg20[%get3A_302] {strides = array<i32>} : memref<14336xi32, #tpu.memory_space<vmem>>, vector<16xi32>,
        %mul3A_304 = arith.constant 16 : i32
        %mul3A_305 = arith.muli %scan3A_285, %mul3A_304 : i32
        %get3A_306 = arith.index_cast %mul3A_305 : i32 to index
        %get3A_307 = tpu.vector_load %arg21[%get3A_306] {strides = array<i32>} : memref<14336xf32, #tpu.memory_space<vmem>>, vector<16xf32>,
        %gt3A = arith.constant 0.000000e+00 : f32
        %gt3A_308 = vector.broadcast %gt3A : f32 to vector<16xf32>
        %gt3A_309 = arith.cmpf ogt, %get3A_295, %gt3A_308 : vector<16xf32>
        %eq3A_310 = arith.constant 0.000000e+00 : f32
        %eq3A_311 = vector.broadcast %eq3A_310 : f32 to vector<16xf32>
        %eq3A_312 = arith.cmpf oeq, %get3A_299, %eq3A_311 : vector<16xf32>
        %and3A = arith.andi %gt3A_309, %eq3A_312 : vector<16xi1>
        %min3A = arith.constant 9215 : i32
        %min3A_313 = vector.broadcast %min3A : i32 to vector<16xi32>
        %min3A_314 = arith.minsi %get3A_303, %min3A_313 : vector<16xi32>
        tpu.vector_store_idx %arg15[%min3A_314], %get3A_307 masked %and3A : memref<9216xf32, #tpu.memory_space<vmem>>[vector<16xi32>], vector<16xf32>, vector<16xi1>
        tpu.vector_store_idx %arg16[%min3A_314], %add3A_292 masked %and3A : memref<9216xi32, #tpu.memory_space<vmem>>[vector<16xi32>], vector<16xi32>, vector<16xi1>
        %scan3A_315 = arith.constant 0 : i32
        scf.yield %scan3A_315 : i32
      }
      %scan3A_245 = arith.constant 896 : i32
      %dma_start3A_246 = arith.constant 86016 : i32
      %dma_start3A_247 = tpu.memref_slice %arg2[%dma_start3A_246] : memref<100352xf32, #tpu.memory_space<hbm>> -> memref<14336xf32, #tpu.memory_space<hbm>>
      %dma_start3A_248 = arith.constant 86016 : i32
      %dma_start3A_249 = tpu.memref_slice %arg2[%dma_start3A_248] : memref<100352xf32, #tpu.memory_space<hbm>> -> memref<14336xf32, #tpu.memory_space<hbm>>
      tpu.enqueue_dma source(%dma_start3A_249 : memref<14336xf32, #tpu.memory_space<hbm>>) target(%arg18 : memref<14336xf32, #tpu.memory_space<vmem>>) target_semaphore(%arg27 : memref<!tpu.dma_semaphore, #tpu.memory_space<semaphore_mem>>)
      %dma_start3A_250 = arith.constant 86016 : i32
      %dma_start3A_251 = tpu.memref_slice %arg3[%dma_start3A_250] : memref<100352xf32, #tpu.memory_space<hbm>> -> memref<14336xf32, #tpu.memory_space<hbm>>
      %dma_start3A_252 = arith.constant 86016 : i32
      %dma_start3A_253 = tpu.memref_slice %arg3[%dma_start3A_252] : memref<100352xf32, #tpu.memory_space<hbm>> -> memref<14336xf32, #tpu.memory_space<hbm>>
      tpu.enqueue_dma source(%dma_start3A_253 : memref<14336xf32, #tpu.memory_space<hbm>>) target(%arg19 : memref<14336xf32, #tpu.memory_space<vmem>>) target_semaphore(%arg27 : memref<!tpu.dma_semaphore, #tpu.memory_space<semaphore_mem>>)
      %dma_start3A_254 = arith.constant 86016 : i32
      %dma_start3A_255 = tpu.memref_slice %arg4[%dma_start3A_254] : memref<100352xi32, #tpu.memory_space<hbm>> -> memref<14336xi32, #tpu.memory_space<hbm>>
      %dma_start3A_256 = arith.constant 86016 : i32
      %dma_start3A_257 = tpu.memref_slice %arg4[%dma_start3A_256] : memref<100352xi32, #tpu.memory_space<hbm>> -> memref<14336xi32, #tpu.memory_space<hbm>>
      tpu.enqueue_dma source(%dma_start3A_257 : memref<14336xi32, #tpu.memory_space<hbm>>) target(%arg20 : memref<14336xi32, #tpu.memory_space<vmem>>) target_semaphore(%arg27 : memref<!tpu.dma_semaphore, #tpu.memory_space<semaphore_mem>>)
      %dma_start3A_258 = arith.constant 86016 : i32
      %dma_start3A_259 = tpu.memref_slice %arg6[%dma_start3A_258] : memref<100352xf32, #tpu.memory_space<hbm>> -> memref<14336xf32, #tpu.memory_space<hbm>>
      %dma_start3A_260 = arith.constant 86016 : i32
      %dma_start3A_261 = tpu.memref_slice %arg6[%dma_start3A_260] : memref<100352xf32, #tpu.memory_space<hbm>> -> memref<14336xf32, #tpu.memory_space<hbm>>
      tpu.enqueue_dma source(%dma_start3A_261 : memref<14336xf32, #tpu.memory_space<hbm>>) target(%arg21 : memref<14336xf32, #tpu.memory_space<vmem>>) target_semaphore(%arg27 : memref<!tpu.dma_semaphore, #tpu.memory_space<semaphore_mem>>)
      %dma_wait3A_262 = arith.constant 86016 : i32
      %dma_wait3A_263 = tpu.memref_slice %arg2[%dma_wait3A_262] : memref<100352xf32, #tpu.memory_space<hbm>> -> memref<14336xf32, #tpu.memory_space<hbm>>
      %dma_wait3A_264 = arith.constant 86016 : i32
      %dma_wait3A_265 = tpu.memref_slice %arg2[%dma_wait3A_264] : memref<100352xf32, #tpu.memory_space<hbm>> -> memref<14336xf32, #tpu.memory_space<hbm>>
      tpu.wait_dma2 semaphore(%arg27 : memref<!tpu.dma_semaphore, #tpu.memory_space<semaphore_mem>>) src(%dma_wait3A_265 : memref<14336xf32, #tpu.memory_space<hbm>>) dst(%arg18 : memref<14336xf32, #tpu.memory_space<vmem>>)
      %dma_wait3A_266 = arith.constant 86016 : i32
      %dma_wait3A_267 = tpu.memref_slice %arg3[%dma_wait3A_266] : memref<100352xf32, #tpu.memory_space<hbm>> -> memref<14336xf32, #tpu.memory_space<hbm>>
      %dma_wait3A_268 = arith.constant 86016 : i32
      %dma_wait3A_269 = tpu.memref_slice %arg3[%dma_wait3A_268] : memref<100352xf32, #tpu.memory_space<hbm>> -> memref<14336xf32, #tpu.memory_space<hbm>>
      tpu.wait_dma2 semaphore(%arg27 : memref<!tpu.dma_semaphore, #tpu.memory_space<semaphore_mem>>) src(%dma_wait3A_269 : memref<14336xf32, #tpu.memory_space<hbm>>) dst(%arg19 : memref<14336xf32, #tpu.memory_space<vmem>>)
      %dma_wait3A_270 = arith.constant 86016 : i32
      %dma_wait3A_271 = tpu.memref_slice %arg4[%dma_wait3A_270] : memref<100352xi32, #tpu.memory_space<hbm>> -> memref<14336xi32, #tpu.memory_space<hbm>>
      %dma_wait3A_272 = arith.constant 86016 : i32
      %dma_wait3A_273 = tpu.memref_slice %arg4[%dma_wait3A_272] : memref<100352xi32, #tpu.memory_space<hbm>> -> memref<14336xi32, #tpu.memory_space<hbm>>
      tpu.wait_dma2 semaphore(%arg27 : memref<!tpu.dma_semaphore, #tpu.memory_space<semaphore_mem>>) src(%dma_wait3A_273 : memref<14336xi32, #tpu.memory_space<hbm>>) dst(%arg20 : memref<14336xi32, #tpu.memory_space<vmem>>)
      %dma_wait3A_274 = arith.constant 86016 : i32
      %dma_wait3A_275 = tpu.memref_slice %arg6[%dma_wait3A_274] : memref<100352xf32, #tpu.memory_space<hbm>> -> memref<14336xf32, #tpu.memory_space<hbm>>
      %dma_wait3A_276 = arith.constant 86016 : i32
      %dma_wait3A_277 = tpu.memref_slice %arg6[%dma_wait3A_276] : memref<100352xf32, #tpu.memory_space<hbm>> -> memref<14336xf32, #tpu.memory_space<hbm>>
      tpu.wait_dma2 semaphore(%arg27 : memref<!tpu.dma_semaphore, #tpu.memory_space<semaphore_mem>>) src(%dma_wait3A_277 : memref<14336xf32, #tpu.memory_space<hbm>>) dst(%arg21 : memref<14336xf32, #tpu.memory_space<vmem>>)
      %scan3A_278 = arith.constant 0 : i32
      %scan3A_279 = arith.constant 0 : i32
      %scan3A_280 = arith.constant 896 : i32
      %scan3A_281 = arith.addi %scan3A_279, %scan3A_280 : i32
      %scan3A_282 = arith.constant 1 : i32
      %scan3A_283 = scf.for %scan3A_285 = %scan3A_279 to %scan3A_281 step %scan3A_282 iter_args(%scan3A_286 = %scan3A_278) -> (i32)  : i32 {
        %iota3A = tpu.iota {dimensions = array<i32: 0>} : vector<16xi32>
        %mul3A_287 = arith.constant 16 : i32
        %mul3A_288 = arith.muli %scan3A_285, %mul3A_287 : i32
        %add3A_289 = arith.constant 86016 : i32
        %add3A_290 = arith.addi %add3A_289, %mul3A_288 : i32
        %add3A_291 = vector.broadcast %add3A_290 : i32 to vector<16xi32>
        %add3A_292 = arith.addi %iota3A, %add3A_291 : vector<16xi32>
        %mul3A_293 = arith.constant 16 : i32
        %mul3A_294 = arith.muli %scan3A_285, %mul3A_293 : i32
        %get3A = arith.index_cast %mul3A_294 : i32 to index
        %get3A_295 = tpu.vector_load %arg18[%get3A] {strides = array<i32>} : memref<14336xf32, #tpu.memory_space<vmem>>, vector<16xf32>,
        %mul3A_296 = arith.constant 16 : i32
        %mul3A_297 = arith.muli %scan3A_285, %mul3A_296 : i32
        %get3A_298 = arith.index_cast %mul3A_297 : i32 to index
        %get3A_299 = tpu.vector_load %arg19[%get3A_298] {strides = array<i32>} : memref<14336xf32, #tpu.memory_space<vmem>>, vector<16xf32>,
        %mul3A_300 = arith.constant 16 : i32
        %mul3A_301 = arith.muli %scan3A_285, %mul3A_300 : i32
        %get3A_302 = arith.index_cast %mul3A_301 : i32 to index
        %get3A_303 = tpu.vector_load %arg20[%get3A_302] {strides = array<i32>} : memref<14336xi32, #tpu.memory_space<vmem>>, vector<16xi32>,
        %mul3A_304 = arith.constant 16 : i32
        %mul3A_305 = arith.muli %scan3A_285, %mul3A_304 : i32
        %get3A_306 = arith.index_cast %mul3A_305 : i32 to index
        %get3A_307 = tpu.vector_load %arg21[%get3A_306] {strides = array<i32>} : memref<14336xf32, #tpu.memory_space<vmem>>, vector<16xf32>,
        %gt3A = arith.constant 0.000000e+00 : f32
        %gt3A_308 = vector.broadcast %gt3A : f32 to vector<16xf32>
        %gt3A_309 = arith.cmpf ogt, %get3A_295, %gt3A_308 : vector<16xf32>
        %eq3A_310 = arith.constant 0.000000e+00 : f32
        %eq3A_311 = vector.broadcast %eq3A_310 : f32 to vector<16xf32>
        %eq3A_312 = arith.cmpf oeq, %get3A_299, %eq3A_311 : vector<16xf32>
        %and3A = arith.andi %gt3A_309, %eq3A_312 : vector<16xi1>
        %min3A = arith.constant 9215 : i32
        %min3A_313 = vector.broadcast %min3A : i32 to vector<16xi32>
        %min3A_314 = arith.minsi %get3A_303, %min3A_313 : vector<16xi32>
        tpu.vector_store_idx %arg15[%min3A_314], %get3A_307 masked %and3A : memref<9216xf32, #tpu.memory_space<vmem>>[vector<16xi32>], vector<16xf32>, vector<16xi1>
        tpu.vector_store_idx %arg16[%min3A_314], %add3A_292 masked %and3A : memref<9216xi32, #tpu.memory_space<vmem>>[vector<16xi32>], vector<16xi32>, vector<16xi1>
        %scan3A_315 = arith.constant 0 : i32
        scf.yield %scan3A_315 : i32
      }
      %scan3A_284 = arith.constant 896 : i32
      "tpu.region"() ({
        %run_scoped3A = tpu.sem_alloc : memref<!tpu.dma_semaphore, #tpu.memory_space<semaphore_mem>>
        tpu.enqueue_dma source(%arg15 : memref<9216xf32, #tpu.memory_space<vmem>>) target(%arg12 : memref<9216xf32, #tpu.memory_space<hbm>>) target_semaphore(%run_scoped3A : memref<!tpu.dma_semaphore, #tpu.memory_space<semaphore_mem>>)
        tpu.wait_dma2 semaphore(%run_scoped3A : memref<!tpu.dma_semaphore, #tpu.memory_space<semaphore_mem>>) src(%arg15 : memref<9216xf32, #tpu.memory_space<vmem>>) dst(%arg12 : memref<9216xf32, #tpu.memory_space<hbm>>)
        tpu.yield
      }) : () -> ()
      "tpu.region"() ({
        %run_scoped3A = tpu.sem_alloc : memref<!tpu.dma_semaphore, #tpu.memory_space<semaphore_mem>>
        tpu.enqueue_dma source(%arg16 : memref<9216xi32, #tpu.memory_space<vmem>>) target(%arg13 : memref<9216xi32, #tpu.memory_space<hbm>>) target_semaphore(%run_scoped3A : memref<!tpu.dma_semaphore, #tpu.memory_space<semaphore_mem>>)
        tpu.wait_dma2 semaphore(%run_scoped3A : memref<!tpu.dma_semaphore, #tpu.memory_space<semaphore_mem>>) src(%arg16 : memref<9216xi32, #tpu.memory_space<vmem>>) dst(%arg13 : memref<9216xi32, #tpu.memory_space<hbm>>)
        tpu.yield
      }) : () -> ()
    } else {
    }
    %eq3A_3 = arith.constant 1 : i32
    %eq3A_4 = arith.cmpi eq, %add3A, %eq3A_3 : i32
    %convert_element_type3A_5 = arith.extui %eq3A_4 : i1 to i32
    %cond3A_6 = arith.constant 0 : i32
    %cond3A_7 = arith.cmpi ne, %convert_element_type3A_5, %cond3A_6 : i32
    scf.if %cond3A_7 {
      %scan3A = arith.constant 0 : i32
      %scan3A_8 = arith.constant 0 : i32
      %scan3A_9 = arith.constant 64 : i32
      %scan3A_10 = arith.addi %scan3A_8, %scan3A_9 : i32
      %scan3A_11 = arith.constant 1 : i32
      %scan3A_12 = scf.for %scan3A_239 = %scan3A_8 to %scan3A_10 step %scan3A_11 iter_args(%scan3A_240 = %scan3A) -> (i32)  : i32 {
        %broadcast_in_dim3A = arith.constant 0 : i32
        %broadcast_in_dim3A_241 = vector.broadcast %broadcast_in_dim3A : i32 to vector<16xi32>
        %mul3A_242 = arith.constant 16 : i32
        %mul3A_243 = arith.muli %scan3A_239, %mul3A_242 : i32
        %swap3A = arith.index_cast %mul3A_243 : i32 to index
        %swap3A_244 = tpu.vector_load %arg17[%swap3A] {strides = array<i32>} : memref<8192xi32, #tpu.memory_space<vmem>>, vector<16xi32>,
        tpu.vector_store %arg17[%swap3A], %broadcast_in_dim3A_241 {strides = array<i32>} : memref<8192xi32, #tpu.memory_space<vmem>>, vector<16xi32>,
        %scan3A_245 = arith.constant 0 : i32
        scf.yield %scan3A_245 : i32
      }
      %scan3A_13 = arith.constant 64 : i32
      "tpu.region"() ({
        %run_scoped3A = tpu.sem_alloc : memref<!tpu.dma_semaphore, #tpu.memory_space<semaphore_mem>>
        tpu.enqueue_dma source(%arg7 : memref<1024xi32, #tpu.memory_space<hbm>>) target(%arg22 : memref<1024xi32, #tpu.memory_space<vmem>>) target_semaphore(%run_scoped3A : memref<!tpu.dma_semaphore, #tpu.memory_space<semaphore_mem>>)
        tpu.wait_dma2 semaphore(%run_scoped3A : memref<!tpu.dma_semaphore, #tpu.memory_space<semaphore_mem>>) src(%arg7 : memref<1024xi32, #tpu.memory_space<hbm>>) dst(%arg22 : memref<1024xi32, #tpu.memory_space<vmem>>)
        tpu.yield
      }) : () -> ()
      "tpu.region"() ({
        %run_scoped3A = tpu.sem_alloc : memref<!tpu.dma_semaphore, #tpu.memory_space<semaphore_mem>>
        tpu.enqueue_dma source(%arg8 : memref<1024xi32, #tpu.memory_space<hbm>>) target(%arg23 : memref<1024xi32, #tpu.memory_space<vmem>>) target_semaphore(%run_scoped3A : memref<!tpu.dma_semaphore, #tpu.memory_space<semaphore_mem>>)
        tpu.wait_dma2 semaphore(%run_scoped3A : memref<!tpu.dma_semaphore, #tpu.memory_space<semaphore_mem>>) src(%arg8 : memref<1024xi32, #tpu.memory_space<hbm>>) dst(%arg23 : memref<1024xi32, #tpu.memory_space<vmem>>)
        tpu.yield
      }) : () -> ()
      "tpu.region"() ({
        %run_scoped3A = tpu.sem_alloc : memref<!tpu.dma_semaphore, #tpu.memory_space<semaphore_mem>>
        tpu.enqueue_dma source(%arg9 : memref<1024xi32, #tpu.memory_space<hbm>>) target(%arg24 : memref<1024xi32, #tpu.memory_space<vmem>>) target_semaphore(%run_scoped3A : memref<!tpu.dma_semaphore, #tpu.memory_space<semaphore_mem>>)
        tpu.wait_dma2 semaphore(%run_scoped3A : memref<!tpu.dma_semaphore, #tpu.memory_space<semaphore_mem>>) src(%arg9 : memref<1024xi32, #tpu.memory_space<hbm>>) dst(%arg24 : memref<1024xi32, #tpu.memory_space<vmem>>)
        tpu.yield
      }) : () -> ()
      "tpu.region"() ({
        %run_scoped3A = tpu.sem_alloc : memref<!tpu.dma_semaphore, #tpu.memory_space<semaphore_mem>>
        tpu.enqueue_dma source(%arg10 : memref<16xi32, #tpu.memory_space<hbm>>) target(%arg25 : memref<16xi32, #tpu.memory_space<vmem>>) target_semaphore(%run_scoped3A : memref<!tpu.dma_semaphore, #tpu.memory_space<semaphore_mem>>)
        tpu.wait_dma2 semaphore(%run_scoped3A : memref<!tpu.dma_semaphore, #tpu.memory_space<semaphore_mem>>) src(%arg10 : memref<16xi32, #tpu.memory_space<hbm>>) dst(%arg25 : memref<16xi32, #tpu.memory_space<vmem>>)
        tpu.yield
      }) : () -> ()
      "tpu.region"() ({
        %run_scoped3A = tpu.sem_alloc : memref<!tpu.dma_semaphore, #tpu.memory_space<semaphore_mem>>
        tpu.enqueue_dma source(%arg11 : memref<16xi32, #tpu.memory_space<hbm>>) target(%arg26 : memref<16xi32, #tpu.memory_space<vmem>>) target_semaphore(%run_scoped3A : memref<!tpu.dma_semaphore, #tpu.memory_space<semaphore_mem>>)
        tpu.wait_dma2 semaphore(%run_scoped3A : memref<!tpu.dma_semaphore, #tpu.memory_space<semaphore_mem>>) src(%arg11 : memref<16xi32, #tpu.memory_space<hbm>>) dst(%arg26 : memref<16xi32, #tpu.memory_space<vmem>>)
        tpu.yield
      }) : () -> ()
      %scan3A_14 = arith.constant 0 : i32
      %scan3A_15 = arith.constant 0 : i32
      %scan3A_16 = arith.constant 64 : i32
      %scan3A_17 = arith.addi %scan3A_15, %scan3A_16 : i32
      %scan3A_18 = arith.constant 1 : i32
      %scan3A_19 = scf.for %scan3A_239 = %scan3A_15 to %scan3A_17 step %scan3A_18 iter_args(%scan3A_240 = %scan3A_14) -> (i32)  : i32 {
        %mul3A_241 = arith.constant 16 : i32
        %mul3A_242 = arith.muli %scan3A_239, %mul3A_241 : i32
        %get3A_243 = arith.index_cast %mul3A_242 : i32 to index
        %get3A_244 = tpu.vector_load %arg22[%get3A_243] {strides = array<i32>} : memref<1024xi32, #tpu.memory_space<vmem>>, vector<16xi32>,
        %mul3A_245 = arith.constant 16 : i32
        %mul3A_246 = arith.muli %scan3A_239, %mul3A_245 : i32
        %get3A_247 = arith.index_cast %mul3A_246 : i32 to index
        %get3A_248 = tpu.vector_load %arg24[%get3A_247] {strides = array<i32>} : memref<1024xi32, #tpu.memory_space<vmem>>, vector<16xi32>,
        %mul3A_249 = arith.constant 16 : i32
        %mul3A_250 = arith.muli %scan3A_239, %mul3A_249 : i32
        %get3A_251 = arith.index_cast %mul3A_250 : i32 to index
        %get3A_252 = tpu.vector_load %arg23[%get3A_251] {strides = array<i32>} : memref<1024xi32, #tpu.memory_space<vmem>>, vector<16xi32>,
        %ne3A = arith.constant 0 : i32
        %ne3A_253 = vector.broadcast %ne3A : i32 to vector<16xi32>
        %ne3A_254 = arith.cmpi ne, %get3A_252, %ne3A_253 : vector<16xi32>
        %min3A = arith.constant 1023 : i32
        %min3A_255 = vector.broadcast %min3A : i32 to vector<16xi32>
        %min3A_256 = arith.minsi %get3A_248, %min3A_255 : vector<16xi32>
        tpu.vector_store_idx %arg17[%min3A_256], %get3A_244 masked %ne3A_254 : memref<8192xi32, #tpu.memory_space<vmem>>[vector<16xi32>], vector<16xi32>, vector<16xi1>
        %scan3A_257 = arith.constant 0 : i32
        scf.yield %scan3A_257 : i32
      }
      %scan3A_20 = arith.constant 64 : i32
      %get3A = arith.constant 0 : index
      %get3A_21 = tpu.vector_load %arg25[%get3A] {strides = array<i32>} : memref<16xi32, #tpu.memory_space<vmem>>, vector<16xi32>,
      %get3A_22 = arith.constant 0 : index
      %get3A_23 = tpu.vector_load %arg26[%get3A_22] {strides = array<i32>} : memref<16xi32, #tpu.memory_space<vmem>>, vector<16xi32>,
      %dma_start3A = arith.constant 0 : i32
      %dma_start3A_24 = tpu.memref_slice %arg2[%dma_start3A] : memref<100352xf32, #tpu.memory_space<hbm>> -> memref<14336xf32, #tpu.memory_space<hbm>>
      %dma_start3A_25 = arith.constant 0 : i32
      %dma_start3A_26 = tpu.memref_slice %arg2[%dma_start3A_25] : memref<100352xf32, #tpu.memory_space<hbm>> -> memref<14336xf32, #tpu.memory_space<hbm>>
      tpu.enqueue_dma source(%dma_start3A_26 : memref<14336xf32, #tpu.memory_space<hbm>>) target(%arg18 : memref<14336xf32, #tpu.memory_space<vmem>>) target_semaphore(%arg27 : memref<!tpu.dma_semaphore, #tpu.memory_space<semaphore_mem>>)
      %dma_start3A_27 = arith.constant 0 : i32
      %dma_start3A_28 = tpu.memref_slice %arg3[%dma_start3A_27] : memref<100352xf32, #tpu.memory_space<hbm>> -> memref<14336xf32, #tpu.memory_space<hbm>>
      %dma_start3A_29 = arith.constant 0 : i32
      %dma_start3A_30 = tpu.memref_slice %arg3[%dma_start3A_29] : memref<100352xf32, #tpu.memory_space<hbm>> -> memref<14336xf32, #tpu.memory_space<hbm>>
      tpu.enqueue_dma source(%dma_start3A_30 : memref<14336xf32, #tpu.memory_space<hbm>>) target(%arg19 : memref<14336xf32, #tpu.memory_space<vmem>>) target_semaphore(%arg27 : memref<!tpu.dma_semaphore, #tpu.memory_space<semaphore_mem>>)
      %dma_start3A_31 = arith.constant 0 : i32
      %dma_start3A_32 = tpu.memref_slice %arg5[%dma_start3A_31] : memref<100352xi32, #tpu.memory_space<hbm>> -> memref<14336xi32, #tpu.memory_space<hbm>>
      %dma_start3A_33 = arith.constant 0 : i32
      %dma_start3A_34 = tpu.memref_slice %arg5[%dma_start3A_33] : memref<100352xi32, #tpu.memory_space<hbm>> -> memref<14336xi32, #tpu.memory_space<hbm>>
      tpu.enqueue_dma source(%dma_start3A_34 : memref<14336xi32, #tpu.memory_space<hbm>>) target(%arg20 : memref<14336xi32, #tpu.memory_space<vmem>>) target_semaphore(%arg27 : memref<!tpu.dma_semaphore, #tpu.memory_space<semaphore_mem>>)
      %dma_wait3A = arith.constant 0 : i32
      %dma_wait3A_35 = tpu.memref_slice %arg2[%dma_wait3A] : memref<100352xf32, #tpu.memory_space<hbm>> -> memref<14336xf32, #tpu.memory_space<hbm>>
      %dma_wait3A_36 = arith.constant 0 : i32
      %dma_wait3A_37 = tpu.memref_slice %arg2[%dma_wait3A_36] : memref<100352xf32, #tpu.memory_space<hbm>> -> memref<14336xf32, #tpu.memory_space<hbm>>
      tpu.wait_dma2 semaphore(%arg27 : memref<!tpu.dma_semaphore, #tpu.memory_space<semaphore_mem>>) src(%dma_wait3A_37 : memref<14336xf32, #tpu.memory_space<hbm>>) dst(%arg18 : memref<14336xf32, #tpu.memory_space<vmem>>)
      %dma_wait3A_38 = arith.constant 0 : i32
      %dma_wait3A_39 = tpu.memref_slice %arg3[%dma_wait3A_38] : memref<100352xf32, #tpu.memory_space<hbm>> -> memref<14336xf32, #tpu.memory_space<hbm>>
      %dma_wait3A_40 = arith.constant 0 : i32
      %dma_wait3A_41 = tpu.memref_slice %arg3[%dma_wait3A_40] : memref<100352xf32, #tpu.memory_space<hbm>> -> memref<14336xf32, #tpu.memory_space<hbm>>
      tpu.wait_dma2 semaphore(%arg27 : memref<!tpu.dma_semaphore, #tpu.memory_space<semaphore_mem>>) src(%dma_wait3A_41 : memref<14336xf32, #tpu.memory_space<hbm>>) dst(%arg19 : memref<14336xf32, #tpu.memory_space<vmem>>)
      %dma_wait3A_42 = arith.constant 0 : i32
      %dma_wait3A_43 = tpu.memref_slice %arg5[%dma_wait3A_42] : memref<100352xi32, #tpu.memory_space<hbm>> -> memref<14336xi32, #tpu.memory_space<hbm>>
      %dma_wait3A_44 = arith.constant 0 : i32
      %dma_wait3A_45 = tpu.memref_slice %arg5[%dma_wait3A_44] : memref<100352xi32, #tpu.memory_space<hbm>> -> memref<14336xi32, #tpu.memory_space<hbm>>
      tpu.wait_dma2 semaphore(%arg27 : memref<!tpu.dma_semaphore, #tpu.memory_space<semaphore_mem>>) src(%dma_wait3A_45 : memref<14336xi32, #tpu.memory_space<hbm>>) dst(%arg20 : memref<14336xi32, #tpu.memory_space<vmem>>)
      %scan3A_46 = arith.constant 0 : i32
      %scan3A_47 = arith.constant 0 : i32
      %scan3A_48 = arith.constant 896 : i32
      %scan3A_49 = arith.addi %scan3A_47, %scan3A_48 : i32
      %scan3A_50 = arith.constant 1 : i32
      %scan3A_51 = scf.for %scan3A_239 = %scan3A_47 to %scan3A_49 step %scan3A_50 iter_args(%scan3A_240 = %scan3A_46) -> (i32)  : i32 {
        %iota3A = tpu.iota {dimensions = array<i32: 0>} : vector<16xi32>
        %mul3A_241 = arith.constant 16 : i32
        %mul3A_242 = arith.muli %scan3A_239, %mul3A_241 : i32
        %add3A_243 = arith.constant 0 : i32
        %add3A_244 = arith.addi %add3A_243, %mul3A_242 : i32
        %add3A_245 = vector.broadcast %add3A_244 : i32 to vector<16xi32>
        %add3A_246 = arith.addi %iota3A, %add3A_245 : vector<16xi32>
        %mul3A_247 = arith.constant 16 : i32
        %mul3A_248 = arith.muli %scan3A_239, %mul3A_247 : i32
        %get3A_249 = arith.index_cast %mul3A_248 : i32 to index
        %get3A_250 = tpu.vector_load %arg18[%get3A_249] {strides = array<i32>} : memref<14336xf32, #tpu.memory_space<vmem>>, vector<16xf32>,
        %mul3A_251 = arith.constant 16 : i32
        %mul3A_252 = arith.muli %scan3A_239, %mul3A_251 : i32
        %get3A_253 = arith.index_cast %mul3A_252 : i32 to index
        %get3A_254 = tpu.vector_load %arg19[%get3A_253] {strides = array<i32>} : memref<14336xf32, #tpu.memory_space<vmem>>, vector<16xf32>,
        %mul3A_255 = arith.constant 16 : i32
        %mul3A_256 = arith.muli %scan3A_239, %mul3A_255 : i32
        %get3A_257 = arith.index_cast %mul3A_256 : i32 to index
        %get3A_258 = tpu.vector_load %arg20[%get3A_257] {strides = array<i32>} : memref<14336xi32, #tpu.memory_space<vmem>>, vector<16xi32>,
        %eq3A_259 = arith.constant 0.000000e+00 : f32
        %eq3A_260 = vector.broadcast %eq3A_259 : f32 to vector<16xf32>
        %eq3A_261 = arith.cmpf oeq, %get3A_250, %eq3A_260 : vector<16xf32>
        %eq3A_262 = arith.constant 0.000000e+00 : f32
        %eq3A_263 = vector.broadcast %eq3A_262 : f32 to vector<16xf32>
        %eq3A_264 = arith.cmpf oeq, %get3A_254, %eq3A_263 : vector<16xf32>
        %and3A = arith.andi %eq3A_261, %eq3A_264 : vector<16xi1>
        %lt3A = arith.constant 100000 : i32
        %lt3A_265 = vector.broadcast %lt3A : i32 to vector<16xi32>
        %lt3A_266 = arith.cmpi slt, %add3A_246, %lt3A_265 : vector<16xi32>
        %and3A_267 = arith.andi %and3A, %lt3A_266 : vector<16xi1>
        %lt3A_268 = arith.cmpi slt, %get3A_258, %get3A_23 : vector<16xi32>
        %and3A_269 = arith.andi %and3A_267, %lt3A_268 : vector<16xi1>
        %add3A_270 = arith.addi %get3A_21, %get3A_258 : vector<16xi32>
        %min3A = arith.constant 8191 : i32
        %min3A_271 = vector.broadcast %min3A : i32 to vector<16xi32>
        %min3A_272 = arith.minsi %add3A_270, %min3A_271 : vector<16xi32>
        tpu.vector_store_idx %arg17[%min3A_272], %add3A_246 masked %and3A_269 : memref<8192xi32, #tpu.memory_space<vmem>>[vector<16xi32>], vector<16xi32>, vector<16xi1>
        %scan3A_273 = arith.constant 0 : i32
        scf.yield %scan3A_273 : i32
      }
      %scan3A_52 = arith.constant 896 : i32
      %dma_start3A_53 = arith.constant 14336 : i32
      %dma_start3A_54 = tpu.memref_slice %arg2[%dma_start3A_53] : memref<100352xf32, #tpu.memory_space<hbm>> -> memref<14336xf32, #tpu.memory_space<hbm>>
      %dma_start3A_55 = arith.constant 14336 : i32
      %dma_start3A_56 = tpu.memref_slice %arg2[%dma_start3A_55] : memref<100352xf32, #tpu.memory_space<hbm>> -> memref<14336xf32, #tpu.memory_space<hbm>>
      tpu.enqueue_dma source(%dma_start3A_56 : memref<14336xf32, #tpu.memory_space<hbm>>) target(%arg18 : memref<14336xf32, #tpu.memory_space<vmem>>) target_semaphore(%arg27 : memref<!tpu.dma_semaphore, #tpu.memory_space<semaphore_mem>>)
      %dma_start3A_57 = arith.constant 14336 : i32
      %dma_start3A_58 = tpu.memref_slice %arg3[%dma_start3A_57] : memref<100352xf32, #tpu.memory_space<hbm>> -> memref<14336xf32, #tpu.memory_space<hbm>>
      %dma_start3A_59 = arith.constant 14336 : i32
      %dma_start3A_60 = tpu.memref_slice %arg3[%dma_start3A_59] : memref<100352xf32, #tpu.memory_space<hbm>> -> memref<14336xf32, #tpu.memory_space<hbm>>
      tpu.enqueue_dma source(%dma_start3A_60 : memref<14336xf32, #tpu.memory_space<hbm>>) target(%arg19 : memref<14336xf32, #tpu.memory_space<vmem>>) target_semaphore(%arg27 : memref<!tpu.dma_semaphore, #tpu.memory_space<semaphore_mem>>)
      %dma_start3A_61 = arith.constant 14336 : i32
      %dma_start3A_62 = tpu.memref_slice %arg5[%dma_start3A_61] : memref<100352xi32, #tpu.memory_space<hbm>> -> memref<14336xi32, #tpu.memory_space<hbm>>
      %dma_start3A_63 = arith.constant 14336 : i32
      %dma_start3A_64 = tpu.memref_slice %arg5[%dma_start3A_63] : memref<100352xi32, #tpu.memory_space<hbm>> -> memref<14336xi32, #tpu.memory_space<hbm>>
      tpu.enqueue_dma source(%dma_start3A_64 : memref<14336xi32, #tpu.memory_space<hbm>>) target(%arg20 : memref<14336xi32, #tpu.memory_space<vmem>>) target_semaphore(%arg27 : memref<!tpu.dma_semaphore, #tpu.memory_space<semaphore_mem>>)
      %dma_wait3A_65 = arith.constant 14336 : i32
      %dma_wait3A_66 = tpu.memref_slice %arg2[%dma_wait3A_65] : memref<100352xf32, #tpu.memory_space<hbm>> -> memref<14336xf32, #tpu.memory_space<hbm>>
      %dma_wait3A_67 = arith.constant 14336 : i32
      %dma_wait3A_68 = tpu.memref_slice %arg2[%dma_wait3A_67] : memref<100352xf32, #tpu.memory_space<hbm>> -> memref<14336xf32, #tpu.memory_space<hbm>>
      tpu.wait_dma2 semaphore(%arg27 : memref<!tpu.dma_semaphore, #tpu.memory_space<semaphore_mem>>) src(%dma_wait3A_68 : memref<14336xf32, #tpu.memory_space<hbm>>) dst(%arg18 : memref<14336xf32, #tpu.memory_space<vmem>>)
      %dma_wait3A_69 = arith.constant 14336 : i32
      %dma_wait3A_70 = tpu.memref_slice %arg3[%dma_wait3A_69] : memref<100352xf32, #tpu.memory_space<hbm>> -> memref<14336xf32, #tpu.memory_space<hbm>>
      %dma_wait3A_71 = arith.constant 14336 : i32
      %dma_wait3A_72 = tpu.memref_slice %arg3[%dma_wait3A_71] : memref<100352xf32, #tpu.memory_space<hbm>> -> memref<14336xf32, #tpu.memory_space<hbm>>
      tpu.wait_dma2 semaphore(%arg27 : memref<!tpu.dma_semaphore, #tpu.memory_space<semaphore_mem>>) src(%dma_wait3A_72 : memref<14336xf32, #tpu.memory_space<hbm>>) dst(%arg19 : memref<14336xf32, #tpu.memory_space<vmem>>)
      %dma_wait3A_73 = arith.constant 14336 : i32
      %dma_wait3A_74 = tpu.memref_slice %arg5[%dma_wait3A_73] : memref<100352xi32, #tpu.memory_space<hbm>> -> memref<14336xi32, #tpu.memory_space<hbm>>
      %dma_wait3A_75 = arith.constant 14336 : i32
      %dma_wait3A_76 = tpu.memref_slice %arg5[%dma_wait3A_75] : memref<100352xi32, #tpu.memory_space<hbm>> -> memref<14336xi32, #tpu.memory_space<hbm>>
      tpu.wait_dma2 semaphore(%arg27 : memref<!tpu.dma_semaphore, #tpu.memory_space<semaphore_mem>>) src(%dma_wait3A_76 : memref<14336xi32, #tpu.memory_space<hbm>>) dst(%arg20 : memref<14336xi32, #tpu.memory_space<vmem>>)
      %scan3A_77 = arith.constant 0 : i32
      %scan3A_78 = arith.constant 0 : i32
      %scan3A_79 = arith.constant 896 : i32
      %scan3A_80 = arith.addi %scan3A_78, %scan3A_79 : i32
      %scan3A_81 = arith.constant 1 : i32
      %scan3A_82 = scf.for %scan3A_239 = %scan3A_78 to %scan3A_80 step %scan3A_81 iter_args(%scan3A_240 = %scan3A_77) -> (i32)  : i32 {
        %iota3A = tpu.iota {dimensions = array<i32: 0>} : vector<16xi32>
        %mul3A_241 = arith.constant 16 : i32
        %mul3A_242 = arith.muli %scan3A_239, %mul3A_241 : i32
        %add3A_243 = arith.constant 14336 : i32
        %add3A_244 = arith.addi %add3A_243, %mul3A_242 : i32
        %add3A_245 = vector.broadcast %add3A_244 : i32 to vector<16xi32>
        %add3A_246 = arith.addi %iota3A, %add3A_245 : vector<16xi32>
        %mul3A_247 = arith.constant 16 : i32
        %mul3A_248 = arith.muli %scan3A_239, %mul3A_247 : i32
        %get3A_249 = arith.index_cast %mul3A_248 : i32 to index
        %get3A_250 = tpu.vector_load %arg18[%get3A_249] {strides = array<i32>} : memref<14336xf32, #tpu.memory_space<vmem>>, vector<16xf32>,
        %mul3A_251 = arith.constant 16 : i32
        %mul3A_252 = arith.muli %scan3A_239, %mul3A_251 : i32
        %get3A_253 = arith.index_cast %mul3A_252 : i32 to index
        %get3A_254 = tpu.vector_load %arg19[%get3A_253] {strides = array<i32>} : memref<14336xf32, #tpu.memory_space<vmem>>, vector<16xf32>,
        %mul3A_255 = arith.constant 16 : i32
        %mul3A_256 = arith.muli %scan3A_239, %mul3A_255 : i32
        %get3A_257 = arith.index_cast %mul3A_256 : i32 to index
        %get3A_258 = tpu.vector_load %arg20[%get3A_257] {strides = array<i32>} : memref<14336xi32, #tpu.memory_space<vmem>>, vector<16xi32>,
        %eq3A_259 = arith.constant 0.000000e+00 : f32
        %eq3A_260 = vector.broadcast %eq3A_259 : f32 to vector<16xf32>
        %eq3A_261 = arith.cmpf oeq, %get3A_250, %eq3A_260 : vector<16xf32>
        %eq3A_262 = arith.constant 0.000000e+00 : f32
        %eq3A_263 = vector.broadcast %eq3A_262 : f32 to vector<16xf32>
        %eq3A_264 = arith.cmpf oeq, %get3A_254, %eq3A_263 : vector<16xf32>
        %and3A = arith.andi %eq3A_261, %eq3A_264 : vector<16xi1>
        %lt3A = arith.constant 100000 : i32
        %lt3A_265 = vector.broadcast %lt3A : i32 to vector<16xi32>
        %lt3A_266 = arith.cmpi slt, %add3A_246, %lt3A_265 : vector<16xi32>
        %and3A_267 = arith.andi %and3A, %lt3A_266 : vector<16xi1>
        %lt3A_268 = arith.cmpi slt, %get3A_258, %get3A_23 : vector<16xi32>
        %and3A_269 = arith.andi %and3A_267, %lt3A_268 : vector<16xi1>
        %add3A_270 = arith.addi %get3A_21, %get3A_258 : vector<16xi32>
        %min3A = arith.constant 8191 : i32
        %min3A_271 = vector.broadcast %min3A : i32 to vector<16xi32>
        %min3A_272 = arith.minsi %add3A_270, %min3A_271 : vector<16xi32>
        tpu.vector_store_idx %arg17[%min3A_272], %add3A_246 masked %and3A_269 : memref<8192xi32, #tpu.memory_space<vmem>>[vector<16xi32>], vector<16xi32>, vector<16xi1>
        %scan3A_273 = arith.constant 0 : i32
        scf.yield %scan3A_273 : i32
      }
      %scan3A_83 = arith.constant 896 : i32
      %dma_start3A_84 = arith.constant 28672 : i32
      %dma_start3A_85 = tpu.memref_slice %arg2[%dma_start3A_84] : memref<100352xf32, #tpu.memory_space<hbm>> -> memref<14336xf32, #tpu.memory_space<hbm>>
      %dma_start3A_86 = arith.constant 28672 : i32
      %dma_start3A_87 = tpu.memref_slice %arg2[%dma_start3A_86] : memref<100352xf32, #tpu.memory_space<hbm>> -> memref<14336xf32, #tpu.memory_space<hbm>>
      tpu.enqueue_dma source(%dma_start3A_87 : memref<14336xf32, #tpu.memory_space<hbm>>) target(%arg18 : memref<14336xf32, #tpu.memory_space<vmem>>) target_semaphore(%arg27 : memref<!tpu.dma_semaphore, #tpu.memory_space<semaphore_mem>>)
      %dma_start3A_88 = arith.constant 28672 : i32
      %dma_start3A_89 = tpu.memref_slice %arg3[%dma_start3A_88] : memref<100352xf32, #tpu.memory_space<hbm>> -> memref<14336xf32, #tpu.memory_space<hbm>>
      %dma_start3A_90 = arith.constant 28672 : i32
      %dma_start3A_91 = tpu.memref_slice %arg3[%dma_start3A_90] : memref<100352xf32, #tpu.memory_space<hbm>> -> memref<14336xf32, #tpu.memory_space<hbm>>
      tpu.enqueue_dma source(%dma_start3A_91 : memref<14336xf32, #tpu.memory_space<hbm>>) target(%arg19 : memref<14336xf32, #tpu.memory_space<vmem>>) target_semaphore(%arg27 : memref<!tpu.dma_semaphore, #tpu.memory_space<semaphore_mem>>)
      %dma_start3A_92 = arith.constant 28672 : i32
      %dma_start3A_93 = tpu.memref_slice %arg5[%dma_start3A_92] : memref<100352xi32, #tpu.memory_space<hbm>> -> memref<14336xi32, #tpu.memory_space<hbm>>
      %dma_start3A_94 = arith.constant 28672 : i32
      %dma_start3A_95 = tpu.memref_slice %arg5[%dma_start3A_94] : memref<100352xi32, #tpu.memory_space<hbm>> -> memref<14336xi32, #tpu.memory_space<hbm>>
      tpu.enqueue_dma source(%dma_start3A_95 : memref<14336xi32, #tpu.memory_space<hbm>>) target(%arg20 : memref<14336xi32, #tpu.memory_space<vmem>>) target_semaphore(%arg27 : memref<!tpu.dma_semaphore, #tpu.memory_space<semaphore_mem>>)
      %dma_wait3A_96 = arith.constant 28672 : i32
      %dma_wait3A_97 = tpu.memref_slice %arg2[%dma_wait3A_96] : memref<100352xf32, #tpu.memory_space<hbm>> -> memref<14336xf32, #tpu.memory_space<hbm>>
      %dma_wait3A_98 = arith.constant 28672 : i32
      %dma_wait3A_99 = tpu.memref_slice %arg2[%dma_wait3A_98] : memref<100352xf32, #tpu.memory_space<hbm>> -> memref<14336xf32, #tpu.memory_space<hbm>>
      tpu.wait_dma2 semaphore(%arg27 : memref<!tpu.dma_semaphore, #tpu.memory_space<semaphore_mem>>) src(%dma_wait3A_99 : memref<14336xf32, #tpu.memory_space<hbm>>) dst(%arg18 : memref<14336xf32, #tpu.memory_space<vmem>>)
      %dma_wait3A_100 = arith.constant 28672 : i32
      %dma_wait3A_101 = tpu.memref_slice %arg3[%dma_wait3A_100] : memref<100352xf32, #tpu.memory_space<hbm>> -> memref<14336xf32, #tpu.memory_space<hbm>>
      %dma_wait3A_102 = arith.constant 28672 : i32
      %dma_wait3A_103 = tpu.memref_slice %arg3[%dma_wait3A_102] : memref<100352xf32, #tpu.memory_space<hbm>> -> memref<14336xf32, #tpu.memory_space<hbm>>
      tpu.wait_dma2 semaphore(%arg27 : memref<!tpu.dma_semaphore, #tpu.memory_space<semaphore_mem>>) src(%dma_wait3A_103 : memref<14336xf32, #tpu.memory_space<hbm>>) dst(%arg19 : memref<14336xf32, #tpu.memory_space<vmem>>)
      %dma_wait3A_104 = arith.constant 28672 : i32
      %dma_wait3A_105 = tpu.memref_slice %arg5[%dma_wait3A_104] : memref<100352xi32, #tpu.memory_space<hbm>> -> memref<14336xi32, #tpu.memory_space<hbm>>
      %dma_wait3A_106 = arith.constant 28672 : i32
      %dma_wait3A_107 = tpu.memref_slice %arg5[%dma_wait3A_106] : memref<100352xi32, #tpu.memory_space<hbm>> -> memref<14336xi32, #tpu.memory_space<hbm>>
      tpu.wait_dma2 semaphore(%arg27 : memref<!tpu.dma_semaphore, #tpu.memory_space<semaphore_mem>>) src(%dma_wait3A_107 : memref<14336xi32, #tpu.memory_space<hbm>>) dst(%arg20 : memref<14336xi32, #tpu.memory_space<vmem>>)
      %scan3A_108 = arith.constant 0 : i32
      %scan3A_109 = arith.constant 0 : i32
      %scan3A_110 = arith.constant 896 : i32
      %scan3A_111 = arith.addi %scan3A_109, %scan3A_110 : i32
      %scan3A_112 = arith.constant 1 : i32
      %scan3A_113 = scf.for %scan3A_239 = %scan3A_109 to %scan3A_111 step %scan3A_112 iter_args(%scan3A_240 = %scan3A_108) -> (i32)  : i32 {
        %iota3A = tpu.iota {dimensions = array<i32: 0>} : vector<16xi32>
        %mul3A_241 = arith.constant 16 : i32
        %mul3A_242 = arith.muli %scan3A_239, %mul3A_241 : i32
        %add3A_243 = arith.constant 28672 : i32
        %add3A_244 = arith.addi %add3A_243, %mul3A_242 : i32
        %add3A_245 = vector.broadcast %add3A_244 : i32 to vector<16xi32>
        %add3A_246 = arith.addi %iota3A, %add3A_245 : vector<16xi32>
        %mul3A_247 = arith.constant 16 : i32
        %mul3A_248 = arith.muli %scan3A_239, %mul3A_247 : i32
        %get3A_249 = arith.index_cast %mul3A_248 : i32 to index
        %get3A_250 = tpu.vector_load %arg18[%get3A_249] {strides = array<i32>} : memref<14336xf32, #tpu.memory_space<vmem>>, vector<16xf32>,
        %mul3A_251 = arith.constant 16 : i32
        %mul3A_252 = arith.muli %scan3A_239, %mul3A_251 : i32
        %get3A_253 = arith.index_cast %mul3A_252 : i32 to index
        %get3A_254 = tpu.vector_load %arg19[%get3A_253] {strides = array<i32>} : memref<14336xf32, #tpu.memory_space<vmem>>, vector<16xf32>,
        %mul3A_255 = arith.constant 16 : i32
        %mul3A_256 = arith.muli %scan3A_239, %mul3A_255 : i32
        %get3A_257 = arith.index_cast %mul3A_256 : i32 to index
        %get3A_258 = tpu.vector_load %arg20[%get3A_257] {strides = array<i32>} : memref<14336xi32, #tpu.memory_space<vmem>>, vector<16xi32>,
        %eq3A_259 = arith.constant 0.000000e+00 : f32
        %eq3A_260 = vector.broadcast %eq3A_259 : f32 to vector<16xf32>
        %eq3A_261 = arith.cmpf oeq, %get3A_250, %eq3A_260 : vector<16xf32>
        %eq3A_262 = arith.constant 0.000000e+00 : f32
        %eq3A_263 = vector.broadcast %eq3A_262 : f32 to vector<16xf32>
        %eq3A_264 = arith.cmpf oeq, %get3A_254, %eq3A_263 : vector<16xf32>
        %and3A = arith.andi %eq3A_261, %eq3A_264 : vector<16xi1>
        %lt3A = arith.constant 100000 : i32
        %lt3A_265 = vector.broadcast %lt3A : i32 to vector<16xi32>
        %lt3A_266 = arith.cmpi slt, %add3A_246, %lt3A_265 : vector<16xi32>
        %and3A_267 = arith.andi %and3A, %lt3A_266 : vector<16xi1>
        %lt3A_268 = arith.cmpi slt, %get3A_258, %get3A_23 : vector<16xi32>
        %and3A_269 = arith.andi %and3A_267, %lt3A_268 : vector<16xi1>
        %add3A_270 = arith.addi %get3A_21, %get3A_258 : vector<16xi32>
        %min3A = arith.constant 8191 : i32
        %min3A_271 = vector.broadcast %min3A : i32 to vector<16xi32>
        %min3A_272 = arith.minsi %add3A_270, %min3A_271 : vector<16xi32>
        tpu.vector_store_idx %arg17[%min3A_272], %add3A_246 masked %and3A_269 : memref<8192xi32, #tpu.memory_space<vmem>>[vector<16xi32>], vector<16xi32>, vector<16xi1>
        %scan3A_273 = arith.constant 0 : i32
        scf.yield %scan3A_273 : i32
      }
      %scan3A_114 = arith.constant 896 : i32
      %dma_start3A_115 = arith.constant 43008 : i32
      %dma_start3A_116 = tpu.memref_slice %arg2[%dma_start3A_115] : memref<100352xf32, #tpu.memory_space<hbm>> -> memref<14336xf32, #tpu.memory_space<hbm>>
      %dma_start3A_117 = arith.constant 43008 : i32
      %dma_start3A_118 = tpu.memref_slice %arg2[%dma_start3A_117] : memref<100352xf32, #tpu.memory_space<hbm>> -> memref<14336xf32, #tpu.memory_space<hbm>>
      tpu.enqueue_dma source(%dma_start3A_118 : memref<14336xf32, #tpu.memory_space<hbm>>) target(%arg18 : memref<14336xf32, #tpu.memory_space<vmem>>) target_semaphore(%arg27 : memref<!tpu.dma_semaphore, #tpu.memory_space<semaphore_mem>>)
      %dma_start3A_119 = arith.constant 43008 : i32
      %dma_start3A_120 = tpu.memref_slice %arg3[%dma_start3A_119] : memref<100352xf32, #tpu.memory_space<hbm>> -> memref<14336xf32, #tpu.memory_space<hbm>>
      %dma_start3A_121 = arith.constant 43008 : i32
      %dma_start3A_122 = tpu.memref_slice %arg3[%dma_start3A_121] : memref<100352xf32, #tpu.memory_space<hbm>> -> memref<14336xf32, #tpu.memory_space<hbm>>
      tpu.enqueue_dma source(%dma_start3A_122 : memref<14336xf32, #tpu.memory_space<hbm>>) target(%arg19 : memref<14336xf32, #tpu.memory_space<vmem>>) target_semaphore(%arg27 : memref<!tpu.dma_semaphore, #tpu.memory_space<semaphore_mem>>)
      %dma_start3A_123 = arith.constant 43008 : i32
      %dma_start3A_124 = tpu.memref_slice %arg5[%dma_start3A_123] : memref<100352xi32, #tpu.memory_space<hbm>> -> memref<14336xi32, #tpu.memory_space<hbm>>
      %dma_start3A_125 = arith.constant 43008 : i32
      %dma_start3A_126 = tpu.memref_slice %arg5[%dma_start3A_125] : memref<100352xi32, #tpu.memory_space<hbm>> -> memref<14336xi32, #tpu.memory_space<hbm>>
      tpu.enqueue_dma source(%dma_start3A_126 : memref<14336xi32, #tpu.memory_space<hbm>>) target(%arg20 : memref<14336xi32, #tpu.memory_space<vmem>>) target_semaphore(%arg27 : memref<!tpu.dma_semaphore, #tpu.memory_space<semaphore_mem>>)
      %dma_wait3A_127 = arith.constant 43008 : i32
      %dma_wait3A_128 = tpu.memref_slice %arg2[%dma_wait3A_127] : memref<100352xf32, #tpu.memory_space<hbm>> -> memref<14336xf32, #tpu.memory_space<hbm>>
      %dma_wait3A_129 = arith.constant 43008 : i32
      %dma_wait3A_130 = tpu.memref_slice %arg2[%dma_wait3A_129] : memref<100352xf32, #tpu.memory_space<hbm>> -> memref<14336xf32, #tpu.memory_space<hbm>>
      tpu.wait_dma2 semaphore(%arg27 : memref<!tpu.dma_semaphore, #tpu.memory_space<semaphore_mem>>) src(%dma_wait3A_130 : memref<14336xf32, #tpu.memory_space<hbm>>) dst(%arg18 : memref<14336xf32, #tpu.memory_space<vmem>>)
      %dma_wait3A_131 = arith.constant 43008 : i32
      %dma_wait3A_132 = tpu.memref_slice %arg3[%dma_wait3A_131] : memref<100352xf32, #tpu.memory_space<hbm>> -> memref<14336xf32, #tpu.memory_space<hbm>>
      %dma_wait3A_133 = arith.constant 43008 : i32
      %dma_wait3A_134 = tpu.memref_slice %arg3[%dma_wait3A_133] : memref<100352xf32, #tpu.memory_space<hbm>> -> memref<14336xf32, #tpu.memory_space<hbm>>
      tpu.wait_dma2 semaphore(%arg27 : memref<!tpu.dma_semaphore, #tpu.memory_space<semaphore_mem>>) src(%dma_wait3A_134 : memref<14336xf32, #tpu.memory_space<hbm>>) dst(%arg19 : memref<14336xf32, #tpu.memory_space<vmem>>)
      %dma_wait3A_135 = arith.constant 43008 : i32
      %dma_wait3A_136 = tpu.memref_slice %arg5[%dma_wait3A_135] : memref<100352xi32, #tpu.memory_space<hbm>> -> memref<14336xi32, #tpu.memory_space<hbm>>
      %dma_wait3A_137 = arith.constant 43008 : i32
      %dma_wait3A_138 = tpu.memref_slice %arg5[%dma_wait3A_137] : memref<100352xi32, #tpu.memory_space<hbm>> -> memref<14336xi32, #tpu.memory_space<hbm>>
      tpu.wait_dma2 semaphore(%arg27 : memref<!tpu.dma_semaphore, #tpu.memory_space<semaphore_mem>>) src(%dma_wait3A_138 : memref<14336xi32, #tpu.memory_space<hbm>>) dst(%arg20 : memref<14336xi32, #tpu.memory_space<vmem>>)
      %scan3A_139 = arith.constant 0 : i32
      %scan3A_140 = arith.constant 0 : i32
      %scan3A_141 = arith.constant 896 : i32
      %scan3A_142 = arith.addi %scan3A_140, %scan3A_141 : i32
      %scan3A_143 = arith.constant 1 : i32
      %scan3A_144 = scf.for %scan3A_239 = %scan3A_140 to %scan3A_142 step %scan3A_143 iter_args(%scan3A_240 = %scan3A_139) -> (i32)  : i32 {
        %iota3A = tpu.iota {dimensions = array<i32: 0>} : vector<16xi32>
        %mul3A_241 = arith.constant 16 : i32
        %mul3A_242 = arith.muli %scan3A_239, %mul3A_241 : i32
        %add3A_243 = arith.constant 43008 : i32
        %add3A_244 = arith.addi %add3A_243, %mul3A_242 : i32
        %add3A_245 = vector.broadcast %add3A_244 : i32 to vector<16xi32>
        %add3A_246 = arith.addi %iota3A, %add3A_245 : vector<16xi32>
        %mul3A_247 = arith.constant 16 : i32
        %mul3A_248 = arith.muli %scan3A_239, %mul3A_247 : i32
        %get3A_249 = arith.index_cast %mul3A_248 : i32 to index
        %get3A_250 = tpu.vector_load %arg18[%get3A_249] {strides = array<i32>} : memref<14336xf32, #tpu.memory_space<vmem>>, vector<16xf32>,
        %mul3A_251 = arith.constant 16 : i32
        %mul3A_252 = arith.muli %scan3A_239, %mul3A_251 : i32
        %get3A_253 = arith.index_cast %mul3A_252 : i32 to index
        %get3A_254 = tpu.vector_load %arg19[%get3A_253] {strides = array<i32>} : memref<14336xf32, #tpu.memory_space<vmem>>, vector<16xf32>,
        %mul3A_255 = arith.constant 16 : i32
        %mul3A_256 = arith.muli %scan3A_239, %mul3A_255 : i32
        %get3A_257 = arith.index_cast %mul3A_256 : i32 to index
        %get3A_258 = tpu.vector_load %arg20[%get3A_257] {strides = array<i32>} : memref<14336xi32, #tpu.memory_space<vmem>>, vector<16xi32>,
        %eq3A_259 = arith.constant 0.000000e+00 : f32
        %eq3A_260 = vector.broadcast %eq3A_259 : f32 to vector<16xf32>
        %eq3A_261 = arith.cmpf oeq, %get3A_250, %eq3A_260 : vector<16xf32>
        %eq3A_262 = arith.constant 0.000000e+00 : f32
        %eq3A_263 = vector.broadcast %eq3A_262 : f32 to vector<16xf32>
        %eq3A_264 = arith.cmpf oeq, %get3A_254, %eq3A_263 : vector<16xf32>
        %and3A = arith.andi %eq3A_261, %eq3A_264 : vector<16xi1>
        %lt3A = arith.constant 100000 : i32
        %lt3A_265 = vector.broadcast %lt3A : i32 to vector<16xi32>
        %lt3A_266 = arith.cmpi slt, %add3A_246, %lt3A_265 : vector<16xi32>
        %and3A_267 = arith.andi %and3A, %lt3A_266 : vector<16xi1>
        %lt3A_268 = arith.cmpi slt, %get3A_258, %get3A_23 : vector<16xi32>
        %and3A_269 = arith.andi %and3A_267, %lt3A_268 : vector<16xi1>
        %add3A_270 = arith.addi %get3A_21, %get3A_258 : vector<16xi32>
        %min3A = arith.constant 8191 : i32
        %min3A_271 = vector.broadcast %min3A : i32 to vector<16xi32>
        %min3A_272 = arith.minsi %add3A_270, %min3A_271 : vector<16xi32>
        tpu.vector_store_idx %arg17[%min3A_272], %add3A_246 masked %and3A_269 : memref<8192xi32, #tpu.memory_space<vmem>>[vector<16xi32>], vector<16xi32>, vector<16xi1>
        %scan3A_273 = arith.constant 0 : i32
        scf.yield %scan3A_273 : i32
      }
      %scan3A_145 = arith.constant 896 : i32
      %dma_start3A_146 = arith.constant 57344 : i32
      %dma_start3A_147 = tpu.memref_slice %arg2[%dma_start3A_146] : memref<100352xf32, #tpu.memory_space<hbm>> -> memref<14336xf32, #tpu.memory_space<hbm>>
      %dma_start3A_148 = arith.constant 57344 : i32
      %dma_start3A_149 = tpu.memref_slice %arg2[%dma_start3A_148] : memref<100352xf32, #tpu.memory_space<hbm>> -> memref<14336xf32, #tpu.memory_space<hbm>>
      tpu.enqueue_dma source(%dma_start3A_149 : memref<14336xf32, #tpu.memory_space<hbm>>) target(%arg18 : memref<14336xf32, #tpu.memory_space<vmem>>) target_semaphore(%arg27 : memref<!tpu.dma_semaphore, #tpu.memory_space<semaphore_mem>>)
      %dma_start3A_150 = arith.constant 57344 : i32
      %dma_start3A_151 = tpu.memref_slice %arg3[%dma_start3A_150] : memref<100352xf32, #tpu.memory_space<hbm>> -> memref<14336xf32, #tpu.memory_space<hbm>>
      %dma_start3A_152 = arith.constant 57344 : i32
      %dma_start3A_153 = tpu.memref_slice %arg3[%dma_start3A_152] : memref<100352xf32, #tpu.memory_space<hbm>> -> memref<14336xf32, #tpu.memory_space<hbm>>
      tpu.enqueue_dma source(%dma_start3A_153 : memref<14336xf32, #tpu.memory_space<hbm>>) target(%arg19 : memref<14336xf32, #tpu.memory_space<vmem>>) target_semaphore(%arg27 : memref<!tpu.dma_semaphore, #tpu.memory_space<semaphore_mem>>)
      %dma_start3A_154 = arith.constant 57344 : i32
      %dma_start3A_155 = tpu.memref_slice %arg5[%dma_start3A_154] : memref<100352xi32, #tpu.memory_space<hbm>> -> memref<14336xi32, #tpu.memory_space<hbm>>
      %dma_start3A_156 = arith.constant 57344 : i32
      %dma_start3A_157 = tpu.memref_slice %arg5[%dma_start3A_156] : memref<100352xi32, #tpu.memory_space<hbm>> -> memref<14336xi32, #tpu.memory_space<hbm>>
      tpu.enqueue_dma source(%dma_start3A_157 : memref<14336xi32, #tpu.memory_space<hbm>>) target(%arg20 : memref<14336xi32, #tpu.memory_space<vmem>>) target_semaphore(%arg27 : memref<!tpu.dma_semaphore, #tpu.memory_space<semaphore_mem>>)
      %dma_wait3A_158 = arith.constant 57344 : i32
      %dma_wait3A_159 = tpu.memref_slice %arg2[%dma_wait3A_158] : memref<100352xf32, #tpu.memory_space<hbm>> -> memref<14336xf32, #tpu.memory_space<hbm>>
      %dma_wait3A_160 = arith.constant 57344 : i32
      %dma_wait3A_161 = tpu.memref_slice %arg2[%dma_wait3A_160] : memref<100352xf32, #tpu.memory_space<hbm>> -> memref<14336xf32, #tpu.memory_space<hbm>>
      tpu.wait_dma2 semaphore(%arg27 : memref<!tpu.dma_semaphore, #tpu.memory_space<semaphore_mem>>) src(%dma_wait3A_161 : memref<14336xf32, #tpu.memory_space<hbm>>) dst(%arg18 : memref<14336xf32, #tpu.memory_space<vmem>>)
      %dma_wait3A_162 = arith.constant 57344 : i32
      %dma_wait3A_163 = tpu.memref_slice %arg3[%dma_wait3A_162] : memref<100352xf32, #tpu.memory_space<hbm>> -> memref<14336xf32, #tpu.memory_space<hbm>>
      %dma_wait3A_164 = arith.constant 57344 : i32
      %dma_wait3A_165 = tpu.memref_slice %arg3[%dma_wait3A_164] : memref<100352xf32, #tpu.memory_space<hbm>> -> memref<14336xf32, #tpu.memory_space<hbm>>
      tpu.wait_dma2 semaphore(%arg27 : memref<!tpu.dma_semaphore, #tpu.memory_space<semaphore_mem>>) src(%dma_wait3A_165 : memref<14336xf32, #tpu.memory_space<hbm>>) dst(%arg19 : memref<14336xf32, #tpu.memory_space<vmem>>)
      %dma_wait3A_166 = arith.constant 57344 : i32
      %dma_wait3A_167 = tpu.memref_slice %arg5[%dma_wait3A_166] : memref<100352xi32, #tpu.memory_space<hbm>> -> memref<14336xi32, #tpu.memory_space<hbm>>
      %dma_wait3A_168 = arith.constant 57344 : i32
      %dma_wait3A_169 = tpu.memref_slice %arg5[%dma_wait3A_168] : memref<100352xi32, #tpu.memory_space<hbm>> -> memref<14336xi32, #tpu.memory_space<hbm>>
      tpu.wait_dma2 semaphore(%arg27 : memref<!tpu.dma_semaphore, #tpu.memory_space<semaphore_mem>>) src(%dma_wait3A_169 : memref<14336xi32, #tpu.memory_space<hbm>>) dst(%arg20 : memref<14336xi32, #tpu.memory_space<vmem>>)
      %scan3A_170 = arith.constant 0 : i32
      %scan3A_171 = arith.constant 0 : i32
      %scan3A_172 = arith.constant 896 : i32
      %scan3A_173 = arith.addi %scan3A_171, %scan3A_172 : i32
      %scan3A_174 = arith.constant 1 : i32
      %scan3A_175 = scf.for %scan3A_239 = %scan3A_171 to %scan3A_173 step %scan3A_174 iter_args(%scan3A_240 = %scan3A_170) -> (i32)  : i32 {
        %iota3A = tpu.iota {dimensions = array<i32: 0>} : vector<16xi32>
        %mul3A_241 = arith.constant 16 : i32
        %mul3A_242 = arith.muli %scan3A_239, %mul3A_241 : i32
        %add3A_243 = arith.constant 57344 : i32
        %add3A_244 = arith.addi %add3A_243, %mul3A_242 : i32
        %add3A_245 = vector.broadcast %add3A_244 : i32 to vector<16xi32>
        %add3A_246 = arith.addi %iota3A, %add3A_245 : vector<16xi32>
        %mul3A_247 = arith.constant 16 : i32
        %mul3A_248 = arith.muli %scan3A_239, %mul3A_247 : i32
        %get3A_249 = arith.index_cast %mul3A_248 : i32 to index
        %get3A_250 = tpu.vector_load %arg18[%get3A_249] {strides = array<i32>} : memref<14336xf32, #tpu.memory_space<vmem>>, vector<16xf32>,
        %mul3A_251 = arith.constant 16 : i32
        %mul3A_252 = arith.muli %scan3A_239, %mul3A_251 : i32
        %get3A_253 = arith.index_cast %mul3A_252 : i32 to index
        %get3A_254 = tpu.vector_load %arg19[%get3A_253] {strides = array<i32>} : memref<14336xf32, #tpu.memory_space<vmem>>, vector<16xf32>,
        %mul3A_255 = arith.constant 16 : i32
        %mul3A_256 = arith.muli %scan3A_239, %mul3A_255 : i32
        %get3A_257 = arith.index_cast %mul3A_256 : i32 to index
        %get3A_258 = tpu.vector_load %arg20[%get3A_257] {strides = array<i32>} : memref<14336xi32, #tpu.memory_space<vmem>>, vector<16xi32>,
        %eq3A_259 = arith.constant 0.000000e+00 : f32
        %eq3A_260 = vector.broadcast %eq3A_259 : f32 to vector<16xf32>
        %eq3A_261 = arith.cmpf oeq, %get3A_250, %eq3A_260 : vector<16xf32>
        %eq3A_262 = arith.constant 0.000000e+00 : f32
        %eq3A_263 = vector.broadcast %eq3A_262 : f32 to vector<16xf32>
        %eq3A_264 = arith.cmpf oeq, %get3A_254, %eq3A_263 : vector<16xf32>
        %and3A = arith.andi %eq3A_261, %eq3A_264 : vector<16xi1>
        %lt3A = arith.constant 100000 : i32
        %lt3A_265 = vector.broadcast %lt3A : i32 to vector<16xi32>
        %lt3A_266 = arith.cmpi slt, %add3A_246, %lt3A_265 : vector<16xi32>
        %and3A_267 = arith.andi %and3A, %lt3A_266 : vector<16xi1>
        %lt3A_268 = arith.cmpi slt, %get3A_258, %get3A_23 : vector<16xi32>
        %and3A_269 = arith.andi %and3A_267, %lt3A_268 : vector<16xi1>
        %add3A_270 = arith.addi %get3A_21, %get3A_258 : vector<16xi32>
        %min3A = arith.constant 8191 : i32
        %min3A_271 = vector.broadcast %min3A : i32 to vector<16xi32>
        %min3A_272 = arith.minsi %add3A_270, %min3A_271 : vector<16xi32>
        tpu.vector_store_idx %arg17[%min3A_272], %add3A_246 masked %and3A_269 : memref<8192xi32, #tpu.memory_space<vmem>>[vector<16xi32>], vector<16xi32>, vector<16xi1>
        %scan3A_273 = arith.constant 0 : i32
        scf.yield %scan3A_273 : i32
      }
      %scan3A_176 = arith.constant 896 : i32
      %dma_start3A_177 = arith.constant 71680 : i32
      %dma_start3A_178 = tpu.memref_slice %arg2[%dma_start3A_177] : memref<100352xf32, #tpu.memory_space<hbm>> -> memref<14336xf32, #tpu.memory_space<hbm>>
      %dma_start3A_179 = arith.constant 71680 : i32
      %dma_start3A_180 = tpu.memref_slice %arg2[%dma_start3A_179] : memref<100352xf32, #tpu.memory_space<hbm>> -> memref<14336xf32, #tpu.memory_space<hbm>>
      tpu.enqueue_dma source(%dma_start3A_180 : memref<14336xf32, #tpu.memory_space<hbm>>) target(%arg18 : memref<14336xf32, #tpu.memory_space<vmem>>) target_semaphore(%arg27 : memref<!tpu.dma_semaphore, #tpu.memory_space<semaphore_mem>>)
      %dma_start3A_181 = arith.constant 71680 : i32
      %dma_start3A_182 = tpu.memref_slice %arg3[%dma_start3A_181] : memref<100352xf32, #tpu.memory_space<hbm>> -> memref<14336xf32, #tpu.memory_space<hbm>>
      %dma_start3A_183 = arith.constant 71680 : i32
      %dma_start3A_184 = tpu.memref_slice %arg3[%dma_start3A_183] : memref<100352xf32, #tpu.memory_space<hbm>> -> memref<14336xf32, #tpu.memory_space<hbm>>
      tpu.enqueue_dma source(%dma_start3A_184 : memref<14336xf32, #tpu.memory_space<hbm>>) target(%arg19 : memref<14336xf32, #tpu.memory_space<vmem>>) target_semaphore(%arg27 : memref<!tpu.dma_semaphore, #tpu.memory_space<semaphore_mem>>)
      %dma_start3A_185 = arith.constant 71680 : i32
      %dma_start3A_186 = tpu.memref_slice %arg5[%dma_start3A_185] : memref<100352xi32, #tpu.memory_space<hbm>> -> memref<14336xi32, #tpu.memory_space<hbm>>
      %dma_start3A_187 = arith.constant 71680 : i32
      %dma_start3A_188 = tpu.memref_slice %arg5[%dma_start3A_187] : memref<100352xi32, #tpu.memory_space<hbm>> -> memref<14336xi32, #tpu.memory_space<hbm>>
      tpu.enqueue_dma source(%dma_start3A_188 : memref<14336xi32, #tpu.memory_space<hbm>>) target(%arg20 : memref<14336xi32, #tpu.memory_space<vmem>>) target_semaphore(%arg27 : memref<!tpu.dma_semaphore, #tpu.memory_space<semaphore_mem>>)
      %dma_wait3A_189 = arith.constant 71680 : i32
      %dma_wait3A_190 = tpu.memref_slice %arg2[%dma_wait3A_189] : memref<100352xf32, #tpu.memory_space<hbm>> -> memref<14336xf32, #tpu.memory_space<hbm>>
      %dma_wait3A_191 = arith.constant 71680 : i32
      %dma_wait3A_192 = tpu.memref_slice %arg2[%dma_wait3A_191] : memref<100352xf32, #tpu.memory_space<hbm>> -> memref<14336xf32, #tpu.memory_space<hbm>>
      tpu.wait_dma2 semaphore(%arg27 : memref<!tpu.dma_semaphore, #tpu.memory_space<semaphore_mem>>) src(%dma_wait3A_192 : memref<14336xf32, #tpu.memory_space<hbm>>) dst(%arg18 : memref<14336xf32, #tpu.memory_space<vmem>>)
      %dma_wait3A_193 = arith.constant 71680 : i32
      %dma_wait3A_194 = tpu.memref_slice %arg3[%dma_wait3A_193] : memref<100352xf32, #tpu.memory_space<hbm>> -> memref<14336xf32, #tpu.memory_space<hbm>>
      %dma_wait3A_195 = arith.constant 71680 : i32
      %dma_wait3A_196 = tpu.memref_slice %arg3[%dma_wait3A_195] : memref<100352xf32, #tpu.memory_space<hbm>> -> memref<14336xf32, #tpu.memory_space<hbm>>
      tpu.wait_dma2 semaphore(%arg27 : memref<!tpu.dma_semaphore, #tpu.memory_space<semaphore_mem>>) src(%dma_wait3A_196 : memref<14336xf32, #tpu.memory_space<hbm>>) dst(%arg19 : memref<14336xf32, #tpu.memory_space<vmem>>)
      %dma_wait3A_197 = arith.constant 71680 : i32
      %dma_wait3A_198 = tpu.memref_slice %arg5[%dma_wait3A_197] : memref<100352xi32, #tpu.memory_space<hbm>> -> memref<14336xi32, #tpu.memory_space<hbm>>
      %dma_wait3A_199 = arith.constant 71680 : i32
      %dma_wait3A_200 = tpu.memref_slice %arg5[%dma_wait3A_199] : memref<100352xi32, #tpu.memory_space<hbm>> -> memref<14336xi32, #tpu.memory_space<hbm>>
      tpu.wait_dma2 semaphore(%arg27 : memref<!tpu.dma_semaphore, #tpu.memory_space<semaphore_mem>>) src(%dma_wait3A_200 : memref<14336xi32, #tpu.memory_space<hbm>>) dst(%arg20 : memref<14336xi32, #tpu.memory_space<vmem>>)
      %scan3A_201 = arith.constant 0 : i32
      %scan3A_202 = arith.constant 0 : i32
      %scan3A_203 = arith.constant 896 : i32
      %scan3A_204 = arith.addi %scan3A_202, %scan3A_203 : i32
      %scan3A_205 = arith.constant 1 : i32
      %scan3A_206 = scf.for %scan3A_239 = %scan3A_202 to %scan3A_204 step %scan3A_205 iter_args(%scan3A_240 = %scan3A_201) -> (i32)  : i32 {
        %iota3A = tpu.iota {dimensions = array<i32: 0>} : vector<16xi32>
        %mul3A_241 = arith.constant 16 : i32
        %mul3A_242 = arith.muli %scan3A_239, %mul3A_241 : i32
        %add3A_243 = arith.constant 71680 : i32
        %add3A_244 = arith.addi %add3A_243, %mul3A_242 : i32
        %add3A_245 = vector.broadcast %add3A_244 : i32 to vector<16xi32>
        %add3A_246 = arith.addi %iota3A, %add3A_245 : vector<16xi32>
        %mul3A_247 = arith.constant 16 : i32
        %mul3A_248 = arith.muli %scan3A_239, %mul3A_247 : i32
        %get3A_249 = arith.index_cast %mul3A_248 : i32 to index
        %get3A_250 = tpu.vector_load %arg18[%get3A_249] {strides = array<i32>} : memref<14336xf32, #tpu.memory_space<vmem>>, vector<16xf32>,
        %mul3A_251 = arith.constant 16 : i32
        %mul3A_252 = arith.muli %scan3A_239, %mul3A_251 : i32
        %get3A_253 = arith.index_cast %mul3A_252 : i32 to index
        %get3A_254 = tpu.vector_load %arg19[%get3A_253] {strides = array<i32>} : memref<14336xf32, #tpu.memory_space<vmem>>, vector<16xf32>,
        %mul3A_255 = arith.constant 16 : i32
        %mul3A_256 = arith.muli %scan3A_239, %mul3A_255 : i32
        %get3A_257 = arith.index_cast %mul3A_256 : i32 to index
        %get3A_258 = tpu.vector_load %arg20[%get3A_257] {strides = array<i32>} : memref<14336xi32, #tpu.memory_space<vmem>>, vector<16xi32>,
        %eq3A_259 = arith.constant 0.000000e+00 : f32
        %eq3A_260 = vector.broadcast %eq3A_259 : f32 to vector<16xf32>
        %eq3A_261 = arith.cmpf oeq, %get3A_250, %eq3A_260 : vector<16xf32>
        %eq3A_262 = arith.constant 0.000000e+00 : f32
        %eq3A_263 = vector.broadcast %eq3A_262 : f32 to vector<16xf32>
        %eq3A_264 = arith.cmpf oeq, %get3A_254, %eq3A_263 : vector<16xf32>
        %and3A = arith.andi %eq3A_261, %eq3A_264 : vector<16xi1>
        %lt3A = arith.constant 100000 : i32
        %lt3A_265 = vector.broadcast %lt3A : i32 to vector<16xi32>
        %lt3A_266 = arith.cmpi slt, %add3A_246, %lt3A_265 : vector<16xi32>
        %and3A_267 = arith.andi %and3A, %lt3A_266 : vector<16xi1>
        %lt3A_268 = arith.cmpi slt, %get3A_258, %get3A_23 : vector<16xi32>
        %and3A_269 = arith.andi %and3A_267, %lt3A_268 : vector<16xi1>
        %add3A_270 = arith.addi %get3A_21, %get3A_258 : vector<16xi32>
        %min3A = arith.constant 8191 : i32
        %min3A_271 = vector.broadcast %min3A : i32 to vector<16xi32>
        %min3A_272 = arith.minsi %add3A_270, %min3A_271 : vector<16xi32>
        tpu.vector_store_idx %arg17[%min3A_272], %add3A_246 masked %and3A_269 : memref<8192xi32, #tpu.memory_space<vmem>>[vector<16xi32>], vector<16xi32>, vector<16xi1>
        %scan3A_273 = arith.constant 0 : i32
        scf.yield %scan3A_273 : i32
      }
      %scan3A_207 = arith.constant 896 : i32
      %dma_start3A_208 = arith.constant 86016 : i32
      %dma_start3A_209 = tpu.memref_slice %arg2[%dma_start3A_208] : memref<100352xf32, #tpu.memory_space<hbm>> -> memref<14336xf32, #tpu.memory_space<hbm>>
      %dma_start3A_210 = arith.constant 86016 : i32
      %dma_start3A_211 = tpu.memref_slice %arg2[%dma_start3A_210] : memref<100352xf32, #tpu.memory_space<hbm>> -> memref<14336xf32, #tpu.memory_space<hbm>>
      tpu.enqueue_dma source(%dma_start3A_211 : memref<14336xf32, #tpu.memory_space<hbm>>) target(%arg18 : memref<14336xf32, #tpu.memory_space<vmem>>) target_semaphore(%arg27 : memref<!tpu.dma_semaphore, #tpu.memory_space<semaphore_mem>>)
      %dma_start3A_212 = arith.constant 86016 : i32
      %dma_start3A_213 = tpu.memref_slice %arg3[%dma_start3A_212] : memref<100352xf32, #tpu.memory_space<hbm>> -> memref<14336xf32, #tpu.memory_space<hbm>>
      %dma_start3A_214 = arith.constant 86016 : i32
      %dma_start3A_215 = tpu.memref_slice %arg3[%dma_start3A_214] : memref<100352xf32, #tpu.memory_space<hbm>> -> memref<14336xf32, #tpu.memory_space<hbm>>
      tpu.enqueue_dma source(%dma_start3A_215 : memref<14336xf32, #tpu.memory_space<hbm>>) target(%arg19 : memref<14336xf32, #tpu.memory_space<vmem>>) target_semaphore(%arg27 : memref<!tpu.dma_semaphore, #tpu.memory_space<semaphore_mem>>)
      %dma_start3A_216 = arith.constant 86016 : i32
      %dma_start3A_217 = tpu.memref_slice %arg5[%dma_start3A_216] : memref<100352xi32, #tpu.memory_space<hbm>> -> memref<14336xi32, #tpu.memory_space<hbm>>
      %dma_start3A_218 = arith.constant 86016 : i32
      %dma_start3A_219 = tpu.memref_slice %arg5[%dma_start3A_218] : memref<100352xi32, #tpu.memory_space<hbm>> -> memref<14336xi32, #tpu.memory_space<hbm>>
      tpu.enqueue_dma source(%dma_start3A_219 : memref<14336xi32, #tpu.memory_space<hbm>>) target(%arg20 : memref<14336xi32, #tpu.memory_space<vmem>>) target_semaphore(%arg27 : memref<!tpu.dma_semaphore, #tpu.memory_space<semaphore_mem>>)
      %dma_wait3A_220 = arith.constant 86016 : i32
      %dma_wait3A_221 = tpu.memref_slice %arg2[%dma_wait3A_220] : memref<100352xf32, #tpu.memory_space<hbm>> -> memref<14336xf32, #tpu.memory_space<hbm>>
      %dma_wait3A_222 = arith.constant 86016 : i32
      %dma_wait3A_223 = tpu.memref_slice %arg2[%dma_wait3A_222] : memref<100352xf32, #tpu.memory_space<hbm>> -> memref<14336xf32, #tpu.memory_space<hbm>>
      tpu.wait_dma2 semaphore(%arg27 : memref<!tpu.dma_semaphore, #tpu.memory_space<semaphore_mem>>) src(%dma_wait3A_223 : memref<14336xf32, #tpu.memory_space<hbm>>) dst(%arg18 : memref<14336xf32, #tpu.memory_space<vmem>>)
      %dma_wait3A_224 = arith.constant 86016 : i32
      %dma_wait3A_225 = tpu.memref_slice %arg3[%dma_wait3A_224] : memref<100352xf32, #tpu.memory_space<hbm>> -> memref<14336xf32, #tpu.memory_space<hbm>>
      %dma_wait3A_226 = arith.constant 86016 : i32
      %dma_wait3A_227 = tpu.memref_slice %arg3[%dma_wait3A_226] : memref<100352xf32, #tpu.memory_space<hbm>> -> memref<14336xf32, #tpu.memory_space<hbm>>
      tpu.wait_dma2 semaphore(%arg27 : memref<!tpu.dma_semaphore, #tpu.memory_space<semaphore_mem>>) src(%dma_wait3A_227 : memref<14336xf32, #tpu.memory_space<hbm>>) dst(%arg19 : memref<14336xf32, #tpu.memory_space<vmem>>)
      %dma_wait3A_228 = arith.constant 86016 : i32
      %dma_wait3A_229 = tpu.memref_slice %arg5[%dma_wait3A_228] : memref<100352xi32, #tpu.memory_space<hbm>> -> memref<14336xi32, #tpu.memory_space<hbm>>
      %dma_wait3A_230 = arith.constant 86016 : i32
      %dma_wait3A_231 = tpu.memref_slice %arg5[%dma_wait3A_230] : memref<100352xi32, #tpu.memory_space<hbm>> -> memref<14336xi32, #tpu.memory_space<hbm>>
      tpu.wait_dma2 semaphore(%arg27 : memref<!tpu.dma_semaphore, #tpu.memory_space<semaphore_mem>>) src(%dma_wait3A_231 : memref<14336xi32, #tpu.memory_space<hbm>>) dst(%arg20 : memref<14336xi32, #tpu.memory_space<vmem>>)
      %scan3A_232 = arith.constant 0 : i32
      %scan3A_233 = arith.constant 0 : i32
      %scan3A_234 = arith.constant 896 : i32
      %scan3A_235 = arith.addi %scan3A_233, %scan3A_234 : i32
      %scan3A_236 = arith.constant 1 : i32
      %scan3A_237 = scf.for %scan3A_239 = %scan3A_233 to %scan3A_235 step %scan3A_236 iter_args(%scan3A_240 = %scan3A_232) -> (i32)  : i32 {
        %iota3A = tpu.iota {dimensions = array<i32: 0>} : vector<16xi32>
        %mul3A_241 = arith.constant 16 : i32
        %mul3A_242 = arith.muli %scan3A_239, %mul3A_241 : i32
        %add3A_243 = arith.constant 86016 : i32
        %add3A_244 = arith.addi %add3A_243, %mul3A_242 : i32
        %add3A_245 = vector.broadcast %add3A_244 : i32 to vector<16xi32>
        %add3A_246 = arith.addi %iota3A, %add3A_245 : vector<16xi32>
        %mul3A_247 = arith.constant 16 : i32
        %mul3A_248 = arith.muli %scan3A_239, %mul3A_247 : i32
        %get3A_249 = arith.index_cast %mul3A_248 : i32 to index
        %get3A_250 = tpu.vector_load %arg18[%get3A_249] {strides = array<i32>} : memref<14336xf32, #tpu.memory_space<vmem>>, vector<16xf32>,
        %mul3A_251 = arith.constant 16 : i32
        %mul3A_252 = arith.muli %scan3A_239, %mul3A_251 : i32
        %get3A_253 = arith.index_cast %mul3A_252 : i32 to index
        %get3A_254 = tpu.vector_load %arg19[%get3A_253] {strides = array<i32>} : memref<14336xf32, #tpu.memory_space<vmem>>, vector<16xf32>,
        %mul3A_255 = arith.constant 16 : i32
        %mul3A_256 = arith.muli %scan3A_239, %mul3A_255 : i32
        %get3A_257 = arith.index_cast %mul3A_256 : i32 to index
        %get3A_258 = tpu.vector_load %arg20[%get3A_257] {strides = array<i32>} : memref<14336xi32, #tpu.memory_space<vmem>>, vector<16xi32>,
        %eq3A_259 = arith.constant 0.000000e+00 : f32
        %eq3A_260 = vector.broadcast %eq3A_259 : f32 to vector<16xf32>
        %eq3A_261 = arith.cmpf oeq, %get3A_250, %eq3A_260 : vector<16xf32>
        %eq3A_262 = arith.constant 0.000000e+00 : f32
        %eq3A_263 = vector.broadcast %eq3A_262 : f32 to vector<16xf32>
        %eq3A_264 = arith.cmpf oeq, %get3A_254, %eq3A_263 : vector<16xf32>
        %and3A = arith.andi %eq3A_261, %eq3A_264 : vector<16xi1>
        %lt3A = arith.constant 100000 : i32
        %lt3A_265 = vector.broadcast %lt3A : i32 to vector<16xi32>
        %lt3A_266 = arith.cmpi slt, %add3A_246, %lt3A_265 : vector<16xi32>
        %and3A_267 = arith.andi %and3A, %lt3A_266 : vector<16xi1>
        %lt3A_268 = arith.cmpi slt, %get3A_258, %get3A_23 : vector<16xi32>
        %and3A_269 = arith.andi %and3A_267, %lt3A_268 : vector<16xi1>
        %add3A_270 = arith.addi %get3A_21, %get3A_258 : vector<16xi32>
        %min3A = arith.constant 8191 : i32
        %min3A_271 = vector.broadcast %min3A : i32 to vector<16xi32>
        %min3A_272 = arith.minsi %add3A_270, %min3A_271 : vector<16xi32>
        tpu.vector_store_idx %arg17[%min3A_272], %add3A_246 masked %and3A_269 : memref<8192xi32, #tpu.memory_space<vmem>>[vector<16xi32>], vector<16xi32>, vector<16xi1>
        %scan3A_273 = arith.constant 0 : i32
        scf.yield %scan3A_273 : i32
      }
      %scan3A_238 = arith.constant 896 : i32
      "tpu.region"() ({
        %run_scoped3A = tpu.sem_alloc : memref<!tpu.dma_semaphore, #tpu.memory_space<semaphore_mem>>
        tpu.enqueue_dma source(%arg17 : memref<8192xi32, #tpu.memory_space<vmem>>) target(%arg14 : memref<8192xi32, #tpu.memory_space<hbm>>) target_semaphore(%run_scoped3A : memref<!tpu.dma_semaphore, #tpu.memory_space<semaphore_mem>>)
        tpu.wait_dma2 semaphore(%run_scoped3A : memref<!tpu.dma_semaphore, #tpu.memory_space<semaphore_mem>>) src(%arg17 : memref<8192xi32, #tpu.memory_space<vmem>>) dst(%arg14 : memref<8192xi32, #tpu.memory_space<hbm>>)
        tpu.yield
      }) : () -> ()
    } else {
    }
    return
  }
}

#map = affine_map<(d0, d1) -> (0, 0)>
#map1 = affine_map<(d0, d1) -> (0)>
module attributes {stable_mosaic.version = 14 : i64} {
  func.func @k(%arg0: i32, %arg1: i32, %arg2: memref<100000x128xf32, #tpu.memory_space<hbm>>, %arg3: memref<8192xi32, #tpu.memory_space<hbm>>, %arg4: memref<8192x128xf32, #tpu.memory_space<hbm>>, %arg5: memref<256xi32, #tpu.memory_space<vmem>>, %arg6: memref<256x128xf32, #tpu.memory_space<vmem>>, %arg7: memref<!tpu.dma_semaphore, #tpu.memory_space<semaphore_mem>>) attributes {dimension_semantics = [#tpu.dimension_semantics<core_parallel>, #tpu.dimension_semantics<subcore_parallel>], iteration_bounds = array<i64: 2, 16>, scalar_prefetch = 0 : i64, scratch_operands = 3 : i64, tpu.core_type = #tpu.core_type<sc_vector_subcore>, window_params = [{transform_indices = #map}, {transform_indices = #map1}, {transform_indices = #map}]} {
    %mul3A = arith.constant 2 : i32
    %mul3A_0 = arith.muli %arg1, %mul3A : i32
    %add3A = arith.addi %mul3A_0, %arg0 : i32
    %mul3A_1 = arith.constant 256 : i32
    %mul3A_2 = arith.muli %add3A, %mul3A_1 : i32
    "tpu.region"() ({
      %run_scoped3A = tpu.sem_alloc : memref<!tpu.dma_semaphore, #tpu.memory_space<semaphore_mem>>
      %dma_start3A_7 = tpu.memref_slice %arg3[%mul3A_2] : memref<8192xi32, #tpu.memory_space<hbm>> -> memref<256xi32, #tpu.memory_space<hbm>>
      %dma_start3A_8 = tpu.memref_slice %arg3[%mul3A_2] : memref<8192xi32, #tpu.memory_space<hbm>> -> memref<256xi32, #tpu.memory_space<hbm>>
      tpu.enqueue_dma source(%dma_start3A_8 : memref<256xi32, #tpu.memory_space<hbm>>) target(%arg5 : memref<256xi32, #tpu.memory_space<vmem>>) target_semaphore(%run_scoped3A : memref<!tpu.dma_semaphore, #tpu.memory_space<semaphore_mem>>)
      %dma_wait3A_9 = tpu.memref_slice %arg3[%mul3A_2] : memref<8192xi32, #tpu.memory_space<hbm>> -> memref<256xi32, #tpu.memory_space<hbm>>
      %dma_wait3A_10 = tpu.memref_slice %arg3[%mul3A_2] : memref<8192xi32, #tpu.memory_space<hbm>> -> memref<256xi32, #tpu.memory_space<hbm>>
      tpu.wait_dma2 semaphore(%run_scoped3A : memref<!tpu.dma_semaphore, #tpu.memory_space<semaphore_mem>>) src(%dma_wait3A_10 : memref<256xi32, #tpu.memory_space<hbm>>) dst(%arg5 : memref<256xi32, #tpu.memory_space<vmem>>)
      tpu.yield
    }) : () -> ()
    %dma_start3A = arith.constant 0 : i32
    %dma_start3A_3 = arith.constant 0 : i32
    %dma_start3A_4 = tpu.memref_slice %arg2[%dma_start3A, %dma_start3A_3] : memref<100000x128xf32, #tpu.memory_space<hbm>> -> memref<100000x128xf32, #tpu.memory_space<hbm>>
    tpu.enqueue_indirect_dma source(%dma_start3A_4 : memref<100000x128xf32, #tpu.memory_space<hbm>>) target(%arg6 : memref<256x128xf32, #tpu.memory_space<vmem>>) offsets(%arg5 : memref<256xi32, #tpu.memory_space<vmem>>) semaphore(%arg7 : memref<!tpu.dma_semaphore, #tpu.memory_space<semaphore_mem>>)
    %dma_wait3A = arith.constant 0 : i32
    %dma_wait3A_5 = arith.constant 0 : i32
    %dma_wait3A_6 = tpu.memref_slice %arg2[%dma_wait3A, %dma_wait3A_5] : memref<100000x128xf32, #tpu.memory_space<hbm>> -> memref<100000x128xf32, #tpu.memory_space<hbm>>
    tpu.wait_indirect_dma semaphore(%arg7 : memref<!tpu.dma_semaphore, #tpu.memory_space<semaphore_mem>>) src(%dma_wait3A_6 : memref<100000x128xf32, #tpu.memory_space<hbm>>) dst(%arg6 : memref<256x128xf32, #tpu.memory_space<vmem>>)
    "tpu.region"() ({
      %run_scoped3A = tpu.sem_alloc : memref<!tpu.dma_semaphore, #tpu.memory_space<semaphore_mem>>
      %dma_start3A_7 = arith.constant 0 : i32
      %dma_start3A_8 = tpu.memref_slice %arg4[%mul3A_2, %dma_start3A_7] : memref<8192x128xf32, #tpu.memory_space<hbm>> -> memref<256x128xf32, #tpu.memory_space<hbm>>
      %dma_start3A_9 = arith.constant 0 : i32
      %dma_start3A_10 = tpu.memref_slice %arg4[%mul3A_2, %dma_start3A_9] : memref<8192x128xf32, #tpu.memory_space<hbm>> -> memref<256x128xf32, #tpu.memory_space<hbm>>
      tpu.enqueue_dma source(%arg6 : memref<256x128xf32, #tpu.memory_space<vmem>>) target(%dma_start3A_10 : memref<256x128xf32, #tpu.memory_space<hbm>>) target_semaphore(%run_scoped3A : memref<!tpu.dma_semaphore, #tpu.memory_space<semaphore_mem>>)
      %dma_wait3A_11 = arith.constant 0 : i32
      %dma_wait3A_12 = tpu.memref_slice %arg4[%mul3A_2, %dma_wait3A_11] : memref<8192x128xf32, #tpu.memory_space<hbm>> -> memref<256x128xf32, #tpu.memory_space<hbm>>
      %dma_wait3A_13 = arith.constant 0 : i32
      %dma_wait3A_14 = tpu.memref_slice %arg4[%mul3A_2, %dma_wait3A_13] : memref<8192x128xf32, #tpu.memory_space<hbm>> -> memref<256x128xf32, #tpu.memory_space<hbm>>
      tpu.wait_dma2 semaphore(%run_scoped3A : memref<!tpu.dma_semaphore, #tpu.memory_space<semaphore_mem>>) src(%arg6 : memref<256x128xf32, #tpu.memory_space<vmem>>) dst(%dma_wait3A_14 : memref<256x128xf32, #tpu.memory_space<hbm>>)
      tpu.yield
    }) : () -> ()
    return
  }
}

module attributes {stable_mosaic.version = 14 : i64} {
  func.func @_top9_body(%arg0: memref<1024x2048xf32, #tpu.memory_space<vmem>>, %arg1: memref<1024x16xi32, #tpu.memory_space<vmem>>, %arg2: memref<1024x16xi32, #tpu.memory_space<vmem>>) attributes {dimension_semantics = [], scalar_prefetch = 0 : i64, scratch_operands = 0 : i64, tpu.core_type = #tpu.core_type<tc>} {
    %get3A = arith.constant 0 : index
    %get3A_0 = arith.constant 0 : index
    %get3A_1 = vector.load %arg0[%get3A, %get3A_0] : memref<1024x2048xf32, #tpu.memory_space<vmem>>, vector<1024x2048xf32>
    %iota3A = tpu.iota {dimensions = array<i32: 1>} : vector<1x128xi32>
    %get3A_2 = arith.constant 0 : index
    %get3A_3 = arith.constant 0 : index
    %get3A_4 = vector.load %arg1[%get3A_2, %get3A_3] : memref<1024x16xi32, #tpu.memory_space<vmem>>, vector<1024x1xi32>
    %jit3A = arith.constant 1024 : i32
    %div3A = vector.broadcast %jit3A : i32 to vector<1024x1xi32>
    %div3A_5 = arith.divsi %get3A_4, %div3A : vector<1024x1xi32>
    %sign3A = arith.constant 0 : i32
    %sign3A_6 = vector.broadcast %sign3A : i32 to vector<1024x1xi32>
    %sign3A_7 = arith.cmpi sgt, %get3A_4, %sign3A_6 : vector<1024x1xi32>
    %sign3A_8 = arith.extui %sign3A_7 : vector<1024x1xi1> to vector<1024x1xi32>
    %sign3A_9 = arith.constant 0 : i32
    %sign3A_10 = vector.broadcast %sign3A_9 : i32 to vector<1024x1xi32>
    %sign3A_11 = arith.cmpi slt, %get3A_4, %sign3A_10 : vector<1024x1xi32>
    %sign3A_12 = arith.extui %sign3A_11 : vector<1024x1xi1> to vector<1024x1xi32>
    %sign3A_13 = arith.subi %sign3A_8, %sign3A_12 : vector<1024x1xi32>
    %sign3A_14 = arith.constant 0 : i32
    %sign3A_15 = arith.cmpi sgt, %jit3A, %sign3A_14 : i32
    %sign3A_16 = arith.extui %sign3A_15 : i1 to i32
    %sign3A_17 = arith.constant 0 : i32
    %sign3A_18 = arith.cmpi slt, %jit3A, %sign3A_17 : i32
    %sign3A_19 = arith.extui %sign3A_18 : i1 to i32
    %sign3A_20 = arith.subi %sign3A_16, %sign3A_19 : i32
    %ne3A = vector.broadcast %sign3A_20 : i32 to vector<1024x1xi32>
    %ne3A_21 = arith.cmpi ne, %sign3A_13, %ne3A : vector<1024x1xi32>
    %rem3A = vector.broadcast %jit3A : i32 to vector<1024x1xi32>
    %rem3A_22 = arith.remsi %get3A_4, %rem3A : vector<1024x1xi32>
    %ne3A_23 = arith.constant 0 : i32
    %ne3A_24 = vector.broadcast %ne3A_23 : i32 to vector<1024x1xi32>
    %ne3A_25 = arith.cmpi ne, %rem3A_22, %ne3A_24 : vector<1024x1xi32>
    %and3A = arith.andi %ne3A_21, %ne3A_25 : vector<1024x1xi1>
    %sub3A = arith.constant 1 : i32
    %sub3A_26 = vector.broadcast %sub3A : i32 to vector<1024x1xi32>
    %sub3A_27 = arith.subi %div3A_5, %sub3A_26 : vector<1024x1xi32>
    %select_n3A = arith.select %and3A, %sub3A_27, %div3A_5 : vector<1024x1xi1>, vector<1024x1xi32>
    %mul3A = arith.constant 128 : i32
    %mul3A_28 = vector.broadcast %mul3A : i32 to vector<1024x1xi32>
    %mul3A_29 = arith.muli %select_n3A, %mul3A_28 : vector<1024x1xi32>
    %add3A = vector.broadcast %mul3A_29 : vector<1024x1xi32> to vector<1024x128xi32>
    %add3A_30 = vector.broadcast %iota3A : vector<1x128xi32> to vector<1024x128xi32>
    %add3A_31 = arith.addi %add3A, %add3A_30 : vector<1024x128xi32>
    %get3A_32 = arith.constant 0 : index
    %get3A_33 = arith.constant 1 : index
    %get3A_34 = vector.load %arg1[%get3A_32, %get3A_33] : memref<1024x16xi32, #tpu.memory_space<vmem>>, vector<1024x1xi32>
    %jit3A_35 = arith.constant 1024 : i32
    %div3A_36 = vector.broadcast %jit3A_35 : i32 to vector<1024x1xi32>
    %div3A_37 = arith.divsi %get3A_34, %div3A_36 : vector<1024x1xi32>
    %sign3A_38 = arith.constant 0 : i32
    %sign3A_39 = vector.broadcast %sign3A_38 : i32 to vector<1024x1xi32>
    %sign3A_40 = arith.cmpi sgt, %get3A_34, %sign3A_39 : vector<1024x1xi32>
    %sign3A_41 = arith.extui %sign3A_40 : vector<1024x1xi1> to vector<1024x1xi32>
    %sign3A_42 = arith.constant 0 : i32
    %sign3A_43 = vector.broadcast %sign3A_42 : i32 to vector<1024x1xi32>
    %sign3A_44 = arith.cmpi slt, %get3A_34, %sign3A_43 : vector<1024x1xi32>
    %sign3A_45 = arith.extui %sign3A_44 : vector<1024x1xi1> to vector<1024x1xi32>
    %sign3A_46 = arith.subi %sign3A_41, %sign3A_45 : vector<1024x1xi32>
    %sign3A_47 = arith.constant 0 : i32
    %sign3A_48 = arith.cmpi sgt, %jit3A_35, %sign3A_47 : i32
    %sign3A_49 = arith.extui %sign3A_48 : i1 to i32
    %sign3A_50 = arith.constant 0 : i32
    %sign3A_51 = arith.cmpi slt, %jit3A_35, %sign3A_50 : i32
    %sign3A_52 = arith.extui %sign3A_51 : i1 to i32
    %sign3A_53 = arith.subi %sign3A_49, %sign3A_52 : i32
    %ne3A_54 = vector.broadcast %sign3A_53 : i32 to vector<1024x1xi32>
    %ne3A_55 = arith.cmpi ne, %sign3A_46, %ne3A_54 : vector<1024x1xi32>
    %rem3A_56 = vector.broadcast %jit3A_35 : i32 to vector<1024x1xi32>
    %rem3A_57 = arith.remsi %get3A_34, %rem3A_56 : vector<1024x1xi32>
    %ne3A_58 = arith.constant 0 : i32
    %ne3A_59 = vector.broadcast %ne3A_58 : i32 to vector<1024x1xi32>
    %ne3A_60 = arith.cmpi ne, %rem3A_57, %ne3A_59 : vector<1024x1xi32>
    %and3A_61 = arith.andi %ne3A_55, %ne3A_60 : vector<1024x1xi1>
    %sub3A_62 = arith.constant 1 : i32
    %sub3A_63 = vector.broadcast %sub3A_62 : i32 to vector<1024x1xi32>
    %sub3A_64 = arith.subi %div3A_37, %sub3A_63 : vector<1024x1xi32>
    %select_n3A_65 = arith.select %and3A_61, %sub3A_64, %div3A_37 : vector<1024x1xi1>, vector<1024x1xi32>
    %mul3A_66 = arith.constant 128 : i32
    %mul3A_67 = vector.broadcast %mul3A_66 : i32 to vector<1024x1xi32>
    %mul3A_68 = arith.muli %select_n3A_65, %mul3A_67 : vector<1024x1xi32>
    %add3A_69 = vector.broadcast %mul3A_68 : vector<1024x1xi32> to vector<1024x128xi32>
    %add3A_70 = vector.broadcast %iota3A : vector<1x128xi32> to vector<1024x128xi32>
    %add3A_71 = arith.addi %add3A_69, %add3A_70 : vector<1024x128xi32>
    %get3A_72 = arith.constant 0 : index
    %get3A_73 = arith.constant 2 : index
    %get3A_74 = vector.load %arg1[%get3A_72, %get3A_73] : memref<1024x16xi32, #tpu.memory_space<vmem>>, vector<1024x1xi32>
    %jit3A_75 = arith.constant 1024 : i32
    %div3A_76 = vector.broadcast %jit3A_75 : i32 to vector<1024x1xi32>
    %div3A_77 = arith.divsi %get3A_74, %div3A_76 : vector<1024x1xi32>
    %sign3A_78 = arith.constant 0 : i32
    %sign3A_79 = vector.broadcast %sign3A_78 : i32 to vector<1024x1xi32>
    %sign3A_80 = arith.cmpi sgt, %get3A_74, %sign3A_79 : vector<1024x1xi32>
    %sign3A_81 = arith.extui %sign3A_80 : vector<1024x1xi1> to vector<1024x1xi32>
    %sign3A_82 = arith.constant 0 : i32
    %sign3A_83 = vector.broadcast %sign3A_82 : i32 to vector<1024x1xi32>
    %sign3A_84 = arith.cmpi slt, %get3A_74, %sign3A_83 : vector<1024x1xi32>
    %sign3A_85 = arith.extui %sign3A_84 : vector<1024x1xi1> to vector<1024x1xi32>
    %sign3A_86 = arith.subi %sign3A_81, %sign3A_85 : vector<1024x1xi32>
    %sign3A_87 = arith.constant 0 : i32
    %sign3A_88 = arith.cmpi sgt, %jit3A_75, %sign3A_87 : i32
    %sign3A_89 = arith.extui %sign3A_88 : i1 to i32
    %sign3A_90 = arith.constant 0 : i32
    %sign3A_91 = arith.cmpi slt, %jit3A_75, %sign3A_90 : i32
    %sign3A_92 = arith.extui %sign3A_91 : i1 to i32
    %sign3A_93 = arith.subi %sign3A_89, %sign3A_92 : i32
    %ne3A_94 = vector.broadcast %sign3A_93 : i32 to vector<1024x1xi32>
    %ne3A_95 = arith.cmpi ne, %sign3A_86, %ne3A_94 : vector<1024x1xi32>
    %rem3A_96 = vector.broadcast %jit3A_75 : i32 to vector<1024x1xi32>
    %rem3A_97 = arith.remsi %get3A_74, %rem3A_96 : vector<1024x1xi32>
    %ne3A_98 = arith.constant 0 : i32
    %ne3A_99 = vector.broadcast %ne3A_98 : i32 to vector<1024x1xi32>
    %ne3A_100 = arith.cmpi ne, %rem3A_97, %ne3A_99 : vector<1024x1xi32>
    %and3A_101 = arith.andi %ne3A_95, %ne3A_100 : vector<1024x1xi1>
    %sub3A_102 = arith.constant 1 : i32
    %sub3A_103 = vector.broadcast %sub3A_102 : i32 to vector<1024x1xi32>
    %sub3A_104 = arith.subi %div3A_77, %sub3A_103 : vector<1024x1xi32>
    %select_n3A_105 = arith.select %and3A_101, %sub3A_104, %div3A_77 : vector<1024x1xi1>, vector<1024x1xi32>
    %mul3A_106 = arith.constant 128 : i32
    %mul3A_107 = vector.broadcast %mul3A_106 : i32 to vector<1024x1xi32>
    %mul3A_108 = arith.muli %select_n3A_105, %mul3A_107 : vector<1024x1xi32>
    %add3A_109 = vector.broadcast %mul3A_108 : vector<1024x1xi32> to vector<1024x128xi32>
    %add3A_110 = vector.broadcast %iota3A : vector<1x128xi32> to vector<1024x128xi32>
    %add3A_111 = arith.addi %add3A_109, %add3A_110 : vector<1024x128xi32>
    %get3A_112 = arith.constant 0 : index
    %get3A_113 = arith.constant 3 : index
    %get3A_114 = vector.load %arg1[%get3A_112, %get3A_113] : memref<1024x16xi32, #tpu.memory_space<vmem>>, vector<1024x1xi32>
    %jit3A_115 = arith.constant 1024 : i32
    %div3A_116 = vector.broadcast %jit3A_115 : i32 to vector<1024x1xi32>
    %div3A_117 = arith.divsi %get3A_114, %div3A_116 : vector<1024x1xi32>
    %sign3A_118 = arith.constant 0 : i32
    %sign3A_119 = vector.broadcast %sign3A_118 : i32 to vector<1024x1xi32>
    %sign3A_120 = arith.cmpi sgt, %get3A_114, %sign3A_119 : vector<1024x1xi32>
    %sign3A_121 = arith.extui %sign3A_120 : vector<1024x1xi1> to vector<1024x1xi32>
    %sign3A_122 = arith.constant 0 : i32
    %sign3A_123 = vector.broadcast %sign3A_122 : i32 to vector<1024x1xi32>
    %sign3A_124 = arith.cmpi slt, %get3A_114, %sign3A_123 : vector<1024x1xi32>
    %sign3A_125 = arith.extui %sign3A_124 : vector<1024x1xi1> to vector<1024x1xi32>
    %sign3A_126 = arith.subi %sign3A_121, %sign3A_125 : vector<1024x1xi32>
    %sign3A_127 = arith.constant 0 : i32
    %sign3A_128 = arith.cmpi sgt, %jit3A_115, %sign3A_127 : i32
    %sign3A_129 = arith.extui %sign3A_128 : i1 to i32
    %sign3A_130 = arith.constant 0 : i32
    %sign3A_131 = arith.cmpi slt, %jit3A_115, %sign3A_130 : i32
    %sign3A_132 = arith.extui %sign3A_131 : i1 to i32
    %sign3A_133 = arith.subi %sign3A_129, %sign3A_132 : i32
    %ne3A_134 = vector.broadcast %sign3A_133 : i32 to vector<1024x1xi32>
    %ne3A_135 = arith.cmpi ne, %sign3A_126, %ne3A_134 : vector<1024x1xi32>
    %rem3A_136 = vector.broadcast %jit3A_115 : i32 to vector<1024x1xi32>
    %rem3A_137 = arith.remsi %get3A_114, %rem3A_136 : vector<1024x1xi32>
    %ne3A_138 = arith.constant 0 : i32
    %ne3A_139 = vector.broadcast %ne3A_138 : i32 to vector<1024x1xi32>
    %ne3A_140 = arith.cmpi ne, %rem3A_137, %ne3A_139 : vector<1024x1xi32>
    %and3A_141 = arith.andi %ne3A_135, %ne3A_140 : vector<1024x1xi1>
    %sub3A_142 = arith.constant 1 : i32
    %sub3A_143 = vector.broadcast %sub3A_142 : i32 to vector<1024x1xi32>
    %sub3A_144 = arith.subi %div3A_117, %sub3A_143 : vector<1024x1xi32>
    %select_n3A_145 = arith.select %and3A_141, %sub3A_144, %div3A_117 : vector<1024x1xi1>, vector<1024x1xi32>
    %mul3A_146 = arith.constant 128 : i32
    %mul3A_147 = vector.broadcast %mul3A_146 : i32 to vector<1024x1xi32>
    %mul3A_148 = arith.muli %select_n3A_145, %mul3A_147 : vector<1024x1xi32>
    %add3A_149 = vector.broadcast %mul3A_148 : vector<1024x1xi32> to vector<1024x128xi32>
    %add3A_150 = vector.broadcast %iota3A : vector<1x128xi32> to vector<1024x128xi32>
    %add3A_151 = arith.addi %add3A_149, %add3A_150 : vector<1024x128xi32>
    %get3A_152 = arith.constant 0 : index
    %get3A_153 = arith.constant 4 : index
    %get3A_154 = vector.load %arg1[%get3A_152, %get3A_153] : memref<1024x16xi32, #tpu.memory_space<vmem>>, vector<1024x1xi32>
    %jit3A_155 = arith.constant 1024 : i32
    %div3A_156 = vector.broadcast %jit3A_155 : i32 to vector<1024x1xi32>
    %div3A_157 = arith.divsi %get3A_154, %div3A_156 : vector<1024x1xi32>
    %sign3A_158 = arith.constant 0 : i32
    %sign3A_159 = vector.broadcast %sign3A_158 : i32 to vector<1024x1xi32>
    %sign3A_160 = arith.cmpi sgt, %get3A_154, %sign3A_159 : vector<1024x1xi32>
    %sign3A_161 = arith.extui %sign3A_160 : vector<1024x1xi1> to vector<1024x1xi32>
    %sign3A_162 = arith.constant 0 : i32
    %sign3A_163 = vector.broadcast %sign3A_162 : i32 to vector<1024x1xi32>
    %sign3A_164 = arith.cmpi slt, %get3A_154, %sign3A_163 : vector<1024x1xi32>
    %sign3A_165 = arith.extui %sign3A_164 : vector<1024x1xi1> to vector<1024x1xi32>
    %sign3A_166 = arith.subi %sign3A_161, %sign3A_165 : vector<1024x1xi32>
    %sign3A_167 = arith.constant 0 : i32
    %sign3A_168 = arith.cmpi sgt, %jit3A_155, %sign3A_167 : i32
    %sign3A_169 = arith.extui %sign3A_168 : i1 to i32
    %sign3A_170 = arith.constant 0 : i32
    %sign3A_171 = arith.cmpi slt, %jit3A_155, %sign3A_170 : i32
    %sign3A_172 = arith.extui %sign3A_171 : i1 to i32
    %sign3A_173 = arith.subi %sign3A_169, %sign3A_172 : i32
    %ne3A_174 = vector.broadcast %sign3A_173 : i32 to vector<1024x1xi32>
    %ne3A_175 = arith.cmpi ne, %sign3A_166, %ne3A_174 : vector<1024x1xi32>
    %rem3A_176 = vector.broadcast %jit3A_155 : i32 to vector<1024x1xi32>
    %rem3A_177 = arith.remsi %get3A_154, %rem3A_176 : vector<1024x1xi32>
    %ne3A_178 = arith.constant 0 : i32
    %ne3A_179 = vector.broadcast %ne3A_178 : i32 to vector<1024x1xi32>
    %ne3A_180 = arith.cmpi ne, %rem3A_177, %ne3A_179 : vector<1024x1xi32>
    %and3A_181 = arith.andi %ne3A_175, %ne3A_180 : vector<1024x1xi1>
    %sub3A_182 = arith.constant 1 : i32
    %sub3A_183 = vector.broadcast %sub3A_182 : i32 to vector<1024x1xi32>
    %sub3A_184 = arith.subi %div3A_157, %sub3A_183 : vector<1024x1xi32>
    %select_n3A_185 = arith.select %and3A_181, %sub3A_184, %div3A_157 : vector<1024x1xi1>, vector<1024x1xi32>
    %mul3A_186 = arith.constant 128 : i32
    %mul3A_187 = vector.broadcast %mul3A_186 : i32 to vector<1024x1xi32>
    %mul3A_188 = arith.muli %select_n3A_185, %mul3A_187 : vector<1024x1xi32>
    %add3A_189 = vector.broadcast %mul3A_188 : vector<1024x1xi32> to vector<1024x128xi32>
    %add3A_190 = vector.broadcast %iota3A : vector<1x128xi32> to vector<1024x128xi32>
    %add3A_191 = arith.addi %add3A_189, %add3A_190 : vector<1024x128xi32>
    %get3A_192 = arith.constant 0 : index
    %get3A_193 = arith.constant 5 : index
    %get3A_194 = vector.load %arg1[%get3A_192, %get3A_193] : memref<1024x16xi32, #tpu.memory_space<vmem>>, vector<1024x1xi32>
    %jit3A_195 = arith.constant 1024 : i32
    %div3A_196 = vector.broadcast %jit3A_195 : i32 to vector<1024x1xi32>
    %div3A_197 = arith.divsi %get3A_194, %div3A_196 : vector<1024x1xi32>
    %sign3A_198 = arith.constant 0 : i32
    %sign3A_199 = vector.broadcast %sign3A_198 : i32 to vector<1024x1xi32>
    %sign3A_200 = arith.cmpi sgt, %get3A_194, %sign3A_199 : vector<1024x1xi32>
    %sign3A_201 = arith.extui %sign3A_200 : vector<1024x1xi1> to vector<1024x1xi32>
    %sign3A_202 = arith.constant 0 : i32
    %sign3A_203 = vector.broadcast %sign3A_202 : i32 to vector<1024x1xi32>
    %sign3A_204 = arith.cmpi slt, %get3A_194, %sign3A_203 : vector<1024x1xi32>
    %sign3A_205 = arith.extui %sign3A_204 : vector<1024x1xi1> to vector<1024x1xi32>
    %sign3A_206 = arith.subi %sign3A_201, %sign3A_205 : vector<1024x1xi32>
    %sign3A_207 = arith.constant 0 : i32
    %sign3A_208 = arith.cmpi sgt, %jit3A_195, %sign3A_207 : i32
    %sign3A_209 = arith.extui %sign3A_208 : i1 to i32
    %sign3A_210 = arith.constant 0 : i32
    %sign3A_211 = arith.cmpi slt, %jit3A_195, %sign3A_210 : i32
    %sign3A_212 = arith.extui %sign3A_211 : i1 to i32
    %sign3A_213 = arith.subi %sign3A_209, %sign3A_212 : i32
    %ne3A_214 = vector.broadcast %sign3A_213 : i32 to vector<1024x1xi32>
    %ne3A_215 = arith.cmpi ne, %sign3A_206, %ne3A_214 : vector<1024x1xi32>
    %rem3A_216 = vector.broadcast %jit3A_195 : i32 to vector<1024x1xi32>
    %rem3A_217 = arith.remsi %get3A_194, %rem3A_216 : vector<1024x1xi32>
    %ne3A_218 = arith.constant 0 : i32
    %ne3A_219 = vector.broadcast %ne3A_218 : i32 to vector<1024x1xi32>
    %ne3A_220 = arith.cmpi ne, %rem3A_217, %ne3A_219 : vector<1024x1xi32>
    %and3A_221 = arith.andi %ne3A_215, %ne3A_220 : vector<1024x1xi1>
    %sub3A_222 = arith.constant 1 : i32
    %sub3A_223 = vector.broadcast %sub3A_222 : i32 to vector<1024x1xi32>
    %sub3A_224 = arith.subi %div3A_197, %sub3A_223 : vector<1024x1xi32>
    %select_n3A_225 = arith.select %and3A_221, %sub3A_224, %div3A_197 : vector<1024x1xi1>, vector<1024x1xi32>
    %mul3A_226 = arith.constant 128 : i32
    %mul3A_227 = vector.broadcast %mul3A_226 : i32 to vector<1024x1xi32>
    %mul3A_228 = arith.muli %select_n3A_225, %mul3A_227 : vector<1024x1xi32>
    %add3A_229 = vector.broadcast %mul3A_228 : vector<1024x1xi32> to vector<1024x128xi32>
    %add3A_230 = vector.broadcast %iota3A : vector<1x128xi32> to vector<1024x128xi32>
    %add3A_231 = arith.addi %add3A_229, %add3A_230 : vector<1024x128xi32>
    %get3A_232 = arith.constant 0 : index
    %get3A_233 = arith.constant 6 : index
    %get3A_234 = vector.load %arg1[%get3A_232, %get3A_233] : memref<1024x16xi32, #tpu.memory_space<vmem>>, vector<1024x1xi32>
    %jit3A_235 = arith.constant 1024 : i32
    %div3A_236 = vector.broadcast %jit3A_235 : i32 to vector<1024x1xi32>
    %div3A_237 = arith.divsi %get3A_234, %div3A_236 : vector<1024x1xi32>
    %sign3A_238 = arith.constant 0 : i32
    %sign3A_239 = vector.broadcast %sign3A_238 : i32 to vector<1024x1xi32>
    %sign3A_240 = arith.cmpi sgt, %get3A_234, %sign3A_239 : vector<1024x1xi32>
    %sign3A_241 = arith.extui %sign3A_240 : vector<1024x1xi1> to vector<1024x1xi32>
    %sign3A_242 = arith.constant 0 : i32
    %sign3A_243 = vector.broadcast %sign3A_242 : i32 to vector<1024x1xi32>
    %sign3A_244 = arith.cmpi slt, %get3A_234, %sign3A_243 : vector<1024x1xi32>
    %sign3A_245 = arith.extui %sign3A_244 : vector<1024x1xi1> to vector<1024x1xi32>
    %sign3A_246 = arith.subi %sign3A_241, %sign3A_245 : vector<1024x1xi32>
    %sign3A_247 = arith.constant 0 : i32
    %sign3A_248 = arith.cmpi sgt, %jit3A_235, %sign3A_247 : i32
    %sign3A_249 = arith.extui %sign3A_248 : i1 to i32
    %sign3A_250 = arith.constant 0 : i32
    %sign3A_251 = arith.cmpi slt, %jit3A_235, %sign3A_250 : i32
    %sign3A_252 = arith.extui %sign3A_251 : i1 to i32
    %sign3A_253 = arith.subi %sign3A_249, %sign3A_252 : i32
    %ne3A_254 = vector.broadcast %sign3A_253 : i32 to vector<1024x1xi32>
    %ne3A_255 = arith.cmpi ne, %sign3A_246, %ne3A_254 : vector<1024x1xi32>
    %rem3A_256 = vector.broadcast %jit3A_235 : i32 to vector<1024x1xi32>
    %rem3A_257 = arith.remsi %get3A_234, %rem3A_256 : vector<1024x1xi32>
    %ne3A_258 = arith.constant 0 : i32
    %ne3A_259 = vector.broadcast %ne3A_258 : i32 to vector<1024x1xi32>
    %ne3A_260 = arith.cmpi ne, %rem3A_257, %ne3A_259 : vector<1024x1xi32>
    %and3A_261 = arith.andi %ne3A_255, %ne3A_260 : vector<1024x1xi1>
    %sub3A_262 = arith.constant 1 : i32
    %sub3A_263 = vector.broadcast %sub3A_262 : i32 to vector<1024x1xi32>
    %sub3A_264 = arith.subi %div3A_237, %sub3A_263 : vector<1024x1xi32>
    %select_n3A_265 = arith.select %and3A_261, %sub3A_264, %div3A_237 : vector<1024x1xi1>, vector<1024x1xi32>
    %mul3A_266 = arith.constant 128 : i32
    %mul3A_267 = vector.broadcast %mul3A_266 : i32 to vector<1024x1xi32>
    %mul3A_268 = arith.muli %select_n3A_265, %mul3A_267 : vector<1024x1xi32>
    %add3A_269 = vector.broadcast %mul3A_268 : vector<1024x1xi32> to vector<1024x128xi32>
    %add3A_270 = vector.broadcast %iota3A : vector<1x128xi32> to vector<1024x128xi32>
    %add3A_271 = arith.addi %add3A_269, %add3A_270 : vector<1024x128xi32>
    %get3A_272 = arith.constant 0 : index
    %get3A_273 = arith.constant 7 : index
    %get3A_274 = vector.load %arg1[%get3A_272, %get3A_273] : memref<1024x16xi32, #tpu.memory_space<vmem>>, vector<1024x1xi32>
    %jit3A_275 = arith.constant 1024 : i32
    %div3A_276 = vector.broadcast %jit3A_275 : i32 to vector<1024x1xi32>
    %div3A_277 = arith.divsi %get3A_274, %div3A_276 : vector<1024x1xi32>
    %sign3A_278 = arith.constant 0 : i32
    %sign3A_279 = vector.broadcast %sign3A_278 : i32 to vector<1024x1xi32>
    %sign3A_280 = arith.cmpi sgt, %get3A_274, %sign3A_279 : vector<1024x1xi32>
    %sign3A_281 = arith.extui %sign3A_280 : vector<1024x1xi1> to vector<1024x1xi32>
    %sign3A_282 = arith.constant 0 : i32
    %sign3A_283 = vector.broadcast %sign3A_282 : i32 to vector<1024x1xi32>
    %sign3A_284 = arith.cmpi slt, %get3A_274, %sign3A_283 : vector<1024x1xi32>
    %sign3A_285 = arith.extui %sign3A_284 : vector<1024x1xi1> to vector<1024x1xi32>
    %sign3A_286 = arith.subi %sign3A_281, %sign3A_285 : vector<1024x1xi32>
    %sign3A_287 = arith.constant 0 : i32
    %sign3A_288 = arith.cmpi sgt, %jit3A_275, %sign3A_287 : i32
    %sign3A_289 = arith.extui %sign3A_288 : i1 to i32
    %sign3A_290 = arith.constant 0 : i32
    %sign3A_291 = arith.cmpi slt, %jit3A_275, %sign3A_290 : i32
    %sign3A_292 = arith.extui %sign3A_291 : i1 to i32
    %sign3A_293 = arith.subi %sign3A_289, %sign3A_292 : i32
    %ne3A_294 = vector.broadcast %sign3A_293 : i32 to vector<1024x1xi32>
    %ne3A_295 = arith.cmpi ne, %sign3A_286, %ne3A_294 : vector<1024x1xi32>
    %rem3A_296 = vector.broadcast %jit3A_275 : i32 to vector<1024x1xi32>
    %rem3A_297 = arith.remsi %get3A_274, %rem3A_296 : vector<1024x1xi32>
    %ne3A_298 = arith.constant 0 : i32
    %ne3A_299 = vector.broadcast %ne3A_298 : i32 to vector<1024x1xi32>
    %ne3A_300 = arith.cmpi ne, %rem3A_297, %ne3A_299 : vector<1024x1xi32>
    %and3A_301 = arith.andi %ne3A_295, %ne3A_300 : vector<1024x1xi1>
    %sub3A_302 = arith.constant 1 : i32
    %sub3A_303 = vector.broadcast %sub3A_302 : i32 to vector<1024x1xi32>
    %sub3A_304 = arith.subi %div3A_277, %sub3A_303 : vector<1024x1xi32>
    %select_n3A_305 = arith.select %and3A_301, %sub3A_304, %div3A_277 : vector<1024x1xi1>, vector<1024x1xi32>
    %mul3A_306 = arith.constant 128 : i32
    %mul3A_307 = vector.broadcast %mul3A_306 : i32 to vector<1024x1xi32>
    %mul3A_308 = arith.muli %select_n3A_305, %mul3A_307 : vector<1024x1xi32>
    %add3A_309 = vector.broadcast %mul3A_308 : vector<1024x1xi32> to vector<1024x128xi32>
    %add3A_310 = vector.broadcast %iota3A : vector<1x128xi32> to vector<1024x128xi32>
    %add3A_311 = arith.addi %add3A_309, %add3A_310 : vector<1024x128xi32>
    %get3A_312 = arith.constant 0 : index
    %get3A_313 = arith.constant 8 : index
    %get3A_314 = vector.load %arg1[%get3A_312, %get3A_313] : memref<1024x16xi32, #tpu.memory_space<vmem>>, vector<1024x1xi32>
    %jit3A_315 = arith.constant 1024 : i32
    %div3A_316 = vector.broadcast %jit3A_315 : i32 to vector<1024x1xi32>
    %div3A_317 = arith.divsi %get3A_314, %div3A_316 : vector<1024x1xi32>
    %sign3A_318 = arith.constant 0 : i32
    %sign3A_319 = vector.broadcast %sign3A_318 : i32 to vector<1024x1xi32>
    %sign3A_320 = arith.cmpi sgt, %get3A_314, %sign3A_319 : vector<1024x1xi32>
    %sign3A_321 = arith.extui %sign3A_320 : vector<1024x1xi1> to vector<1024x1xi32>
    %sign3A_322 = arith.constant 0 : i32
    %sign3A_323 = vector.broadcast %sign3A_322 : i32 to vector<1024x1xi32>
    %sign3A_324 = arith.cmpi slt, %get3A_314, %sign3A_323 : vector<1024x1xi32>
    %sign3A_325 = arith.extui %sign3A_324 : vector<1024x1xi1> to vector<1024x1xi32>
    %sign3A_326 = arith.subi %sign3A_321, %sign3A_325 : vector<1024x1xi32>
    %sign3A_327 = arith.constant 0 : i32
    %sign3A_328 = arith.cmpi sgt, %jit3A_315, %sign3A_327 : i32
    %sign3A_329 = arith.extui %sign3A_328 : i1 to i32
    %sign3A_330 = arith.constant 0 : i32
    %sign3A_331 = arith.cmpi slt, %jit3A_315, %sign3A_330 : i32
    %sign3A_332 = arith.extui %sign3A_331 : i1 to i32
    %sign3A_333 = arith.subi %sign3A_329, %sign3A_332 : i32
    %ne3A_334 = vector.broadcast %sign3A_333 : i32 to vector<1024x1xi32>
    %ne3A_335 = arith.cmpi ne, %sign3A_326, %ne3A_334 : vector<1024x1xi32>
    %rem3A_336 = vector.broadcast %jit3A_315 : i32 to vector<1024x1xi32>
    %rem3A_337 = arith.remsi %get3A_314, %rem3A_336 : vector<1024x1xi32>
    %ne3A_338 = arith.constant 0 : i32
    %ne3A_339 = vector.broadcast %ne3A_338 : i32 to vector<1024x1xi32>
    %ne3A_340 = arith.cmpi ne, %rem3A_337, %ne3A_339 : vector<1024x1xi32>
    %and3A_341 = arith.andi %ne3A_335, %ne3A_340 : vector<1024x1xi1>
    %sub3A_342 = arith.constant 1 : i32
    %sub3A_343 = vector.broadcast %sub3A_342 : i32 to vector<1024x1xi32>
    %sub3A_344 = arith.subi %div3A_317, %sub3A_343 : vector<1024x1xi32>
    %select_n3A_345 = arith.select %and3A_341, %sub3A_344, %div3A_317 : vector<1024x1xi1>, vector<1024x1xi32>
    %mul3A_346 = arith.constant 128 : i32
    %mul3A_347 = vector.broadcast %mul3A_346 : i32 to vector<1024x1xi32>
    %mul3A_348 = arith.muli %select_n3A_345, %mul3A_347 : vector<1024x1xi32>
    %add3A_349 = vector.broadcast %mul3A_348 : vector<1024x1xi32> to vector<1024x128xi32>
    %add3A_350 = vector.broadcast %iota3A : vector<1x128xi32> to vector<1024x128xi32>
    %add3A_351 = arith.addi %add3A_349, %add3A_350 : vector<1024x128xi32>
    %get3A_352 = arith.constant 0 : index
    %get3A_353 = arith.constant 9 : index
    %get3A_354 = vector.load %arg1[%get3A_352, %get3A_353] : memref<1024x16xi32, #tpu.memory_space<vmem>>, vector<1024x1xi32>
    %jit3A_355 = arith.constant 1024 : i32
    %div3A_356 = vector.broadcast %jit3A_355 : i32 to vector<1024x1xi32>
    %div3A_357 = arith.divsi %get3A_354, %div3A_356 : vector<1024x1xi32>
    %sign3A_358 = arith.constant 0 : i32
    %sign3A_359 = vector.broadcast %sign3A_358 : i32 to vector<1024x1xi32>
    %sign3A_360 = arith.cmpi sgt, %get3A_354, %sign3A_359 : vector<1024x1xi32>
    %sign3A_361 = arith.extui %sign3A_360 : vector<1024x1xi1> to vector<1024x1xi32>
    %sign3A_362 = arith.constant 0 : i32
    %sign3A_363 = vector.broadcast %sign3A_362 : i32 to vector<1024x1xi32>
    %sign3A_364 = arith.cmpi slt, %get3A_354, %sign3A_363 : vector<1024x1xi32>
    %sign3A_365 = arith.extui %sign3A_364 : vector<1024x1xi1> to vector<1024x1xi32>
    %sign3A_366 = arith.subi %sign3A_361, %sign3A_365 : vector<1024x1xi32>
    %sign3A_367 = arith.constant 0 : i32
    %sign3A_368 = arith.cmpi sgt, %jit3A_355, %sign3A_367 : i32
    %sign3A_369 = arith.extui %sign3A_368 : i1 to i32
    %sign3A_370 = arith.constant 0 : i32
    %sign3A_371 = arith.cmpi slt, %jit3A_355, %sign3A_370 : i32
    %sign3A_372 = arith.extui %sign3A_371 : i1 to i32
    %sign3A_373 = arith.subi %sign3A_369, %sign3A_372 : i32
    %ne3A_374 = vector.broadcast %sign3A_373 : i32 to vector<1024x1xi32>
    %ne3A_375 = arith.cmpi ne, %sign3A_366, %ne3A_374 : vector<1024x1xi32>
    %rem3A_376 = vector.broadcast %jit3A_355 : i32 to vector<1024x1xi32>
    %rem3A_377 = arith.remsi %get3A_354, %rem3A_376 : vector<1024x1xi32>
    %ne3A_378 = arith.constant 0 : i32
    %ne3A_379 = vector.broadcast %ne3A_378 : i32 to vector<1024x1xi32>
    %ne3A_380 = arith.cmpi ne, %rem3A_377, %ne3A_379 : vector<1024x1xi32>
    %and3A_381 = arith.andi %ne3A_375, %ne3A_380 : vector<1024x1xi1>
    %sub3A_382 = arith.constant 1 : i32
    %sub3A_383 = vector.broadcast %sub3A_382 : i32 to vector<1024x1xi32>
    %sub3A_384 = arith.subi %div3A_357, %sub3A_383 : vector<1024x1xi32>
    %select_n3A_385 = arith.select %and3A_381, %sub3A_384, %div3A_357 : vector<1024x1xi1>, vector<1024x1xi32>
    %mul3A_386 = arith.constant 128 : i32
    %mul3A_387 = vector.broadcast %mul3A_386 : i32 to vector<1024x1xi32>
    %mul3A_388 = arith.muli %select_n3A_385, %mul3A_387 : vector<1024x1xi32>
    %add3A_389 = vector.broadcast %mul3A_388 : vector<1024x1xi32> to vector<1024x128xi32>
    %add3A_390 = vector.broadcast %iota3A : vector<1x128xi32> to vector<1024x128xi32>
    %add3A_391 = arith.addi %add3A_389, %add3A_390 : vector<1024x128xi32>
    %get3A_392 = arith.constant 0 : index
    %get3A_393 = arith.constant 10 : index
    %get3A_394 = vector.load %arg1[%get3A_392, %get3A_393] : memref<1024x16xi32, #tpu.memory_space<vmem>>, vector<1024x1xi32>
    %jit3A_395 = arith.constant 1024 : i32
    %div3A_396 = vector.broadcast %jit3A_395 : i32 to vector<1024x1xi32>
    %div3A_397 = arith.divsi %get3A_394, %div3A_396 : vector<1024x1xi32>
    %sign3A_398 = arith.constant 0 : i32
    %sign3A_399 = vector.broadcast %sign3A_398 : i32 to vector<1024x1xi32>
    %sign3A_400 = arith.cmpi sgt, %get3A_394, %sign3A_399 : vector<1024x1xi32>
    %sign3A_401 = arith.extui %sign3A_400 : vector<1024x1xi1> to vector<1024x1xi32>
    %sign3A_402 = arith.constant 0 : i32
    %sign3A_403 = vector.broadcast %sign3A_402 : i32 to vector<1024x1xi32>
    %sign3A_404 = arith.cmpi slt, %get3A_394, %sign3A_403 : vector<1024x1xi32>
    %sign3A_405 = arith.extui %sign3A_404 : vector<1024x1xi1> to vector<1024x1xi32>
    %sign3A_406 = arith.subi %sign3A_401, %sign3A_405 : vector<1024x1xi32>
    %sign3A_407 = arith.constant 0 : i32
    %sign3A_408 = arith.cmpi sgt, %jit3A_395, %sign3A_407 : i32
    %sign3A_409 = arith.extui %sign3A_408 : i1 to i32
    %sign3A_410 = arith.constant 0 : i32
    %sign3A_411 = arith.cmpi slt, %jit3A_395, %sign3A_410 : i32
    %sign3A_412 = arith.extui %sign3A_411 : i1 to i32
    %sign3A_413 = arith.subi %sign3A_409, %sign3A_412 : i32
    %ne3A_414 = vector.broadcast %sign3A_413 : i32 to vector<1024x1xi32>
    %ne3A_415 = arith.cmpi ne, %sign3A_406, %ne3A_414 : vector<1024x1xi32>
    %rem3A_416 = vector.broadcast %jit3A_395 : i32 to vector<1024x1xi32>
    %rem3A_417 = arith.remsi %get3A_394, %rem3A_416 : vector<1024x1xi32>
    %ne3A_418 = arith.constant 0 : i32
    %ne3A_419 = vector.broadcast %ne3A_418 : i32 to vector<1024x1xi32>
    %ne3A_420 = arith.cmpi ne, %rem3A_417, %ne3A_419 : vector<1024x1xi32>
    %and3A_421 = arith.andi %ne3A_415, %ne3A_420 : vector<1024x1xi1>
    %sub3A_422 = arith.constant 1 : i32
    %sub3A_423 = vector.broadcast %sub3A_422 : i32 to vector<1024x1xi32>
    %sub3A_424 = arith.subi %div3A_397, %sub3A_423 : vector<1024x1xi32>
    %select_n3A_425 = arith.select %and3A_421, %sub3A_424, %div3A_397 : vector<1024x1xi1>, vector<1024x1xi32>
    %mul3A_426 = arith.constant 128 : i32
    %mul3A_427 = vector.broadcast %mul3A_426 : i32 to vector<1024x1xi32>
    %mul3A_428 = arith.muli %select_n3A_425, %mul3A_427 : vector<1024x1xi32>
    %add3A_429 = vector.broadcast %mul3A_428 : vector<1024x1xi32> to vector<1024x128xi32>
    %add3A_430 = vector.broadcast %iota3A : vector<1x128xi32> to vector<1024x128xi32>
    %add3A_431 = arith.addi %add3A_429, %add3A_430 : vector<1024x128xi32>
    %get3A_432 = arith.constant 0 : index
    %get3A_433 = arith.constant 11 : index
    %get3A_434 = vector.load %arg1[%get3A_432, %get3A_433] : memref<1024x16xi32, #tpu.memory_space<vmem>>, vector<1024x1xi32>
    %jit3A_435 = arith.constant 1024 : i32
    %div3A_436 = vector.broadcast %jit3A_435 : i32 to vector<1024x1xi32>
    %div3A_437 = arith.divsi %get3A_434, %div3A_436 : vector<1024x1xi32>
    %sign3A_438 = arith.constant 0 : i32
    %sign3A_439 = vector.broadcast %sign3A_438 : i32 to vector<1024x1xi32>
    %sign3A_440 = arith.cmpi sgt, %get3A_434, %sign3A_439 : vector<1024x1xi32>
    %sign3A_441 = arith.extui %sign3A_440 : vector<1024x1xi1> to vector<1024x1xi32>
    %sign3A_442 = arith.constant 0 : i32
    %sign3A_443 = vector.broadcast %sign3A_442 : i32 to vector<1024x1xi32>
    %sign3A_444 = arith.cmpi slt, %get3A_434, %sign3A_443 : vector<1024x1xi32>
    %sign3A_445 = arith.extui %sign3A_444 : vector<1024x1xi1> to vector<1024x1xi32>
    %sign3A_446 = arith.subi %sign3A_441, %sign3A_445 : vector<1024x1xi32>
    %sign3A_447 = arith.constant 0 : i32
    %sign3A_448 = arith.cmpi sgt, %jit3A_435, %sign3A_447 : i32
    %sign3A_449 = arith.extui %sign3A_448 : i1 to i32
    %sign3A_450 = arith.constant 0 : i32
    %sign3A_451 = arith.cmpi slt, %jit3A_435, %sign3A_450 : i32
    %sign3A_452 = arith.extui %sign3A_451 : i1 to i32
    %sign3A_453 = arith.subi %sign3A_449, %sign3A_452 : i32
    %ne3A_454 = vector.broadcast %sign3A_453 : i32 to vector<1024x1xi32>
    %ne3A_455 = arith.cmpi ne, %sign3A_446, %ne3A_454 : vector<1024x1xi32>
    %rem3A_456 = vector.broadcast %jit3A_435 : i32 to vector<1024x1xi32>
    %rem3A_457 = arith.remsi %get3A_434, %rem3A_456 : vector<1024x1xi32>
    %ne3A_458 = arith.constant 0 : i32
    %ne3A_459 = vector.broadcast %ne3A_458 : i32 to vector<1024x1xi32>
    %ne3A_460 = arith.cmpi ne, %rem3A_457, %ne3A_459 : vector<1024x1xi32>
    %and3A_461 = arith.andi %ne3A_455, %ne3A_460 : vector<1024x1xi1>
    %sub3A_462 = arith.constant 1 : i32
    %sub3A_463 = vector.broadcast %sub3A_462 : i32 to vector<1024x1xi32>
    %sub3A_464 = arith.subi %div3A_437, %sub3A_463 : vector<1024x1xi32>
    %select_n3A_465 = arith.select %and3A_461, %sub3A_464, %div3A_437 : vector<1024x1xi1>, vector<1024x1xi32>
    %mul3A_466 = arith.constant 128 : i32
    %mul3A_467 = vector.broadcast %mul3A_466 : i32 to vector<1024x1xi32>
    %mul3A_468 = arith.muli %select_n3A_465, %mul3A_467 : vector<1024x1xi32>
    %add3A_469 = vector.broadcast %mul3A_468 : vector<1024x1xi32> to vector<1024x128xi32>
    %add3A_470 = vector.broadcast %iota3A : vector<1x128xi32> to vector<1024x128xi32>
    %add3A_471 = arith.addi %add3A_469, %add3A_470 : vector<1024x128xi32>
    %get3A_472 = arith.constant 0 : index
    %get3A_473 = arith.constant 12 : index
    %get3A_474 = vector.load %arg1[%get3A_472, %get3A_473] : memref<1024x16xi32, #tpu.memory_space<vmem>>, vector<1024x1xi32>
    %jit3A_475 = arith.constant 1024 : i32
    %div3A_476 = vector.broadcast %jit3A_475 : i32 to vector<1024x1xi32>
    %div3A_477 = arith.divsi %get3A_474, %div3A_476 : vector<1024x1xi32>
    %sign3A_478 = arith.constant 0 : i32
    %sign3A_479 = vector.broadcast %sign3A_478 : i32 to vector<1024x1xi32>
    %sign3A_480 = arith.cmpi sgt, %get3A_474, %sign3A_479 : vector<1024x1xi32>
    %sign3A_481 = arith.extui %sign3A_480 : vector<1024x1xi1> to vector<1024x1xi32>
    %sign3A_482 = arith.constant 0 : i32
    %sign3A_483 = vector.broadcast %sign3A_482 : i32 to vector<1024x1xi32>
    %sign3A_484 = arith.cmpi slt, %get3A_474, %sign3A_483 : vector<1024x1xi32>
    %sign3A_485 = arith.extui %sign3A_484 : vector<1024x1xi1> to vector<1024x1xi32>
    %sign3A_486 = arith.subi %sign3A_481, %sign3A_485 : vector<1024x1xi32>
    %sign3A_487 = arith.constant 0 : i32
    %sign3A_488 = arith.cmpi sgt, %jit3A_475, %sign3A_487 : i32
    %sign3A_489 = arith.extui %sign3A_488 : i1 to i32
    %sign3A_490 = arith.constant 0 : i32
    %sign3A_491 = arith.cmpi slt, %jit3A_475, %sign3A_490 : i32
    %sign3A_492 = arith.extui %sign3A_491 : i1 to i32
    %sign3A_493 = arith.subi %sign3A_489, %sign3A_492 : i32
    %ne3A_494 = vector.broadcast %sign3A_493 : i32 to vector<1024x1xi32>
    %ne3A_495 = arith.cmpi ne, %sign3A_486, %ne3A_494 : vector<1024x1xi32>
    %rem3A_496 = vector.broadcast %jit3A_475 : i32 to vector<1024x1xi32>
    %rem3A_497 = arith.remsi %get3A_474, %rem3A_496 : vector<1024x1xi32>
    %ne3A_498 = arith.constant 0 : i32
    %ne3A_499 = vector.broadcast %ne3A_498 : i32 to vector<1024x1xi32>
    %ne3A_500 = arith.cmpi ne, %rem3A_497, %ne3A_499 : vector<1024x1xi32>
    %and3A_501 = arith.andi %ne3A_495, %ne3A_500 : vector<1024x1xi1>
    %sub3A_502 = arith.constant 1 : i32
    %sub3A_503 = vector.broadcast %sub3A_502 : i32 to vector<1024x1xi32>
    %sub3A_504 = arith.subi %div3A_477, %sub3A_503 : vector<1024x1xi32>
    %select_n3A_505 = arith.select %and3A_501, %sub3A_504, %div3A_477 : vector<1024x1xi1>, vector<1024x1xi32>
    %mul3A_506 = arith.constant 128 : i32
    %mul3A_507 = vector.broadcast %mul3A_506 : i32 to vector<1024x1xi32>
    %mul3A_508 = arith.muli %select_n3A_505, %mul3A_507 : vector<1024x1xi32>
    %add3A_509 = vector.broadcast %mul3A_508 : vector<1024x1xi32> to vector<1024x128xi32>
    %add3A_510 = vector.broadcast %iota3A : vector<1x128xi32> to vector<1024x128xi32>
    %add3A_511 = arith.addi %add3A_509, %add3A_510 : vector<1024x128xi32>
    %get3A_512 = arith.constant 0 : index
    %get3A_513 = arith.constant 13 : index
    %get3A_514 = vector.load %arg1[%get3A_512, %get3A_513] : memref<1024x16xi32, #tpu.memory_space<vmem>>, vector<1024x1xi32>
    %jit3A_515 = arith.constant 1024 : i32
    %div3A_516 = vector.broadcast %jit3A_515 : i32 to vector<1024x1xi32>
    %div3A_517 = arith.divsi %get3A_514, %div3A_516 : vector<1024x1xi32>
    %sign3A_518 = arith.constant 0 : i32
    %sign3A_519 = vector.broadcast %sign3A_518 : i32 to vector<1024x1xi32>
    %sign3A_520 = arith.cmpi sgt, %get3A_514, %sign3A_519 : vector<1024x1xi32>
    %sign3A_521 = arith.extui %sign3A_520 : vector<1024x1xi1> to vector<1024x1xi32>
    %sign3A_522 = arith.constant 0 : i32
    %sign3A_523 = vector.broadcast %sign3A_522 : i32 to vector<1024x1xi32>
    %sign3A_524 = arith.cmpi slt, %get3A_514, %sign3A_523 : vector<1024x1xi32>
    %sign3A_525 = arith.extui %sign3A_524 : vector<1024x1xi1> to vector<1024x1xi32>
    %sign3A_526 = arith.subi %sign3A_521, %sign3A_525 : vector<1024x1xi32>
    %sign3A_527 = arith.constant 0 : i32
    %sign3A_528 = arith.cmpi sgt, %jit3A_515, %sign3A_527 : i32
    %sign3A_529 = arith.extui %sign3A_528 : i1 to i32
    %sign3A_530 = arith.constant 0 : i32
    %sign3A_531 = arith.cmpi slt, %jit3A_515, %sign3A_530 : i32
    %sign3A_532 = arith.extui %sign3A_531 : i1 to i32
    %sign3A_533 = arith.subi %sign3A_529, %sign3A_532 : i32
    %ne3A_534 = vector.broadcast %sign3A_533 : i32 to vector<1024x1xi32>
    %ne3A_535 = arith.cmpi ne, %sign3A_526, %ne3A_534 : vector<1024x1xi32>
    %rem3A_536 = vector.broadcast %jit3A_515 : i32 to vector<1024x1xi32>
    %rem3A_537 = arith.remsi %get3A_514, %rem3A_536 : vector<1024x1xi32>
    %ne3A_538 = arith.constant 0 : i32
    %ne3A_539 = vector.broadcast %ne3A_538 : i32 to vector<1024x1xi32>
    %ne3A_540 = arith.cmpi ne, %rem3A_537, %ne3A_539 : vector<1024x1xi32>
    %and3A_541 = arith.andi %ne3A_535, %ne3A_540 : vector<1024x1xi1>
    %sub3A_542 = arith.constant 1 : i32
    %sub3A_543 = vector.broadcast %sub3A_542 : i32 to vector<1024x1xi32>
    %sub3A_544 = arith.subi %div3A_517, %sub3A_543 : vector<1024x1xi32>
    %select_n3A_545 = arith.select %and3A_541, %sub3A_544, %div3A_517 : vector<1024x1xi1>, vector<1024x1xi32>
    %mul3A_546 = arith.constant 128 : i32
    %mul3A_547 = vector.broadcast %mul3A_546 : i32 to vector<1024x1xi32>
    %mul3A_548 = arith.muli %select_n3A_545, %mul3A_547 : vector<1024x1xi32>
    %add3A_549 = vector.broadcast %mul3A_548 : vector<1024x1xi32> to vector<1024x128xi32>
    %add3A_550 = vector.broadcast %iota3A : vector<1x128xi32> to vector<1024x128xi32>
    %add3A_551 = arith.addi %add3A_549, %add3A_550 : vector<1024x128xi32>
    %get3A_552 = arith.constant 0 : index
    %get3A_553 = arith.constant 14 : index
    %get3A_554 = vector.load %arg1[%get3A_552, %get3A_553] : memref<1024x16xi32, #tpu.memory_space<vmem>>, vector<1024x1xi32>
    %jit3A_555 = arith.constant 1024 : i32
    %div3A_556 = vector.broadcast %jit3A_555 : i32 to vector<1024x1xi32>
    %div3A_557 = arith.divsi %get3A_554, %div3A_556 : vector<1024x1xi32>
    %sign3A_558 = arith.constant 0 : i32
    %sign3A_559 = vector.broadcast %sign3A_558 : i32 to vector<1024x1xi32>
    %sign3A_560 = arith.cmpi sgt, %get3A_554, %sign3A_559 : vector<1024x1xi32>
    %sign3A_561 = arith.extui %sign3A_560 : vector<1024x1xi1> to vector<1024x1xi32>
    %sign3A_562 = arith.constant 0 : i32
    %sign3A_563 = vector.broadcast %sign3A_562 : i32 to vector<1024x1xi32>
    %sign3A_564 = arith.cmpi slt, %get3A_554, %sign3A_563 : vector<1024x1xi32>
    %sign3A_565 = arith.extui %sign3A_564 : vector<1024x1xi1> to vector<1024x1xi32>
    %sign3A_566 = arith.subi %sign3A_561, %sign3A_565 : vector<1024x1xi32>
    %sign3A_567 = arith.constant 0 : i32
    %sign3A_568 = arith.cmpi sgt, %jit3A_555, %sign3A_567 : i32
    %sign3A_569 = arith.extui %sign3A_568 : i1 to i32
    %sign3A_570 = arith.constant 0 : i32
    %sign3A_571 = arith.cmpi slt, %jit3A_555, %sign3A_570 : i32
    %sign3A_572 = arith.extui %sign3A_571 : i1 to i32
    %sign3A_573 = arith.subi %sign3A_569, %sign3A_572 : i32
    %ne3A_574 = vector.broadcast %sign3A_573 : i32 to vector<1024x1xi32>
    %ne3A_575 = arith.cmpi ne, %sign3A_566, %ne3A_574 : vector<1024x1xi32>
    %rem3A_576 = vector.broadcast %jit3A_555 : i32 to vector<1024x1xi32>
    %rem3A_577 = arith.remsi %get3A_554, %rem3A_576 : vector<1024x1xi32>
    %ne3A_578 = arith.constant 0 : i32
    %ne3A_579 = vector.broadcast %ne3A_578 : i32 to vector<1024x1xi32>
    %ne3A_580 = arith.cmpi ne, %rem3A_577, %ne3A_579 : vector<1024x1xi32>
    %and3A_581 = arith.andi %ne3A_575, %ne3A_580 : vector<1024x1xi1>
    %sub3A_582 = arith.constant 1 : i32
    %sub3A_583 = vector.broadcast %sub3A_582 : i32 to vector<1024x1xi32>
    %sub3A_584 = arith.subi %div3A_557, %sub3A_583 : vector<1024x1xi32>
    %select_n3A_585 = arith.select %and3A_581, %sub3A_584, %div3A_557 : vector<1024x1xi1>, vector<1024x1xi32>
    %mul3A_586 = arith.constant 128 : i32
    %mul3A_587 = vector.broadcast %mul3A_586 : i32 to vector<1024x1xi32>
    %mul3A_588 = arith.muli %select_n3A_585, %mul3A_587 : vector<1024x1xi32>
    %add3A_589 = vector.broadcast %mul3A_588 : vector<1024x1xi32> to vector<1024x128xi32>
    %add3A_590 = vector.broadcast %iota3A : vector<1x128xi32> to vector<1024x128xi32>
    %add3A_591 = arith.addi %add3A_589, %add3A_590 : vector<1024x128xi32>
    %get3A_592 = arith.constant 0 : index
    %get3A_593 = arith.constant 15 : index
    %get3A_594 = vector.load %arg1[%get3A_592, %get3A_593] : memref<1024x16xi32, #tpu.memory_space<vmem>>, vector<1024x1xi32>
    %jit3A_595 = arith.constant 1024 : i32
    %div3A_596 = vector.broadcast %jit3A_595 : i32 to vector<1024x1xi32>
    %div3A_597 = arith.divsi %get3A_594, %div3A_596 : vector<1024x1xi32>
    %sign3A_598 = arith.constant 0 : i32
    %sign3A_599 = vector.broadcast %sign3A_598 : i32 to vector<1024x1xi32>
    %sign3A_600 = arith.cmpi sgt, %get3A_594, %sign3A_599 : vector<1024x1xi32>
    %sign3A_601 = arith.extui %sign3A_600 : vector<1024x1xi1> to vector<1024x1xi32>
    %sign3A_602 = arith.constant 0 : i32
    %sign3A_603 = vector.broadcast %sign3A_602 : i32 to vector<1024x1xi32>
    %sign3A_604 = arith.cmpi slt, %get3A_594, %sign3A_603 : vector<1024x1xi32>
    %sign3A_605 = arith.extui %sign3A_604 : vector<1024x1xi1> to vector<1024x1xi32>
    %sign3A_606 = arith.subi %sign3A_601, %sign3A_605 : vector<1024x1xi32>
    %sign3A_607 = arith.constant 0 : i32
    %sign3A_608 = arith.cmpi sgt, %jit3A_595, %sign3A_607 : i32
    %sign3A_609 = arith.extui %sign3A_608 : i1 to i32
    %sign3A_610 = arith.constant 0 : i32
    %sign3A_611 = arith.cmpi slt, %jit3A_595, %sign3A_610 : i32
    %sign3A_612 = arith.extui %sign3A_611 : i1 to i32
    %sign3A_613 = arith.subi %sign3A_609, %sign3A_612 : i32
    %ne3A_614 = vector.broadcast %sign3A_613 : i32 to vector<1024x1xi32>
    %ne3A_615 = arith.cmpi ne, %sign3A_606, %ne3A_614 : vector<1024x1xi32>
    %rem3A_616 = vector.broadcast %jit3A_595 : i32 to vector<1024x1xi32>
    %rem3A_617 = arith.remsi %get3A_594, %rem3A_616 : vector<1024x1xi32>
    %ne3A_618 = arith.constant 0 : i32
    %ne3A_619 = vector.broadcast %ne3A_618 : i32 to vector<1024x1xi32>
    %ne3A_620 = arith.cmpi ne, %rem3A_617, %ne3A_619 : vector<1024x1xi32>
    %and3A_621 = arith.andi %ne3A_615, %ne3A_620 : vector<1024x1xi1>
    %sub3A_622 = arith.constant 1 : i32
    %sub3A_623 = vector.broadcast %sub3A_622 : i32 to vector<1024x1xi32>
    %sub3A_624 = arith.subi %div3A_597, %sub3A_623 : vector<1024x1xi32>
    %select_n3A_625 = arith.select %and3A_621, %sub3A_624, %div3A_597 : vector<1024x1xi1>, vector<1024x1xi32>
    %mul3A_626 = arith.constant 128 : i32
    %mul3A_627 = vector.broadcast %mul3A_626 : i32 to vector<1024x1xi32>
    %mul3A_628 = arith.muli %select_n3A_625, %mul3A_627 : vector<1024x1xi32>
    %add3A_629 = vector.broadcast %mul3A_628 : vector<1024x1xi32> to vector<1024x128xi32>
    %add3A_630 = vector.broadcast %iota3A : vector<1x128xi32> to vector<1024x128xi32>
    %add3A_631 = arith.addi %add3A_629, %add3A_630 : vector<1024x128xi32>
    %concatenate3A = tpu.concatenate %add3A_31, %add3A_71, %add3A_111, %add3A_151, %add3A_191, %add3A_231, %add3A_271, %add3A_311, %add3A_351, %add3A_391, %add3A_431, %add3A_471, %add3A_511, %add3A_551, %add3A_591, %add3A_631 in 1 : vector<1024x128xi32>, vector<1024x128xi32>, vector<1024x128xi32>, vector<1024x128xi32>, vector<1024x128xi32>, vector<1024x128xi32>, vector<1024x128xi32>, vector<1024x128xi32>, vector<1024x128xi32>, vector<1024x128xi32>, vector<1024x128xi32>, vector<1024x128xi32>, vector<1024x128xi32>, vector<1024x128xi32>, vector<1024x128xi32>, vector<1024x128xi32> -> vector<1024x2048xi32>
    %reduce_max3A = arith.constant dense<0xFF800000> : vector<1024xf32>
    %reduce_max3A_632 = vector.multi_reduction <maximumf>, %get3A_1, %reduce_max3A [1] : vector<1024x2048xf32> to vector<1024xf32>
    %broadcast_in_dim3A = vector.shape_cast %reduce_max3A_632 : vector<1024xf32> to vector<1024x1xf32>
    %eq3A = vector.broadcast %broadcast_in_dim3A : vector<1024x1xf32> to vector<1024x2048xf32>
    %eq3A_633 = arith.cmpf oeq, %get3A_1, %eq3A : vector<1024x2048xf32>
    %jit3A_634 = arith.constant 100352 : i32
    %broadcast_in_dim3A_635 = vector.broadcast %jit3A_634 : i32 to vector<1024x2048xi32>
    %select_n3A_636 = arith.select %eq3A_633, %concatenate3A, %broadcast_in_dim3A_635 : vector<1024x2048xi1>, vector<1024x2048xi32>
    %reduce_min3A = arith.constant dense<2147483647> : vector<1024xi32>
    %reduce_min3A_637 = vector.multi_reduction <minsi>, %select_n3A_636, %reduce_min3A [1] : vector<1024x2048xi32> to vector<1024xi32>
    %broadcast_in_dim3A_638 = vector.shape_cast %reduce_min3A_637 : vector<1024xi32> to vector<1024x1xi32>
    %eq3A_639 = vector.broadcast %broadcast_in_dim3A_638 : vector<1024x1xi32> to vector<1024x2048xi32>
    %eq3A_640 = arith.cmpi eq, %concatenate3A, %eq3A_639 : vector<1024x2048xi32>
    %jit3A_641 = arith.constant -3.000000e+38 : f32
    %broadcast_in_dim3A_642 = vector.broadcast %jit3A_641 : f32 to vector<1024x2048xf32>
    %select_n3A_643 = arith.select %eq3A_640, %broadcast_in_dim3A_642, %get3A_1 : vector<1024x2048xi1>, vector<1024x2048xf32>
    %reduce_max3A_644 = arith.constant dense<0xFF800000> : vector<1024xf32>
    %reduce_max3A_645 = vector.multi_reduction <maximumf>, %select_n3A_643, %reduce_max3A_644 [1] : vector<1024x2048xf32> to vector<1024xf32>
    %broadcast_in_dim3A_646 = vector.shape_cast %reduce_max3A_645 : vector<1024xf32> to vector<1024x1xf32>
    %eq3A_647 = vector.broadcast %broadcast_in_dim3A_646 : vector<1024x1xf32> to vector<1024x2048xf32>
    %eq3A_648 = arith.cmpf oeq, %select_n3A_643, %eq3A_647 : vector<1024x2048xf32>
    %jit3A_649 = arith.constant 100352 : i32
    %broadcast_in_dim3A_650 = vector.broadcast %jit3A_649 : i32 to vector<1024x2048xi32>
    %select_n3A_651 = arith.select %eq3A_648, %concatenate3A, %broadcast_in_dim3A_650 : vector<1024x2048xi1>, vector<1024x2048xi32>
    %reduce_min3A_652 = arith.constant dense<2147483647> : vector<1024xi32>
    %reduce_min3A_653 = vector.multi_reduction <minsi>, %select_n3A_651, %reduce_min3A_652 [1] : vector<1024x2048xi32> to vector<1024xi32>
    %broadcast_in_dim3A_654 = vector.shape_cast %reduce_min3A_653 : vector<1024xi32> to vector<1024x1xi32>
    %eq3A_655 = vector.broadcast %broadcast_in_dim3A_654 : vector<1024x1xi32> to vector<1024x2048xi32>
    %eq3A_656 = arith.cmpi eq, %concatenate3A, %eq3A_655 : vector<1024x2048xi32>
    %jit3A_657 = arith.constant -3.000000e+38 : f32
    %broadcast_in_dim3A_658 = vector.broadcast %jit3A_657 : f32 to vector<1024x2048xf32>
    %select_n3A_659 = arith.select %eq3A_656, %broadcast_in_dim3A_658, %select_n3A_643 : vector<1024x2048xi1>, vector<1024x2048xf32>
    %reduce_max3A_660 = arith.constant dense<0xFF800000> : vector<1024xf32>
    %reduce_max3A_661 = vector.multi_reduction <maximumf>, %select_n3A_659, %reduce_max3A_660 [1] : vector<1024x2048xf32> to vector<1024xf32>
    %broadcast_in_dim3A_662 = vector.shape_cast %reduce_max3A_661 : vector<1024xf32> to vector<1024x1xf32>
    %eq3A_663 = vector.broadcast %broadcast_in_dim3A_662 : vector<1024x1xf32> to vector<1024x2048xf32>
    %eq3A_664 = arith.cmpf oeq, %select_n3A_659, %eq3A_663 : vector<1024x2048xf32>
    %jit3A_665 = arith.constant 100352 : i32
    %broadcast_in_dim3A_666 = vector.broadcast %jit3A_665 : i32 to vector<1024x2048xi32>
    %select_n3A_667 = arith.select %eq3A_664, %concatenate3A, %broadcast_in_dim3A_666 : vector<1024x2048xi1>, vector<1024x2048xi32>
    %reduce_min3A_668 = arith.constant dense<2147483647> : vector<1024xi32>
    %reduce_min3A_669 = vector.multi_reduction <minsi>, %select_n3A_667, %reduce_min3A_668 [1] : vector<1024x2048xi32> to vector<1024xi32>
    %broadcast_in_dim3A_670 = vector.shape_cast %reduce_min3A_669 : vector<1024xi32> to vector<1024x1xi32>
    %eq3A_671 = vector.broadcast %broadcast_in_dim3A_670 : vector<1024x1xi32> to vector<1024x2048xi32>
    %eq3A_672 = arith.cmpi eq, %concatenate3A, %eq3A_671 : vector<1024x2048xi32>
    %jit3A_673 = arith.constant -3.000000e+38 : f32
    %broadcast_in_dim3A_674 = vector.broadcast %jit3A_673 : f32 to vector<1024x2048xf32>
    %select_n3A_675 = arith.select %eq3A_672, %broadcast_in_dim3A_674, %select_n3A_659 : vector<1024x2048xi1>, vector<1024x2048xf32>
    %reduce_max3A_676 = arith.constant dense<0xFF800000> : vector<1024xf32>
    %reduce_max3A_677 = vector.multi_reduction <maximumf>, %select_n3A_675, %reduce_max3A_676 [1] : vector<1024x2048xf32> to vector<1024xf32>
    %broadcast_in_dim3A_678 = vector.shape_cast %reduce_max3A_677 : vector<1024xf32> to vector<1024x1xf32>
    %eq3A_679 = vector.broadcast %broadcast_in_dim3A_678 : vector<1024x1xf32> to vector<1024x2048xf32>
    %eq3A_680 = arith.cmpf oeq, %select_n3A_675, %eq3A_679 : vector<1024x2048xf32>
    %jit3A_681 = arith.constant 100352 : i32
    %broadcast_in_dim3A_682 = vector.broadcast %jit3A_681 : i32 to vector<1024x2048xi32>
    %select_n3A_683 = arith.select %eq3A_680, %concatenate3A, %broadcast_in_dim3A_682 : vector<1024x2048xi1>, vector<1024x2048xi32>
    %reduce_min3A_684 = arith.constant dense<2147483647> : vector<1024xi32>
    %reduce_min3A_685 = vector.multi_reduction <minsi>, %select_n3A_683, %reduce_min3A_684 [1] : vector<1024x2048xi32> to vector<1024xi32>
    %broadcast_in_dim3A_686 = vector.shape_cast %reduce_min3A_685 : vector<1024xi32> to vector<1024x1xi32>
    %eq3A_687 = vector.broadcast %broadcast_in_dim3A_686 : vector<1024x1xi32> to vector<1024x2048xi32>
    %eq3A_688 = arith.cmpi eq, %concatenate3A, %eq3A_687 : vector<1024x2048xi32>
    %jit3A_689 = arith.constant -3.000000e+38 : f32
    %broadcast_in_dim3A_690 = vector.broadcast %jit3A_689 : f32 to vector<1024x2048xf32>
    %select_n3A_691 = arith.select %eq3A_688, %broadcast_in_dim3A_690, %select_n3A_675 : vector<1024x2048xi1>, vector<1024x2048xf32>
    %reduce_max3A_692 = arith.constant dense<0xFF800000> : vector<1024xf32>
    %reduce_max3A_693 = vector.multi_reduction <maximumf>, %select_n3A_691, %reduce_max3A_692 [1] : vector<1024x2048xf32> to vector<1024xf32>
    %broadcast_in_dim3A_694 = vector.shape_cast %reduce_max3A_693 : vector<1024xf32> to vector<1024x1xf32>
    %eq3A_695 = vector.broadcast %broadcast_in_dim3A_694 : vector<1024x1xf32> to vector<1024x2048xf32>
    %eq3A_696 = arith.cmpf oeq, %select_n3A_691, %eq3A_695 : vector<1024x2048xf32>
    %jit3A_697 = arith.constant 100352 : i32
    %broadcast_in_dim3A_698 = vector.broadcast %jit3A_697 : i32 to vector<1024x2048xi32>
    %select_n3A_699 = arith.select %eq3A_696, %concatenate3A, %broadcast_in_dim3A_698 : vector<1024x2048xi1>, vector<1024x2048xi32>
    %reduce_min3A_700 = arith.constant dense<2147483647> : vector<1024xi32>
    %reduce_min3A_701 = vector.multi_reduction <minsi>, %select_n3A_699, %reduce_min3A_700 [1] : vector<1024x2048xi32> to vector<1024xi32>
    %broadcast_in_dim3A_702 = vector.shape_cast %reduce_min3A_701 : vector<1024xi32> to vector<1024x1xi32>
    %eq3A_703 = vector.broadcast %broadcast_in_dim3A_702 : vector<1024x1xi32> to vector<1024x2048xi32>
    %eq3A_704 = arith.cmpi eq, %concatenate3A, %eq3A_703 : vector<1024x2048xi32>
    %jit3A_705 = arith.constant -3.000000e+38 : f32
    %broadcast_in_dim3A_706 = vector.broadcast %jit3A_705 : f32 to vector<1024x2048xf32>
    %select_n3A_707 = arith.select %eq3A_704, %broadcast_in_dim3A_706, %select_n3A_691 : vector<1024x2048xi1>, vector<1024x2048xf32>
    %reduce_max3A_708 = arith.constant dense<0xFF800000> : vector<1024xf32>
    %reduce_max3A_709 = vector.multi_reduction <maximumf>, %select_n3A_707, %reduce_max3A_708 [1] : vector<1024x2048xf32> to vector<1024xf32>
    %broadcast_in_dim3A_710 = vector.shape_cast %reduce_max3A_709 : vector<1024xf32> to vector<1024x1xf32>
    %eq3A_711 = vector.broadcast %broadcast_in_dim3A_710 : vector<1024x1xf32> to vector<1024x2048xf32>
    %eq3A_712 = arith.cmpf oeq, %select_n3A_707, %eq3A_711 : vector<1024x2048xf32>
    %jit3A_713 = arith.constant 100352 : i32
    %broadcast_in_dim3A_714 = vector.broadcast %jit3A_713 : i32 to vector<1024x2048xi32>
    %select_n3A_715 = arith.select %eq3A_712, %concatenate3A, %broadcast_in_dim3A_714 : vector<1024x2048xi1>, vector<1024x2048xi32>
    %reduce_min3A_716 = arith.constant dense<2147483647> : vector<1024xi32>
    %reduce_min3A_717 = vector.multi_reduction <minsi>, %select_n3A_715, %reduce_min3A_716 [1] : vector<1024x2048xi32> to vector<1024xi32>
    %broadcast_in_dim3A_718 = vector.shape_cast %reduce_min3A_717 : vector<1024xi32> to vector<1024x1xi32>
    %eq3A_719 = vector.broadcast %broadcast_in_dim3A_718 : vector<1024x1xi32> to vector<1024x2048xi32>
    %eq3A_720 = arith.cmpi eq, %concatenate3A, %eq3A_719 : vector<1024x2048xi32>
    %jit3A_721 = arith.constant -3.000000e+38 : f32
    %broadcast_in_dim3A_722 = vector.broadcast %jit3A_721 : f32 to vector<1024x2048xf32>
    %select_n3A_723 = arith.select %eq3A_720, %broadcast_in_dim3A_722, %select_n3A_707 : vector<1024x2048xi1>, vector<1024x2048xf32>
    %reduce_max3A_724 = arith.constant dense<0xFF800000> : vector<1024xf32>
    %reduce_max3A_725 = vector.multi_reduction <maximumf>, %select_n3A_723, %reduce_max3A_724 [1] : vector<1024x2048xf32> to vector<1024xf32>
    %broadcast_in_dim3A_726 = vector.shape_cast %reduce_max3A_725 : vector<1024xf32> to vector<1024x1xf32>
    %eq3A_727 = vector.broadcast %broadcast_in_dim3A_726 : vector<1024x1xf32> to vector<1024x2048xf32>
    %eq3A_728 = arith.cmpf oeq, %select_n3A_723, %eq3A_727 : vector<1024x2048xf32>
    %jit3A_729 = arith.constant 100352 : i32
    %broadcast_in_dim3A_730 = vector.broadcast %jit3A_729 : i32 to vector<1024x2048xi32>
    %select_n3A_731 = arith.select %eq3A_728, %concatenate3A, %broadcast_in_dim3A_730 : vector<1024x2048xi1>, vector<1024x2048xi32>
    %reduce_min3A_732 = arith.constant dense<2147483647> : vector<1024xi32>
    %reduce_min3A_733 = vector.multi_reduction <minsi>, %select_n3A_731, %reduce_min3A_732 [1] : vector<1024x2048xi32> to vector<1024xi32>
    %broadcast_in_dim3A_734 = vector.shape_cast %reduce_min3A_733 : vector<1024xi32> to vector<1024x1xi32>
    %eq3A_735 = vector.broadcast %broadcast_in_dim3A_734 : vector<1024x1xi32> to vector<1024x2048xi32>
    %eq3A_736 = arith.cmpi eq, %concatenate3A, %eq3A_735 : vector<1024x2048xi32>
    %jit3A_737 = arith.constant -3.000000e+38 : f32
    %broadcast_in_dim3A_738 = vector.broadcast %jit3A_737 : f32 to vector<1024x2048xf32>
    %select_n3A_739 = arith.select %eq3A_736, %broadcast_in_dim3A_738, %select_n3A_723 : vector<1024x2048xi1>, vector<1024x2048xf32>
    %reduce_max3A_740 = arith.constant dense<0xFF800000> : vector<1024xf32>
    %reduce_max3A_741 = vector.multi_reduction <maximumf>, %select_n3A_739, %reduce_max3A_740 [1] : vector<1024x2048xf32> to vector<1024xf32>
    %broadcast_in_dim3A_742 = vector.shape_cast %reduce_max3A_741 : vector<1024xf32> to vector<1024x1xf32>
    %eq3A_743 = vector.broadcast %broadcast_in_dim3A_742 : vector<1024x1xf32> to vector<1024x2048xf32>
    %eq3A_744 = arith.cmpf oeq, %select_n3A_739, %eq3A_743 : vector<1024x2048xf32>
    %jit3A_745 = arith.constant 100352 : i32
    %broadcast_in_dim3A_746 = vector.broadcast %jit3A_745 : i32 to vector<1024x2048xi32>
    %select_n3A_747 = arith.select %eq3A_744, %concatenate3A, %broadcast_in_dim3A_746 : vector<1024x2048xi1>, vector<1024x2048xi32>
    %reduce_min3A_748 = arith.constant dense<2147483647> : vector<1024xi32>
    %reduce_min3A_749 = vector.multi_reduction <minsi>, %select_n3A_747, %reduce_min3A_748 [1] : vector<1024x2048xi32> to vector<1024xi32>
    %broadcast_in_dim3A_750 = vector.shape_cast %reduce_min3A_749 : vector<1024xi32> to vector<1024x1xi32>
    %eq3A_751 = vector.broadcast %broadcast_in_dim3A_750 : vector<1024x1xi32> to vector<1024x2048xi32>
    %eq3A_752 = arith.cmpi eq, %concatenate3A, %eq3A_751 : vector<1024x2048xi32>
    %jit3A_753 = arith.constant -3.000000e+38 : f32
    %broadcast_in_dim3A_754 = vector.broadcast %jit3A_753 : f32 to vector<1024x2048xf32>
    %select_n3A_755 = arith.select %eq3A_752, %broadcast_in_dim3A_754, %select_n3A_739 : vector<1024x2048xi1>, vector<1024x2048xf32>
    %reduce_max3A_756 = arith.constant dense<0xFF800000> : vector<1024xf32>
    %reduce_max3A_757 = vector.multi_reduction <maximumf>, %select_n3A_755, %reduce_max3A_756 [1] : vector<1024x2048xf32> to vector<1024xf32>
    %broadcast_in_dim3A_758 = vector.shape_cast %reduce_max3A_757 : vector<1024xf32> to vector<1024x1xf32>
    %eq3A_759 = vector.broadcast %broadcast_in_dim3A_758 : vector<1024x1xf32> to vector<1024x2048xf32>
    %eq3A_760 = arith.cmpf oeq, %select_n3A_755, %eq3A_759 : vector<1024x2048xf32>
    %jit3A_761 = arith.constant 100352 : i32
    %broadcast_in_dim3A_762 = vector.broadcast %jit3A_761 : i32 to vector<1024x2048xi32>
    %select_n3A_763 = arith.select %eq3A_760, %concatenate3A, %broadcast_in_dim3A_762 : vector<1024x2048xi1>, vector<1024x2048xi32>
    %reduce_min3A_764 = arith.constant dense<2147483647> : vector<1024xi32>
    %reduce_min3A_765 = vector.multi_reduction <minsi>, %select_n3A_763, %reduce_min3A_764 [1] : vector<1024x2048xi32> to vector<1024xi32>
    %broadcast_in_dim3A_766 = vector.shape_cast %reduce_min3A_765 : vector<1024xi32> to vector<1024x1xi32>
    %concatenate3A_767 = tpu.concatenate %broadcast_in_dim3A_638, %broadcast_in_dim3A_654, %broadcast_in_dim3A_670, %broadcast_in_dim3A_686, %broadcast_in_dim3A_702, %broadcast_in_dim3A_718, %broadcast_in_dim3A_734, %broadcast_in_dim3A_750, %broadcast_in_dim3A_766, %broadcast_in_dim3A_638, %broadcast_in_dim3A_638, %broadcast_in_dim3A_638, %broadcast_in_dim3A_638, %broadcast_in_dim3A_638, %broadcast_in_dim3A_638, %broadcast_in_dim3A_638 in 1 : vector<1024x1xi32>, vector<1024x1xi32>, vector<1024x1xi32>, vector<1024x1xi32>, vector<1024x1xi32>, vector<1024x1xi32>, vector<1024x1xi32>, vector<1024x1xi32>, vector<1024x1xi32>, vector<1024x1xi32>, vector<1024x1xi32>, vector<1024x1xi32>, vector<1024x1xi32>, vector<1024x1xi32>, vector<1024x1xi32>, vector<1024x1xi32> -> vector<1024x16xi32>
    %swap3A = arith.constant 0 : index
    %swap3A_768 = arith.constant 0 : index
    %swap3A_769 = vector.load %arg2[%swap3A, %swap3A_768] : memref<1024x16xi32, #tpu.memory_space<vmem>>, vector<1024x16xi32>
    tpu.vector_store %arg2[%swap3A, %swap3A_768], %concatenate3A_767 {strides = array<i32>} : memref<1024x16xi32, #tpu.memory_space<vmem>>, vector<1024x16xi32>,
    return
  }
}

module attributes {stable_mosaic.version = 14 : i64} {
  func.func @_scores_body(%arg0: i32, %arg1: memref<1024x128xf32, #tpu.memory_space<vmem>>, %arg2: memref<2048x128xf32, #tpu.memory_space<vmem>>, %arg3: memref<2048xf32, #tpu.memory_space<vmem>>, %arg4: memref<16x1024x128xf32, #tpu.memory_space<vmem>>, %arg5: memref<2048xf32, #tpu.memory_space<vmem>>, %arg6: memref<16x1024xi32, #tpu.memory_space<vmem>>, %arg7: memref<784x1024xf32, #tpu.memory_space<vmem>>) attributes {dimension_semantics = [#tpu.dimension_semantics<arbitrary>], iteration_bounds = array<i64: 49>, scalar_prefetch = 0 : i64, scratch_operands = 1 : i64, tpu.core_type = #tpu.core_type<tc>, window_params = [{pipeline_mode = #tpu.pipeline_mode<synchronous>, transform_indices = @transform_0, window_bounds = array<i64: 1024, 128>}, {transform_indices = @transform_1, window_bounds = array<i64: 2048, 128>}, {transform_indices = @transform_2, window_bounds = array<i64: 2048>}, {transform_indices = @transform_3, window_bounds = array<i64: 16, 1024, 128>}, {transform_indices = @transform_4, window_bounds = array<i64: 2048>}, {pipeline_mode = #tpu.pipeline_mode<synchronous>, transform_indices = @transform_5, window_bounds = array<i64: 16, 1024>}]} {
    %get3A = arith.constant 0 : index
    %get3A_0 = arith.constant 0 : index
    %get3A_1 = vector.load %arg2[%get3A, %get3A_0] : memref<2048x128xf32, #tpu.memory_space<vmem>>, vector<2048x128xf32>
    %get3A_2 = arith.constant 0 : index
    %get3A_3 = vector.load %arg3[%get3A_2] : memref<2048xf32, #tpu.memory_space<vmem>>, vector<2048xf32>
    %reshape3A = vector.shape_cast %get3A_3 : vector<2048xf32> to vector<2048x1xf32>
    %div3A = vector.broadcast %reshape3A : vector<2048x1xf32> to vector<2048x128xf32>
    %div3A_4 = arith.divf %get3A_1, %div3A : vector<2048x128xf32>
    %get3A_5 = arith.constant 0 : index
    %get3A_6 = arith.constant 0 : index
    %get3A_7 = vector.load %arg1[%get3A_5, %get3A_6] : memref<1024x128xf32, #tpu.memory_space<vmem>>, vector<1024x128xf32>
    %dot_general3A = arith.constant dense<0.000000e+00> : vector<1024x2048xf32>
    %dot_general3A_8 = tpu.matmul %get3A_7, %div3A_4, %dot_general3A {dimension_numbers = #tpu.dot_dimension_numbers<[1], [1], [0], [0], [0, 0, 1, 0], [], []>, transpose_lhs_hint = false} : vector<1024x128xf32>, vector<2048x128xf32>, vector<1024x2048xf32> -> vector<1024x2048xf32>
    %mul3A = arith.constant 2048 : i32
    %mul3A_9 = arith.muli %arg0, %mul3A : i32
    %iota3A = tpu.iota {dimensions = array<i32: 1>} : vector<1x2048xi32>
    %add3A = vector.broadcast %mul3A_9 : i32 to vector<1x2048xi32>
    %add3A_10 = arith.addi %add3A, %iota3A : vector<1x2048xi32>
    %lt3A = arith.constant 100000 : i32
    %lt3A_11 = vector.broadcast %lt3A : i32 to vector<1x2048xi32>
    %lt3A_12 = arith.cmpi slt, %add3A_10, %lt3A_11 : vector<1x2048xi32>
    %jit3A = arith.constant -3.000000e+38 : f32
    %broadcast_in_dim3A = vector.shape_cast %lt3A_12 : vector<1x2048xi1> to vector<1x2048xi1>
    %broadcast_in_dim3A_13 = vector.broadcast %broadcast_in_dim3A : vector<1x2048xi1> to vector<1024x2048xi1>
    %broadcast_in_dim3A_14 = vector.broadcast %jit3A : f32 to vector<1024x2048xf32>
    %select_n3A = arith.select %broadcast_in_dim3A_13, %dot_general3A_8, %broadcast_in_dim3A_14 : vector<1024x2048xi1>, vector<1024x2048xf32>
    %slice3A = vector.extract_strided_slice %select_n3A {offsets = [0, 0], sizes = [1024, 128], strides = [1, 1]} : vector<1024x2048xf32> to vector<1024x128xf32>
    %slice3A_15 = vector.extract_strided_slice %select_n3A {offsets = [0, 128], sizes = [1024, 128], strides = [1, 1]} : vector<1024x2048xf32> to vector<1024x128xf32>
    %slice3A_16 = vector.extract_strided_slice %select_n3A {offsets = [0, 256], sizes = [1024, 128], strides = [1, 1]} : vector<1024x2048xf32> to vector<1024x128xf32>
    %slice3A_17 = vector.extract_strided_slice %select_n3A {offsets = [0, 384], sizes = [1024, 128], strides = [1, 1]} : vector<1024x2048xf32> to vector<1024x128xf32>
    %slice3A_18 = vector.extract_strided_slice %select_n3A {offsets = [0, 512], sizes = [1024, 128], strides = [1, 1]} : vector<1024x2048xf32> to vector<1024x128xf32>
    %slice3A_19 = vector.extract_strided_slice %select_n3A {offsets = [0, 640], sizes = [1024, 128], strides = [1, 1]} : vector<1024x2048xf32> to vector<1024x128xf32>
    %slice3A_20 = vector.extract_strided_slice %select_n3A {offsets = [0, 768], sizes = [1024, 128], strides = [1, 1]} : vector<1024x2048xf32> to vector<1024x128xf32>
    %slice3A_21 = vector.extract_strided_slice %select_n3A {offsets = [0, 896], sizes = [1024, 128], strides = [1, 1]} : vector<1024x2048xf32> to vector<1024x128xf32>
    %slice3A_22 = vector.extract_strided_slice %select_n3A {offsets = [0, 1024], sizes = [1024, 128], strides = [1, 1]} : vector<1024x2048xf32> to vector<1024x128xf32>
    %slice3A_23 = vector.extract_strided_slice %select_n3A {offsets = [0, 1152], sizes = [1024, 128], strides = [1, 1]} : vector<1024x2048xf32> to vector<1024x128xf32>
    %slice3A_24 = vector.extract_strided_slice %select_n3A {offsets = [0, 1280], sizes = [1024, 128], strides = [1, 1]} : vector<1024x2048xf32> to vector<1024x128xf32>
    %slice3A_25 = vector.extract_strided_slice %select_n3A {offsets = [0, 1408], sizes = [1024, 128], strides = [1, 1]} : vector<1024x2048xf32> to vector<1024x128xf32>
    %slice3A_26 = vector.extract_strided_slice %select_n3A {offsets = [0, 1536], sizes = [1024, 128], strides = [1, 1]} : vector<1024x2048xf32> to vector<1024x128xf32>
    %slice3A_27 = vector.extract_strided_slice %select_n3A {offsets = [0, 1664], sizes = [1024, 128], strides = [1, 1]} : vector<1024x2048xf32> to vector<1024x128xf32>
    %slice3A_28 = vector.extract_strided_slice %select_n3A {offsets = [0, 1792], sizes = [1024, 128], strides = [1, 1]} : vector<1024x2048xf32> to vector<1024x128xf32>
    %slice3A_29 = vector.extract_strided_slice %select_n3A {offsets = [0, 1920], sizes = [1024, 128], strides = [1, 1]} : vector<1024x2048xf32> to vector<1024x128xf32>
    %stack3A = vector.shape_cast %slice3A : vector<1024x128xf32> to vector<1x1024x128xf32>
    %stack3A_30 = vector.shape_cast %slice3A_15 : vector<1024x128xf32> to vector<1x1024x128xf32>
    %stack3A_31 = vector.shape_cast %slice3A_16 : vector<1024x128xf32> to vector<1x1024x128xf32>
    %stack3A_32 = vector.shape_cast %slice3A_17 : vector<1024x128xf32> to vector<1x1024x128xf32>
    %stack3A_33 = vector.shape_cast %slice3A_18 : vector<1024x128xf32> to vector<1x1024x128xf32>
    %stack3A_34 = vector.shape_cast %slice3A_19 : vector<1024x128xf32> to vector<1x1024x128xf32>
    %stack3A_35 = vector.shape_cast %slice3A_20 : vector<1024x128xf32> to vector<1x1024x128xf32>
    %stack3A_36 = vector.shape_cast %slice3A_21 : vector<1024x128xf32> to vector<1x1024x128xf32>
    %stack3A_37 = vector.shape_cast %slice3A_22 : vector<1024x128xf32> to vector<1x1024x128xf32>
    %stack3A_38 = vector.shape_cast %slice3A_23 : vector<1024x128xf32> to vector<1x1024x128xf32>
    %stack3A_39 = vector.shape_cast %slice3A_24 : vector<1024x128xf32> to vector<1x1024x128xf32>
    %stack3A_40 = vector.shape_cast %slice3A_25 : vector<1024x128xf32> to vector<1x1024x128xf32>
    %stack3A_41 = vector.shape_cast %slice3A_26 : vector<1024x128xf32> to vector<1x1024x128xf32>
    %stack3A_42 = vector.shape_cast %slice3A_27 : vector<1024x128xf32> to vector<1x1024x128xf32>
    %stack3A_43 = vector.shape_cast %slice3A_28 : vector<1024x128xf32> to vector<1x1024x128xf32>
    %stack3A_44 = vector.shape_cast %slice3A_29 : vector<1024x128xf32> to vector<1x1024x128xf32>
    %stack3A_45 = tpu.concatenate %stack3A, %stack3A_30, %stack3A_31, %stack3A_32, %stack3A_33, %stack3A_34, %stack3A_35, %stack3A_36, %stack3A_37, %stack3A_38, %stack3A_39, %stack3A_40, %stack3A_41, %stack3A_42, %stack3A_43, %stack3A_44 in 0 : vector<1x1024x128xf32>, vector<1x1024x128xf32>, vector<1x1024x128xf32>, vector<1x1024x128xf32>, vector<1x1024x128xf32>, vector<1x1024x128xf32>, vector<1x1024x128xf32>, vector<1x1024x128xf32>, vector<1x1024x128xf32>, vector<1x1024x128xf32>, vector<1x1024x128xf32>, vector<1x1024x128xf32>, vector<1x1024x128xf32>, vector<1x1024x128xf32>, vector<1x1024x128xf32>, vector<1x1024x128xf32> -> vector<16x1024x128xf32>
    %swap3A = arith.constant 0 : index
    %swap3A_46 = arith.constant 0 : index
    %swap3A_47 = arith.constant 0 : index
    %swap3A_48 = vector.load %arg4[%swap3A, %swap3A_46, %swap3A_47] : memref<16x1024x128xf32, #tpu.memory_space<vmem>>, vector<16x1024x128xf32>
    tpu.vector_store %arg4[%swap3A, %swap3A_46, %swap3A_47], %stack3A_45 {strides = array<i32>} : memref<16x1024x128xf32, #tpu.memory_space<vmem>>, vector<16x1024x128xf32>,
    %slice3A_49 = vector.extract_strided_slice %select_n3A {offsets = [0, 0], sizes = [1024, 128], strides = [1, 1]} : vector<1024x2048xf32> to vector<1024x128xf32>
    %reduce_max3A = arith.constant dense<0xFF800000> : vector<1024xf32>
    %reduce_max3A_50 = vector.multi_reduction <maximumf>, %slice3A_49, %reduce_max3A [1] : vector<1024x128xf32> to vector<1024xf32>
    %slice3A_51 = vector.extract_strided_slice %select_n3A {offsets = [0, 128], sizes = [1024, 128], strides = [1, 1]} : vector<1024x2048xf32> to vector<1024x128xf32>
    %reduce_max3A_52 = arith.constant dense<0xFF800000> : vector<1024xf32>
    %reduce_max3A_53 = vector.multi_reduction <maximumf>, %slice3A_51, %reduce_max3A_52 [1] : vector<1024x128xf32> to vector<1024xf32>
    %slice3A_54 = vector.extract_strided_slice %select_n3A {offsets = [0, 256], sizes = [1024, 128], strides = [1, 1]} : vector<1024x2048xf32> to vector<1024x128xf32>
    %reduce_max3A_55 = arith.constant dense<0xFF800000> : vector<1024xf32>
    %reduce_max3A_56 = vector.multi_reduction <maximumf>, %slice3A_54, %reduce_max3A_55 [1] : vector<1024x128xf32> to vector<1024xf32>
    %slice3A_57 = vector.extract_strided_slice %select_n3A {offsets = [0, 384], sizes = [1024, 128], strides = [1, 1]} : vector<1024x2048xf32> to vector<1024x128xf32>
    %reduce_max3A_58 = arith.constant dense<0xFF800000> : vector<1024xf32>
    %reduce_max3A_59 = vector.multi_reduction <maximumf>, %slice3A_57, %reduce_max3A_58 [1] : vector<1024x128xf32> to vector<1024xf32>
    %slice3A_60 = vector.extract_strided_slice %select_n3A {offsets = [0, 512], sizes = [1024, 128], strides = [1, 1]} : vector<1024x2048xf32> to vector<1024x128xf32>
    %reduce_max3A_61 = arith.constant dense<0xFF800000> : vector<1024xf32>
    %reduce_max3A_62 = vector.multi_reduction <maximumf>, %slice3A_60, %reduce_max3A_61 [1] : vector<1024x128xf32> to vector<1024xf32>
    %slice3A_63 = vector.extract_strided_slice %select_n3A {offsets = [0, 640], sizes = [1024, 128], strides = [1, 1]} : vector<1024x2048xf32> to vector<1024x128xf32>
    %reduce_max3A_64 = arith.constant dense<0xFF800000> : vector<1024xf32>
    %reduce_max3A_65 = vector.multi_reduction <maximumf>, %slice3A_63, %reduce_max3A_64 [1] : vector<1024x128xf32> to vector<1024xf32>
    %slice3A_66 = vector.extract_strided_slice %select_n3A {offsets = [0, 768], sizes = [1024, 128], strides = [1, 1]} : vector<1024x2048xf32> to vector<1024x128xf32>
    %reduce_max3A_67 = arith.constant dense<0xFF800000> : vector<1024xf32>
    %reduce_max3A_68 = vector.multi_reduction <maximumf>, %slice3A_66, %reduce_max3A_67 [1] : vector<1024x128xf32> to vector<1024xf32>
    %slice3A_69 = vector.extract_strided_slice %select_n3A {offsets = [0, 896], sizes = [1024, 128], strides = [1, 1]} : vector<1024x2048xf32> to vector<1024x128xf32>
    %reduce_max3A_70 = arith.constant dense<0xFF800000> : vector<1024xf32>
    %reduce_max3A_71 = vector.multi_reduction <maximumf>, %slice3A_69, %reduce_max3A_70 [1] : vector<1024x128xf32> to vector<1024xf32>
    %slice3A_72 = vector.extract_strided_slice %select_n3A {offsets = [0, 1024], sizes = [1024, 128], strides = [1, 1]} : vector<1024x2048xf32> to vector<1024x128xf32>
    %reduce_max3A_73 = arith.constant dense<0xFF800000> : vector<1024xf32>
    %reduce_max3A_74 = vector.multi_reduction <maximumf>, %slice3A_72, %reduce_max3A_73 [1] : vector<1024x128xf32> to vector<1024xf32>
    %slice3A_75 = vector.extract_strided_slice %select_n3A {offsets = [0, 1152], sizes = [1024, 128], strides = [1, 1]} : vector<1024x2048xf32> to vector<1024x128xf32>
    %reduce_max3A_76 = arith.constant dense<0xFF800000> : vector<1024xf32>
    %reduce_max3A_77 = vector.multi_reduction <maximumf>, %slice3A_75, %reduce_max3A_76 [1] : vector<1024x128xf32> to vector<1024xf32>
    %slice3A_78 = vector.extract_strided_slice %select_n3A {offsets = [0, 1280], sizes = [1024, 128], strides = [1, 1]} : vector<1024x2048xf32> to vector<1024x128xf32>
    %reduce_max3A_79 = arith.constant dense<0xFF800000> : vector<1024xf32>
    %reduce_max3A_80 = vector.multi_reduction <maximumf>, %slice3A_78, %reduce_max3A_79 [1] : vector<1024x128xf32> to vector<1024xf32>
    %slice3A_81 = vector.extract_strided_slice %select_n3A {offsets = [0, 1408], sizes = [1024, 128], strides = [1, 1]} : vector<1024x2048xf32> to vector<1024x128xf32>
    %reduce_max3A_82 = arith.constant dense<0xFF800000> : vector<1024xf32>
    %reduce_max3A_83 = vector.multi_reduction <maximumf>, %slice3A_81, %reduce_max3A_82 [1] : vector<1024x128xf32> to vector<1024xf32>
    %slice3A_84 = vector.extract_strided_slice %select_n3A {offsets = [0, 1536], sizes = [1024, 128], strides = [1, 1]} : vector<1024x2048xf32> to vector<1024x128xf32>
    %reduce_max3A_85 = arith.constant dense<0xFF800000> : vector<1024xf32>
    %reduce_max3A_86 = vector.multi_reduction <maximumf>, %slice3A_84, %reduce_max3A_85 [1] : vector<1024x128xf32> to vector<1024xf32>
    %slice3A_87 = vector.extract_strided_slice %select_n3A {offsets = [0, 1664], sizes = [1024, 128], strides = [1, 1]} : vector<1024x2048xf32> to vector<1024x128xf32>
    %reduce_max3A_88 = arith.constant dense<0xFF800000> : vector<1024xf32>
    %reduce_max3A_89 = vector.multi_reduction <maximumf>, %slice3A_87, %reduce_max3A_88 [1] : vector<1024x128xf32> to vector<1024xf32>
    %slice3A_90 = vector.extract_strided_slice %select_n3A {offsets = [0, 1792], sizes = [1024, 128], strides = [1, 1]} : vector<1024x2048xf32> to vector<1024x128xf32>
    %reduce_max3A_91 = arith.constant dense<0xFF800000> : vector<1024xf32>
    %reduce_max3A_92 = vector.multi_reduction <maximumf>, %slice3A_90, %reduce_max3A_91 [1] : vector<1024x128xf32> to vector<1024xf32>
    %slice3A_93 = vector.extract_strided_slice %select_n3A {offsets = [0, 1920], sizes = [1024, 128], strides = [1, 1]} : vector<1024x2048xf32> to vector<1024x128xf32>
    %reduce_max3A_94 = arith.constant dense<0xFF800000> : vector<1024xf32>
    %reduce_max3A_95 = vector.multi_reduction <maximumf>, %slice3A_93, %reduce_max3A_94 [1] : vector<1024x128xf32> to vector<1024xf32>
    %stack3A_96 = vector.shape_cast %reduce_max3A_50 : vector<1024xf32> to vector<1x1024xf32>
    %stack3A_97 = vector.shape_cast %reduce_max3A_53 : vector<1024xf32> to vector<1x1024xf32>
    %stack3A_98 = vector.shape_cast %reduce_max3A_56 : vector<1024xf32> to vector<1x1024xf32>
    %stack3A_99 = vector.shape_cast %reduce_max3A_59 : vector<1024xf32> to vector<1x1024xf32>
    %stack3A_100 = vector.shape_cast %reduce_max3A_62 : vector<1024xf32> to vector<1x1024xf32>
    %stack3A_101 = vector.shape_cast %reduce_max3A_65 : vector<1024xf32> to vector<1x1024xf32>
    %stack3A_102 = vector.shape_cast %reduce_max3A_68 : vector<1024xf32> to vector<1x1024xf32>
    %stack3A_103 = vector.shape_cast %reduce_max3A_71 : vector<1024xf32> to vector<1x1024xf32>
    %stack3A_104 = vector.shape_cast %reduce_max3A_74 : vector<1024xf32> to vector<1x1024xf32>
    %stack3A_105 = vector.shape_cast %reduce_max3A_77 : vector<1024xf32> to vector<1x1024xf32>
    %stack3A_106 = vector.shape_cast %reduce_max3A_80 : vector<1024xf32> to vector<1x1024xf32>
    %stack3A_107 = vector.shape_cast %reduce_max3A_83 : vector<1024xf32> to vector<1x1024xf32>
    %stack3A_108 = vector.shape_cast %reduce_max3A_86 : vector<1024xf32> to vector<1x1024xf32>
    %stack3A_109 = vector.shape_cast %reduce_max3A_89 : vector<1024xf32> to vector<1x1024xf32>
    %stack3A_110 = vector.shape_cast %reduce_max3A_92 : vector<1024xf32> to vector<1x1024xf32>
    %stack3A_111 = vector.shape_cast %reduce_max3A_95 : vector<1024xf32> to vector<1x1024xf32>
    %stack3A_112 = tpu.concatenate %stack3A_96, %stack3A_97, %stack3A_98, %stack3A_99, %stack3A_100, %stack3A_101, %stack3A_102, %stack3A_103, %stack3A_104, %stack3A_105, %stack3A_106, %stack3A_107, %stack3A_108, %stack3A_109, %stack3A_110, %stack3A_111 in 0 : vector<1x1024xf32>, vector<1x1024xf32>, vector<1x1024xf32>, vector<1x1024xf32>, vector<1x1024xf32>, vector<1x1024xf32>, vector<1x1024xf32>, vector<1x1024xf32>, vector<1x1024xf32>, vector<1x1024xf32>, vector<1x1024xf32>, vector<1x1024xf32>, vector<1x1024xf32>, vector<1x1024xf32>, vector<1x1024xf32>, vector<1x1024xf32> -> vector<16x1024xf32>
    %mul3A_113 = arith.constant 16 : i32
    %mul3A_114 = arith.muli %arg0, %mul3A_113 : i32
    %swap3A_115 = arith.index_cast %mul3A_114 : i32 to index
    %swap3A_116 = arith.constant 0 : index
    %swap3A_117 = vector.load %arg7[%swap3A_115, %swap3A_116] : memref<784x1024xf32, #tpu.memory_space<vmem>>, vector<16x1024xf32>
    tpu.vector_store %arg7[%swap3A_115, %swap3A_116], %stack3A_112 {strides = array<i32>} : memref<784x1024xf32, #tpu.memory_space<vmem>>, vector<16x1024xf32>,
    %reduce_max3A_118 = arith.constant dense<0xFF800000> : vector<2048xf32>
    %reduce_max3A_119 = vector.multi_reduction <maximumf>, %select_n3A, %reduce_max3A_118 [0] : vector<1024x2048xf32> to vector<2048xf32>
    %swap3A_120 = arith.constant 0 : index
    %swap3A_121 = vector.load %arg5[%swap3A_120] : memref<2048xf32, #tpu.memory_space<vmem>>, vector<2048xf32>
    tpu.vector_store %arg5[%swap3A_120], %reduce_max3A_119 {strides = array<i32>} : memref<2048xf32, #tpu.memory_space<vmem>>, vector<2048xf32>,
    %eq3A = arith.constant 48 : i32
    %eq3A_122 = arith.cmpi eq, %arg0, %eq3A : i32
    %convert_element_type3A = arith.extui %eq3A_122 : i1 to i32
    %cond3A = arith.constant 0 : i32
    %cond3A_123 = arith.cmpi ne, %convert_element_type3A, %cond3A : i32
    scf.if %cond3A_123 {
      %get3A_124 = arith.constant 0 : index
      %get3A_125 = arith.constant 0 : index
      %get3A_126 = vector.load %arg7[%get3A_124, %get3A_125] : memref<784x1024xf32, #tpu.memory_space<vmem>>, vector<784x1024xf32>
      %iota3A_127 = tpu.iota {dimensions = array<i32: 0>} : vector<784x1024xi32>
      %reduce_max3A_128 = arith.constant dense<0xFF800000> : vector<1024xf32>
      %reduce_max3A_129 = vector.multi_reduction <maximumf>, %get3A_126, %reduce_max3A_128 [0] : vector<784x1024xf32> to vector<1024xf32>
      %broadcast_in_dim3A_130 = vector.shape_cast %reduce_max3A_129 : vector<1024xf32> to vector<1x1024xf32>
      %eq3A_131 = vector.broadcast %broadcast_in_dim3A_130 : vector<1x1024xf32> to vector<784x1024xf32>
      %eq3A_132 = arith.cmpf oeq, %get3A_126, %eq3A_131 : vector<784x1024xf32>
      %jit3A_133 = arith.constant 784 : i32
      %broadcast_in_dim3A_134 = vector.broadcast %jit3A_133 : i32 to vector<784x1024xi32>
      %select_n3A_135 = arith.select %eq3A_132, %iota3A_127, %broadcast_in_dim3A_134 : vector<784x1024xi1>, vector<784x1024xi32>
      %reduce_min3A = arith.constant dense<2147483647> : vector<1024xi32>
      %reduce_min3A_136 = vector.multi_reduction <minsi>, %select_n3A_135, %reduce_min3A [0] : vector<784x1024xi32> to vector<1024xi32>
      %broadcast_in_dim3A_137 = vector.shape_cast %reduce_min3A_136 : vector<1024xi32> to vector<1x1024xi32>
      %eq3A_138 = vector.broadcast %broadcast_in_dim3A_137 : vector<1x1024xi32> to vector<784x1024xi32>
      %eq3A_139 = arith.cmpi eq, %iota3A_127, %eq3A_138 : vector<784x1024xi32>
      %jit3A_140 = arith.constant -3.000000e+38 : f32
      %broadcast_in_dim3A_141 = vector.broadcast %jit3A_140 : f32 to vector<784x1024xf32>
      %select_n3A_142 = arith.select %eq3A_139, %broadcast_in_dim3A_141, %get3A_126 : vector<784x1024xi1>, vector<784x1024xf32>
      %reduce_max3A_143 = arith.constant dense<0xFF800000> : vector<1024xf32>
      %reduce_max3A_144 = vector.multi_reduction <maximumf>, %select_n3A_142, %reduce_max3A_143 [0] : vector<784x1024xf32> to vector<1024xf32>
      %broadcast_in_dim3A_145 = vector.shape_cast %reduce_max3A_144 : vector<1024xf32> to vector<1x1024xf32>
      %eq3A_146 = vector.broadcast %broadcast_in_dim3A_145 : vector<1x1024xf32> to vector<784x1024xf32>
      %eq3A_147 = arith.cmpf oeq, %select_n3A_142, %eq3A_146 : vector<784x1024xf32>
      %jit3A_148 = arith.constant 784 : i32
      %broadcast_in_dim3A_149 = vector.broadcast %jit3A_148 : i32 to vector<784x1024xi32>
      %select_n3A_150 = arith.select %eq3A_147, %iota3A_127, %broadcast_in_dim3A_149 : vector<784x1024xi1>, vector<784x1024xi32>
      %reduce_min3A_151 = arith.constant dense<2147483647> : vector<1024xi32>
      %reduce_min3A_152 = vector.multi_reduction <minsi>, %select_n3A_150, %reduce_min3A_151 [0] : vector<784x1024xi32> to vector<1024xi32>
      %broadcast_in_dim3A_153 = vector.shape_cast %reduce_min3A_152 : vector<1024xi32> to vector<1x1024xi32>
      %eq3A_154 = vector.broadcast %broadcast_in_dim3A_153 : vector<1x1024xi32> to vector<784x1024xi32>
      %eq3A_155 = arith.cmpi eq, %iota3A_127, %eq3A_154 : vector<784x1024xi32>
      %jit3A_156 = arith.constant -3.000000e+38 : f32
      %broadcast_in_dim3A_157 = vector.broadcast %jit3A_156 : f32 to vector<784x1024xf32>
      %select_n3A_158 = arith.select %eq3A_155, %broadcast_in_dim3A_157, %select_n3A_142 : vector<784x1024xi1>, vector<784x1024xf32>
      %reduce_max3A_159 = arith.constant dense<0xFF800000> : vector<1024xf32>
      %reduce_max3A_160 = vector.multi_reduction <maximumf>, %select_n3A_158, %reduce_max3A_159 [0] : vector<784x1024xf32> to vector<1024xf32>
      %broadcast_in_dim3A_161 = vector.shape_cast %reduce_max3A_160 : vector<1024xf32> to vector<1x1024xf32>
      %eq3A_162 = vector.broadcast %broadcast_in_dim3A_161 : vector<1x1024xf32> to vector<784x1024xf32>
      %eq3A_163 = arith.cmpf oeq, %select_n3A_158, %eq3A_162 : vector<784x1024xf32>
      %jit3A_164 = arith.constant 784 : i32
      %broadcast_in_dim3A_165 = vector.broadcast %jit3A_164 : i32 to vector<784x1024xi32>
      %select_n3A_166 = arith.select %eq3A_163, %iota3A_127, %broadcast_in_dim3A_165 : vector<784x1024xi1>, vector<784x1024xi32>
      %reduce_min3A_167 = arith.constant dense<2147483647> : vector<1024xi32>
      %reduce_min3A_168 = vector.multi_reduction <minsi>, %select_n3A_166, %reduce_min3A_167 [0] : vector<784x1024xi32> to vector<1024xi32>
      %broadcast_in_dim3A_169 = vector.shape_cast %reduce_min3A_168 : vector<1024xi32> to vector<1x1024xi32>
      %eq3A_170 = vector.broadcast %broadcast_in_dim3A_169 : vector<1x1024xi32> to vector<784x1024xi32>
      %eq3A_171 = arith.cmpi eq, %iota3A_127, %eq3A_170 : vector<784x1024xi32>
      %jit3A_172 = arith.constant -3.000000e+38 : f32
      %broadcast_in_dim3A_173 = vector.broadcast %jit3A_172 : f32 to vector<784x1024xf32>
      %select_n3A_174 = arith.select %eq3A_171, %broadcast_in_dim3A_173, %select_n3A_158 : vector<784x1024xi1>, vector<784x1024xf32>
      %reduce_max3A_175 = arith.constant dense<0xFF800000> : vector<1024xf32>
      %reduce_max3A_176 = vector.multi_reduction <maximumf>, %select_n3A_174, %reduce_max3A_175 [0] : vector<784x1024xf32> to vector<1024xf32>
      %broadcast_in_dim3A_177 = vector.shape_cast %reduce_max3A_176 : vector<1024xf32> to vector<1x1024xf32>
      %eq3A_178 = vector.broadcast %broadcast_in_dim3A_177 : vector<1x1024xf32> to vector<784x1024xf32>
      %eq3A_179 = arith.cmpf oeq, %select_n3A_174, %eq3A_178 : vector<784x1024xf32>
      %jit3A_180 = arith.constant 784 : i32
      %broadcast_in_dim3A_181 = vector.broadcast %jit3A_180 : i32 to vector<784x1024xi32>
      %select_n3A_182 = arith.select %eq3A_179, %iota3A_127, %broadcast_in_dim3A_181 : vector<784x1024xi1>, vector<784x1024xi32>
      %reduce_min3A_183 = arith.constant dense<2147483647> : vector<1024xi32>
      %reduce_min3A_184 = vector.multi_reduction <minsi>, %select_n3A_182, %reduce_min3A_183 [0] : vector<784x1024xi32> to vector<1024xi32>
      %broadcast_in_dim3A_185 = vector.shape_cast %reduce_min3A_184 : vector<1024xi32> to vector<1x1024xi32>
      %eq3A_186 = vector.broadcast %broadcast_in_dim3A_185 : vector<1x1024xi32> to vector<784x1024xi32>
      %eq3A_187 = arith.cmpi eq, %iota3A_127, %eq3A_186 : vector<784x1024xi32>
      %jit3A_188 = arith.constant -3.000000e+38 : f32
      %broadcast_in_dim3A_189 = vector.broadcast %jit3A_188 : f32 to vector<784x1024xf32>
      %select_n3A_190 = arith.select %eq3A_187, %broadcast_in_dim3A_189, %select_n3A_174 : vector<784x1024xi1>, vector<784x1024xf32>
      %reduce_max3A_191 = arith.constant dense<0xFF800000> : vector<1024xf32>
      %reduce_max3A_192 = vector.multi_reduction <maximumf>, %select_n3A_190, %reduce_max3A_191 [0] : vector<784x1024xf32> to vector<1024xf32>
      %broadcast_in_dim3A_193 = vector.shape_cast %reduce_max3A_192 : vector<1024xf32> to vector<1x1024xf32>
      %eq3A_194 = vector.broadcast %broadcast_in_dim3A_193 : vector<1x1024xf32> to vector<784x1024xf32>
      %eq3A_195 = arith.cmpf oeq, %select_n3A_190, %eq3A_194 : vector<784x1024xf32>
      %jit3A_196 = arith.constant 784 : i32
      %broadcast_in_dim3A_197 = vector.broadcast %jit3A_196 : i32 to vector<784x1024xi32>
      %select_n3A_198 = arith.select %eq3A_195, %iota3A_127, %broadcast_in_dim3A_197 : vector<784x1024xi1>, vector<784x1024xi32>
      %reduce_min3A_199 = arith.constant dense<2147483647> : vector<1024xi32>
      %reduce_min3A_200 = vector.multi_reduction <minsi>, %select_n3A_198, %reduce_min3A_199 [0] : vector<784x1024xi32> to vector<1024xi32>
      %broadcast_in_dim3A_201 = vector.shape_cast %reduce_min3A_200 : vector<1024xi32> to vector<1x1024xi32>
      %eq3A_202 = vector.broadcast %broadcast_in_dim3A_201 : vector<1x1024xi32> to vector<784x1024xi32>
      %eq3A_203 = arith.cmpi eq, %iota3A_127, %eq3A_202 : vector<784x1024xi32>
      %jit3A_204 = arith.constant -3.000000e+38 : f32
      %broadcast_in_dim3A_205 = vector.broadcast %jit3A_204 : f32 to vector<784x1024xf32>
      %select_n3A_206 = arith.select %eq3A_203, %broadcast_in_dim3A_205, %select_n3A_190 : vector<784x1024xi1>, vector<784x1024xf32>
      %reduce_max3A_207 = arith.constant dense<0xFF800000> : vector<1024xf32>
      %reduce_max3A_208 = vector.multi_reduction <maximumf>, %select_n3A_206, %reduce_max3A_207 [0] : vector<784x1024xf32> to vector<1024xf32>
      %broadcast_in_dim3A_209 = vector.shape_cast %reduce_max3A_208 : vector<1024xf32> to vector<1x1024xf32>
      %eq3A_210 = vector.broadcast %broadcast_in_dim3A_209 : vector<1x1024xf32> to vector<784x1024xf32>
      %eq3A_211 = arith.cmpf oeq, %select_n3A_206, %eq3A_210 : vector<784x1024xf32>
      %jit3A_212 = arith.constant 784 : i32
      %broadcast_in_dim3A_213 = vector.broadcast %jit3A_212 : i32 to vector<784x1024xi32>
      %select_n3A_214 = arith.select %eq3A_211, %iota3A_127, %broadcast_in_dim3A_213 : vector<784x1024xi1>, vector<784x1024xi32>
      %reduce_min3A_215 = arith.constant dense<2147483647> : vector<1024xi32>
      %reduce_min3A_216 = vector.multi_reduction <minsi>, %select_n3A_214, %reduce_min3A_215 [0] : vector<784x1024xi32> to vector<1024xi32>
      %broadcast_in_dim3A_217 = vector.shape_cast %reduce_min3A_216 : vector<1024xi32> to vector<1x1024xi32>
      %eq3A_218 = vector.broadcast %broadcast_in_dim3A_217 : vector<1x1024xi32> to vector<784x1024xi32>
      %eq3A_219 = arith.cmpi eq, %iota3A_127, %eq3A_218 : vector<784x1024xi32>
      %jit3A_220 = arith.constant -3.000000e+38 : f32
      %broadcast_in_dim3A_221 = vector.broadcast %jit3A_220 : f32 to vector<784x1024xf32>
      %select_n3A_222 = arith.select %eq3A_219, %broadcast_in_dim3A_221, %select_n3A_206 : vector<784x1024xi1>, vector<784x1024xf32>
      %reduce_max3A_223 = arith.constant dense<0xFF800000> : vector<1024xf32>
      %reduce_max3A_224 = vector.multi_reduction <maximumf>, %select_n3A_222, %reduce_max3A_223 [0] : vector<784x1024xf32> to vector<1024xf32>
      %broadcast_in_dim3A_225 = vector.shape_cast %reduce_max3A_224 : vector<1024xf32> to vector<1x1024xf32>
      %eq3A_226 = vector.broadcast %broadcast_in_dim3A_225 : vector<1x1024xf32> to vector<784x1024xf32>
      %eq3A_227 = arith.cmpf oeq, %select_n3A_222, %eq3A_226 : vector<784x1024xf32>
      %jit3A_228 = arith.constant 784 : i32
      %broadcast_in_dim3A_229 = vector.broadcast %jit3A_228 : i32 to vector<784x1024xi32>
      %select_n3A_230 = arith.select %eq3A_227, %iota3A_127, %broadcast_in_dim3A_229 : vector<784x1024xi1>, vector<784x1024xi32>
      %reduce_min3A_231 = arith.constant dense<2147483647> : vector<1024xi32>
      %reduce_min3A_232 = vector.multi_reduction <minsi>, %select_n3A_230, %reduce_min3A_231 [0] : vector<784x1024xi32> to vector<1024xi32>
      %broadcast_in_dim3A_233 = vector.shape_cast %reduce_min3A_232 : vector<1024xi32> to vector<1x1024xi32>
      %eq3A_234 = vector.broadcast %broadcast_in_dim3A_233 : vector<1x1024xi32> to vector<784x1024xi32>
      %eq3A_235 = arith.cmpi eq, %iota3A_127, %eq3A_234 : vector<784x1024xi32>
      %jit3A_236 = arith.constant -3.000000e+38 : f32
      %broadcast_in_dim3A_237 = vector.broadcast %jit3A_236 : f32 to vector<784x1024xf32>
      %select_n3A_238 = arith.select %eq3A_235, %broadcast_in_dim3A_237, %select_n3A_222 : vector<784x1024xi1>, vector<784x1024xf32>
      %reduce_max3A_239 = arith.constant dense<0xFF800000> : vector<1024xf32>
      %reduce_max3A_240 = vector.multi_reduction <maximumf>, %select_n3A_238, %reduce_max3A_239 [0] : vector<784x1024xf32> to vector<1024xf32>
      %broadcast_in_dim3A_241 = vector.shape_cast %reduce_max3A_240 : vector<1024xf32> to vector<1x1024xf32>
      %eq3A_242 = vector.broadcast %broadcast_in_dim3A_241 : vector<1x1024xf32> to vector<784x1024xf32>
      %eq3A_243 = arith.cmpf oeq, %select_n3A_238, %eq3A_242 : vector<784x1024xf32>
      %jit3A_244 = arith.constant 784 : i32
      %broadcast_in_dim3A_245 = vector.broadcast %jit3A_244 : i32 to vector<784x1024xi32>
      %select_n3A_246 = arith.select %eq3A_243, %iota3A_127, %broadcast_in_dim3A_245 : vector<784x1024xi1>, vector<784x1024xi32>
      %reduce_min3A_247 = arith.constant dense<2147483647> : vector<1024xi32>
      %reduce_min3A_248 = vector.multi_reduction <minsi>, %select_n3A_246, %reduce_min3A_247 [0] : vector<784x1024xi32> to vector<1024xi32>
      %broadcast_in_dim3A_249 = vector.shape_cast %reduce_min3A_248 : vector<1024xi32> to vector<1x1024xi32>
      %eq3A_250 = vector.broadcast %broadcast_in_dim3A_249 : vector<1x1024xi32> to vector<784x1024xi32>
      %eq3A_251 = arith.cmpi eq, %iota3A_127, %eq3A_250 : vector<784x1024xi32>
      %jit3A_252 = arith.constant -3.000000e+38 : f32
      %broadcast_in_dim3A_253 = vector.broadcast %jit3A_252 : f32 to vector<784x1024xf32>
      %select_n3A_254 = arith.select %eq3A_251, %broadcast_in_dim3A_253, %select_n3A_238 : vector<784x1024xi1>, vector<784x1024xf32>
      %reduce_max3A_255 = arith.constant dense<0xFF800000> : vector<1024xf32>
      %reduce_max3A_256 = vector.multi_reduction <maximumf>, %select_n3A_254, %reduce_max3A_255 [0] : vector<784x1024xf32> to vector<1024xf32>
      %broadcast_in_dim3A_257 = vector.shape_cast %reduce_max3A_256 : vector<1024xf32> to vector<1x1024xf32>
      %eq3A_258 = vector.broadcast %broadcast_in_dim3A_257 : vector<1x1024xf32> to vector<784x1024xf32>
      %eq3A_259 = arith.cmpf oeq, %select_n3A_254, %eq3A_258 : vector<784x1024xf32>
      %jit3A_260 = arith.constant 784 : i32
      %broadcast_in_dim3A_261 = vector.broadcast %jit3A_260 : i32 to vector<784x1024xi32>
      %select_n3A_262 = arith.select %eq3A_259, %iota3A_127, %broadcast_in_dim3A_261 : vector<784x1024xi1>, vector<784x1024xi32>
      %reduce_min3A_263 = arith.constant dense<2147483647> : vector<1024xi32>
      %reduce_min3A_264 = vector.multi_reduction <minsi>, %select_n3A_262, %reduce_min3A_263 [0] : vector<784x1024xi32> to vector<1024xi32>
      %broadcast_in_dim3A_265 = vector.shape_cast %reduce_min3A_264 : vector<1024xi32> to vector<1x1024xi32>
      %eq3A_266 = vector.broadcast %broadcast_in_dim3A_265 : vector<1x1024xi32> to vector<784x1024xi32>
      %eq3A_267 = arith.cmpi eq, %iota3A_127, %eq3A_266 : vector<784x1024xi32>
      %jit3A_268 = arith.constant -3.000000e+38 : f32
      %broadcast_in_dim3A_269 = vector.broadcast %jit3A_268 : f32 to vector<784x1024xf32>
      %select_n3A_270 = arith.select %eq3A_267, %broadcast_in_dim3A_269, %select_n3A_254 : vector<784x1024xi1>, vector<784x1024xf32>
      %reduce_max3A_271 = arith.constant dense<0xFF800000> : vector<1024xf32>
      %reduce_max3A_272 = vector.multi_reduction <maximumf>, %select_n3A_270, %reduce_max3A_271 [0] : vector<784x1024xf32> to vector<1024xf32>
      %broadcast_in_dim3A_273 = vector.shape_cast %reduce_max3A_272 : vector<1024xf32> to vector<1x1024xf32>
      %eq3A_274 = vector.broadcast %broadcast_in_dim3A_273 : vector<1x1024xf32> to vector<784x1024xf32>
      %eq3A_275 = arith.cmpf oeq, %select_n3A_270, %eq3A_274 : vector<784x1024xf32>
      %jit3A_276 = arith.constant 784 : i32
      %broadcast_in_dim3A_277 = vector.broadcast %jit3A_276 : i32 to vector<784x1024xi32>
      %select_n3A_278 = arith.select %eq3A_275, %iota3A_127, %broadcast_in_dim3A_277 : vector<784x1024xi1>, vector<784x1024xi32>
      %reduce_min3A_279 = arith.constant dense<2147483647> : vector<1024xi32>
      %reduce_min3A_280 = vector.multi_reduction <minsi>, %select_n3A_278, %reduce_min3A_279 [0] : vector<784x1024xi32> to vector<1024xi32>
      %broadcast_in_dim3A_281 = vector.shape_cast %reduce_min3A_280 : vector<1024xi32> to vector<1x1024xi32>
      %eq3A_282 = vector.broadcast %broadcast_in_dim3A_281 : vector<1x1024xi32> to vector<784x1024xi32>
      %eq3A_283 = arith.cmpi eq, %iota3A_127, %eq3A_282 : vector<784x1024xi32>
      %jit3A_284 = arith.constant -3.000000e+38 : f32
      %broadcast_in_dim3A_285 = vector.broadcast %jit3A_284 : f32 to vector<784x1024xf32>
      %select_n3A_286 = arith.select %eq3A_283, %broadcast_in_dim3A_285, %select_n3A_270 : vector<784x1024xi1>, vector<784x1024xf32>
      %reduce_max3A_287 = arith.constant dense<0xFF800000> : vector<1024xf32>
      %reduce_max3A_288 = vector.multi_reduction <maximumf>, %select_n3A_286, %reduce_max3A_287 [0] : vector<784x1024xf32> to vector<1024xf32>
      %broadcast_in_dim3A_289 = vector.shape_cast %reduce_max3A_288 : vector<1024xf32> to vector<1x1024xf32>
      %eq3A_290 = vector.broadcast %broadcast_in_dim3A_289 : vector<1x1024xf32> to vector<784x1024xf32>
      %eq3A_291 = arith.cmpf oeq, %select_n3A_286, %eq3A_290 : vector<784x1024xf32>
      %jit3A_292 = arith.constant 784 : i32
      %broadcast_in_dim3A_293 = vector.broadcast %jit3A_292 : i32 to vector<784x1024xi32>
      %select_n3A_294 = arith.select %eq3A_291, %iota3A_127, %broadcast_in_dim3A_293 : vector<784x1024xi1>, vector<784x1024xi32>
      %reduce_min3A_295 = arith.constant dense<2147483647> : vector<1024xi32>
      %reduce_min3A_296 = vector.multi_reduction <minsi>, %select_n3A_294, %reduce_min3A_295 [0] : vector<784x1024xi32> to vector<1024xi32>
      %broadcast_in_dim3A_297 = vector.shape_cast %reduce_min3A_296 : vector<1024xi32> to vector<1x1024xi32>
      %eq3A_298 = vector.broadcast %broadcast_in_dim3A_297 : vector<1x1024xi32> to vector<784x1024xi32>
      %eq3A_299 = arith.cmpi eq, %iota3A_127, %eq3A_298 : vector<784x1024xi32>
      %jit3A_300 = arith.constant -3.000000e+38 : f32
      %broadcast_in_dim3A_301 = vector.broadcast %jit3A_300 : f32 to vector<784x1024xf32>
      %select_n3A_302 = arith.select %eq3A_299, %broadcast_in_dim3A_301, %select_n3A_286 : vector<784x1024xi1>, vector<784x1024xf32>
      %reduce_max3A_303 = arith.constant dense<0xFF800000> : vector<1024xf32>
      %reduce_max3A_304 = vector.multi_reduction <maximumf>, %select_n3A_302, %reduce_max3A_303 [0] : vector<784x1024xf32> to vector<1024xf32>
      %broadcast_in_dim3A_305 = vector.shape_cast %reduce_max3A_304 : vector<1024xf32> to vector<1x1024xf32>
      %eq3A_306 = vector.broadcast %broadcast_in_dim3A_305 : vector<1x1024xf32> to vector<784x1024xf32>
      %eq3A_307 = arith.cmpf oeq, %select_n3A_302, %eq3A_306 : vector<784x1024xf32>
      %jit3A_308 = arith.constant 784 : i32
      %broadcast_in_dim3A_309 = vector.broadcast %jit3A_308 : i32 to vector<784x1024xi32>
      %select_n3A_310 = arith.select %eq3A_307, %iota3A_127, %broadcast_in_dim3A_309 : vector<784x1024xi1>, vector<784x1024xi32>
      %reduce_min3A_311 = arith.constant dense<2147483647> : vector<1024xi32>
      %reduce_min3A_312 = vector.multi_reduction <minsi>, %select_n3A_310, %reduce_min3A_311 [0] : vector<784x1024xi32> to vector<1024xi32>
      %broadcast_in_dim3A_313 = vector.shape_cast %reduce_min3A_312 : vector<1024xi32> to vector<1x1024xi32>
      %eq3A_314 = vector.broadcast %broadcast_in_dim3A_313 : vector<1x1024xi32> to vector<784x1024xi32>
      %eq3A_315 = arith.cmpi eq, %iota3A_127, %eq3A_314 : vector<784x1024xi32>
      %jit3A_316 = arith.constant -3.000000e+38 : f32
      %broadcast_in_dim3A_317 = vector.broadcast %jit3A_316 : f32 to vector<784x1024xf32>
      %select_n3A_318 = arith.select %eq3A_315, %broadcast_in_dim3A_317, %select_n3A_302 : vector<784x1024xi1>, vector<784x1024xf32>
      %reduce_max3A_319 = arith.constant dense<0xFF800000> : vector<1024xf32>
      %reduce_max3A_320 = vector.multi_reduction <maximumf>, %select_n3A_318, %reduce_max3A_319 [0] : vector<784x1024xf32> to vector<1024xf32>
      %broadcast_in_dim3A_321 = vector.shape_cast %reduce_max3A_320 : vector<1024xf32> to vector<1x1024xf32>
      %eq3A_322 = vector.broadcast %broadcast_in_dim3A_321 : vector<1x1024xf32> to vector<784x1024xf32>
      %eq3A_323 = arith.cmpf oeq, %select_n3A_318, %eq3A_322 : vector<784x1024xf32>
      %jit3A_324 = arith.constant 784 : i32
      %broadcast_in_dim3A_325 = vector.broadcast %jit3A_324 : i32 to vector<784x1024xi32>
      %select_n3A_326 = arith.select %eq3A_323, %iota3A_127, %broadcast_in_dim3A_325 : vector<784x1024xi1>, vector<784x1024xi32>
      %reduce_min3A_327 = arith.constant dense<2147483647> : vector<1024xi32>
      %reduce_min3A_328 = vector.multi_reduction <minsi>, %select_n3A_326, %reduce_min3A_327 [0] : vector<784x1024xi32> to vector<1024xi32>
      %broadcast_in_dim3A_329 = vector.shape_cast %reduce_min3A_328 : vector<1024xi32> to vector<1x1024xi32>
      %eq3A_330 = vector.broadcast %broadcast_in_dim3A_329 : vector<1x1024xi32> to vector<784x1024xi32>
      %eq3A_331 = arith.cmpi eq, %iota3A_127, %eq3A_330 : vector<784x1024xi32>
      %jit3A_332 = arith.constant -3.000000e+38 : f32
      %broadcast_in_dim3A_333 = vector.broadcast %jit3A_332 : f32 to vector<784x1024xf32>
      %select_n3A_334 = arith.select %eq3A_331, %broadcast_in_dim3A_333, %select_n3A_318 : vector<784x1024xi1>, vector<784x1024xf32>
      %reduce_max3A_335 = arith.constant dense<0xFF800000> : vector<1024xf32>
      %reduce_max3A_336 = vector.multi_reduction <maximumf>, %select_n3A_334, %reduce_max3A_335 [0] : vector<784x1024xf32> to vector<1024xf32>
      %broadcast_in_dim3A_337 = vector.shape_cast %reduce_max3A_336 : vector<1024xf32> to vector<1x1024xf32>
      %eq3A_338 = vector.broadcast %broadcast_in_dim3A_337 : vector<1x1024xf32> to vector<784x1024xf32>
      %eq3A_339 = arith.cmpf oeq, %select_n3A_334, %eq3A_338 : vector<784x1024xf32>
      %jit3A_340 = arith.constant 784 : i32
      %broadcast_in_dim3A_341 = vector.broadcast %jit3A_340 : i32 to vector<784x1024xi32>
      %select_n3A_342 = arith.select %eq3A_339, %iota3A_127, %broadcast_in_dim3A_341 : vector<784x1024xi1>, vector<784x1024xi32>
      %reduce_min3A_343 = arith.constant dense<2147483647> : vector<1024xi32>
      %reduce_min3A_344 = vector.multi_reduction <minsi>, %select_n3A_342, %reduce_min3A_343 [0] : vector<784x1024xi32> to vector<1024xi32>
      %broadcast_in_dim3A_345 = vector.shape_cast %reduce_min3A_344 : vector<1024xi32> to vector<1x1024xi32>
      %eq3A_346 = vector.broadcast %broadcast_in_dim3A_345 : vector<1x1024xi32> to vector<784x1024xi32>
      %eq3A_347 = arith.cmpi eq, %iota3A_127, %eq3A_346 : vector<784x1024xi32>
      %jit3A_348 = arith.constant -3.000000e+38 : f32
      %broadcast_in_dim3A_349 = vector.broadcast %jit3A_348 : f32 to vector<784x1024xf32>
      %select_n3A_350 = arith.select %eq3A_347, %broadcast_in_dim3A_349, %select_n3A_334 : vector<784x1024xi1>, vector<784x1024xf32>
      %reduce_max3A_351 = arith.constant dense<0xFF800000> : vector<1024xf32>
      %reduce_max3A_352 = vector.multi_reduction <maximumf>, %select_n3A_350, %reduce_max3A_351 [0] : vector<784x1024xf32> to vector<1024xf32>
      %broadcast_in_dim3A_353 = vector.shape_cast %reduce_max3A_352 : vector<1024xf32> to vector<1x1024xf32>
      %eq3A_354 = vector.broadcast %broadcast_in_dim3A_353 : vector<1x1024xf32> to vector<784x1024xf32>
      %eq3A_355 = arith.cmpf oeq, %select_n3A_350, %eq3A_354 : vector<784x1024xf32>
      %jit3A_356 = arith.constant 784 : i32
      %broadcast_in_dim3A_357 = vector.broadcast %jit3A_356 : i32 to vector<784x1024xi32>
      %select_n3A_358 = arith.select %eq3A_355, %iota3A_127, %broadcast_in_dim3A_357 : vector<784x1024xi1>, vector<784x1024xi32>
      %reduce_min3A_359 = arith.constant dense<2147483647> : vector<1024xi32>
      %reduce_min3A_360 = vector.multi_reduction <minsi>, %select_n3A_358, %reduce_min3A_359 [0] : vector<784x1024xi32> to vector<1024xi32>
      %broadcast_in_dim3A_361 = vector.shape_cast %reduce_min3A_360 : vector<1024xi32> to vector<1x1024xi32>
      %eq3A_362 = vector.broadcast %broadcast_in_dim3A_361 : vector<1x1024xi32> to vector<784x1024xi32>
      %eq3A_363 = arith.cmpi eq, %iota3A_127, %eq3A_362 : vector<784x1024xi32>
      %jit3A_364 = arith.constant -3.000000e+38 : f32
      %broadcast_in_dim3A_365 = vector.broadcast %jit3A_364 : f32 to vector<784x1024xf32>
      %select_n3A_366 = arith.select %eq3A_363, %broadcast_in_dim3A_365, %select_n3A_350 : vector<784x1024xi1>, vector<784x1024xf32>
      %reduce_max3A_367 = arith.constant dense<0xFF800000> : vector<1024xf32>
      %reduce_max3A_368 = vector.multi_reduction <maximumf>, %select_n3A_366, %reduce_max3A_367 [0] : vector<784x1024xf32> to vector<1024xf32>
      %broadcast_in_dim3A_369 = vector.shape_cast %reduce_max3A_368 : vector<1024xf32> to vector<1x1024xf32>
      %eq3A_370 = vector.broadcast %broadcast_in_dim3A_369 : vector<1x1024xf32> to vector<784x1024xf32>
      %eq3A_371 = arith.cmpf oeq, %select_n3A_366, %eq3A_370 : vector<784x1024xf32>
      %jit3A_372 = arith.constant 784 : i32
      %broadcast_in_dim3A_373 = vector.broadcast %jit3A_372 : i32 to vector<784x1024xi32>
      %select_n3A_374 = arith.select %eq3A_371, %iota3A_127, %broadcast_in_dim3A_373 : vector<784x1024xi1>, vector<784x1024xi32>
      %reduce_min3A_375 = arith.constant dense<2147483647> : vector<1024xi32>
      %reduce_min3A_376 = vector.multi_reduction <minsi>, %select_n3A_374, %reduce_min3A_375 [0] : vector<784x1024xi32> to vector<1024xi32>
      %broadcast_in_dim3A_377 = vector.shape_cast %reduce_min3A_376 : vector<1024xi32> to vector<1x1024xi32>
      %iota3A_378 = tpu.iota {dimensions = array<i32: 1>} : vector<16x1024xi32>
      %concatenate3A = tpu.concatenate %broadcast_in_dim3A_137, %broadcast_in_dim3A_153, %broadcast_in_dim3A_169, %broadcast_in_dim3A_185, %broadcast_in_dim3A_201, %broadcast_in_dim3A_217, %broadcast_in_dim3A_233, %broadcast_in_dim3A_249, %broadcast_in_dim3A_265, %broadcast_in_dim3A_281, %broadcast_in_dim3A_297, %broadcast_in_dim3A_313, %broadcast_in_dim3A_329, %broadcast_in_dim3A_345, %broadcast_in_dim3A_361, %broadcast_in_dim3A_377 in 0 : vector<1x1024xi32>, vector<1x1024xi32>, vector<1x1024xi32>, vector<1x1024xi32>, vector<1x1024xi32>, vector<1x1024xi32>, vector<1x1024xi32>, vector<1x1024xi32>, vector<1x1024xi32>, vector<1x1024xi32>, vector<1x1024xi32>, vector<1x1024xi32>, vector<1x1024xi32>, vector<1x1024xi32>, vector<1x1024xi32>, vector<1x1024xi32> -> vector<16x1024xi32>
      %mul3A_379 = arith.constant 1024 : i32
      %mul3A_380 = vector.broadcast %mul3A_379 : i32 to vector<16x1024xi32>
      %mul3A_381 = arith.muli %concatenate3A, %mul3A_380 : vector<16x1024xi32>
      %add3A_382 = arith.addi %mul3A_381, %iota3A_378 : vector<16x1024xi32>
      %swap3A_383 = arith.constant 0 : index
      %swap3A_384 = arith.constant 0 : index
      %swap3A_385 = vector.load %arg6[%swap3A_383, %swap3A_384] : memref<16x1024xi32, #tpu.memory_space<vmem>>, vector<16x1024xi32>
      tpu.vector_store %arg6[%swap3A_383, %swap3A_384], %add3A_382 {strides = array<i32>} : memref<16x1024xi32, #tpu.memory_space<vmem>>, vector<16x1024xi32>,
    } else {
    }
    return
  }
  func.func @transform_0(%arg0: i32) -> (i32, i32) {
    %c0_i32 = arith.constant 0 : i32
    %c0_i32_0 = arith.constant 0 : i32
    %c0_i32_1 = arith.constant 0 : i32
    return %c0_i32, %c0_i32_0 : i32, i32
  }
  func.func @transform_1(%arg0: i32) -> (i32, i32) {
    %c0_i32 = arith.constant 0 : i32
    %c0_i32_0 = arith.constant 0 : i32
    return %arg0, %c0_i32 : i32, i32
  }
  func.func @transform_2(%arg0: i32) -> i32 {
    %c0_i32 = arith.constant 0 : i32
    return %arg0 : i32
  }
  func.func @transform_3(%arg0: i32) -> (i32, i32, i32) {
    %c0_i32 = arith.constant 0 : i32
    %c0_i32_0 = arith.constant 0 : i32
    %c0_i32_1 = arith.constant 0 : i32
    return %arg0, %c0_i32, %c0_i32_0 : i32, i32, i32
  }
  func.func @transform_4(%arg0: i32) -> i32 {
    %c0_i32 = arith.constant 0 : i32
    return %arg0 : i32
  }
  func.func @transform_5(%arg0: i32) -> (i32, i32) {
    %c0_i32 = arith.constant 0 : i32
    %c0_i32_0 = arith.constant 0 : i32
    %c0_i32_1 = arith.constant 0 : i32
    return %c0_i32, %c0_i32_0 : i32, i32
  }
}

module attributes {stable_mosaic.version = 14 : i64} {
  func.func @_prefix_body(%arg0: memref<784x128xf32, #tpu.memory_space<vmem>>, %arg1: memref<784x128xf32, #tpu.memory_space<vmem>>, %arg2: memref<1024x1xi32, #tpu.memory_space<vmem>>, %arg3: memref<1024xi32, #tpu.memory_space<vmem>>, %arg4: memref<784x128xf32, #tpu.memory_space<vmem>>, %arg5: memref<784x128xf32, #tpu.memory_space<vmem>>, %arg6: memref<1024xi32, #tpu.memory_space<vmem>>, %arg7: memref<1024xi32, #tpu.memory_space<vmem>>) attributes {dimension_semantics = [], scalar_prefetch = 0 : i64, scratch_operands = 0 : i64, tpu.core_type = #tpu.core_type<tc>} {
    %get3A = arith.constant 0 : index
    %get3A_0 = arith.constant 0 : index
    %get3A_1 = vector.load %arg0[%get3A, %get3A_0] : memref<784x128xf32, #tpu.memory_space<vmem>>, vector<784x128xf32>
    %get3A_2 = arith.constant 0 : index
    %get3A_3 = arith.constant 0 : index
    %get3A_4 = vector.load %arg1[%get3A_2, %get3A_3] : memref<784x128xf32, #tpu.memory_space<vmem>>, vector<784x128xf32>
    %sub3A = arith.constant 1.000000e+00 : f32
    %sub3A_5 = vector.broadcast %sub3A : f32 to vector<784x128xf32>
    %sub3A_6 = arith.subf %sub3A_5, %get3A_4 : vector<784x128xf32>
    %mul3A = arith.mulf %get3A_1, %sub3A_6 : vector<784x128xf32>
    %iota3A = tpu.iota {dimensions = array<i32: 0>} : vector<784x128xi32>
    %iota3A_7 = tpu.iota {dimensions = array<i32: 1>} : vector<784x128xi32>
    %mul3A_8 = arith.constant 128 : i32
    %mul3A_9 = vector.broadcast %mul3A_8 : i32 to vector<784x128xi32>
    %mul3A_10 = arith.muli %iota3A, %mul3A_9 : vector<784x128xi32>
    %add3A = arith.addi %mul3A_10, %iota3A_7 : vector<784x128xi32>
    %lt3A = arith.constant 100000 : i32
    %lt3A_11 = vector.broadcast %lt3A : i32 to vector<784x128xi32>
    %lt3A_12 = arith.cmpi slt, %add3A, %lt3A_11 : vector<784x128xi32>
    %sub3A_13 = arith.constant 1.000000e+00 : f32
    %sub3A_14 = vector.broadcast %sub3A_13 : f32 to vector<784x128xf32>
    %sub3A_15 = arith.subf %sub3A_14, %get3A_1 : vector<784x128xf32>
    %sub3A_16 = arith.constant 1.000000e+00 : f32
    %sub3A_17 = vector.broadcast %sub3A_16 : f32 to vector<784x128xf32>
    %sub3A_18 = arith.subf %sub3A_17, %get3A_4 : vector<784x128xf32>
    %mul3A_19 = arith.mulf %sub3A_15, %sub3A_18 : vector<784x128xf32>
    %jit3A = arith.constant 0.000000e+00 : f32
    %broadcast_in_dim3A = vector.broadcast %jit3A : f32 to vector<784x128xf32>
    %select_n3A = arith.select %lt3A_12, %mul3A_19, %broadcast_in_dim3A : vector<784x128xi1>, vector<784x128xf32>
    %iota3A_20 = tpu.iota {dimensions = array<i32: 0>} : vector<784x784xi32>
    %iota3A_21 = tpu.iota {dimensions = array<i32: 1>} : vector<784x784xi32>
    %gt3A = arith.cmpi sgt, %iota3A_20, %iota3A_21 : vector<784x784xi32>
    %convert_element_type3A = arith.extui %gt3A : vector<784x784xi1> to vector<784x784xi32>
    %convert_element_type3A_22 = arith.sitofp %convert_element_type3A : vector<784x784xi32> to vector<784x784xf32>
    %iota3A_23 = tpu.iota {dimensions = array<i32: 0>} : vector<128x128xi32>
    %iota3A_24 = tpu.iota {dimensions = array<i32: 1>} : vector<128x128xi32>
    %lt3A_25 = arith.cmpi slt, %iota3A_23, %iota3A_24 : vector<128x128xi32>
    %convert_element_type3A_26 = arith.extui %lt3A_25 : vector<128x128xi1> to vector<128x128xi32>
    %convert_element_type3A_27 = arith.sitofp %convert_element_type3A_26 : vector<128x128xi32> to vector<128x128xf32>
    %broadcast_in_dim3A_28 = arith.constant 1.000000e+00 : f32
    %broadcast_in_dim3A_29 = vector.broadcast %broadcast_in_dim3A_28 : f32 to vector<128x128xf32>
    %dot_general3A = arith.constant dense<0.000000e+00> : vector<784x128xf32>
    %dot_general3A_30 = tpu.matmul %mul3A, %broadcast_in_dim3A_29, %dot_general3A {dimension_numbers = #tpu.dot_dimension_numbers<[1], [0], [0], [1], [0, 0, 1, 1], [], []>, transpose_lhs_hint = false} : vector<784x128xf32>, vector<128x128xf32>, vector<784x128xf32> -> vector<784x128xf32>
    %dot_general3A_31 = arith.constant dense<0.000000e+00> : vector<784x128xf32>
    %dot_general3A_32 = tpu.matmul %convert_element_type3A_22, %dot_general3A_30, %dot_general3A_31 {dimension_numbers = #tpu.dot_dimension_numbers<[1], [0], [0], [1], [0, 0, 1, 1], [], []>, transpose_lhs_hint = false} : vector<784x784xf32>, vector<784x128xf32>, vector<784x128xf32> -> vector<784x128xf32>
    %dot_general3A_33 = arith.constant dense<0.000000e+00> : vector<784x128xf32>
    %dot_general3A_34 = tpu.matmul %mul3A, %convert_element_type3A_27, %dot_general3A_33 {dimension_numbers = #tpu.dot_dimension_numbers<[1], [0], [0], [1], [0, 0, 1, 1], [], []>, transpose_lhs_hint = false} : vector<784x128xf32>, vector<128x128xf32>, vector<784x128xf32> -> vector<784x128xf32>
    %add3A_35 = arith.addf %dot_general3A_32, %dot_general3A_34 : vector<784x128xf32>
    %swap3A = arith.constant 0 : index
    %swap3A_36 = arith.constant 0 : index
    %swap3A_37 = vector.load %arg4[%swap3A, %swap3A_36] : memref<784x128xf32, #tpu.memory_space<vmem>>, vector<784x128xf32>
    tpu.vector_store %arg4[%swap3A, %swap3A_36], %add3A_35 {strides = array<i32>} : memref<784x128xf32, #tpu.memory_space<vmem>>, vector<784x128xf32>,
    %dot_general3A_38 = arith.constant dense<0.000000e+00> : vector<784x128xf32>
    %dot_general3A_39 = tpu.matmul %select_n3A, %broadcast_in_dim3A_29, %dot_general3A_38 {dimension_numbers = #tpu.dot_dimension_numbers<[1], [0], [0], [1], [0, 0, 1, 1], [], []>, transpose_lhs_hint = false} : vector<784x128xf32>, vector<128x128xf32>, vector<784x128xf32> -> vector<784x128xf32>
    %dot_general3A_40 = arith.constant dense<0.000000e+00> : vector<784x128xf32>
    %dot_general3A_41 = tpu.matmul %convert_element_type3A_22, %dot_general3A_39, %dot_general3A_40 {dimension_numbers = #tpu.dot_dimension_numbers<[1], [0], [0], [1], [0, 0, 1, 1], [], []>, transpose_lhs_hint = false} : vector<784x784xf32>, vector<784x128xf32>, vector<784x128xf32> -> vector<784x128xf32>
    %dot_general3A_42 = arith.constant dense<0.000000e+00> : vector<784x128xf32>
    %dot_general3A_43 = tpu.matmul %select_n3A, %convert_element_type3A_27, %dot_general3A_42 {dimension_numbers = #tpu.dot_dimension_numbers<[1], [0], [0], [1], [0, 0, 1, 1], [], []>, transpose_lhs_hint = false} : vector<784x128xf32>, vector<128x128xf32>, vector<784x128xf32> -> vector<784x128xf32>
    %add3A_44 = arith.addf %dot_general3A_41, %dot_general3A_43 : vector<784x128xf32>
    %swap3A_45 = arith.constant 0 : index
    %swap3A_46 = arith.constant 0 : index
    %swap3A_47 = vector.load %arg5[%swap3A_45, %swap3A_46] : memref<784x128xf32, #tpu.memory_space<vmem>>, vector<784x128xf32>
    tpu.vector_store %arg5[%swap3A_45, %swap3A_46], %add3A_44 {strides = array<i32>} : memref<784x128xf32, #tpu.memory_space<vmem>>, vector<784x128xf32>,
    %get3A_48 = arith.constant 0 : index
    %get3A_49 = arith.constant 0 : index
    %get3A_50 = vector.load %arg2[%get3A_48, %get3A_49] : memref<1024x1xi32, #tpu.memory_space<vmem>>, vector<1024x1xi32>
    %get3A_51 = arith.constant 0 : index
    %get3A_52 = vector.load %arg3[%get3A_51] : memref<1024xi32, #tpu.memory_space<vmem>>, vector<1024xi32>
    %reshape3A = vector.shape_cast %get3A_52 : vector<1024xi32> to vector<1x1024xi32>
    %iota3A_53 = tpu.iota {dimensions = array<i32: 0>} : vector<1024x1024xi32>
    %iota3A_54 = tpu.iota {dimensions = array<i32: 1>} : vector<1024x1024xi32>
    %eq3A = vector.broadcast %get3A_50 : vector<1024x1xi32> to vector<1024x1024xi32>
    %eq3A_55 = vector.broadcast %reshape3A : vector<1x1024xi32> to vector<1024x1024xi32>
    %eq3A_56 = arith.cmpi eq, %eq3A, %eq3A_55 : vector<1024x1024xi32>
    %lt3A_57 = arith.cmpi slt, %iota3A_53, %iota3A_54 : vector<1024x1024xi32>
    %and3A = arith.andi %eq3A_56, %lt3A_57 : vector<1024x1024xi1>
    %convert_element_type3A_58 = arith.extui %and3A : vector<1024x1024xi1> to vector<1024x1024xi32>
    %convert_element_type3A_59 = arith.sitofp %convert_element_type3A_58 : vector<1024x1024xi32> to vector<1024x1024xf32>
    %reduce_sum3A = arith.constant dense<0.000000e+00> : vector<1024xf32>
    %reduce_sum3A_60 = vector.multi_reduction <add>, %convert_element_type3A_59, %reduce_sum3A [0] : vector<1024x1024xf32> to vector<1024xf32>
    %eq3A_61 = arith.constant 0.000000e+00 : f32
    %eq3A_62 = vector.broadcast %eq3A_61 : f32 to vector<1024xf32>
    %eq3A_63 = arith.cmpf oeq, %reduce_sum3A_60, %eq3A_62 : vector<1024xf32>
    %lt3A_64 = vector.broadcast %get3A_50 : vector<1024x1xi32> to vector<1024x1024xi32>
    %lt3A_65 = vector.broadcast %reshape3A : vector<1x1024xi32> to vector<1024x1024xi32>
    %lt3A_66 = arith.cmpi slt, %lt3A_64, %lt3A_65 : vector<1024x1024xi32>
    %convert_element_type3A_67 = arith.extui %lt3A_66 : vector<1024x1024xi1> to vector<1024x1024xi32>
    %convert_element_type3A_68 = arith.sitofp %convert_element_type3A_67 : vector<1024x1024xi32> to vector<1024x1024xf32>
    %convert_element_type3A_69 = arith.extui %eq3A_63 : vector<1024xi1> to vector<1024xi32>
    %convert_element_type3A_70 = arith.sitofp %convert_element_type3A_69 : vector<1024xi32> to vector<1024xf32>
    %reshape3A_71 = vector.shape_cast %convert_element_type3A_70 : vector<1024xf32> to vector<1x1024xf32>
    %broadcast_in_dim3A_72 = vector.shape_cast %reshape3A_71 : vector<1x1024xf32> to vector<1x1024xf32>
    %broadcast_in_dim3A_73 = vector.broadcast %broadcast_in_dim3A_72 : vector<1x1024xf32> to vector<8x1024xf32>
    %dot_general3A_74 = arith.constant dense<0.000000e+00> : vector<8x1024xf32>
    %dot_general3A_75 = tpu.matmul %broadcast_in_dim3A_73, %convert_element_type3A_68, %dot_general3A_74 {dimension_numbers = #tpu.dot_dimension_numbers<[1], [0], [0], [1], [0, 0, 1, 1], [], []>, transpose_lhs_hint = false} : vector<8x1024xf32>, vector<1024x1024xf32>, vector<8x1024xf32> -> vector<8x1024xf32>
    %slice3A = vector.extract_strided_slice %dot_general3A_75 {offsets = [0, 0], sizes = [1, 1024], strides = [1, 1]} : vector<8x1024xf32> to vector<1x1024xf32>
    %squeeze3A = vector.shape_cast %slice3A : vector<1x1024xf32> to vector<1024xf32>
    %convert_element_type3A_76 = arith.fptosi %squeeze3A : vector<1024xf32> to vector<1024xi32>
    %swap3A_77 = arith.constant 0 : index
    %swap3A_78 = vector.load %arg6[%swap3A_77] : memref<1024xi32, #tpu.memory_space<vmem>>, vector<1024xi32>
    tpu.vector_store %arg6[%swap3A_77], %convert_element_type3A_76 {strides = array<i32>} : memref<1024xi32, #tpu.memory_space<vmem>>, vector<1024xi32>,
    %convert_element_type3A_79 = arith.extui %eq3A_63 : vector<1024xi1> to vector<1024xi32>
    %swap3A_80 = arith.constant 0 : index
    %swap3A_81 = vector.load %arg7[%swap3A_80] : memref<1024xi32, #tpu.memory_space<vmem>>, vector<1024xi32>
    tpu.vector_store %arg7[%swap3A_80], %convert_element_type3A_79 {strides = array<i32>} : memref<1024xi32, #tpu.memory_space<vmem>>, vector<1024xi32>,
    return
  }
}

module attributes {stable_mosaic.version = 14 : i64} {
  func.func @_rank_body(%arg0: i32, %arg1: memref<512x1xf32, #tpu.memory_space<vmem>>, %arg2: memref<512x1xi32, #tpu.memory_space<vmem>>, %arg3: memref<9216xf32, #tpu.memory_space<vmem>>, %arg4: memref<9216xi32, #tpu.memory_space<vmem>>, %arg5: memref<512x1xi32, #tpu.memory_space<vmem>>) attributes {dimension_semantics = [#tpu.dimension_semantics<arbitrary>], iteration_bounds = array<i64: 18>, scalar_prefetch = 0 : i64, scratch_operands = 0 : i64, tpu.core_type = #tpu.core_type<tc>, window_params = [{transform_indices = @transform_0, window_bounds = array<i64: 512, 1>}, {transform_indices = @transform_1, window_bounds = array<i64: 512, 1>}, {pipeline_mode = #tpu.pipeline_mode<synchronous>, transform_indices = @transform_2, window_bounds = array<i64: 9216>}, {pipeline_mode = #tpu.pipeline_mode<synchronous>, transform_indices = @transform_3, window_bounds = array<i64: 9216>}, {transform_indices = @transform_4, window_bounds = array<i64: 512, 1>}]} {
    %get3A = arith.constant 0 : index
    %get3A_0 = arith.constant 0 : index
    %get3A_1 = vector.load %arg1[%get3A, %get3A_0] : memref<512x1xf32, #tpu.memory_space<vmem>>, vector<512x1xf32>
    %get3A_2 = arith.constant 0 : index
    %get3A_3 = arith.constant 0 : index
    %get3A_4 = vector.load %arg2[%get3A_2, %get3A_3] : memref<512x1xi32, #tpu.memory_space<vmem>>, vector<512x1xi32>
    %get3A_5 = arith.constant 0 : index
    %get3A_6 = vector.load %arg3[%get3A_5] : memref<9216xf32, #tpu.memory_space<vmem>>, vector<9216xf32>
    %reshape3A = vector.shape_cast %get3A_6 : vector<9216xf32> to vector<1x9216xf32>
    %get3A_7 = arith.constant 0 : index
    %get3A_8 = vector.load %arg4[%get3A_7] : memref<9216xi32, #tpu.memory_space<vmem>>, vector<9216xi32>
    %reshape3A_9 = vector.shape_cast %get3A_8 : vector<9216xi32> to vector<1x9216xi32>
    %gt3A = vector.broadcast %reshape3A : vector<1x9216xf32> to vector<512x9216xf32>
    %gt3A_10 = vector.broadcast %get3A_1 : vector<512x1xf32> to vector<512x9216xf32>
    %gt3A_11 = arith.cmpf ogt, %gt3A, %gt3A_10 : vector<512x9216xf32>
    %eq3A = vector.broadcast %reshape3A : vector<1x9216xf32> to vector<512x9216xf32>
    %eq3A_12 = vector.broadcast %get3A_1 : vector<512x1xf32> to vector<512x9216xf32>
    %eq3A_13 = arith.cmpf oeq, %eq3A, %eq3A_12 : vector<512x9216xf32>
    %lt3A = vector.broadcast %reshape3A_9 : vector<1x9216xi32> to vector<512x9216xi32>
    %lt3A_14 = vector.broadcast %get3A_4 : vector<512x1xi32> to vector<512x9216xi32>
    %lt3A_15 = arith.cmpi slt, %lt3A, %lt3A_14 : vector<512x9216xi32>
    %and3A = arith.andi %eq3A_13, %lt3A_15 : vector<512x9216xi1>
    %or3A = arith.ori %gt3A_11, %and3A : vector<512x9216xi1>
    %convert_element_type3A = arith.extui %or3A : vector<512x9216xi1> to vector<512x9216xi32>
    %convert_element_type3A_16 = arith.sitofp %convert_element_type3A : vector<512x9216xi32> to vector<512x9216xf32>
    %reduce_sum3A = arith.constant dense<0.000000e+00> : vector<512xf32>
    %reduce_sum3A_17 = vector.multi_reduction <add>, %convert_element_type3A_16, %reduce_sum3A [1] : vector<512x9216xf32> to vector<512xf32>
    %broadcast_in_dim3A = vector.shape_cast %reduce_sum3A_17 : vector<512xf32> to vector<512x1xf32>
    %convert_element_type3A_18 = arith.fptosi %broadcast_in_dim3A : vector<512x1xf32> to vector<512x1xi32>
    %swap3A = arith.constant 0 : index
    %swap3A_19 = arith.constant 0 : index
    %swap3A_20 = vector.load %arg5[%swap3A, %swap3A_19] : memref<512x1xi32, #tpu.memory_space<vmem>>, vector<512x1xi32>
    tpu.vector_store %arg5[%swap3A, %swap3A_19], %convert_element_type3A_18 {strides = array<i32>} : memref<512x1xi32, #tpu.memory_space<vmem>>, vector<512x1xi32>,
    return
  }
  func.func @transform_0(%arg0: i32) -> (i32, i32) {
    %c0_i32 = arith.constant 0 : i32
    %c0_i32_0 = arith.constant 0 : i32
    return %arg0, %c0_i32 : i32, i32
  }
  func.func @transform_1(%arg0: i32) -> (i32, i32) {
    %c0_i32 = arith.constant 0 : i32
    %c0_i32_0 = arith.constant 0 : i32
    return %arg0, %c0_i32 : i32, i32
  }
  func.func @transform_2(%arg0: i32) -> i32 {
    %c0_i32 = arith.constant 0 : i32
    %c0_i32_0 = arith.constant 0 : i32
    return %c0_i32 : i32
  }
  func.func @transform_3(%arg0: i32) -> i32 {
    %c0_i32 = arith.constant 0 : i32
    %c0_i32_0 = arith.constant 0 : i32
    return %c0_i32 : i32
  }
  func.func @transform_4(%arg0: i32) -> (i32, i32) {
    %c0_i32 = arith.constant 0 : i32
    %c0_i32_0 = arith.constant 0 : i32
    return %arg0, %c0_i32 : i32, i32
  }
}

</mosaic_0001>

<sc_bundles>
// kernel: kernel.11.cloned.1.call-start
scs
__scs_entry_jumppad:
0x0: {  	(pc) =	sbr.rel $0x88, $3  }
0x1: {  	(tag) =	ssettag $0x0;
	lr =	simm.s32 $0x1  }
0x2: {  	[smem:$0x3F9E] =	sst lr;
	_ =	strace $0xD0000000  }
0x3: {  	_ = 	snop  }
0x4: {  	_ = 	snop  }
0x5: {  	_ = 	snop  }
0x6: {  	_ = 	snop  }
0x7: {  	_ = 	snop  }
__scs_overlays_trampoline_lowered:
0x8: {  	[smem:$0x3FAD] =	sst s0  }
0x9: {  	[smem:$0x3FAE] =	sst s1  }
0xa: {  	[smem:$0x3FAF] =	sst s2  }
0xb: {  	[smem:$0x3FB0] =	sst s3  }
0xc: {  	[smem:$0x3FB1] =	sst s4  }
0xd: {  	[smem:$0x3FB2] =	sst s5  }
0xe: {  	[smem:$0x3FB3] =	sst s6  }
0xf: {  	[smem:$0x3FB4] =	sst s7  }
0x10: {  	[smem:$0x3FB5] =	sst s8  }
0x11: {  	[smem:$0x3FB6] =	sst s9;
	s0 =	simm.s32 @!p0 $0x0  }
0x12: {  	s1 =	sld [smem:$0x3F9C];
	s0 =	simm.s32 @p0 $0x1  }
0x13: {  	[smem:$0x3FB7] =	sst s0;
	s0 =	simm.s32 @!p1 $0x0  }
0x14: {  	s2 =	sld [smem:$0x3F9B];
	s0 =	simm.s32 @p1 $0x1  }
0x15: {  	[smem:$0x3FB8] =	sst s0;
	s0 =	simm.s32 @!p2 $0x0  }
0x16: {  	s3 =	sld [smem:$0x3FDB];
	s0 =	simm.s32 @p2 $0x1  }
0x17: {  	s4 =	simm.s32 $0x1BF5;
	[smem:$0x3FBA] =	sst s0  }
0x18: {  	s0 =	sld [smem:$0x3F9D];
	_ =	swait.ge [sflag:s4], $0x0  }
0x19: {  	s7 =	sld [smem:$0x3F9E]  }
0x1a: {  	s8 =	sadd.s32 $0xFFFFE003, lr  }
0x1b: {  	s9 =	sadd.s32 $0xFFFFFEF7, lr;
	s5 =	simm.s32 $0xFFFFFFFF;
	p2 =	slt.u32 s8, $0xFFFFF086  }
0x1c: {  	p1 =	slt.u32 s9, $0xF7A;
	s5 =	simm.s32 @!p2 $0x0  }
0x1d: {  	s5 =	simm.s32 @p1 $0x1;
	p0 =	seq.s32 s7, s2  }
0x1e: {  	s7 =	smul.u32 @!p0 $0xF7A, s2;
	p2 =	seq.s32 @!p0 s5, $0x0  }
0x1f: {  	s9 =	smul.u32 $0xF7A, s1;
	s8 =	simm.s32 @!p0 $0x1BF5;
	p2 =	por !p2, p0  }
0x20: {  	[sflag:s8] =	ssyncset.s32 @!p0 $0xFFFFF086;
	s6 =	sadd.s32 @!p0 s3, s7;
	s7 =	simm.s32 @!p0 $0x108  }
0x21: {  	s3 =	sadd.s32 s3, s9;
	s6 =	sadd.s32 @!p0 $0x88, s6;
	s7 =	simm.s32 @p2 $0x1082  }
0x22: {  	[simem:s7], [sflag:s8] =	dma.local @!p0 [hbm:s6], $0xF7A  }
0x23: {  	s9 =	sor.u32 $0xD0000000, s2;
	s6 =	simm.s32 $0x108;
	_ =	swait.ge @!p0 [sflag:s8], $0x0  }
0x24: {  	s3 =	sadd.s32 $0x88, s3;
	s6 =	simm.s32 @!p1 $0x1082;
	[sflag:s4] =	ssyncset.s32 $0xFFFFF086  }
0x25: {  	[simem:s6], [sflag:s4] =	dma.local [hbm:s3], $0xF7A  }
0x26: {  	[smem:$0x3F9E] =	sst s1;
	(tag) =	ssettag s2;
	_ =	strace s9  }
0x27: {  	s1 =	sld [smem:$0x3FAE]  }
0x28: {  	s2 =	sld [smem:$0x3FAF]  }
0x29: {  	s4 =	sld [smem:$0x3FB1]  }
0x2a: {  	p0 =	seq.s32 s5, $0x0;
	s5 =	sld [smem:$0x3FB2]  }
0x2b: {  	s6 =	sld [smem:$0x3FB3]  }
0x2c: {  	s7 =	sld [smem:$0x3FB4]  }
0x2d: {  	s3 =	simm.s32 $0x108;
	s8 =	sld [smem:$0x3FB5]  }
0x2e: {  	s3 =	simm.s32 @!p0 $0x1082;
	s9 =	sld [smem:$0x3FB6]  }
0x2f: {  	lr =	sadd.s32 s0, s3;
	s0 =	sld [smem:$0x3FAD]  }
0x30: {  	s3 =	sld [smem:$0x3FB0]  }
0x31: {  	[smem:$0x3FB9] =	sst s10  }
0x32: {  	s10 =	sld [smem:$0x3FB7];
	_ =	sdelay $0x3  }
0x33: {  	p0 =	seq.s32 s10, $0x1;
	s10 =	sld [smem:$0x3FB9];
	_ =	sdelay $0x3  }
0x34: {  	[smem:$0x3FB9] =	sst s10  }
0x35: {  	s10 =	sld [smem:$0x3FB8];
	_ =	sdelay $0x3  }
0x36: {  	p1 =	seq.s32 s10, $0x1;
	s10 =	sld [smem:$0x3FB9];
	_ =	sdelay $0x3  }
0x37: {  	[smem:$0x3FB9] =	sst s10  }
0x38: {  	s10 =	sld [smem:$0x3FBA]  }
0x39: {  	_ = 	snop;
	(pc) =	sbr.ind lr, $3  }
0x3a: {  	_ = 	snop  }
0x3b: {  	_ = 	snop  }
0x3c: {  	p2 =	seq.s32 s10, $0x1;
	s10 =	sld [smem:$0x3FB9]  }
0x3d: {  	_ =	shalt  }
0x3e: {  	_ =	shalt  }
0x3f: {  	_ =	shalt  }
0x40: {  	_ =	shalt  }
0x41: {  	_ =	shalt  }
0x42: {  	_ =	shalt  }
0x43: {  	_ =	shalt  }
0x44: {  	_ =	shalt  }
0x45: {  	_ =	shalt  }
0x46: {  	_ =	shalt  }
0x47: {  	_ =	shalt  }
0x48: {  	_ =	shalt  }
0x49: {  	_ =	shalt  }
0x4a: {  	_ =	shalt  }
0x4b: {  	_ =	shalt  }
0x4c: {  	_ =	shalt  }
0x4d: {  	_ =	shalt  }
0x4e: {  	_ =	shalt  }
0x4f: {  	_ =	shalt  }
0x50: {  	_ =	shalt  }
0x51: {  	_ =	shalt  }
0x52: {  	_ =	shalt  }
0x53: {  	_ =	shalt  }
0x54: {  	_ =	shalt  }
0x55: {  	_ =	shalt  }
0x56: {  	_ =	shalt  }
0x57: {  	_ =	shalt  }
0x58: {  	_ =	shalt  }
0x59: {  	_ =	shalt  }
0x5a: {  	_ =	shalt  }
0x5b: {  	_ =	shalt  }
0x5c: {  	_ =	shalt  }
0x5d: {  	_ =	shalt  }
0x5e: {  	_ =	shalt  }
0x5f: {  	_ =	shalt  }
0x60: {  	_ =	shalt  }
0x61: {  	_ =	shalt  }
0x62: {  	_ =	shalt  }
0x63: {  	_ =	shalt  }
0x64: {  	_ =	shalt  }
0x65: {  	_ =	shalt  }
0x66: {  	_ =	shalt  }
0x67: {  	_ =	shalt  }
0x68: {  	_ =	shalt  }
0x69: {  	_ =	shalt  }
0x6a: {  	_ =	shalt  }
0x6b: {  	_ =	shalt  }
0x6c: {  	_ =	shalt  }
0x6d: {  	_ =	shalt  }
0x6e: {  	_ =	shalt  }
0x6f: {  	_ =	shalt  }
0x70: {  	_ =	shalt  }
0x71: {  	_ =	shalt  }
0x72: {  	_ =	shalt  }
0x73: {  	_ =	shalt  }
0x74: {  	_ =	shalt  }
0x75: {  	_ =	shalt  }
0x76: {  	_ =	shalt  }
0x77: {  	_ =	shalt  }
0x78: {  	_ =	shalt  }
0x79: {  	_ =	shalt  }
0x7a: {  	_ =	shalt  }
0x7b: {  	_ =	shalt  }
0x7c: {  	_ =	shalt  }
0x7d: {  	_ =	shalt  }
0x7e: {  	_ =	shalt  }
0x7f: {  	_ =	shalt  }
0x80: {  	_ =	shalt  }
0x81: {  	_ =	shalt  }
0x82: {  	_ =	shalt  }
0x83: {  	_ =	shalt  }
0x84: {  	_ =	shalt  }
0x85: {  	_ =	shalt  }
0x86: {  	_ =	shalt  }
0x87: {  	_ =	shalt  }
.Lfunc_end0:
.L_simem_size_0:
called_computation_lowered:
.L_overlay_start_0:
0x88: {  	s2 =	sld [smem:$0x3FD9]  }
0x89: {  	s3 =	sld [smem:$0x3FFE];
	_ =	sdelay $0x1  }
0x8a: {  	s1 =	srdreg.scid  }
0x8b: {  	s0 =	sand.u32 $0x1, s1  }
0x8c: {  	s16 =	sshll.u32 s0, $0xA;
	s2 =	sadd.s32 s3, s2  }
0x8d: {  	s2 =	sadd.s32 s2, s16  }
0x8e: {  	[smem:$0x3FC5] =	sst s2  }
0x8f: {  	_ = 	snop  }
0x90: {  	(tm) =	ssettm $0x1  }
0x91: {  	s17 =	sld [smem:$0x3FFB];
	_ =	sdelay $0x3  }
0x92: {  	_ =	strace s17  }
0x93: {  	s2 =	sld [smem:$0x3FFC];
	_ =	sdelay $0x3  }
0x94: {  	_ =	strace s2  }
0x95: {  	s2 =	sld [smem:$0x3FFD];
	_ =	sdelay $0x3  }
0x96: {  	_ =	strace s2  }
0x97: {  	_ =	strace $0x8FFFFFFF  }
0x98: {  	s18 =	sld [smem:$0x3FDB];
	_ =	sdelay $0x1  }
0x99: {  	s19 =	simm.s32 $_scs_section_size  }
0x9a: {  	s4 =	simm.s32 $_size__tile_overlayer_lowered;
	s5 =	simm.s32 $_tile_overlayer_lowered  }
0x9b: {  	s22 =	simm.s32 $0x1BFF;
	s21 =	sshll.u32 s5, $0x1;
	s2 =	sadd.s32 s19, s18  }
0x9c: {  	s6 =	simm.s32 $0x0;
	s20 =	sshll.u32 s4, $0x1;
	s4 =	sadd.s32 s21, s2  }
0x9d: {  	[timem:s6], [sflag:s22] =	dma.local [hbm:s4], s20  }
0x9e: {  	_ =	swait.ge [sflag:s22], s20  }
0x9f: {  	s3 =	ssub.s32 $0x0, s20;
	[sflag:s22] =	ssyncset.done $0x0  }
0xa0: {  	[sflag:s22] =	ssyncadd.s32 s3;
	_ =	sdelay $0x1  }
0xa1: {  	s23 =	simm.s32 $0x1B8B  }
0xa2: {  	_ =	swait.ge [sflag:s23], $0x1  }
0xa3: {  	[sflag:s23] =	ssyncset.done $0x0  }
0xa4: {  	s25 =	simm.s32 $0x1B8E;
	s24 =	sld [smem:$0x3FFE];
	[sflag:s23] =	ssyncadd.s32 $0xFFFFFFFF  }
0xa5: {  	s26 =	simm.s32 $execute0_lowered;
	[smem:$0x3FD2] =	sst s25  }
0xa6: {  	s4 =	sshll.u32 s26, $0x1;
	_ =	strace $0x80000046;
	[dreg:$0x1] =	wrdreg $0xFFFFFFFF  }
0xa7: {  	s28 =	simm.s32 $_size_execute0_lowered;
	s2 =	sadd.s32 s2, s4;
	[dreg:$0x0] =	wrdreg $0x0  }
0xa8: {  	s4 =	sshll.u32 s28, $0x1;
	[dreg:$0x2] =	wrdreg s2  }
0xa9: {  	[dreg:$0x3] =	wrdreg s4  }
0xaa: {  	[dreg:$0x4] =	wrdreg $0xC0  }
0xab: {  	_ =	task [dreg:s6], $0x5FFFF  }
0xac: {  	[dreg:$0x1] =	wrdreg $0xFFFFFFFF  }
0xad: {  	[dreg:$0x0] =	wrdreg $0x60  }
0xae: {  	[dreg:$0x2] =	wrdreg s24  }
0xaf: {  	[dreg:$0x3] =	wrdreg $0x9  }
0xb0: {  	_ =	task.clear_ibuf [dreg:s6], $0x4FFFF;
	_ =	strace $0x90000046  }
0xb1: {  	s29 =	simm.s32 $0x9;
	_ =	strace $0x80000048  }
0xb2: {  	_ =	swait.ge [sflag:s29], $0x1  }
0xb3: {  	[sflag:s29] =	ssyncadd.s32 $0xFFFFFFFF  }
0xb4: {  	_ =	strace $0x90000048  }
0xb5: {  	_ =	sfence  }
0xb6: {  	s30 =	sld [smem:$0x0];
	_ =	sdelay $0x2  }
0xb7: {  	s31 =	sshll.u32 s1, $0xD;
	s1 =	sshrl.u32 s1, $0x2  }
0xb8: {  	s3 =	sand.u32 $0x4000, s31;
	s1 =	sadd.s32 s1, s30  }
0xb9: {  	s0 =	sor.u32 s3, s0;
	s1 =	sshll.u32 s1, $0x11  }
0xba: {  	s0 =	sor.u32 s1, s0  }
0xbb: {  	s0 =	sadd.s32 $0x8F2B, s0  }
0xbc: {  	[sflag:s0] =	ssyncadd.remote.s32 $0x1  }
0xbd: {  	_ =	sfence.sel $0xFFFF  }
0xbe: {  	[dreg:$0x0] =	wrdreg $0xFFFFFFFF;
	(pc) =	sbr.abs _section_cstart, $3  }
0xbf: {  	[dreg:$0x1] =	wrdreg $0xFFFFFFFF  }
0xc0: {  	_ =	task.clear_ibuf [dreg:s6], $0x2FFFF;
	_ =	strace $0x9FFFFFFF  }
0xc1: {  	(tm) =	ssettm $0x7FFFFFFF  }
tec
execute0_lowered:
.L_overlay_start_1:
0x0: {  	(tag) =	ssettag $0x1  }
0x1: {  	s1 =	srdreg.scid  }
0x2: {  	s0 =	stileid.u32;
	s6 =	sand.u32 $0x1, s1  }
0x3: {  	s8 =	rddreg [dreg:$0x0];
	s30 =	sshll.u32 s0, $0xA;
	s2 =	sshll.u32 s6, $0x9  }
0x4: {  	s7 =	simm.s32 $0x1;
	s1 =	rddreg [dreg:$0x1];
	s9 =	sor.u32 s2, s30  }
0x5: {  	s5 =	sadd.s32 $0x2800, s8;
	s2 =	simm.s32 $0x0;
	s3 =	sshrl.u32 s9, $0x3  }
0x6: {  	s10 =	ssub.s32 $0x2, s6;
	[smem:$0x7FF] =	sst s2;
	s3 =	sadd.s32 s3, s8  }
0x7: {  	_ =	strace $0x80000047;
	s4 =	sadd.s32 $0xC45A00, s3;
	s3 =	simm.s32 $0x2  }
0x8: {  	[tilespmem:s2], [sflag:$0x2] =	stream.linear.gather [hbm4b:s4+s2], $0x200, $0x38;
	[tilespmem:$0x10200] =	vst v63  }
0x9: {  	s6 =	simm.s32 $0x200;
	s11 =	sshrl.u32 s10, $0x1;
	_ =	swait.ge [sflag:s3], $0x200  }
0xa: {  	s9 =	sshll.u32 s9, $0x4;
	s31 =	ssub.s32 s10, s11;
	[sflag:s3] =	ssyncset.done $0x0  }
0xb: {  	s8 =	sadd.s32 s9, s8;
	s9 =	smax.u32 s31, $0x1;
	[sflag:s3] =	ssyncadd.s32 $0xFFFFFE00  }
0xc: {  	[tilespmem:s6], [sflag:$0x1] =	stream.indirect.gather [hbm4b:s5+s6], $0x80, s2, s6, $0xb8;
	[tilespmem:$0x10200] =	vst v63  }
0xd: {  	p0 =	sne.s32 s9, $0x1;
	_ =	swait.ge [sflag:s7], $0x10000  }
.Ltmp0:
0xe: {  	[sflag:s7] =	ssyncset.done $0x0;
	(pc) =	sbr.rel @!p0 .LBB2_2-.Ltmp0, $4  }
0xf: {  	s8 =	sadd.s32 $0xC46200, s8;
	[sflag:s7] =	ssyncadd.s32 $0xFFFF0000  }
0x10: {  	[hbm4b:s8+s2] =	stream.linear.scatter [tilespmem:s6], [sflag:$0x2], $0x10000, $0x38;
	[tilespmem:$0x10200] =	vst v63  }
0x11: {  	_ =	swait.ge [sflag:s3], $0x10000  }
0x12: {  	s9 =	sadd.s32 $0xFFFFFFFF, s9;
	[sflag:s3] =	ssyncset.done $0x0  }
.LBB2_1:
0x13: {  	p0 =	sne.s32 s9, $0x1;
	s9 =	sadd.s32 $0xFFFFFFFF, s9;
	[sflag:s3] =	ssyncadd.s32 $0xFFFF0000  }
0x14: {  	[tilespmem:s2], [sflag:$0x2] =	stream.linear.gather [hbm4b:s4+s2], $0x200, $0x38;
	[tilespmem:$0x10200] =	vst v63  }
0x15: {  	_ =	swait.ge [sflag:s3], $0x200  }
0x16: {  	[sflag:s3] =	ssyncset.done $0x0  }
0x17: {  	[sflag:s3] =	ssyncadd.s32 $0xFFFFFE00  }
0x18: {  	[tilespmem:s6], [sflag:$0x1] =	stream.indirect.gather [hbm4b:s5+s6], $0x80, s2, s6, $0xb8;
	[tilespmem:$0x10200] =	vst v63  }
0x19: {  	_ =	swait.ge [sflag:s7], $0x10000  }
.Ltmp1:
0x1a: {  	[sflag:s7] =	ssyncset.done $0x0;
	(pc) =	sbr.rel @p0 .LBB2_1-.Ltmp1, $4  }
0x1b: {  	[sflag:s7] =	ssyncadd.s32 $0xFFFF0000  }
0x1c: {  	[hbm4b:s8+s2] =	stream.linear.scatter [tilespmem:s6], [sflag:$0x2], $0x10000, $0x38;
	[tilespmem:$0x10200] =	vst v63  }
0x1d: {  	_ =	swait.ge [sflag:s3], $0x10000  }
0x1e: {  	[sflag:s3] =	ssyncset.done $0x0  }
.LBB2_2:
0x1f: {  	[sflag:s3] =	ssyncadd.s32 $0xFFFF0000  }
0x20: {  	_ =	sfence.sel $0x180000  }
0x21: {  	[bflag:$0x0] =	sbarrier.arrive $0xFFFF  }
0x22: {  	p0 =	sne.s32 s0, $0x0;
	_ =	strace $0x90000047  }
0x23: {  	s0 =	sadd.s32 @!p0 $0x100000, s1;
	[bflag:$0x2] =	sbarrier.arrive $0xFFFF  }
0x24: {  	[sflag:s0] =	ssyncadd.tile.s32 @!p0 $0x1;
	_ =	shalt  }
.Lfunc_end2:
_tile_overlayer_lowered:
.L_overlay_start_2:
0x25: {  	(tag) =	ssettag $0x2  }
0x26: {  	s0 =	rddreg [dreg:$0x0];
	s2 =	stileid.u32  }
0x27: {  	s1 =	rddreg [dreg:$0x1];
	p0 =	sne.s32 s2, $0x0  }
0x28: {  	s3 =	rddreg [dreg:$0x2];
	[bflag:$0x3] =	sbarrier.arrive $0xFFFF;
	s2 =	simm.s32 @!p0 $0x1C02  }
0x29: {  	[timem:s3], [sflag:s2] =	dma.local @!p0 [hbm:s0], s1  }
0x2a: {  	s0 =	simm.s32 @!p0 $0x2  }
0x2b: {  	_ =	swait.ge @!p0 [sflag:s0], s1  }
0x2c: {  	s1 =	ssub.s32 @!p0 $0x0, s1;
	[sflag:s0] =	ssyncset.done @!p0 $0x0  }
0x2d: {  	[sflag:s0] =	ssyncadd.s32 @!p0 s1  }
0x2e: {  	[bflag:$0x3] =	sbarrier.arrive $0xFFFF  }
0x2f: {  	_ =	shalt  }

// kernel: kernel.14.cloned.1.call-start
scs
__scs_entry_jumppad:
0x0: {  	(pc) =	sbr.rel $0x88, $3  }
0x1: {  	(tag) =	ssettag $0x0;
	lr =	simm.s32 $0x1  }
0x2: {  	[smem:$0x3F9E] =	sst lr;
	_ =	strace $0xD0000000  }
0x3: {  	_ = 	snop  }
0x4: {  	_ = 	snop  }
0x5: {  	_ = 	snop  }
0x6: {  	_ = 	snop  }
0x7: {  	_ = 	snop  }
__scs_overlays_trampoline_lowered:
0x8: {  	[smem:$0x3FAD] =	sst s0  }
0x9: {  	[smem:$0x3FAE] =	sst s1  }
0xa: {  	[smem:$0x3FAF] =	sst s2  }
0xb: {  	[smem:$0x3FB0] =	sst s3  }
0xc: {  	[smem:$0x3FB1] =	sst s4  }
0xd: {  	[smem:$0x3FB2] =	sst s5  }
0xe: {  	[smem:$0x3FB3] =	sst s6  }
0xf: {  	[smem:$0x3FB4] =	sst s7  }
0x10: {  	[smem:$0x3FB5] =	sst s8  }
0x11: {  	[smem:$0x3FB6] =	sst s9;
	s0 =	simm.s32 @!p0 $0x0  }
0x12: {  	s1 =	sld [smem:$0x3F9C];
	s0 =	simm.s32 @p0 $0x1  }
0x13: {  	[smem:$0x3FB7] =	sst s0;
	s0 =	simm.s32 @!p1 $0x0  }
0x14: {  	s2 =	sld [smem:$0x3F9B];
	s0 =	simm.s32 @p1 $0x1  }
0x15: {  	[smem:$0x3FB8] =	sst s0;
	s0 =	simm.s32 @!p2 $0x0  }
0x16: {  	s3 =	sld [smem:$0x3FDB];
	s0 =	simm.s32 @p2 $0x1  }
0x17: {  	s4 =	simm.s32 $0x1BF5;
	[smem:$0x3FBA] =	sst s0  }
0x18: {  	s0 =	sld [smem:$0x3F9D];
	_ =	swait.ge [sflag:s4], $0x0  }
0x19: {  	s7 =	sld [smem:$0x3F9E]  }
0x1a: {  	s8 =	sadd.s32 $0xFFFFE003, lr  }
0x1b: {  	s9 =	sadd.s32 $0xFFFFFEF7, lr;
	s5 =	simm.s32 $0xFFFFFFFF;
	p2 =	slt.u32 s8, $0xFFFFF086  }
0x1c: {  	p1 =	slt.u32 s9, $0xF7A;
	s5 =	simm.s32 @!p2 $0x0  }
0x1d: {  	s5 =	simm.s32 @p1 $0x1;
	p0 =	seq.s32 s7, s2  }
0x1e: {  	s7 =	smul.u32 @!p0 $0xF7A, s2;
	p2 =	seq.s32 @!p0 s5, $0x0  }
0x1f: {  	s9 =	smul.u32 $0xF7A, s1;
	s8 =	simm.s32 @!p0 $0x1BF5;
	p2 =	por !p2, p0  }
0x20: {  	[sflag:s8] =	ssyncset.s32 @!p0 $0xFFFFF086;
	s6 =	sadd.s32 @!p0 s3, s7;
	s7 =	simm.s32 @!p0 $0x108  }
0x21: {  	s3 =	sadd.s32 s3, s9;
	s6 =	sadd.s32 @!p0 $0x88, s6;
	s7 =	simm.s32 @p2 $0x1082  }
0x22: {  	[simem:s7], [sflag:s8] =	dma.local @!p0 [hbm:s6], $0xF7A  }
0x23: {  	s9 =	sor.u32 $0xD0000000, s2;
	s6 =	simm.s32 $0x108;
	_ =	swait.ge @!p0 [sflag:s8], $0x0  }
0x24: {  	s3 =	sadd.s32 $0x88, s3;
	s6 =	simm.s32 @!p1 $0x1082;
	[sflag:s4] =	ssyncset.s32 $0xFFFFF086  }
0x25: {  	[simem:s6], [sflag:s4] =	dma.local [hbm:s3], $0xF7A  }
0x26: {  	[smem:$0x3F9E] =	sst s1;
	(tag) =	ssettag s2;
	_ =	strace s9  }
0x27: {  	s1 =	sld [smem:$0x3FAE]  }
0x28: {  	s2 =	sld [smem:$0x3FAF]  }
0x29: {  	s4 =	sld [smem:$0x3FB1]  }
0x2a: {  	p0 =	seq.s32 s5, $0x0;
	s5 =	sld [smem:$0x3FB2]  }
0x2b: {  	s6 =	sld [smem:$0x3FB3]  }
0x2c: {  	s7 =	sld [smem:$0x3FB4]  }
0x2d: {  	s3 =	simm.s32 $0x108;
	s8 =	sld [smem:$0x3FB5]  }
0x2e: {  	s3 =	simm.s32 @!p0 $0x1082;
	s9 =	sld [smem:$0x3FB6]  }
0x2f: {  	lr =	sadd.s32 s0, s3;
	s0 =	sld [smem:$0x3FAD]  }
0x30: {  	s3 =	sld [smem:$0x3FB0]  }
0x31: {  	[smem:$0x3FB9] =	sst s10  }
0x32: {  	s10 =	sld [smem:$0x3FB7];
	_ =	sdelay $0x3  }
0x33: {  	p0 =	seq.s32 s10, $0x1;
	s10 =	sld [smem:$0x3FB9];
	_ =	sdelay $0x3  }
0x34: {  	[smem:$0x3FB9] =	sst s10  }
0x35: {  	s10 =	sld [smem:$0x3FB8];
	_ =	sdelay $0x3  }
0x36: {  	p1 =	seq.s32 s10, $0x1;
	s10 =	sld [smem:$0x3FB9];
	_ =	sdelay $0x3  }
0x37: {  	[smem:$0x3FB9] =	sst s10  }
0x38: {  	s10 =	sld [smem:$0x3FBA]  }
0x39: {  	_ = 	snop;
	(pc) =	sbr.ind lr, $3  }
0x3a: {  	_ = 	snop  }
0x3b: {  	_ = 	snop  }
0x3c: {  	p2 =	seq.s32 s10, $0x1;
	s10 =	sld [smem:$0x3FB9]  }
0x3d: {  	_ =	shalt  }
0x3e: {  	_ =	shalt  }
0x3f: {  	_ =	shalt  }
0x40: {  	_ =	shalt  }
0x41: {  	_ =	shalt  }
0x42: {  	_ =	shalt  }
0x43: {  	_ =	shalt  }
0x44: {  	_ =	shalt  }
0x45: {  	_ =	shalt  }
0x46: {  	_ =	shalt  }
0x47: {  	_ =	shalt  }
0x48: {  	_ =	shalt  }
0x49: {  	_ =	shalt  }
0x4a: {  	_ =	shalt  }
0x4b: {  	_ =	shalt  }
0x4c: {  	_ =	shalt  }
0x4d: {  	_ =	shalt  }
0x4e: {  	_ =	shalt  }
0x4f: {  	_ =	shalt  }
0x50: {  	_ =	shalt  }
0x51: {  	_ =	shalt  }
0x52: {  	_ =	shalt  }
0x53: {  	_ =	shalt  }
0x54: {  	_ =	shalt  }
0x55: {  	_ =	shalt  }
0x56: {  	_ =	shalt  }
0x57: {  	_ =	shalt  }
0x58: {  	_ =	shalt  }
0x59: {  	_ =	shalt  }
0x5a: {  	_ =	shalt  }
0x5b: {  	_ =	shalt  }
0x5c: {  	_ =	shalt  }
0x5d: {  	_ =	shalt  }
0x5e: {  	_ =	shalt  }
0x5f: {  	_ =	shalt  }
0x60: {  	_ =	shalt  }
0x61: {  	_ =	shalt  }
0x62: {  	_ =	shalt  }
0x63: {  	_ =	shalt  }
0x64: {  	_ =	shalt  }
0x65: {  	_ =	shalt  }
0x66: {  	_ =	shalt  }
0x67: {  	_ =	shalt  }
0x68: {  	_ =	shalt  }
0x69: {  	_ =	shalt  }
0x6a: {  	_ =	shalt  }
0x6b: {  	_ =	shalt  }
0x6c: {  	_ =	shalt  }
0x6d: {  	_ =	shalt  }
0x6e: {  	_ =	shalt  }
0x6f: {  	_ =	shalt  }
0x70: {  	_ =	shalt  }
0x71: {  	_ =	shalt  }
0x72: {  	_ =	shalt  }
0x73: {  	_ =	shalt  }
0x74: {  	_ =	shalt  }
0x75: {  	_ =	shalt  }
0x76: {  	_ =	shalt  }
0x77: {  	_ =	shalt  }
0x78: {  	_ =	shalt  }
0x79: {  	_ =	shalt  }
0x7a: {  	_ =	shalt  }
0x7b: {  	_ =	shalt  }
0x7c: {  	_ =	shalt  }
0x7d: {  	_ =	shalt  }
0x7e: {  	_ =	shalt  }
0x7f: {  	_ =	shalt  }
0x80: {  	_ =	shalt  }
0x81: {  	_ =	shalt  }
0x82: {  	_ =	shalt  }
0x83: {  	_ =	shalt  }
0x84: {  	_ =	shalt  }
0x85: {  	_ =	shalt  }
0x86: {  	_ =	shalt  }
0x87: {  	_ =	shalt  }
.Lfunc_end0:
.L_simem_size_0:
called_computation.1_lowered:
.L_overlay_start_0:
0x88: {  	s2 =	sld [smem:$0x3FD9]  }
0x89: {  	s3 =	sld [smem:$0x3FFE];
	_ =	sdelay $0x1  }
0x8a: {  	s1 =	srdreg.scid  }
0x8b: {  	s0 =	sand.u32 $0x1, s1  }
0x8c: {  	s14 =	sshll.u32 s0, $0xA;
	s2 =	sadd.s32 s3, s2  }
0x8d: {  	s2 =	sadd.s32 s2, s14  }
0x8e: {  	[smem:$0x3FC5] =	sst s2  }
0x8f: {  	_ = 	snop  }
0x90: {  	s2 =	sld [smem:$0x3FD0];
	_ =	sdelay $0x2  }
0x91: {  	s4 =	simm.s32 $0xA;
	s5 =	simm.s32 $0x10;
	s15 =	sld [smem:$0x3FC8]  }
0x92: {  	[smem:s5], [sflag:s4] =	dma.local [hbm:s2], $0x1  }
0x93: {  	_ =	swait.eq [sflag:s4], $0x1  }
0x94: {  	[sflag:s4] =	ssyncset.done $0x0  }
0x95: {  	[sflag:s4] =	ssyncadd.s32 $0xFFFFFFFF  }
0x96: {  	s16 =	sld [smem:$0x10];
	(tm) =	ssettm $0x1  }
0x97: {  	s17 =	sld [smem:$0x3FFB];
	_ =	sdelay $0x3  }
0x98: {  	_ =	strace s17  }
0x99: {  	s4 =	sld [smem:$0x3FFC];
	_ =	sdelay $0x3  }
0x9a: {  	_ =	strace s4  }
0x9b: {  	s4 =	sld [smem:$0x3FFD];
	_ =	sdelay $0x3  }
0x9c: {  	_ =	strace s4  }
0x9d: {  	_ =	strace $0x8FFFFFFF  }
0x9e: {  	s18 =	sld [smem:$0x3FDB];
	_ =	sdelay $0x1  }
0x9f: {  	s19 =	simm.s32 $_scs_section_size  }
0xa0: {  	s6 =	simm.s32 $_size__tile_overlayer_lowered;
	s7 =	simm.s32 $_tile_overlayer_lowered  }
0xa1: {  	s22 =	simm.s32 $0x1BFF;
	s21 =	sshll.u32 s7, $0x1;
	s4 =	sadd.s32 s19, s18  }
0xa2: {  	s8 =	simm.s32 $0x0;
	s20 =	sshll.u32 s6, $0x1;
	s6 =	sadd.s32 s21, s4  }
0xa3: {  	[timem:s8], [sflag:s22] =	dma.local [hbm:s6], s20  }
0xa4: {  	_ =	swait.ge [sflag:s22], s20  }
0xa5: {  	s5 =	ssub.s32 $0x0, s20;
	[sflag:s22] =	ssyncset.done $0x0  }
0xa6: {  	[sflag:s22] =	ssyncadd.s32 s5;
	_ =	sdelay $0x1  }
0xa7: {  	s23 =	simm.s32 $0x1B8B  }
0xa8: {  	_ =	swait.ge [sflag:s23], $0x1  }
0xa9: {  	[sflag:s23] =	ssyncset.done $0x0  }
0xaa: {  	s25 =	simm.s32 $0x1B8E;
	s24 =	sld [smem:$0x3FFE];
	[sflag:s23] =	ssyncadd.s32 $0xFFFFFFFF  }
0xab: {  	s26 =	simm.s32 $execute0_lowered;
	[smem:$0x3FD2] =	sst s25  }
0xac: {  	s6 =	sshll.u32 s26, $0x1;
	_ =	strace $0x80000049;
	[dreg:$0x1] =	wrdreg $0xFFFFFFFF  }
0xad: {  	s28 =	simm.s32 $_size_execute0_lowered;
	s4 =	sadd.s32 s4, s6;
	[dreg:$0x0] =	wrdreg $0x0  }
0xae: {  	s6 =	sshll.u32 s28, $0x1;
	[dreg:$0x2] =	wrdreg s4  }
0xaf: {  	[dreg:$0x3] =	wrdreg s6  }
0xb0: {  	[dreg:$0x4] =	wrdreg $0xC0  }
0xb1: {  	_ =	task [dreg:s8], $0x5FFFF  }
0xb2: {  	[dreg:$0x1] =	wrdreg $0xFFFFFFFF  }
0xb3: {  	[dreg:$0x0] =	wrdreg $0x60  }
0xb4: {  	[dreg:$0x2] =	wrdreg s16  }
0xb5: {  	[dreg:$0x3] =	wrdreg s15  }
0xb6: {  	[dreg:$0x4] =	wrdreg s24  }
0xb7: {  	[dreg:$0x5] =	wrdreg $0x9  }
0xb8: {  	_ =	task.clear_ibuf [dreg:s8], $0x6FFFF;
	_ =	strace $0x90000049  }
0xb9: {  	s29 =	simm.s32 $0x9;
	_ =	strace $0x8000004B  }
0xba: {  	_ =	swait.ge [sflag:s29], $0x1  }
0xbb: {  	[sflag:s29] =	ssyncadd.s32 $0xFFFFFFFF  }
0xbc: {  	_ =	strace $0x9000004B  }
0xbd: {  	_ =	sfence  }
0xbe: {  	s30 =	sld [smem:$0x0];
	_ =	sdelay $0x2  }
0xbf: {  	s31 =	sshll.u32 s1, $0xD;
	s1 =	sshrl.u32 s1, $0x2  }
0xc0: {  	s3 =	sand.u32 $0x4000, s31;
	s1 =	sadd.s32 s1, s30  }
0xc1: {  	s0 =	sor.u32 s3, s0;
	s1 =	sshll.u32 s1, $0x11  }
0xc2: {  	s0 =	sor.u32 s1, s0  }
0xc3: {  	s0 =	sadd.s32 $0x8F2B, s0  }
0xc4: {  	[sflag:s0] =	ssyncadd.remote.s32 $0x1  }
0xc5: {  	_ =	sfence.sel $0xFFFF  }
0xc6: {  	[dreg:$0x0] =	wrdreg $0xFFFFFFFF;
	(pc) =	sbr.abs _section_cstart, $3  }
0xc7: {  	[dreg:$0x1] =	wrdreg $0xFFFFFFFF  }
0xc8: {  	_ =	task.clear_ibuf [dreg:s8], $0x2FFFF;
	_ =	strace $0x9FFFFFFF  }
0xc9: {  	(tm) =	ssettm $0x7FFFFFFF  }
tec
execute0_lowered:
.L_overlay_start_1:
0x0: {  	(tag) =	ssettag $0x1  }
0x1: {  	s1 =	rddreg [dreg:$0x0]  }
0x2: {  	s2 =	rddreg [dreg:$0x1]  }
0x3: {  	s3 =	rddreg [dreg:$0x2];
	s4 =	srdreg.scid  }
0x4: {  	s0 =	rddreg [dreg:$0x3];
	_ =	strace $0x8000004A;
	s6 =	sand.u32 $0x1, s4  }
0x5: {  	s4 =	sadd.s32 $0x2800, s3;
	s5 =	sadd.s32 $0x5A00, s3;
	s3 =	stileid.u32  }
0x6: {  	s7 =	ssub.s32 $0x2, s6;
	s9 =	sshll.u32 s3, $0x1;
	s10 =	sshll.u32 s3, $0x7  }
.Ltmp0:
0x7: {  	s11 =	sshll.u32 s6, $0x6;
	s8 =	sshrl.u32 s7, $0x1;
	(pc) =	sbr.rel .LBB2_1-.Ltmp0, $4  }
0x8: {  	s12 =	sor.u32 s6, s9;
	s31 =	sor.u32 s11, s10;
	s9 =	simm.s32 $0x0  }
0x9: {  	s10 =	simm.s32 $0x18800;
	s11 =	simm.s32 $0x1;
	s7 =	ssub.s32 s7, s8  }
0xa: {  	s8 =	sshrl.u32 s31, $0x2;
	p0 =	seq.s32 s12, $0x1;
	p1 =	sne.s32 s12, $0x0  }
0xb: {  	v0 =	vimm.f32 $0.0e+00;
	v1 =	vimm.f32 $1.000000000e+00;
	s6 =	smax.u32 s7, $0x1;
	s7 =	ssub.s32 $0x1880, s12;
	s12 =	simm.s32 $0x0  }
.LBB2_13:
0xc: {  	_ =	swait.ge [sflag:s11], $0x18800  }
0xd: {  	[sflag:s11] =	ssyncset.done $0x0  }
0xe: {  	[sflag:s11] =	ssyncadd.s32 $0xFFFE7800  }
.LBB2_14:
0xf: {  	s12 =	sadd.s32 $0x1, s12  }
0x10: {  	p2 =	sne.s32 s12, s6  }
.Ltmp1:
0x11: {  	_ = 	snop;
	(pc) =	sbr.rel @!p2 .LBB2_15-.Ltmp1, $1  }
0x12: {  	_ =	sdelay $0x3  }
.LBB2_1:
.Ltmp2:
0x13: {  	(pc) =	sbr.rel @p0 .LBB2_8-.Ltmp2, $1  }
0x14: {  	_ =	sdelay $0x3  }
.Ltmp3:
0x15: {  	(pc) =	sbr.rel @p1 .LBB2_14-.Ltmp3, $1  }
0x16: {  	_ =	sdelay $0x3  }
0x17: {  	p2 =	sne.s32 s7, $0x1  }
.Ltmp4:
0x18: {  	_ = 	snop;
	(pc) =	sbr.rel @!p2 .LBB2_5-.Ltmp4, $2  }
0x19: {  	_ =	sdelay $0x2  }
0x1a: {  	s13 =	sadd.s32 $0xFFFFFFFF, s7;
	[tilespmem:s8+$0x0] =	vst v0;
	s14 =	smov.u32 s8  }
.LBB2_4:
0x1b: {  	p2 =	sne.s32 s13, $0x1  }
.Ltmp5:
0x1c: {  	_ = 	snop;
	(pc) =	sbr.rel @p2 .LBB2_4-.Ltmp5, $3  }
0x1d: {  	_ =	sdelay $0x1  }
0x1e: {  	s13 =	sadd.s32 $0xFFFFFFFF, s13;
	s14 =	sadd.s32 $0x10, s14  }
0x1f: {  	[tilespmem:s14+$0x0] =	vst v0  }
.LBB2_5:
0x20: {  	s13 =	simm.s32 $0x0  }
0x21: {  	[tilespmem:s10], [sflag:$0x1] =	stream.linear.gather [hbm4b:s1+s13], $0x4000, $0x38;
	[tilespmem:$0x1C800] =	vst v63  }
0x22: {  	_ =	swait.ge [sflag:s11], $0x4000  }
0x23: {  	[sflag:s11] =	ssyncset.done $0x0  }
0x24: {  	s14 =	simm.s32 $0x0;
	s13 =	simm.s32 $0x40;
	[sflag:s11] =	ssyncadd.s32 $0xFFFFC000  }
.LBB2_6:
0x25: {  	p2 =	sne.s32 s13, $0xFFC0;
	v2 =	vld [tilespmem:s14+$0x18800];
	_ =	sdelay $0x3  }
.Ltmp6:
0x26: {  	(pc) =	sbr.rel @p2 .LBB2_6-.Ltmp6, $2  }
0x27: {  	_ =	sdelay $0x2  }
0x28: {  	s14 =	sshra.s32 s13, $0x2;
	s13 =	sadd.s32 $0x40, s13;
	[tilespmem:v2+s9+$0x0] =	vst.idx.msk $0xffff, v1  }
0x29: {  	v2 =	vld [tilespmem:s14+$0x18800];
	_ =	sdelay $0x4  }
.Ltmp7:
0x2a: {  	_ = 	snop;
	(pc) =	sbr.rel .LBB2_13-.Ltmp7, $3  }
0x2b: {  	_ =	sdelay $0x1  }
0x2c: {  	[tilespmem:v2+s9+$0x0] =	vst.idx.msk $0xffff, v1  }
0x2d: {  	[hbm4b:s4+s9] =	stream.linear.scatter [tilespmem:s9], [sflag:$0x1], $0x18800, $0x38;
	[tilespmem:$0x1C800] =	vst v63  }
.LBB2_8:
0x2e: {  	s13 =	simm.s32 $0x40;
	s14 =	simm.s32 $0x0  }
.LBB2_9:
0x2f: {  	p2 =	sne.s32 s13, $0x61FC0;
	[tilespmem:s14+$0x0] =	vst v0;
	s14 =	smov.u32 s13;
	s13 =	sadd.s32 $0x40, s13  }
.Ltmp8:
0x30: {  	(pc) =	sbr.rel @p2 .LBB2_9-.Ltmp8, $2  }
0x31: {  	_ =	sdelay $0x2  }
0x32: {  	s14 =	sshra.s32 s14, $0x2  }
0x33: {  	[tilespmem:s14+$0x0] =	vst v0;
	s13 =	simm.s32 $0x0  }
0x34: {  	[tilespmem:s10], [sflag:$0x1] =	stream.linear.gather [hbm4b:s2+s13], $0x400, $0x38;
	[tilespmem:$0x1C800] =	vst v63  }
0x35: {  	_ =	swait.ge [sflag:s11], $0x400  }
0x36: {  	[sflag:s11] =	ssyncset.done $0x0  }
0x37: {  	s14 =	simm.s32 $0x0;
	s13 =	simm.s32 $0x40;
	[sflag:s11] =	ssyncadd.s32 $0xFFFFFC00  }
.LBB2_11:
0x38: {  	p2 =	sne.s32 s13, $0xFC0;
	v2 =	vld [tilespmem:s14+$0x18800];
	_ =	sdelay $0x3  }
.Ltmp9:
0x39: {  	(pc) =	sbr.rel @p2 .LBB2_11-.Ltmp9, $2  }
0x3a: {  	_ =	sdelay $0x2  }
0x3b: {  	s14 =	sshra.s32 s13, $0x2;
	s13 =	sadd.s32 $0x40, s13;
	[tilespmem:v2+s9+$0x0] =	vst.idx.msk $0xffff, v1  }
0x3c: {  	v2 =	vld [tilespmem:s14+$0x18800];
	_ =	sdelay $0x4  }
.Ltmp10:
0x3d: {  	_ = 	snop;
	(pc) =	sbr.rel .LBB2_13-.Ltmp10, $3  }
0x3e: {  	_ =	sdelay $0x1  }
0x3f: {  	[tilespmem:v2+s9+$0x0] =	vst.idx.msk $0xffff, v1  }
0x40: {  	[hbm4b:s5+s9] =	stream.linear.scatter [tilespmem:s9], [sflag:$0x1], $0x18800, $0x38;
	[tilespmem:$0x1C800] =	vst v63  }
.LBB2_15:
0x41: {  	_ =	sfence.sel $0x180000  }
0x42: {  	[bflag:$0x0] =	sbarrier.arrive $0xFFFF  }
0x43: {  	p0 =	sne.s32 s3, $0x0;
	_ =	strace $0x9000004A  }
0x44: {  	s0 =	sadd.s32 @!p0 $0x100000, s0;
	[bflag:$0x2] =	sbarrier.arrive $0xFFFF  }
0x45: {  	[sflag:s0] =	ssyncadd.tile.s32 @!p0 $0x1;
	_ =	shalt  }
.Lfunc_end2:
_tile_overlayer_lowered:
.L_overlay_start_2:
0x46: {  	(tag) =	ssettag $0x2  }
0x47: {  	s0 =	rddreg [dreg:$0x0];
	s2 =	stileid.u32  }
0x48: {  	s1 =	rddreg [dreg:$0x1];
	p0 =	sne.s32 s2, $0x0  }
0x49: {  	s3 =	rddreg [dreg:$0x2];
	[bflag:$0x3] =	sbarrier.arrive $0xFFFF;
	s2 =	simm.s32 @!p0 $0x1C01  }
0x4a: {  	[timem:s3], [sflag:s2] =	dma.local @!p0 [hbm:s0], s1  }
0x4b: {  	s0 =	simm.s32 @!p0 $0x1  }
0x4c: {  	_ =	swait.ge @!p0 [sflag:s0], s1  }
0x4d: {  	s1 =	ssub.s32 @!p0 $0x0, s1;
	[sflag:s0] =	ssyncset.done @!p0 $0x0  }
0x4e: {  	[sflag:s0] =	ssyncadd.s32 @!p0 s1  }
0x4f: {  	[bflag:$0x3] =	sbarrier.arrive $0xFFFF  }
0x50: {  	_ =	shalt  }

// kernel: kernel.17.cloned.1.call-start
scs
__scs_entry_jumppad:
0x0: {  	(pc) =	sbr.rel $0x88, $3  }
0x1: {  	(tag) =	ssettag $0x0;
	lr =	simm.s32 $0x1  }
0x2: {  	[smem:$0x3F9E] =	sst lr;
	_ =	strace $0xD0000000  }
0x3: {  	_ = 	snop  }
0x4: {  	_ = 	snop  }
0x5: {  	_ = 	snop  }
0x6: {  	_ = 	snop  }
0x7: {  	_ = 	snop  }
__scs_overlays_trampoline_lowered:
0x8: {  	[smem:$0x3FAD] =	sst s0  }
0x9: {  	[smem:$0x3FAE] =	sst s1  }
0xa: {  	[smem:$0x3FAF] =	sst s2  }
0xb: {  	[smem:$0x3FB0] =	sst s3  }
0xc: {  	[smem:$0x3FB1] =	sst s4  }
0xd: {  	[smem:$0x3FB2] =	sst s5  }
0xe: {  	[smem:$0x3FB3] =	sst s6  }
0xf: {  	[smem:$0x3FB4] =	sst s7  }
0x10: {  	[smem:$0x3FB5] =	sst s8  }
0x11: {  	[smem:$0x3FB6] =	sst s9;
	s0 =	simm.s32 @!p0 $0x0  }
0x12: {  	s1 =	sld [smem:$0x3F9C];
	s0 =	simm.s32 @p0 $0x1  }
0x13: {  	[smem:$0x3FB7] =	sst s0;
	s0 =	simm.s32 @!p1 $0x0  }
0x14: {  	s2 =	sld [smem:$0x3F9B];
	s0 =	simm.s32 @p1 $0x1  }
0x15: {  	[smem:$0x3FB8] =	sst s0;
	s0 =	simm.s32 @!p2 $0x0  }
0x16: {  	s3 =	sld [smem:$0x3FDB];
	s0 =	simm.s32 @p2 $0x1  }
0x17: {  	s4 =	simm.s32 $0x1BF5;
	[smem:$0x3FBA] =	sst s0  }
0x18: {  	s0 =	sld [smem:$0x3F9D];
	_ =	swait.ge [sflag:s4], $0x0  }
0x19: {  	s7 =	sld [smem:$0x3F9E]  }
0x1a: {  	s8 =	sadd.s32 $0xFFFFE003, lr  }
0x1b: {  	s9 =	sadd.s32 $0xFFFFFEF7, lr;
	s5 =	simm.s32 $0xFFFFFFFF;
	p2 =	slt.u32 s8, $0xFFFFF086  }
0x1c: {  	p1 =	slt.u32 s9, $0xF7A;
	s5 =	simm.s32 @!p2 $0x0  }
0x1d: {  	s5 =	simm.s32 @p1 $0x1;
	p0 =	seq.s32 s7, s2  }
0x1e: {  	s7 =	smul.u32 @!p0 $0xF7A, s2;
	p2 =	seq.s32 @!p0 s5, $0x0  }
0x1f: {  	s9 =	smul.u32 $0xF7A, s1;
	s8 =	simm.s32 @!p0 $0x1BF5;
	p2 =	por !p2, p0  }
0x20: {  	[sflag:s8] =	ssyncset.s32 @!p0 $0xFFFFF086;
	s6 =	sadd.s32 @!p0 s3, s7;
	s7 =	simm.s32 @!p0 $0x108  }
0x21: {  	s3 =	sadd.s32 s3, s9;
	s6 =	sadd.s32 @!p0 $0x88, s6;
	s7 =	simm.s32 @p2 $0x1082  }
0x22: {  	[simem:s7], [sflag:s8] =	dma.local @!p0 [hbm:s6], $0xF7A  }
0x23: {  	s9 =	sor.u32 $0xD0000000, s2;
	s6 =	simm.s32 $0x108;
	_ =	swait.ge @!p0 [sflag:s8], $0x0  }
0x24: {  	s3 =	sadd.s32 $0x88, s3;
	s6 =	simm.s32 @!p1 $0x1082;
	[sflag:s4] =	ssyncset.s32 $0xFFFFF086  }
0x25: {  	[simem:s6], [sflag:s4] =	dma.local [hbm:s3], $0xF7A  }
0x26: {  	[smem:$0x3F9E] =	sst s1;
	(tag) =	ssettag s2;
	_ =	strace s9  }
0x27: {  	s1 =	sld [smem:$0x3FAE]  }
0x28: {  	s2 =	sld [smem:$0x3FAF]  }
0x29: {  	s4 =	sld [smem:$0x3FB1]  }
0x2a: {  	p0 =	seq.s32 s5, $0x0;
	s5 =	sld [smem:$0x3FB2]  }
0x2b: {  	s6 =	sld [smem:$0x3FB3]  }
0x2c: {  	s7 =	sld [smem:$0x3FB4]  }
0x2d: {  	s3 =	simm.s32 $0x108;
	s8 =	sld [smem:$0x3FB5]  }
0x2e: {  	s3 =	simm.s32 @!p0 $0x1082;
	s9 =	sld [smem:$0x3FB6]  }
0x2f: {  	lr =	sadd.s32 s0, s3;
	s0 =	sld [smem:$0x3FAD]  }
0x30: {  	s3 =	sld [smem:$0x3FB0]  }
0x31: {  	[smem:$0x3FB9] =	sst s10  }
0x32: {  	s10 =	sld [smem:$0x3FB7];
	_ =	sdelay $0x3  }
0x33: {  	p0 =	seq.s32 s10, $0x1;
	s10 =	sld [smem:$0x3FB9];
	_ =	sdelay $0x3  }
0x34: {  	[smem:$0x3FB9] =	sst s10  }
0x35: {  	s10 =	sld [smem:$0x3FB8];
	_ =	sdelay $0x3  }
0x36: {  	p1 =	seq.s32 s10, $0x1;
	s10 =	sld [smem:$0x3FB9];
	_ =	sdelay $0x3  }
0x37: {  	[smem:$0x3FB9] =	sst s10  }
0x38: {  	s10 =	sld [smem:$0x3FBA]  }
0x39: {  	_ = 	snop;
	(pc) =	sbr.ind lr, $3  }
0x3a: {  	_ = 	snop  }
0x3b: {  	_ = 	snop  }
0x3c: {  	p2 =	seq.s32 s10, $0x1;
	s10 =	sld [smem:$0x3FB9]  }
0x3d: {  	_ =	shalt  }
0x3e: {  	_ =	shalt  }
0x3f: {  	_ =	shalt  }
0x40: {  	_ =	shalt  }
0x41: {  	_ =	shalt  }
0x42: {  	_ =	shalt  }
0x43: {  	_ =	shalt  }
0x44: {  	_ =	shalt  }
0x45: {  	_ =	shalt  }
0x46: {  	_ =	shalt  }
0x47: {  	_ =	shalt  }
0x48: {  	_ =	shalt  }
0x49: {  	_ =	shalt  }
0x4a: {  	_ =	shalt  }
0x4b: {  	_ =	shalt  }
0x4c: {  	_ =	shalt  }
0x4d: {  	_ =	shalt  }
0x4e: {  	_ =	shalt  }
0x4f: {  	_ =	shalt  }
0x50: {  	_ =	shalt  }
0x51: {  	_ =	shalt  }
0x52: {  	_ =	shalt  }
0x53: {  	_ =	shalt  }
0x54: {  	_ =	shalt  }
0x55: {  	_ =	shalt  }
0x56: {  	_ =	shalt  }
0x57: {  	_ =	shalt  }
0x58: {  	_ =	shalt  }
0x59: {  	_ =	shalt  }
0x5a: {  	_ =	shalt  }
0x5b: {  	_ =	shalt  }
0x5c: {  	_ =	shalt  }
0x5d: {  	_ =	shalt  }
0x5e: {  	_ =	shalt  }
0x5f: {  	_ =	shalt  }
0x60: {  	_ =	shalt  }
0x61: {  	_ =	shalt  }
0x62: {  	_ =	shalt  }
0x63: {  	_ =	shalt  }
0x64: {  	_ =	shalt  }
0x65: {  	_ =	shalt  }
0x66: {  	_ =	shalt  }
0x67: {  	_ =	shalt  }
0x68: {  	_ =	shalt  }
0x69: {  	_ =	shalt  }
0x6a: {  	_ =	shalt  }
0x6b: {  	_ =	shalt  }
0x6c: {  	_ =	shalt  }
0x6d: {  	_ =	shalt  }
0x6e: {  	_ =	shalt  }
0x6f: {  	_ =	shalt  }
0x70: {  	_ =	shalt  }
0x71: {  	_ =	shalt  }
0x72: {  	_ =	shalt  }
0x73: {  	_ =	shalt  }
0x74: {  	_ =	shalt  }
0x75: {  	_ =	shalt  }
0x76: {  	_ =	shalt  }
0x77: {  	_ =	shalt  }
0x78: {  	_ =	shalt  }
0x79: {  	_ =	shalt  }
0x7a: {  	_ =	shalt  }
0x7b: {  	_ =	shalt  }
0x7c: {  	_ =	shalt  }
0x7d: {  	_ =	shalt  }
0x7e: {  	_ =	shalt  }
0x7f: {  	_ =	shalt  }
0x80: {  	_ =	shalt  }
0x81: {  	_ =	shalt  }
0x82: {  	_ =	shalt  }
0x83: {  	_ =	shalt  }
0x84: {  	_ =	shalt  }
0x85: {  	_ =	shalt  }
0x86: {  	_ =	shalt  }
0x87: {  	_ =	shalt  }
.Lfunc_end0:
.L_simem_size_0:
called_computation.2_lowered:
.L_overlay_start_0:
0x88: {  	s2 =	sld [smem:$0x3FD9]  }
0x89: {  	s3 =	sld [smem:$0x3FFE];
	_ =	sdelay $0x1  }
0x8a: {  	s1 =	srdreg.scid  }
0x8b: {  	s0 =	sand.u32 $0x1, s1  }
0x8c: {  	s14 =	sshll.u32 s0, $0xA;
	s2 =	sadd.s32 s3, s2  }
0x8d: {  	s2 =	sadd.s32 s2, s14  }
0x8e: {  	[smem:$0x3FC5] =	sst s2  }
0x8f: {  	_ = 	snop  }
0x90: {  	s2 =	sld [smem:$0x3FD0];
	_ =	sdelay $0x2  }
0x91: {  	s4 =	simm.s32 $0xA;
	s5 =	simm.s32 $0x10;
	s15 =	sld [smem:$0x3FC8]  }
0x92: {  	[smem:s5], [sflag:s4] =	dma.local [hbm:s2], $0x1  }
0x93: {  	_ =	swait.eq [sflag:s4], $0x1  }
0x94: {  	s16 =	sld [smem:$0x10];
	[sflag:s4] =	ssyncset.done $0x0  }
0x95: {  	s17 =	sld [smem:$0x11];
	[sflag:s4] =	ssyncadd.s32 $0xFFFFFFFF  }
0x96: {  	s18 =	sld [smem:$0x12];
	(tm) =	ssettm $0x1  }
0x97: {  	s6 =	sld [smem:$0x3FFB];
	_ =	sdelay $0x3  }
0x98: {  	_ =	strace s6  }
0x99: {  	s6 =	sld [smem:$0x3FFC];
	_ =	sdelay $0x3  }
0x9a: {  	_ =	strace s6  }
0x9b: {  	s6 =	sld [smem:$0x3FFD];
	_ =	sdelay $0x3  }
0x9c: {  	_ =	strace s6  }
0x9d: {  	_ =	strace $0x8FFFFFFF  }
0x9e: {  	s19 =	sld [smem:$0x3FDB];
	_ =	sdelay $0x1  }
0x9f: {  	s7 =	simm.s32 $_scs_section_size  }
0xa0: {  	s8 =	simm.s32 $_size__tile_overlayer_lowered;
	s9 =	simm.s32 $_tile_overlayer_lowered  }
0xa1: {  	s22 =	simm.s32 $0x1BFF;
	s21 =	sshll.u32 s9, $0x1;
	s6 =	sadd.s32 s7, s19  }
0xa2: {  	s10 =	simm.s32 $0x0;
	s20 =	sshll.u32 s8, $0x1;
	s8 =	sadd.s32 s21, s6  }
0xa3: {  	[timem:s10], [sflag:s22] =	dma.local [hbm:s8], s20  }
0xa4: {  	_ =	swait.ge [sflag:s22], s20  }
0xa5: {  	s7 =	ssub.s32 $0x0, s20;
	[sflag:s22] =	ssyncset.done $0x0  }
0xa6: {  	[sflag:s22] =	ssyncadd.s32 s7;
	_ =	sdelay $0x1  }
0xa7: {  	s23 =	simm.s32 $0x1B8B  }
0xa8: {  	_ =	swait.ge [sflag:s23], $0x1  }
0xa9: {  	[sflag:s23] =	ssyncset.done $0x0  }
0xaa: {  	s25 =	simm.s32 $0x1B8E;
	s24 =	sld [smem:$0x3FFE];
	[sflag:s23] =	ssyncadd.s32 $0xFFFFFFFF  }
0xab: {  	s26 =	simm.s32 $execute0_lowered;
	[smem:$0x3FD2] =	sst s25  }
0xac: {  	s8 =	sshll.u32 s26, $0x1;
	_ =	strace $0x8000004C;
	[dreg:$0x1] =	wrdreg $0xFFFFFFFF  }
0xad: {  	s28 =	simm.s32 $_size_execute0_lowered;
	s6 =	sadd.s32 s6, s8;
	[dreg:$0x0] =	wrdreg $0x0  }
0xae: {  	s8 =	sshll.u32 s28, $0x1;
	[dreg:$0x2] =	wrdreg s6  }
0xaf: {  	[dreg:$0x3] =	wrdreg s8  }
0xb0: {  	[dreg:$0x4] =	wrdreg $0xC0  }
0xb1: {  	_ =	task [dreg:s10], $0x5FFFF  }
0xb2: {  	[dreg:$0x1] =	wrdreg $0xFFFFFFFF  }
0xb3: {  	[dreg:$0x0] =	wrdreg $0x60  }
0xb4: {  	[dreg:$0x2] =	wrdreg s24  }
0xb5: {  	[dreg:$0x3] =	wrdreg s16  }
0xb6: {  	[dreg:$0x4] =	wrdreg s15  }
0xb7: {  	[dreg:$0x5] =	wrdreg s17  }
0xb8: {  	[dreg:$0x6] =	wrdreg s18  }
0xb9: {  	[dreg:$0x7] =	wrdreg $0x9  }
0xba: {  	_ =	task.clear_ibuf [dreg:s10], $0x8FFFF;
	_ =	strace $0x9000004C  }
0xbb: {  	s29 =	simm.s32 $0x9;
	_ =	strace $0x8000004E  }
0xbc: {  	_ =	swait.ge [sflag:s29], $0x1  }
0xbd: {  	[sflag:s29] =	ssyncadd.s32 $0xFFFFFFFF  }
0xbe: {  	_ =	strace $0x9000004E  }
0xbf: {  	_ =	sfence  }
0xc0: {  	s30 =	sld [smem:$0x0];
	_ =	sdelay $0x2  }
0xc1: {  	s31 =	sshll.u32 s1, $0xD;
	s1 =	sshrl.u32 s1, $0x2  }
0xc2: {  	s3 =	sand.u32 $0x4000, s31;
	s1 =	sadd.s32 s1, s30  }
0xc3: {  	s0 =	sor.u32 s3, s0;
	s1 =	sshll.u32 s1, $0x11  }
0xc4: {  	s0 =	sor.u32 s1, s0  }
0xc5: {  	s0 =	sadd.s32 $0x8F2B, s0  }
0xc6: {  	[sflag:s0] =	ssyncadd.remote.s32 $0x1  }
0xc7: {  	_ =	sfence.sel $0xFFFF  }
0xc8: {  	[dreg:$0x0] =	wrdreg $0xFFFFFFFF;
	(pc) =	sbr.abs _section_cstart, $3  }
0xc9: {  	[dreg:$0x1] =	wrdreg $0xFFFFFFFF  }
0xca: {  	_ =	task.clear_ibuf [dreg:s10], $0x2FFFF;
	_ =	strace $0x9FFFFFFF  }
0xcb: {  	(tm) =	ssettm $0x7FFFFFFF  }
tec
execute0_lowered:
.L_overlay_start_1:
0x0: {  	(tag) =	ssettag $0x1  }
0x1: {  	s0 =	rddreg [dreg:$0x0]  }
0x2: {  	s8 =	rddreg [dreg:$0x1];
	s5 =	simm.s32 $0x0;
	s4 =	srdreg.scid  }
0x3: {  	[smem:$0x7FF] =	sst s5;
	s6 =	sadd.s32 $0x2800, s0;
	s1 =	sadd.s32 $0x8C00, s0  }
0x4: {  	s2 =	sadd.s32 $0xC42800, s0;
	_ =	strace $0x8000004D;
	[dreg:$0x6] =	wrdreg s1  }
0x5: {  	s7 =	sadd.s32 $0x5A00, s0;
	s3 =	sadd.s32 $0xC000, s0;
	[dreg:$0x7] =	wrdreg s2  }
0x6: {  	s9 =	sadd.s32 $0xC400, s0;
	s10 =	sadd.s32 $0xCA00, s0;
	[dreg:$0x8] =	wrdreg s3  }
0x7: {  	s16 =	sadd.s32 $0x2F00, s0;
	s17 =	sadd.s32 $0x6100, s0;
	[dreg:$0xa] =	wrdreg s9  }
0x8: {  	s18 =	sadd.s32 $0x3600, s0;
	s14 =	sadd.s32 $0x9300, s0;
	[dreg:$0xb] =	wrdreg s10  }
0x9: {  	s19 =	sadd.s32 $0x6800, s0;
	s15 =	sadd.s32 $0xC42F00, s0;
	[dreg:$0xd] =	wrdreg s14  }
0xa: {  	s20 =	sadd.s32 $0x3D00, s0;
	s28 =	sadd.s32 $0x9A00, s0;
	[dreg:$0xe] =	wrdreg s15  }
0xb: {  	s21 =	sadd.s32 $0x6F00, s0;
	s29 =	sadd.s32 $0xC43600, s0;
	[dreg:$0xf] =	wrdreg s28  }
0xc: {  	s22 =	sadd.s32 $0x7600, s0;
	s30 =	sadd.s32 $0xA100, s0;
	[dreg:$0x10] =	wrdreg s29  }
0xd: {  	s23 =	sadd.s32 $0x4B00, s0;
	s31 =	sadd.s32 $0xC43D00, s0;
	[dreg:$0x11] =	wrdreg s30  }
0xe: {  	s24 =	sadd.s32 $0x7D00, s0;
	s2 =	sadd.s32 $0xC200, s0;
	[dreg:$0x12] =	wrdreg s31  }
0xf: {  	s25 =	sadd.s32 $0x5200, s0;
	s3 =	sadd.s32 $0xD000, s0;
	[dreg:$0x9] =	wrdreg s2  }
0x10: {  	s26 =	sadd.s32 $0x8400, s0;
	s10 =	sadd.s32 $0xA800, s0;
	[dreg:$0xc] =	wrdreg s3  }
0x11: {  	s1 =	sand.u32 $0x1, s4;
	s14 =	sadd.s32 $0xB600, s0;
	[dreg:$0x14] =	wrdreg s10  }
0x12: {  	s9 =	stileid.u32;
	s15 =	sadd.s32 $0x700, s8;
	[dreg:$0x17] =	wrdreg s14  }
0x13: {  	s28 =	sadd.s32 $0xE00, s8;
	s29 =	sadd.s32 $0x1500, s8;
	[dreg:$0x19] =	wrdreg s15  }
0x14: {  	s30 =	sadd.s32 $0x1C00, s8;
	s31 =	sadd.s32 $0x2300, s8;
	[dreg:$0x1a] =	wrdreg s28  }
0x15: {  	s11 =	ssub.s32 $0x2, s1;
	s4 =	sshll.u32 s9, $0x1;
	[dreg:$0x1b] =	wrdreg s29  }
0x16: {  	s13 =	sshll.u32 s9, $0x7;
	s9 =	sadd.s32 $0xC44400, s0;
	[dreg:$0x1c] =	wrdreg s30  }
0x17: {  	[dreg:$0x1d] =	wrdreg s31;
	s12 =	sshrl.u32 s11, $0x1;
	s3 =	sor.u32 s1, s4  }
0x18: {  	s1 =	sshll.u32 s1, $0x6;
	[dreg:$0x13] =	wrdreg s9;
	s4 =	simm.s32 $0x4800  }
0x19: {  	s9 =	simm.s32 $0x0;
	s2 =	ssub.s32 s11, s12;
	s1 =	sor.u32 s1, s13  }
0x1a: {  	s11 =	sadd.s32 $0x4400, s0;
	s12 =	sadd.s32 $0xAF00, s0;
	s13 =	sadd.s32 $0xC44B00, s0  }
.Ltmp0:
0x1b: {  	s0 =	sadd.s32 $0xC45200, s0;
	[dreg:$0x15] =	wrdreg s12;
	(pc) =	sbr.rel .LBB2_1-.Ltmp0, $4  }
0x1c: {  	p0 =	seq.s32 s3, $0x1;
	p1 =	sne.s32 s3, $0x0;
	[dreg:$0x16] =	wrdreg s13  }
0x1d: {  	[dreg:$0x18] =	wrdreg s0;
	s12 =	smax.u32 s2, $0x1;
	s13 =	ssub.s32 $0x240, s3  }
0x1e: {  	v0 =	vimm.s32 $0x0;
	s14 =	sshrl.u32 s1, $0x2;
	s0 =	sadd.s32 $0x2A00, s8;
	s3 =	simm.s32 $0x2  }
0x1f: {  	v1 =	vlaneseq.u32;
	v2 =	vimm.f32 $-3.000000010e+38;
	v3 =	vimm.s32 $0xFFFFFFFF;
	s1 =	simm.s32 $0x1;
	s8 =	simm.s32 $0x2400;
	s2 =	sor.u32 $0x2400, s14  }
.LBB2_39:
0x20: {  	s9 =	sadd.s32 $0x1, s9  }
0x21: {  	p2 =	sne.s32 s9, s12  }
.Ltmp1:
0x22: {  	_ = 	snop;
	(pc) =	sbr.rel @!p2 .LBB2_40-.Ltmp1, $1  }
0x23: {  	_ =	sdelay $0x3  }
.LBB2_1:
.Ltmp2:
0x24: {  	(pc) =	sbr.rel @p0 .LBB2_20-.Ltmp2, $1  }
0x25: {  	_ =	sdelay $0x3  }
.Ltmp3:
0x26: {  	(pc) =	sbr.rel @p1 .LBB2_39-.Ltmp3, $1  }
0x27: {  	_ =	sdelay $0x3  }
0x28: {  	p2 =	sne.s32 s13, $0x1  }
.Ltmp4:
0x29: {  	_ = 	snop;
	(pc) =	sbr.rel @!p2 .LBB2_5-.Ltmp4, $3  }
0x2a: {  	_ =	sdelay $0x1  }
0x2b: {  	[tilespmem:s14+$0x0] =	vst v2  }
0x2c: {  	s10 =	sadd.s32 $0xFFFFFFFF, s13;
	s15 =	sadd.s32 $0x10, s14;
	s28 =	smov.u32 s2;
	[tilespmem:s2+$0x0] =	vst v3  }
.LBB2_4:
0x2d: {  	[tilespmem:s15+$0x0] =	vst v2;
	s28 =	sadd.s32 $0x10, s28;
	p2 =	sne.s32 s10, $0x1  }
.Ltmp5:
0x2e: {  	s10 =	sadd.s32 $0xFFFFFFFF, s10;
	[tilespmem:s28+$0x0] =	vst v3;
	(pc) =	sbr.rel @p2 .LBB2_4-.Ltmp5, $2  }
0x2f: {  	_ =	sdelay $0x2  }
0x30: {  	s15 =	sadd.s32 $0x10, s15  }
.LBB2_5:
0x31: {  	s15 =	simm.s32 $0x0;
	s28 =	simm.s32 $0x6800  }
0x32: {  	[tilespmem:s28], [sflag:$0x1] =	stream.linear.gather [hbm4b:s6+s15], $0x3800, $0x38;
	[tilespmem:$0x15500] =	vst v63  }
0x33: {  	s29 =	simm.s32 $0xA000  }
0x34: {  	[tilespmem:s29], [sflag:$0x1] =	stream.linear.gather [hbm4b:s7+s15], $0x3800, $0x38;
	[tilespmem:$0x15500] =	vst v63  }
0x35: {  	s30 =	simm.s32 $0xD800;
	s10 =	rddreg [dreg:$0x6]  }
0x36: {  	[tilespmem:s30], [sflag:$0x1] =	stream.linear.gather [hbm4b:s10+s15], $0x3800, $0x38;
	[tilespmem:$0x15500] =	vst v63  }
0x37: {  	s31 =	rddreg [dreg:$0x7];
	s10 =	simm.s32 $0x11000  }
0x38: {  	[tilespmem:s10], [sflag:$0x1] =	stream.linear.gather [hbm4b:s31+s15], $0x3800, $0x38;
	[tilespmem:$0x15500] =	vst v63  }
0x39: {  	_ =	swait.ge [sflag:s1], $0x3800  }
0x3a: {  	[sflag:s1] =	ssyncset.done $0x0  }
0x3b: {  	[sflag:s1] =	ssyncadd.s32 $0xFFFFC800  }
0x3c: {  	_ =	swait.ge [sflag:s1], $0x3800  }
0x3d: {  	[sflag:s1] =	ssyncset.done $0x0  }
0x3e: {  	[sflag:s1] =	ssyncadd.s32 $0xFFFFC800  }
0x3f: {  	_ =	swait.ge [sflag:s1], $0x3800  }
0x40: {  	[sflag:s1] =	ssyncset.done $0x0  }
0x41: {  	[sflag:s1] =	ssyncadd.s32 $0xFFFFC800  }
0x42: {  	_ =	swait.ge [sflag:s1], $0x3800  }
0x43: {  	[sflag:s1] =	ssyncset.done $0x0  }
0x44: {  	[sflag:s1] =	ssyncadd.s32 $0xFFFFC800  }
0x45: {  	v4 =	vld [tilespmem:s28+$0x0]  }
0x46: {  	v5 =	vld [tilespmem:s29+$0x0]  }
0x47: {  	v6 =	vld [tilespmem:s30+$0x0];
	_ =	sdelay $0x3  }
0x48: {  	vm0 =	vgt.f32 v4, $0.0e+00;
	vm1 =	veq.f32 v5, $0.0e+00  }
0x49: {  	vm15 =	vlt.s32 v6, $0x23FF;
	vm0 =	vmand vm0, vm1  }
0x4a: {  	v4 =	vld [tilespmem:s10+$0x0];
	v5 =	vnsel vm15, $0x23FF, v6;
	_ =	sdelay $0x4  }
0x4b: {  	v6 =	vor.u32 s15, v1;
	[tilespmem:v5+s5+$0x0] =	vst.idx.msk vm0, v4  }
0x4c: {  	s28 =	simm.s32 $0x6810;
	[tilespmem:v5+s8+$0x0] =	vst.idx.msk vm0, v6  }
0x4d: {  	s29 =	simm.s32 $0xA010;
	v5 =	vld [tilespmem:s28+$0x0]  }
0x4e: {  	s30 =	simm.s32 $0xD810;
	v6 =	vld [tilespmem:s29+$0x0]  }
0x4f: {  	s31 =	simm.s32 $0x20;
	s15 =	simm.s32 $0x10;
	v4 =	vld [tilespmem:s30+$0x0]  }
.LBB2_6:
0x50: {  	p2 =	sne.s32 s31, $0x37F0;
	_ =	sdelay $0x2  }
0x51: {  	vm0 =	vgt.f32 v5, $0.0e+00;
	vm1 =	veq.f32 v6, $0.0e+00  }
0x52: {  	s10 =	sadd.s32 $0x10, s10;
	vm0 =	vmand vm0, vm1;
	vm1 =	vlt.s32 v4, $0x23FF  }
0x53: {  	v5 =	vld [tilespmem:s10+$0x0];
	v4 =	vnsel vm1, $0x23FF, v4;
	_ =	sdelay $0x4  }
.Ltmp6:
0x54: {  	v6 =	vor.u32 s15, v1;
	s15 =	smov.u32 s31;
	[tilespmem:v4+s5+$0x0] =	vst.idx.msk vm0, v5;
	(pc) =	sbr.rel @p2 .LBB2_6-.Ltmp6, $4  }
0x55: {  	s28 =	sadd.s32 $0x10, s28;
	[tilespmem:v4+s8+$0x0] =	vst.idx.msk vm0, v6  }
0x56: {  	s29 =	sadd.s32 $0x10, s29;
	v5 =	vld [tilespmem:s28+$0x0]  }
0x57: {  	s30 =	sadd.s32 $0x10, s30;
	v6 =	vld [tilespmem:s29+$0x0]  }
0x58: {  	s31 =	sadd.s32 $0x10, s31;
	v4 =	vld [tilespmem:s30+$0x0]  }
0x59: {  	_ =	sdelay $0x2  }
0x5a: {  	vm0 =	vgt.f32 v5, $0.0e+00;
	vm1 =	veq.f32 v6, $0.0e+00  }
0x5b: {  	s10 =	sadd.s32 $0x10, s10;
	vm0 =	vmand vm0, vm1;
	vm12 =	vlt.s32 v4, $0x23FF  }
0x5c: {  	v5 =	vld [tilespmem:s10+$0x0];
	v4 =	vnsel vm12, $0x23FF, v4;
	_ =	sdelay $0x4  }
0x5d: {  	v6 =	vor.u32 s15, v1;
	[tilespmem:v4+s5+$0x0] =	vst.idx.msk vm0, v5  }
0x5e: {  	s15 =	simm.s32 $0x6800;
	[tilespmem:v4+s8+$0x0] =	vst.idx.msk vm0, v6  }
0x5f: {  	[tilespmem:s15], [sflag:$0x1] =	stream.linear.gather [hbm4b:s16+s5], $0x3800, $0x38;
	[tilespmem:$0x15500] =	vst v63  }
0x60: {  	s28 =	simm.s32 $0xA000  }
0x61: {  	[tilespmem:s28], [sflag:$0x1] =	stream.linear.gather [hbm4b:s17+s5], $0x3800, $0x38;
	[tilespmem:$0x15500] =	vst v63  }
0x62: {  	s29 =	simm.s32 $0xD800;
	s10 =	rddreg [dreg:$0xd]  }
0x63: {  	[tilespmem:s29], [sflag:$0x1] =	stream.linear.gather [hbm4b:s10+s5], $0x3800, $0x38;
	[tilespmem:$0x15500] =	vst v63  }
0x64: {  	s30 =	rddreg [dreg:$0xe];
	s10 =	simm.s32 $0x11000  }
0x65: {  	[tilespmem:s10], [sflag:$0x1] =	stream.linear.gather [hbm4b:s30+s5], $0x3800, $0x38;
	[tilespmem:$0x15500] =	vst v63  }
0x66: {  	_ =	swait.ge [sflag:s1], $0x3800  }
0x67: {  	[sflag:s1] =	ssyncset.done $0x0  }
0x68: {  	[sflag:s1] =	ssyncadd.s32 $0xFFFFC800  }
0x69: {  	_ =	swait.ge [sflag:s1], $0x3800  }
0x6a: {  	[sflag:s1] =	ssyncset.done $0x0  }
0x6b: {  	[sflag:s1] =	ssyncadd.s32 $0xFFFFC800  }
0x6c: {  	_ =	swait.ge [sflag:s1], $0x3800  }
0x6d: {  	[sflag:s1] =	ssyncset.done $0x0  }
0x6e: {  	[sflag:s1] =	ssyncadd.s32 $0xFFFFC800  }
0x6f: {  	_ =	swait.ge [sflag:s1], $0x3800  }
0x70: {  	[sflag:s1] =	ssyncset.done $0x0  }
0x71: {  	[sflag:s1] =	ssyncadd.s32 $0xFFFFC800  }
0x72: {  	v4 =	vld [tilespmem:s15+$0x0]  }
0x73: {  	v5 =	vld [tilespmem:s28+$0x0]  }
0x74: {  	v6 =	vld [tilespmem:s29+$0x0];
	_ =	sdelay $0x3  }
0x75: {  	vm13 =	vgt.f32 v4, $0.0e+00;
	vm14 =	veq.f32 v5, $0.0e+00  }
0x76: {  	vm15 =	vlt.s32 v6, $0x23FF;
	vm0 =	vmand vm13, vm14  }
0x77: {  	v4 =	vld [tilespmem:s10+$0x0];
	v5 =	vnsel vm15, $0x23FF, v6;
	_ =	sdelay $0x3  }
0x78: {  	s15 =	simm.s32 $0x3800  }
0x79: {  	v6 =	vor.u32 s15, v1;
	[tilespmem:v5+s5+$0x0] =	vst.idx.msk vm0, v4  }
0x7a: {  	s28 =	simm.s32 $0x6810;
	[tilespmem:v5+s8+$0x0] =	vst.idx.msk vm0, v6  }
0x7b: {  	s29 =	simm.s32 $0xA010;
	v5 =	vld [tilespmem:s28+$0x0]  }
0x7c: {  	s30 =	simm.s32 $0xD810;
	v6 =	vld [tilespmem:s29+$0x0]  }
0x7d: {  	s31 =	simm.s32 $0x3820;
	s15 =	simm.s32 $0x3810;
	v4 =	vld [tilespmem:s30+$0x0]  }
.LBB2_8:
0x7e: {  	p2 =	sne.s32 s31, $0x6FF0;
	_ =	sdelay $0x2  }
0x7f: {  	vm0 =	vgt.f32 v5, $0.0e+00;
	vm1 =	veq.f32 v6, $0.0e+00  }
0x80: {  	s10 =	sadd.s32 $0x10, s10;
	vm0 =	vmand vm0, vm1;
	vm1 =	vlt.s32 v4, $0x23FF  }
0x81: {  	v5 =	vld [tilespmem:s10+$0x0];
	v4 =	vnsel vm1, $0x23FF, v4;
	_ =	sdelay $0x4  }
.Ltmp7:
0x82: {  	v6 =	vor.u32 s15, v1;
	s15 =	smov.u32 s31;
	[tilespmem:v4+s5+$0x0] =	vst.idx.msk vm0, v5;
	(pc) =	sbr.rel @p2 .LBB2_8-.Ltmp7, $4  }
0x83: {  	s28 =	sadd.s32 $0x10, s28;
	[tilespmem:v4+s8+$0x0] =	vst.idx.msk vm0, v6  }
0x84: {  	s29 =	sadd.s32 $0x10, s29;
	v5 =	vld [tilespmem:s28+$0x0]  }
0x85: {  	s30 =	sadd.s32 $0x10, s30;
	v6 =	vld [tilespmem:s29+$0x0]  }
0x86: {  	s31 =	sadd.s32 $0x10, s31;
	v4 =	vld [tilespmem:s30+$0x0]  }
0x87: {  	_ =	sdelay $0x2  }
0x88: {  	vm0 =	vgt.f32 v5, $0.0e+00;
	vm1 =	veq.f32 v6, $0.0e+00  }
0x89: {  	s10 =	sadd.s32 $0x10, s10;
	vm0 =	vmand vm0, vm1;
	vm12 =	vlt.s32 v4, $0x23FF  }
0x8a: {  	v5 =	vld [tilespmem:s10+$0x0];
	v4 =	vnsel vm12, $0x23FF, v4;
	_ =	sdelay $0x4  }
0x8b: {  	v6 =	vor.u32 s15, v1;
	[tilespmem:v4+s5+$0x0] =	vst.idx.msk vm0, v5  }
0x8c: {  	s15 =	simm.s32 $0x6800;
	[tilespmem:v4+s8+$0x0] =	vst.idx.msk vm0, v6  }
0x8d: {  	[tilespmem:s15], [sflag:$0x1] =	stream.linear.gather [hbm4b:s18+s5], $0x3800, $0x38;
	[tilespmem:$0x15500] =	vst v63  }
0x8e: {  	s28 =	simm.s32 $0xA000  }
0x8f: {  	[tilespmem:s28], [sflag:$0x1] =	stream.linear.gather [hbm4b:s19+s5], $0x3800, $0x38;
	[tilespmem:$0x15500] =	vst v63  }
0x90: {  	s29 =	simm.s32 $0xD800;
	s10 =	rddreg [dreg:$0xf]  }
0x91: {  	[tilespmem:s29], [sflag:$0x1] =	stream.linear.gather [hbm4b:s10+s5], $0x3800, $0x38;
	[tilespmem:$0x15500] =	vst v63  }
0x92: {  	s30 =	rddreg [dreg:$0x10];
	s10 =	simm.s32 $0x11000  }
0x93: {  	[tilespmem:s10], [sflag:$0x1] =	stream.linear.gather [hbm4b:s30+s5], $0x3800, $0x38;
	[tilespmem:$0x15500] =	vst v63  }
0x94: {  	_ =	swait.ge [sflag:s1], $0x3800  }
0x95: {  	[sflag:s1] =	ssyncset.done $0x0  }
0x96: {  	[sflag:s1] =	ssyncadd.s32 $0xFFFFC800  }
0x97: {  	_ =	swait.ge [sflag:s1], $0x3800  }
0x98: {  	[sflag:s1] =	ssyncset.done $0x0  }
0x99: {  	[sflag:s1] =	ssyncadd.s32 $0xFFFFC800  }
0x9a: {  	_ =	swait.ge [sflag:s1], $0x3800  }
0x9b: {  	[sflag:s1] =	ssyncset.done $0x0  }
0x9c: {  	[sflag:s1] =	ssyncadd.s32 $0xFFFFC800  }
0x9d: {  	_ =	swait.ge [sflag:s1], $0x3800  }
0x9e: {  	[sflag:s1] =	ssyncset.done $0x0  }
0x9f: {  	[sflag:s1] =	ssyncadd.s32 $0xFFFFC800  }
0xa0: {  	v4 =	vld [tilespmem:s15+$0x0]  }
0xa1: {  	v5 =	vld [tilespmem:s28+$0x0]  }
0xa2: {  	v6 =	vld [tilespmem:s29+$0x0];
	_ =	sdelay $0x3  }
0xa3: {  	vm13 =	vgt.f32 v4, $0.0e+00;
	vm14 =	veq.f32 v5, $0.0e+00  }
0xa4: {  	vm15 =	vlt.s32 v6, $0x23FF;
	vm0 =	vmand vm13, vm14  }
0xa5: {  	v4 =	vld [tilespmem:s10+$0x0];
	v5 =	vnsel vm15, $0x23FF, v6;
	_ =	sdelay $0x3  }
0xa6: {  	s15 =	simm.s32 $0x7000  }
0xa7: {  	v6 =	vor.u32 s15, v1;
	[tilespmem:v5+s5+$0x0] =	vst.idx.msk vm0, v4  }
0xa8: {  	s28 =	simm.s32 $0x6810;
	[tilespmem:v5+s8+$0x0] =	vst.idx.msk vm0, v6  }
0xa9: {  	s29 =	simm.s32 $0xA010;
	v5 =	vld [tilespmem:s28+$0x0]  }
0xaa: {  	s30 =	simm.s32 $0xD810;
	v6 =	vld [tilespmem:s29+$0x0]  }
0xab: {  	s31 =	simm.s32 $0x7020;
	s15 =	simm.s32 $0x7010;
	v4 =	vld [tilespmem:s30+$0x0]  }
.LBB2_10:
0xac: {  	p2 =	sne.s32 s31, $0xA7F0;
	_ =	sdelay $0x2  }
0xad: {  	vm0 =	vgt.f32 v5, $0.0e+00;
	vm1 =	veq.f32 v6, $0.0e+00  }
0xae: {  	s10 =	sadd.s32 $0x10, s10;
	vm0 =	vmand vm0, vm1;
	vm1 =	vlt.s32 v4, $0x23FF  }
0xaf: {  	v5 =	vld [tilespmem:s10+$0x0];
	v4 =	vnsel vm1, $0x23FF, v4;
	_ =	sdelay $0x4  }
.Ltmp8:
0xb0: {  	v6 =	vor.u32 s15, v1;
	s15 =	smov.u32 s31;
	[tilespmem:v4+s5+$0x0] =	vst.idx.msk vm0, v5;
	(pc) =	sbr.rel @p2 .LBB2_10-.Ltmp8, $4  }
0xb1: {  	s28 =	sadd.s32 $0x10, s28;
	[tilespmem:v4+s8+$0x0] =	vst.idx.msk vm0, v6  }
0xb2: {  	s29 =	sadd.s32 $0x10, s29;
	v5 =	vld [tilespmem:s28+$0x0]  }
0xb3: {  	s30 =	sadd.s32 $0x10, s30;
	v6 =	vld [tilespmem:s29+$0x0]  }
0xb4: {  	s31 =	sadd.s32 $0x10, s31;
	v4 =	vld [tilespmem:s30+$0x0]  }
0xb5: {  	_ =	sdelay $0x2  }
0xb6: {  	vm0 =	vgt.f32 v5, $0.0e+00;
	vm1 =	veq.f32 v6, $0.0e+00  }
0xb7: {  	s10 =	sadd.s32 $0x10, s10;
	vm0 =	vmand vm0, vm1;
	vm12 =	vlt.s32 v4, $0x23FF  }
0xb8: {  	v5 =	vld [tilespmem:s10+$0x0];
	v4 =	vnsel vm12, $0x23FF, v4;
	_ =	sdelay $0x4  }
0xb9: {  	v6 =	vor.u32 s15, v1;
	[tilespmem:v4+s5+$0x0] =	vst.idx.msk vm0, v5  }
0xba: {  	s15 =	simm.s32 $0x6800;
	[tilespmem:v4+s8+$0x0] =	vst.idx.msk vm0, v6  }
0xbb: {  	[tilespmem:s15], [sflag:$0x1] =	stream.linear.gather [hbm4b:s20+s5], $0x3800, $0x38;
	[tilespmem:$0x15500] =	vst v63  }
0xbc: {  	s28 =	simm.s32 $0xA000  }
0xbd: {  	[tilespmem:s28], [sflag:$0x1] =	stream.linear.gather [hbm4b:s21+s5], $0x3800, $0x38;
	[tilespmem:$0x15500] =	vst v63  }
0xbe: {  	s29 =	simm.s32 $0xD800;
	s10 =	rddreg [dreg:$0x11]  }
0xbf: {  	[tilespmem:s29], [sflag:$0x1] =	stream.linear.gather [hbm4b:s10+s5], $0x3800, $0x38;
	[tilespmem:$0x15500] =	vst v63  }
0xc0: {  	s30 =	rddreg [dreg:$0x12];
	s10 =	simm.s32 $0x11000  }
0xc1: {  	[tilespmem:s10], [sflag:$0x1] =	stream.linear.gather [hbm4b:s30+s5], $0x3800, $0x38;
	[tilespmem:$0x15500] =	vst v63  }
0xc2: {  	_ =	swait.ge [sflag:s1], $0x3800  }
0xc3: {  	[sflag:s1] =	ssyncset.done $0x0  }
0xc4: {  	[sflag:s1] =	ssyncadd.s32 $0xFFFFC800  }
0xc5: {  	_ =	swait.ge [sflag:s1], $0x3800  }
0xc6: {  	[sflag:s1] =	ssyncset.done $0x0  }
0xc7: {  	[sflag:s1] =	ssyncadd.s32 $0xFFFFC800  }
0xc8: {  	_ =	swait.ge [sflag:s1], $0x3800  }
0xc9: {  	[sflag:s1] =	ssyncset.done $0x0  }
0xca: {  	[sflag:s1] =	ssyncadd.s32 $0xFFFFC800  }
0xcb: {  	_ =	swait.ge [sflag:s1], $0x3800  }
0xcc: {  	[sflag:s1] =	ssyncset.done $0x0  }
0xcd: {  	[sflag:s1] =	ssyncadd.s32 $0xFFFFC800  }
0xce: {  	v4 =	vld [tilespmem:s15+$0x0]  }
0xcf: {  	v5 =	vld [tilespmem:s28+$0x0]  }
0xd0: {  	v6 =	vld [tilespmem:s29+$0x0];
	_ =	sdelay $0x3  }
0xd1: {  	vm13 =	vgt.f32 v4, $0.0e+00;
	vm14 =	veq.f32 v5, $0.0e+00  }
0xd2: {  	vm15 =	vlt.s32 v6, $0x23FF;
	vm0 =	vmand vm13, vm14  }
0xd3: {  	v4 =	vld [tilespmem:s10+$0x0];
	v5 =	vnsel vm15, $0x23FF, v6;
	_ =	sdelay $0x3  }
0xd4: {  	s15 =	simm.s32 $0xA800  }
0xd5: {  	v6 =	vor.u32 s15, v1;
	[tilespmem:v5+s5+$0x0] =	vst.idx.msk vm0, v4  }
0xd6: {  	s28 =	simm.s32 $0x6810;
	[tilespmem:v5+s8+$0x0] =	vst.idx.msk vm0, v6  }
0xd7: {  	s29 =	simm.s32 $0xA010;
	v5 =	vld [tilespmem:s28+$0x0]  }
0xd8: {  	s30 =	simm.s32 $0xD810;
	v6 =	vld [tilespmem:s29+$0x0]  }
0xd9: {  	s31 =	simm.s32 $0xA820;
	s15 =	simm.s32 $0xA810;
	v4 =	vld [tilespmem:s30+$0x0]  }
.LBB2_12:
0xda: {  	p2 =	sne.s32 s31, $0xDFF0;
	_ =	sdelay $0x2  }
0xdb: {  	vm0 =	vgt.f32 v5, $0.0e+00;
	vm1 =	veq.f32 v6, $0.0e+00  }
0xdc: {  	s10 =	sadd.s32 $0x10, s10;
	vm0 =	vmand vm0, vm1;
	vm1 =	vlt.s32 v4, $0x23FF  }
0xdd: {  	v5 =	vld [tilespmem:s10+$0x0];
	v4 =	vnsel vm1, $0x23FF, v4;
	_ =	sdelay $0x4  }
.Ltmp9:
0xde: {  	v6 =	vor.u32 s15, v1;
	s15 =	smov.u32 s31;
	[tilespmem:v4+s5+$0x0] =	vst.idx.msk vm0, v5;
	(pc) =	sbr.rel @p2 .LBB2_12-.Ltmp9, $4  }
0xdf: {  	s28 =	sadd.s32 $0x10, s28;
	[tilespmem:v4+s8+$0x0] =	vst.idx.msk vm0, v6  }
0xe0: {  	s29 =	sadd.s32 $0x10, s29;
	v5 =	vld [tilespmem:s28+$0x0]  }
0xe1: {  	s30 =	sadd.s32 $0x10, s30;
	v6 =	vld [tilespmem:s29+$0x0]  }
0xe2: {  	s31 =	sadd.s32 $0x10, s31;
	v4 =	vld [tilespmem:s30+$0x0]  }
0xe3: {  	_ =	sdelay $0x2  }
0xe4: {  	vm0 =	vgt.f32 v5, $0.0e+00;
	vm1 =	veq.f32 v6, $0.0e+00  }
0xe5: {  	s10 =	sadd.s32 $0x10, s10;
	vm0 =	vmand vm0, vm1;
	vm12 =	vlt.s32 v4, $0x23FF  }
0xe6: {  	v5 =	vld [tilespmem:s10+$0x0];
	v4 =	vnsel vm12, $0x23FF, v4;
	_ =	sdelay $0x4  }
0xe7: {  	v6 =	vor.u32 s15, v1;
	[tilespmem:v4+s5+$0x0] =	vst.idx.msk vm0, v5  }
0xe8: {  	s15 =	simm.s32 $0x6800;
	[tilespmem:v4+s8+$0x0] =	vst.idx.msk vm0, v6  }
0xe9: {  	[tilespmem:s15], [sflag:$0x1] =	stream.linear.gather [hbm4b:s11+s5], $0x3800, $0x38;
	[tilespmem:$0x15500] =	vst v63  }
0xea: {  	s28 =	simm.s32 $0xA000  }
0xeb: {  	[tilespmem:s28], [sflag:$0x1] =	stream.linear.gather [hbm4b:s22+s5], $0x3800, $0x38;
	[tilespmem:$0x15500] =	vst v63  }
0xec: {  	s29 =	simm.s32 $0xD800;
	s10 =	rddreg [dreg:$0x14]  }
0xed: {  	[tilespmem:s29], [sflag:$0x1] =	stream.linear.gather [hbm4b:s10+s5], $0x3800, $0x38;
	[tilespmem:$0x15500] =	vst v63  }
0xee: {  	s30 =	rddreg [dreg:$0x13];
	s10 =	simm.s32 $0x11000  }
0xef: {  	[tilespmem:s10], [sflag:$0x1] =	stream.linear.gather [hbm4b:s30+s5], $0x3800, $0x38;
	[tilespmem:$0x15500] =	vst v63  }
0xf0: {  	_ =	swait.ge [sflag:s1], $0x3800  }
0xf1: {  	[sflag:s1] =	ssyncset.done $0x0  }
0xf2: {  	[sflag:s1] =	ssyncadd.s32 $0xFFFFC800  }
0xf3: {  	_ =	swait.ge [sflag:s1], $0x3800  }
0xf4: {  	[sflag:s1] =	ssyncset.done $0x0  }
0xf5: {  	[sflag:s1] =	ssyncadd.s32 $0xFFFFC800  }
0xf6: {  	_ =	swait.ge [sflag:s1], $0x3800  }
0xf7: {  	[sflag:s1] =	ssyncset.done $0x0  }
0xf8: {  	[sflag:s1] =	ssyncadd.s32 $0xFFFFC800  }
0xf9: {  	_ =	swait.ge [sflag:s1], $0x3800  }
0xfa: {  	[sflag:s1] =	ssyncset.done $0x0  }
0xfb: {  	[sflag:s1] =	ssyncadd.s32 $0xFFFFC800  }
0xfc: {  	v4 =	vld [tilespmem:s15+$0x0]  }
0xfd: {  	v5 =	vld [tilespmem:s28+$0x0]  }
0xfe: {  	v6 =	vld [tilespmem:s29+$0x0];
	_ =	sdelay $0x3  }
0xff: {  	vm13 =	vgt.f32 v4, $0.0e+00;
	vm14 =	veq.f32 v5, $0.0e+00  }
0x100: {  	vm15 =	vlt.s32 v6, $0x23FF;
	vm0 =	vmand vm13, vm14  }
0x101: {  	v4 =	vld [tilespmem:s10+$0x0];
	v5 =	vnsel vm15, $0x23FF, v6;
	_ =	sdelay $0x3  }
0x102: {  	s15 =	simm.s32 $0xE000  }
0x103: {  	v6 =	vor.u32 s15, v1;
	[tilespmem:v5+s5+$0x0] =	vst.idx.msk vm0, v4  }
0x104: {  	s28 =	simm.s32 $0x6810;
	[tilespmem:v5+s8+$0x0] =	vst.idx.msk vm0, v6  }
0x105: {  	s29 =	simm.s32 $0xA010;
	v5 =	vld [tilespmem:s28+$0x0]  }
0x106: {  	s30 =	simm.s32 $0xD810;
	v6 =	vld [tilespmem:s29+$0x0]  }
0x107: {  	s31 =	simm.s32 $0xE020;
	s15 =	simm.s32 $0xE010;
	v4 =	vld [tilespmem:s30+$0x0]  }
.LBB2_14:
0x108: {  	p2 =	sne.s32 s31, $0x117F0;
	_ =	sdelay $0x2  }
0x109: {  	vm0 =	vgt.f32 v5, $0.0e+00;
	vm1 =	veq.f32 v6, $0.0e+00  }
0x10a: {  	s10 =	sadd.s32 $0x10, s10;
	vm0 =	vmand vm0, vm1;
	vm1 =	vlt.s32 v4, $0x23FF  }
0x10b: {  	v5 =	vld [tilespmem:s10+$0x0];
	v4 =	vnsel vm1, $0x23FF, v4;
	_ =	sdelay $0x4  }
.Ltmp10:
0x10c: {  	v6 =	vor.u32 s15, v1;
	s15 =	smov.u32 s31;
	[tilespmem:v4+s5+$0x0] =	vst.idx.msk vm0, v5;
	(pc) =	sbr.rel @p2 .LBB2_14-.Ltmp10, $4  }
0x10d: {  	s28 =	sadd.s32 $0x10, s28;
	[tilespmem:v4+s8+$0x0] =	vst.idx.msk vm0, v6  }
0x10e: {  	s29 =	sadd.s32 $0x10, s29;
	v5 =	vld [tilespmem:s28+$0x0]  }
0x10f: {  	s30 =	sadd.s32 $0x10, s30;
	v6 =	vld [tilespmem:s29+$0x0]  }
0x110: {  	s31 =	sadd.s32 $0x10, s31;
	v4 =	vld [tilespmem:s30+$0x0]  }
0x111: {  	_ =	sdelay $0x2  }
0x112: {  	vm0 =	vgt.f32 v5, $0.0e+00;
	vm1 =	veq.f32 v6, $0.0e+00  }
0x113: {  	s10 =	sadd.s32 $0x10, s10;
	vm0 =	vmand vm0, vm1;
	vm12 =	vlt.s32 v4, $0x23FF  }
0x114: {  	v5 =	vld [tilespmem:s10+$0x0];
	v4 =	vnsel vm12, $0x23FF, v4;
	_ =	sdelay $0x4  }
0x115: {  	v6 =	vor.u32 s15, v1;
	[tilespmem:v4+s5+$0x0] =	vst.idx.msk vm0, v5  }
0x116: {  	s15 =	simm.s32 $0x6800;
	[tilespmem:v4+s8+$0x0] =	vst.idx.msk vm0, v6  }
0x117: {  	[tilespmem:s15], [sflag:$0x1] =	stream.linear.gather [hbm4b:s23+s5], $0x3800, $0x38;
	[tilespmem:$0x15500] =	vst v63  }
0x118: {  	s28 =	simm.s32 $0xA000  }
0x119: {  	[tilespmem:s28], [sflag:$0x1] =	stream.linear.gather [hbm4b:s24+s5], $0x3800, $0x38;
	[tilespmem:$0x15500] =	vst v63  }
0x11a: {  	s29 =	simm.s32 $0xD800;
	s10 =	rddreg [dreg:$0x15]  }
0x11b: {  	[tilespmem:s29], [sflag:$0x1] =	stream.linear.gather [hbm4b:s10+s5], $0x3800, $0x38;
	[tilespmem:$0x15500] =	vst v63  }
0x11c: {  	s30 =	rddreg [dreg:$0x16];
	s10 =	simm.s32 $0x11000  }
0x11d: {  	[tilespmem:s10], [sflag:$0x1] =	stream.linear.gather [hbm4b:s30+s5], $0x3800, $0x38;
	[tilespmem:$0x15500] =	vst v63  }
0x11e: {  	_ =	swait.ge [sflag:s1], $0x3800  }
0x11f: {  	[sflag:s1] =	ssyncset.done $0x0  }
0x120: {  	[sflag:s1] =	ssyncadd.s32 $0xFFFFC800  }
0x121: {  	_ =	swait.ge [sflag:s1], $0x3800  }
0x122: {  	[sflag:s1] =	ssyncset.done $0x0  }
0x123: {  	[sflag:s1] =	ssyncadd.s32 $0xFFFFC800  }
0x124: {  	_ =	swait.ge [sflag:s1], $0x3800  }
0x125: {  	[sflag:s1] =	ssyncset.done $0x0  }
0x126: {  	[sflag:s1] =	ssyncadd.s32 $0xFFFFC800  }
0x127: {  	_ =	swait.ge [sflag:s1], $0x3800  }
0x128: {  	[sflag:s1] =	ssyncset.done $0x0  }
0x129: {  	[sflag:s1] =	ssyncadd.s32 $0xFFFFC800  }
0x12a: {  	v4 =	vld [tilespmem:s15+$0x0]  }
0x12b: {  	v5 =	vld [tilespmem:s28+$0x0]  }
0x12c: {  	v6 =	vld [tilespmem:s29+$0x0];
	_ =	sdelay $0x3  }
0x12d: {  	vm13 =	vgt.f32 v4, $0.0e+00;
	vm14 =	veq.f32 v5, $0.0e+00  }
0x12e: {  	vm15 =	vlt.s32 v6, $0x23FF;
	vm0 =	vmand vm13, vm14  }
0x12f: {  	v4 =	vld [tilespmem:s10+$0x0];
	v5 =	vnsel vm15, $0x23FF, v6;
	_ =	sdelay $0x3  }
0x130: {  	s15 =	simm.s32 $0x11800  }
0x131: {  	v6 =	vor.u32 s15, v1;
	[tilespmem:v5+s5+$0x0] =	vst.idx.msk vm0, v4  }
0x132: {  	s28 =	simm.s32 $0x6810;
	[tilespmem:v5+s8+$0x0] =	vst.idx.msk vm0, v6  }
0x133: {  	s29 =	simm.s32 $0xA010;
	v5 =	vld [tilespmem:s28+$0x0]  }
0x134: {  	s30 =	simm.s32 $0xD810;
	v6 =	vld [tilespmem:s29+$0x0]  }
0x135: {  	s31 =	simm.s32 $0x11820;
	s15 =	simm.s32 $0x11810;
	v4 =	vld [tilespmem:s30+$0x0]  }
.LBB2_16:
0x136: {  	p2 =	sne.s32 s31, $0x14FF0;
	_ =	sdelay $0x2  }
0x137: {  	vm0 =	vgt.f32 v5, $0.0e+00;
	vm1 =	veq.f32 v6, $0.0e+00  }
0x138: {  	s10 =	sadd.s32 $0x10, s10;
	vm0 =	vmand vm0, vm1;
	vm1 =	vlt.s32 v4, $0x23FF  }
0x139: {  	v5 =	vld [tilespmem:s10+$0x0];
	v4 =	vnsel vm1, $0x23FF, v4;
	_ =	sdelay $0x4  }
.Ltmp11:
0x13a: {  	v6 =	vor.u32 s15, v1;
	s15 =	smov.u32 s31;
	[tilespmem:v4+s5+$0x0] =	vst.idx.msk vm0, v5;
	(pc) =	sbr.rel @p2 .LBB2_16-.Ltmp11, $4  }
0x13b: {  	s28 =	sadd.s32 $0x10, s28;
	[tilespmem:v4+s8+$0x0] =	vst.idx.msk vm0, v6  }
0x13c: {  	s29 =	sadd.s32 $0x10, s29;
	v5 =	vld [tilespmem:s28+$0x0]  }
0x13d: {  	s30 =	sadd.s32 $0x10, s30;
	v6 =	vld [tilespmem:s29+$0x0]  }
0x13e: {  	s31 =	sadd.s32 $0x10, s31;
	v4 =	vld [tilespmem:s30+$0x0]  }
0x13f: {  	_ =	sdelay $0x2  }
0x140: {  	vm0 =	vgt.f32 v5, $0.0e+00;
	vm1 =	veq.f32 v6, $0.0e+00  }
0x141: {  	s10 =	sadd.s32 $0x10, s10;
	vm0 =	vmand vm0, vm1;
	vm12 =	vlt.s32 v4, $0x23FF  }
0x142: {  	v5 =	vld [tilespmem:s10+$0x0];
	v4 =	vnsel vm12, $0x23FF, v4;
	_ =	sdelay $0x4  }
0x143: {  	v6 =	vor.u32 s15, v1;
	[tilespmem:v4+s5+$0x0] =	vst.idx.msk vm0, v5  }
0x144: {  	s15 =	simm.s32 $0x6800;
	[tilespmem:v4+s8+$0x0] =	vst.idx.msk vm0, v6  }
0x145: {  	[tilespmem:s15], [sflag:$0x1] =	stream.linear.gather [hbm4b:s25+s5], $0x3800, $0x38;
	[tilespmem:$0x15500] =	vst v63  }
0x146: {  	s28 =	simm.s32 $0xA000  }
0x147: {  	[tilespmem:s28], [sflag:$0x1] =	stream.linear.gather [hbm4b:s26+s5], $0x3800, $0x38;
	[tilespmem:$0x15500] =	vst v63  }
0x148: {  	s29 =	simm.s32 $0xD800;
	s10 =	rddreg [dreg:$0x17]  }
0x149: {  	[tilespmem:s29], [sflag:$0x1] =	stream.linear.gather [hbm4b:s10+s5], $0x3800, $0x38;
	[tilespmem:$0x15500] =	vst v63  }
0x14a: {  	s30 =	rddreg [dreg:$0x18];
	s10 =	simm.s32 $0x11000  }
0x14b: {  	[tilespmem:s10], [sflag:$0x1] =	stream.linear.gather [hbm4b:s30+s5], $0x3800, $0x38;
	[tilespmem:$0x15500] =	vst v63  }
0x14c: {  	_ =	swait.ge [sflag:s1], $0x3800  }
0x14d: {  	[sflag:s1] =	ssyncset.done $0x0  }
0x14e: {  	[sflag:s1] =	ssyncadd.s32 $0xFFFFC800  }
0x14f: {  	_ =	swait.ge [sflag:s1], $0x3800  }
0x150: {  	[sflag:s1] =	ssyncset.done $0x0  }
0x151: {  	[sflag:s1] =	ssyncadd.s32 $0xFFFFC800  }
0x152: {  	_ =	swait.ge [sflag:s1], $0x3800  }
0x153: {  	[sflag:s1] =	ssyncset.done $0x0  }
0x154: {  	[sflag:s1] =	ssyncadd.s32 $0xFFFFC800  }
0x155: {  	_ =	swait.ge [sflag:s1], $0x3800  }
0x156: {  	[sflag:s1] =	ssyncset.done $0x0  }
0x157: {  	[sflag:s1] =	ssyncadd.s32 $0xFFFFC800  }
0x158: {  	v4 =	vld [tilespmem:s15+$0x0]  }
0x159: {  	v5 =	vld [tilespmem:s28+$0x0]  }
0x15a: {  	v6 =	vld [tilespmem:s29+$0x0];
	_ =	sdelay $0x3  }
0x15b: {  	vm13 =	vgt.f32 v4, $0.0e+00;
	vm14 =	veq.f32 v5, $0.0e+00  }
0x15c: {  	vm15 =	vlt.s32 v6, $0x23FF;
	vm0 =	vmand vm13, vm14  }
0x15d: {  	v4 =	vld [tilespmem:s10+$0x0];
	v5 =	vnsel vm15, $0x23FF, v6;
	_ =	sdelay $0x3  }
0x15e: {  	s15 =	simm.s32 $0x15000  }
0x15f: {  	v6 =	vor.u32 s15, v1;
	[tilespmem:v5+s5+$0x0] =	vst.idx.msk vm0, v4  }
0x160: {  	s28 =	simm.s32 $0x6810;
	[tilespmem:v5+s8+$0x0] =	vst.idx.msk vm0, v6  }
0x161: {  	s29 =	simm.s32 $0xA010;
	v5 =	vld [tilespmem:s28+$0x0]  }
0x162: {  	s30 =	simm.s32 $0xD810;
	v6 =	vld [tilespmem:s29+$0x0]  }
0x163: {  	s31 =	simm.s32 $0x15020;
	s15 =	simm.s32 $0x15010;
	v4 =	vld [tilespmem:s30+$0x0]  }
.LBB2_18:
0x164: {  	p2 =	sne.s32 s31, $0x187F0;
	_ =	sdelay $0x2  }
0x165: {  	vm0 =	vgt.f32 v5, $0.0e+00;
	vm1 =	veq.f32 v6, $0.0e+00  }
0x166: {  	s10 =	sadd.s32 $0x10, s10;
	vm0 =	vmand vm0, vm1;
	vm1 =	vlt.s32 v4, $0x23FF  }
0x167: {  	v5 =	vld [tilespmem:s10+$0x0];
	v4 =	vnsel vm1, $0x23FF, v4;
	_ =	sdelay $0x4  }
.Ltmp12:
0x168: {  	v6 =	vor.u32 s15, v1;
	s15 =	smov.u32 s31;
	[tilespmem:v4+s5+$0x0] =	vst.idx.msk vm0, v5;
	(pc) =	sbr.rel @p2 .LBB2_18-.Ltmp12, $4  }
0x169: {  	s28 =	sadd.s32 $0x10, s28;
	[tilespmem:v4+s8+$0x0] =	vst.idx.msk vm0, v6  }
0x16a: {  	s29 =	sadd.s32 $0x10, s29;
	v5 =	vld [tilespmem:s28+$0x0]  }
0x16b: {  	s30 =	sadd.s32 $0x10, s30;
	v6 =	vld [tilespmem:s29+$0x0]  }
0x16c: {  	s31 =	sadd.s32 $0x10, s31;
	v4 =	vld [tilespmem:s30+$0x0]  }
0x16d: {  	_ =	sdelay $0x2  }
0x16e: {  	vm0 =	vgt.f32 v5, $0.0e+00;
	vm1 =	veq.f32 v6, $0.0e+00  }
0x16f: {  	s10 =	sadd.s32 $0x10, s10;
	vm0 =	vmand vm0, vm1;
	vm15 =	vlt.s32 v4, $0x23FF  }
0x170: {  	v5 =	vld [tilespmem:s10+$0x0];
	v4 =	vnsel vm15, $0x23FF, v4;
	_ =	sdelay $0x4  }
0x171: {  	v63 =	vor.u32 s15, v1;
	[tilespmem:v4+s5+$0x0] =	vst.idx.msk vm0, v5  }
0x172: {  	s30 =	rddreg [dreg:$0xa];
	[tilespmem:v4+s8+$0x0] =	vst.idx.msk vm0, v63  }
0x173: {  	[hbm4b:s30+s5] =	stream.linear.scatter [tilespmem:s5], [sflag:$0x2], $0x2400, $0x38;
	[tilespmem:$0x15500] =	vst v63  }
0x174: {  	_ =	swait.ge [sflag:s3], $0x2400  }
0x175: {  	[sflag:s3] =	ssyncset.done $0x0  }
.Ltmp13:
0x176: {  	s31 =	rddreg [dreg:$0xb];
	[sflag:s3] =	ssyncadd.s32 $0xFFFFDC00;
	(pc) =	sbr.rel .LBB2_39-.Ltmp13, $4  }
0x177: {  	[hbm4b:s31+s5] =	stream.linear.scatter [tilespmem:s8], [sflag:$0x2], $0x2400, $0x38;
	[tilespmem:$0x15500] =	vst v63  }
0x178: {  	_ =	swait.ge [sflag:s3], $0x2400  }
0x179: {  	[sflag:s3] =	ssyncset.done $0x0  }
0x17a: {  	[sflag:s3] =	ssyncadd.s32 $0xFFFFDC00  }
.LBB2_20:
0x17b: {  	s10 =	simm.s32 $0x40;
	s15 =	simm.s32 $0x0  }
.LBB2_21:
0x17c: {  	p2 =	sne.s32 s10, $0xFC0;
	[tilespmem:s15+$0x4800] =	vst v0;
	s15 =	smov.u32 s10;
	s10 =	sadd.s32 $0x40, s10  }
.Ltmp14:
0x17d: {  	(pc) =	sbr.rel @p2 .LBB2_21-.Ltmp14, $2  }
0x17e: {  	_ =	sdelay $0x2  }
0x17f: {  	s15 =	sshra.s32 s15, $0x2  }
0x180: {  	[tilespmem:s15+$0x4800] =	vst v0;
	s10 =	simm.s32 $0x0;
	s29 =	rddreg [dreg:$0x2];
	s28 =	simm.s32 $0x14800  }
0x181: {  	[tilespmem:s28], [sflag:$0x2] =	stream.linear.gather [hbm4b:s29+s10], $0x400, $0x38;
	[tilespmem:$0x15500] =	vst v63  }
0x182: {  	_ =	swait.ge [sflag:s3], $0x400  }
0x183: {  	[sflag:s3] =	ssyncset.done $0x0  }
0x184: {  	[sflag:s3] =	ssyncadd.s32 $0xFFFFFC00  }
0x185: {  	s31 =	simm.s32 $0x14C00;
	s30 =	rddreg [dreg:$0x3]  }
0x186: {  	[tilespmem:s31], [sflag:$0x2] =	stream.linear.gather [hbm4b:s30+s10], $0x400, $0x38;
	[tilespmem:$0x15500] =	vst v63  }
0x187: {  	_ =	swait.ge [sflag:s3], $0x400  }
0x188: {  	[sflag:s3] =	ssyncset.done $0x0  }
0x189: {  	[sflag:s3] =	ssyncadd.s32 $0xFFFFFC00  }
0x18a: {  	s30 =	simm.s32 $0x15000;
	s29 =	rddreg [dreg:$0x4]  }
0x18b: {  	[tilespmem:s30], [sflag:$0x2] =	stream.linear.gather [hbm4b:s29+s10], $0x400, $0x38;
	[tilespmem:$0x15500] =	vst v63  }
0x18c: {  	_ =	swait.ge [sflag:s3], $0x400  }
0x18d: {  	[sflag:s3] =	ssyncset.done $0x0  }
0x18e: {  	s29 =	simm.s32 $0x15400;
	s31 =	rddreg [dreg:$0x8];
	[sflag:s3] =	ssyncadd.s32 $0xFFFFFC00  }
0x18f: {  	[tilespmem:s29], [sflag:$0x2] =	stream.linear.gather [hbm4b:s31+s10], $0x80, $0x38;
	[tilespmem:$0x15500] =	vst v63  }
0x190: {  	_ =	swait.ge [sflag:s3], $0x80  }
0x191: {  	[sflag:s3] =	ssyncset.done $0x0  }
0x192: {  	s31 =	simm.s32 $0x15480;
	s30 =	rddreg [dreg:$0x9];
	[sflag:s3] =	ssyncadd.s32 $0xFFFFFF80  }
0x193: {  	[tilespmem:s31], [sflag:$0x2] =	stream.linear.gather [hbm4b:s30+s10], $0x80, $0x38;
	[tilespmem:$0x15500] =	vst v63  }
0x194: {  	_ =	swait.ge [sflag:s3], $0x80  }
0x195: {  	[sflag:s3] =	ssyncset.done $0x0  }
0x196: {  	s15 =	simm.s32 $0x0;
	[sflag:s3] =	ssyncadd.s32 $0xFFFFFF80  }
0x197: {  	s10 =	simm.s32 $0x40;
	v4 =	vld [tilespmem:s15+$0x14C00]  }
.LBB2_23:
0x198: {  	p2 =	sne.s32 s10, $0xFC0;
	v5 =	vld [tilespmem:s15+$0x15000];
	_ =	sdelay $0x4  }
0x199: {  	vm0 =	vne.s32 v4, $0x0;
	vm1 =	vlt.s32 v5, $0x3FF  }
0x19a: {  	v4 =	vld [tilespmem:s15+$0x14800];
	v5 =	vnsel vm1, $0x3FF, v5;
	_ =	sdelay $0x1  }
.Ltmp15:
0x19b: {  	(pc) =	sbr.rel @p2 .LBB2_23-.Ltmp15, $3  }
0x19c: {  	_ =	sdelay $0x1  }
0x19d: {  	s15 =	sshra.s32 s10, $0x2;
	[tilespmem:v5+s4+$0x0] =	vst.idx.msk vm0, v4  }
0x19e: {  	s10 =	sadd.s32 $0x40, s10;
	v4 =	vld [tilespmem:s15+$0x14C00]  }
0x19f: {  	v5 =	vld [tilespmem:s15+$0x15000];
	_ =	sdelay $0x4  }
0x1a0: {  	vm0 =	vne.s32 v4, $0x0;
	vm1 =	vlt.s32 v5, $0x3FF  }
0x1a1: {  	v4 =	vld [tilespmem:s15+$0x14800];
	v5 =	vnsel vm1, $0x3FF, v5;
	_ =	sdelay $0x4  }
0x1a2: {  	[tilespmem:v5+s4+$0x0] =	vst.idx.msk vm0, v4  }
0x1a3: {  	s31 =	simm.s32 $0x0;
	s28 =	simm.s32 $0x6800;
	v4 =	vld [tilespmem:$0x15400]  }
0x1a4: {  	v5 =	vld [tilespmem:$0x15480];
	[tilespmem:s28], [sflag:$0x1] =	stream.linear.gather [hbm4b:s6+s31], $0x3800, $0x38  }
0x1a5: {  	s29 =	simm.s32 $0xA000  }
0x1a6: {  	[tilespmem:s29], [sflag:$0x1] =	stream.linear.gather [hbm4b:s7+s31], $0x3800, $0x38;
	[tilespmem:$0x15500] =	vst v63  }
0x1a7: {  	s10 =	simm.s32 $0xD800;
	s30 =	rddreg [dreg:$0x1]  }
0x1a8: {  	[tilespmem:s10], [sflag:$0x1] =	stream.linear.gather [hbm4b:s30+s31], $0x3800, $0x38;
	[tilespmem:$0x15500] =	vst v63  }
0x1a9: {  	_ =	swait.ge [sflag:s1], $0x3800  }
0x1aa: {  	[sflag:s1] =	ssyncset.done $0x0  }
0x1ab: {  	[sflag:s1] =	ssyncadd.s32 $0xFFFFC800  }
0x1ac: {  	_ =	swait.ge [sflag:s1], $0x3800  }
0x1ad: {  	[sflag:s1] =	ssyncset.done $0x0  }
0x1ae: {  	[sflag:s1] =	ssyncadd.s32 $0xFFFFC800  }
0x1af: {  	_ =	swait.ge [sflag:s1], $0x3800  }
0x1b0: {  	[sflag:s1] =	ssyncset.done $0x0  }
0x1b1: {  	[sflag:s1] =	ssyncadd.s32 $0xFFFFC800  }
0x1b2: {  	v6 =	vld [tilespmem:s28+$0x0]  }
0x1b3: {  	v7 =	vld [tilespmem:s29+$0x0];
	_ =	sdelay $0x1  }
0x1b4: {  	v8 =	vld [tilespmem:s10+$0x0];
	_ =	sdelay $0x2  }
0x1b5: {  	v9 =	vmov s31;
	vm11 =	veq.f32 v6, $0.0e+00;
	vm12 =	veq.f32 v7, $0.0e+00  }
0x1b6: {  	vm13 =	vlt.u32 v9, $0x186A0;
	vm0 =	vmand vm11, vm12  }
0x1b7: {  	vm14 =	vlt.s32 v8, v5;
	v6 =	vadd.s32 v4, v8;
	vm0 =	vmand vm13, vm0  }
0x1b8: {  	vm15 =	vlt.s32 v6, $0x1FFF;
	vm0 =	vmand vm14, vm0  }
0x1b9: {  	v6 =	vnsel vm15, $0x1FFF, v6;
	_ =	sdelay $0x3  }
0x1ba: {  	v7 =	vor.u32 s31, v1  }
0x1bb: {  	s28 =	simm.s32 $0x6810;
	[tilespmem:v6+s4+$0x0] =	vst.idx.msk vm0, v7  }
0x1bc: {  	s29 =	simm.s32 $0xA010;
	v6 =	vld [tilespmem:s28+$0x0]  }
0x1bd: {  	s15 =	simm.s32 $0x10;
	s30 =	simm.s32 $0x20;
	v7 =	vld [tilespmem:s29+$0x0]  }
.LBB2_25:
0x1be: {  	p2 =	sne.s32 s30, $0x37F0;
	s10 =	sadd.s32 $0x10, s10  }
0x1bf: {  	v8 =	vld [tilespmem:s10+$0x0];
	_ =	sdelay $0x2  }
0x1c0: {  	v9 =	vmov s15;
	vm0 =	veq.f32 v6, $0.0e+00;
	vm1 =	veq.f32 v7, $0.0e+00  }
0x1c1: {  	vm0 =	vmand vm0, vm1;
	vm1 =	vlt.u32 v9, $0x186A0  }
0x1c2: {  	vm0 =	vmand vm1, vm0;
	vm1 =	vlt.s32 v8, v5;
	v6 =	vadd.s32 v4, v8  }
0x1c3: {  	vm0 =	vmand vm1, vm0;
	vm1 =	vlt.s32 v6, $0x1FFF  }
0x1c4: {  	v6 =	vnsel vm1, $0x1FFF, v6;
	_ =	sdelay $0x2  }
.Ltmp16:
0x1c5: {  	(pc) =	sbr.rel @p2 .LBB2_25-.Ltmp16, $4  }
0x1c6: {  	v7 =	vor.u32 s15, v1;
	s15 =	smov.u32 s30  }
0x1c7: {  	s28 =	sadd.s32 $0x10, s28;
	[tilespmem:v6+s4+$0x0] =	vst.idx.msk vm0, v7  }
0x1c8: {  	s29 =	sadd.s32 $0x10, s29;
	v6 =	vld [tilespmem:s28+$0x0]  }
0x1c9: {  	s30 =	sadd.s32 $0x10, s30;
	v7 =	vld [tilespmem:s29+$0x0]  }
0x1ca: {  	s10 =	sadd.s32 $0x10, s10  }
0x1cb: {  	v8 =	vld [tilespmem:s10+$0x0];
	_ =	sdelay $0x2  }
0x1cc: {  	v9 =	vmov s15;
	vm0 =	veq.f32 v6, $0.0e+00;
	vm1 =	veq.f32 v7, $0.0e+00  }
0x1cd: {  	vm8 =	vlt.u32 v9, $0x186A0;
	vm0 =	vmand vm0, vm1  }
0x1ce: {  	vm0 =	vmand vm8, vm0;
	vm9 =	vlt.s32 v8, v5;
	v6 =	vadd.s32 v4, v8  }
0x1cf: {  	vm0 =	vmand vm9, vm0;
	vm10 =	vlt.s32 v6, $0x1FFF  }
0x1d0: {  	v6 =	vnsel vm10, $0x1FFF, v6;
	_ =	sdelay $0x3  }
0x1d1: {  	v7 =	vor.u32 s15, v1  }
0x1d2: {  	s31 =	simm.s32 $0x6800;
	[tilespmem:v6+s4+$0x0] =	vst.idx.msk vm0, v7  }
0x1d3: {  	[tilespmem:s31], [sflag:$0x1] =	stream.linear.gather [hbm4b:s16+s5], $0x3800, $0x38;
	[tilespmem:$0x15500] =	vst v63  }
0x1d4: {  	s28 =	simm.s32 $0xA000  }
0x1d5: {  	[tilespmem:s28], [sflag:$0x1] =	stream.linear.gather [hbm4b:s17+s5], $0x3800, $0x38;
	[tilespmem:$0x15500] =	vst v63  }
0x1d6: {  	s29 =	rddreg [dreg:$0x19];
	s10 =	simm.s32 $0xD800  }
0x1d7: {  	[tilespmem:s10], [sflag:$0x1] =	stream.linear.gather [hbm4b:s29+s5], $0x3800, $0x38;
	[tilespmem:$0x15500] =	vst v63  }
0x1d8: {  	_ =	swait.ge [sflag:s1], $0x3800  }
0x1d9: {  	[sflag:s1] =	ssyncset.done $0x0  }
0x1da: {  	[sflag:s1] =	ssyncadd.s32 $0xFFFFC800  }
0x1db: {  	_ =	swait.ge [sflag:s1], $0x3800  }
0x1dc: {  	[sflag:s1] =	ssyncset.done $0x0  }
0x1dd: {  	[sflag:s1] =	ssyncadd.s32 $0xFFFFC800  }
0x1de: {  	_ =	swait.ge [sflag:s1], $0x3800  }
0x1df: {  	[sflag:s1] =	ssyncset.done $0x0  }
0x1e0: {  	[sflag:s1] =	ssyncadd.s32 $0xFFFFC800  }
0x1e1: {  	v6 =	vld [tilespmem:s31+$0x0]  }
0x1e2: {  	v7 =	vld [tilespmem:s28+$0x0];
	_ =	sdelay $0x1  }
0x1e3: {  	v8 =	vld [tilespmem:s10+$0x0];
	_ =	sdelay $0x1  }
0x1e4: {  	s31 =	simm.s32 $0x3800  }
0x1e5: {  	v63 =	vmov s31;
	vm11 =	veq.f32 v6, $0.0e+00;
	vm12 =	veq.f32 v7, $0.0e+00  }
0x1e6: {  	vm13 =	vlt.u32 v63, $0x186A0;
	vm0 =	vmand vm11, vm12  }
0x1e7: {  	vm14 =	vlt.s32 v8, v5;
	v6 =	vadd.s32 v4, v8;
	vm0 =	vmand vm13, vm0  }
0x1e8: {  	vm15 =	vlt.s32 v6, $0x1FFF;
	vm0 =	vmand vm14, vm0  }
0x1e9: {  	v6 =	vnsel vm15, $0x1FFF, v6;
	_ =	sdelay $0x3  }
0x1ea: {  	v7 =	vor.u32 s31, v1  }
0x1eb: {  	s28 =	simm.s32 $0x6810;
	[tilespmem:v6+s4+$0x0] =	vst.idx.msk vm0, v7  }
0x1ec: {  	s29 =	simm.s32 $0xA010;
	v6 =	vld [tilespmem:s28+$0x0]  }
0x1ed: {  	s30 =	simm.s32 $0x3820;
	s15 =	simm.s32 $0x3810;
	v7 =	vld [tilespmem:s29+$0x0]  }
.LBB2_27:
0x1ee: {  	p2 =	sne.s32 s30, $0x6FF0;
	s10 =	sadd.s32 $0x10, s10  }
0x1ef: {  	v8 =	vld [tilespmem:s10+$0x0];
	_ =	sdelay $0x2  }
0x1f0: {  	v9 =	vmov s15;
	vm0 =	veq.f32 v6, $0.0e+00;
	vm1 =	veq.f32 v7, $0.0e+00  }
0x1f1: {  	vm0 =	vmand vm0, vm1;
	vm1 =	vlt.u32 v9, $0x186A0  }
0x1f2: {  	vm0 =	vmand vm1, vm0;
	vm1 =	vlt.s32 v8, v5;
	v6 =	vadd.s32 v4, v8  }
0x1f3: {  	vm0 =	vmand vm1, vm0;
	vm1 =	vlt.s32 v6, $0x1FFF  }
0x1f4: {  	v6 =	vnsel vm1, $0x1FFF, v6;
	_ =	sdelay $0x2  }
.Ltmp17:
0x1f5: {  	(pc) =	sbr.rel @p2 .LBB2_27-.Ltmp17, $4  }
0x1f6: {  	v7 =	vor.u32 s15, v1;
	s15 =	smov.u32 s30  }
0x1f7: {  	s28 =	sadd.s32 $0x10, s28;
	[tilespmem:v6+s4+$0x0] =	vst.idx.msk vm0, v7  }
0x1f8: {  	s29 =	sadd.s32 $0x10, s29;
	v6 =	vld [tilespmem:s28+$0x0]  }
0x1f9: {  	s30 =	sadd.s32 $0x10, s30;
	v7 =	vld [tilespmem:s29+$0x0]  }
0x1fa: {  	s10 =	sadd.s32 $0x10, s10  }
0x1fb: {  	v8 =	vld [tilespmem:s10+$0x0];
	_ =	sdelay $0x2  }
0x1fc: {  	v9 =	vmov s15;
	vm0 =	veq.f32 v6, $0.0e+00;
	vm1 =	veq.f32 v7, $0.0e+00  }
0x1fd: {  	vm8 =	vlt.u32 v9, $0x186A0;
	vm0 =	vmand vm0, vm1  }
0x1fe: {  	vm0 =	vmand vm8, vm0;
	vm9 =	vlt.s32 v8, v5;
	v6 =	vadd.s32 v4, v8  }
0x1ff: {  	vm0 =	vmand vm9, vm0;
	vm10 =	vlt.s32 v6, $0x1FFF  }
0x200: {  	v6 =	vnsel vm10, $0x1FFF, v6;
	_ =	sdelay $0x3  }
0x201: {  	v7 =	vor.u32 s15, v1  }
0x202: {  	s31 =	simm.s32 $0x6800;
	[tilespmem:v6+s4+$0x0] =	vst.idx.msk vm0, v7  }
0x203: {  	[tilespmem:s31], [sflag:$0x1] =	stream.linear.gather [hbm4b:s18+s5], $0x3800, $0x38;
	[tilespmem:$0x15500] =	vst v63  }
0x204: {  	s28 =	simm.s32 $0xA000  }
0x205: {  	[tilespmem:s28], [sflag:$0x1] =	stream.linear.gather [hbm4b:s19+s5], $0x3800, $0x38;
	[tilespmem:$0x15500] =	vst v63  }
0x206: {  	s29 =	rddreg [dreg:$0x1a];
	s10 =	simm.s32 $0xD800  }
0x207: {  	[tilespmem:s10], [sflag:$0x1] =	stream.linear.gather [hbm4b:s29+s5], $0x3800, $0x38;
	[tilespmem:$0x15500] =	vst v63  }
0x208: {  	_ =	swait.ge [sflag:s1], $0x3800  }
0x209: {  	[sflag:s1] =	ssyncset.done $0x0  }
0x20a: {  	[sflag:s1] =	ssyncadd.s32 $0xFFFFC800  }
0x20b: {  	_ =	swait.ge [sflag:s1], $0x3800  }
0x20c: {  	[sflag:s1] =	ssyncset.done $0x0  }
0x20d: {  	[sflag:s1] =	ssyncadd.s32 $0xFFFFC800  }
0x20e: {  	_ =	swait.ge [sflag:s1], $0x3800  }
0x20f: {  	[sflag:s1] =	ssyncset.done $0x0  }
0x210: {  	[sflag:s1] =	ssyncadd.s32 $0xFFFFC800  }
0x211: {  	v6 =	vld [tilespmem:s31+$0x0]  }
0x212: {  	v7 =	vld [tilespmem:s28+$0x0];
	_ =	sdelay $0x1  }
0x213: {  	v8 =	vld [tilespmem:s10+$0x0];
	_ =	sdelay $0x1  }
0x214: {  	s31 =	simm.s32 $0x7000  }
0x215: {  	v63 =	vmov s31;
	vm11 =	veq.f32 v6, $0.0e+00;
	vm12 =	veq.f32 v7, $0.0e+00  }
0x216: {  	vm13 =	vlt.u32 v63, $0x186A0;
	vm0 =	vmand vm11, vm12  }
0x217: {  	vm14 =	vlt.s32 v8, v5;
	v6 =	vadd.s32 v4, v8;
	vm0 =	vmand vm13, vm0  }
0x218: {  	vm15 =	vlt.s32 v6, $0x1FFF;
	vm0 =	vmand vm14, vm0  }
0x219: {  	v6 =	vnsel vm15, $0x1FFF, v6;
	_ =	sdelay $0x3  }
0x21a: {  	v7 =	vor.u32 s31, v1  }
0x21b: {  	s28 =	simm.s32 $0x6810;
	[tilespmem:v6+s4+$0x0] =	vst.idx.msk vm0, v7  }
0x21c: {  	s29 =	simm.s32 $0xA010;
	v6 =	vld [tilespmem:s28+$0x0]  }
0x21d: {  	s30 =	simm.s32 $0x7020;
	s15 =	simm.s32 $0x7010;
	v7 =	vld [tilespmem:s29+$0x0]  }
.LBB2_29:
0x21e: {  	p2 =	sne.s32 s30, $0xA7F0;
	s10 =	sadd.s32 $0x10, s10  }
0x21f: {  	v8 =	vld [tilespmem:s10+$0x0];
	_ =	sdelay $0x2  }
0x220: {  	v9 =	vmov s15;
	vm0 =	veq.f32 v6, $0.0e+00;
	vm1 =	veq.f32 v7, $0.0e+00  }
0x221: {  	vm0 =	vmand vm0, vm1;
	vm1 =	vlt.u32 v9, $0x186A0  }
0x222: {  	vm0 =	vmand vm1, vm0;
	vm1 =	vlt.s32 v8, v5;
	v6 =	vadd.s32 v4, v8  }
0x223: {  	vm0 =	vmand vm1, vm0;
	vm1 =	vlt.s32 v6, $0x1FFF  }
0x224: {  	v6 =	vnsel vm1, $0x1FFF, v6;
	_ =	sdelay $0x2  }
.Ltmp18:
0x225: {  	(pc) =	sbr.rel @p2 .LBB2_29-.Ltmp18, $4  }
0x226: {  	v7 =	vor.u32 s15, v1;
	s15 =	smov.u32 s30  }
0x227: {  	s28 =	sadd.s32 $0x10, s28;
	[tilespmem:v6+s4+$0x0] =	vst.idx.msk vm0, v7  }
0x228: {  	s29 =	sadd.s32 $0x10, s29;
	v6 =	vld [tilespmem:s28+$0x0]  }
0x229: {  	s30 =	sadd.s32 $0x10, s30;
	v7 =	vld [tilespmem:s29+$0x0]  }
0x22a: {  	s10 =	sadd.s32 $0x10, s10  }
0x22b: {  	v8 =	vld [tilespmem:s10+$0x0];
	_ =	sdelay $0x2  }
0x22c: {  	v9 =	vmov s15;
	vm0 =	veq.f32 v6, $0.0e+00;
	vm1 =	veq.f32 v7, $0.0e+00  }
0x22d: {  	vm8 =	vlt.u32 v9, $0x186A0;
	vm0 =	vmand vm0, vm1  }
0x22e: {  	vm0 =	vmand vm8, vm0;
	vm9 =	vlt.s32 v8, v5;
	v6 =	vadd.s32 v4, v8  }
0x22f: {  	vm0 =	vmand vm9, vm0;
	vm10 =	vlt.s32 v6, $0x1FFF  }
0x230: {  	v6 =	vnsel vm10, $0x1FFF, v6;
	_ =	sdelay $0x3  }
0x231: {  	v7 =	vor.u32 s15, v1  }
0x232: {  	s31 =	simm.s32 $0x6800;
	[tilespmem:v6+s4+$0x0] =	vst.idx.msk vm0, v7  }
0x233: {  	[tilespmem:s31], [sflag:$0x1] =	stream.linear.gather [hbm4b:s20+s5], $0x3800, $0x38;
	[tilespmem:$0x15500] =	vst v63  }
0x234: {  	s28 =	simm.s32 $0xA000  }
0x235: {  	[tilespmem:s28], [sflag:$0x1] =	stream.linear.gather [hbm4b:s21+s5], $0x3800, $0x38;
	[tilespmem:$0x15500] =	vst v63  }
0x236: {  	s29 =	rddreg [dreg:$0x1b];
	s10 =	simm.s32 $0xD800  }
0x237: {  	[tilespmem:s10], [sflag:$0x1] =	stream.linear.gather [hbm4b:s29+s5], $0x3800, $0x38;
	[tilespmem:$0x15500] =	vst v63  }
0x238: {  	_ =	swait.ge [sflag:s1], $0x3800  }
0x239: {  	[sflag:s1] =	ssyncset.done $0x0  }
0x23a: {  	[sflag:s1] =	ssyncadd.s32 $0xFFFFC800  }
0x23b: {  	_ =	swait.ge [sflag:s1], $0x3800  }
0x23c: {  	[sflag:s1] =	ssyncset.done $0x0  }
0x23d: {  	[sflag:s1] =	ssyncadd.s32 $0xFFFFC800  }
0x23e: {  	_ =	swait.ge [sflag:s1], $0x3800  }
0x23f: {  	[sflag:s1] =	ssyncset.done $0x0  }
0x240: {  	[sflag:s1] =	ssyncadd.s32 $0xFFFFC800  }
0x241: {  	v6 =	vld [tilespmem:s31+$0x0]  }
0x242: {  	v7 =	vld [tilespmem:s28+$0x0];
	_ =	sdelay $0x1  }
0x243: {  	v8 =	vld [tilespmem:s10+$0x0];
	_ =	sdelay $0x1  }
0x244: {  	s31 =	simm.s32 $0xA800  }
0x245: {  	v63 =	vmov s31;
	vm11 =	veq.f32 v6, $0.0e+00;
	vm12 =	veq.f32 v7, $0.0e+00  }
0x246: {  	vm13 =	vlt.u32 v63, $0x186A0;
	vm0 =	vmand vm11, vm12  }
0x247: {  	vm14 =	vlt.s32 v8, v5;
	v6 =	vadd.s32 v4, v8;
	vm0 =	vmand vm13, vm0  }
0x248: {  	vm15 =	vlt.s32 v6, $0x1FFF;
	vm0 =	vmand vm14, vm0  }
0x249: {  	v6 =	vnsel vm15, $0x1FFF, v6;
	_ =	sdelay $0x3  }
0x24a: {  	v7 =	vor.u32 s31, v1  }
0x24b: {  	s28 =	simm.s32 $0x6810;
	[tilespmem:v6+s4+$0x0] =	vst.idx.msk vm0, v7  }
0x24c: {  	s29 =	simm.s32 $0xA010;
	v6 =	vld [tilespmem:s28+$0x0]  }
0x24d: {  	s30 =	simm.s32 $0xA820;
	s15 =	simm.s32 $0xA810;
	v7 =	vld [tilespmem:s29+$0x0]  }
.LBB2_31:
0x24e: {  	p2 =	sne.s32 s30, $0xDFF0;
	s10 =	sadd.s32 $0x10, s10  }
0x24f: {  	v8 =	vld [tilespmem:s10+$0x0];
	_ =	sdelay $0x2  }
0x250: {  	v9 =	vmov s15;
	vm0 =	veq.f32 v6, $0.0e+00;
	vm1 =	veq.f32 v7, $0.0e+00  }
0x251: {  	vm0 =	vmand vm0, vm1;
	vm1 =	vlt.u32 v9, $0x186A0  }
0x252: {  	vm0 =	vmand vm1, vm0;
	vm1 =	vlt.s32 v8, v5;
	v6 =	vadd.s32 v4, v8  }
0x253: {  	vm0 =	vmand vm1, vm0;
	vm1 =	vlt.s32 v6, $0x1FFF  }
0x254: {  	v6 =	vnsel vm1, $0x1FFF, v6;
	_ =	sdelay $0x2  }
.Ltmp19:
0x255: {  	(pc) =	sbr.rel @p2 .LBB2_31-.Ltmp19, $4  }
0x256: {  	v7 =	vor.u32 s15, v1;
	s15 =	smov.u32 s30  }
0x257: {  	s28 =	sadd.s32 $0x10, s28;
	[tilespmem:v6+s4+$0x0] =	vst.idx.msk vm0, v7  }
0x258: {  	s29 =	sadd.s32 $0x10, s29;
	v6 =	vld [tilespmem:s28+$0x0]  }
0x259: {  	s30 =	sadd.s32 $0x10, s30;
	v7 =	vld [tilespmem:s29+$0x0]  }
0x25a: {  	s10 =	sadd.s32 $0x10, s10  }
0x25b: {  	v8 =	vld [tilespmem:s10+$0x0];
	_ =	sdelay $0x2  }
0x25c: {  	v9 =	vmov s15;
	vm0 =	veq.f32 v6, $0.0e+00;
	vm1 =	veq.f32 v7, $0.0e+00  }
0x25d: {  	vm8 =	vlt.u32 v9, $0x186A0;
	vm0 =	vmand vm0, vm1  }
0x25e: {  	vm0 =	vmand vm8, vm0;
	vm9 =	vlt.s32 v8, v5;
	v6 =	vadd.s32 v4, v8  }
0x25f: {  	vm0 =	vmand vm9, vm0;
	vm10 =	vlt.s32 v6, $0x1FFF  }
0x260: {  	v6 =	vnsel vm10, $0x1FFF, v6;
	_ =	sdelay $0x3  }
0x261: {  	v7 =	vor.u32 s15, v1  }
0x262: {  	s31 =	simm.s32 $0x6800;
	[tilespmem:v6+s4+$0x0] =	vst.idx.msk vm0, v7  }
0x263: {  	[tilespmem:s31], [sflag:$0x1] =	stream.linear.gather [hbm4b:s11+s5], $0x3800, $0x38;
	[tilespmem:$0x15500] =	vst v63  }
0x264: {  	s28 =	simm.s32 $0xA000  }
0x265: {  	[tilespmem:s28], [sflag:$0x1] =	stream.linear.gather [hbm4b:s22+s5], $0x3800, $0x38;
	[tilespmem:$0x15500] =	vst v63  }
0x266: {  	s29 =	rddreg [dreg:$0x1c];
	s10 =	simm.s32 $0xD800  }
0x267: {  	[tilespmem:s10], [sflag:$0x1] =	stream.linear.gather [hbm4b:s29+s5], $0x3800, $0x38;
	[tilespmem:$0x15500] =	vst v63  }
0x268: {  	_ =	swait.ge [sflag:s1], $0x3800  }
0x269: {  	[sflag:s1] =	ssyncset.done $0x0  }
0x26a: {  	[sflag:s1] =	ssyncadd.s32 $0xFFFFC800  }
0x26b: {  	_ =	swait.ge [sflag:s1], $0x3800  }
0x26c: {  	[sflag:s1] =	ssyncset.done $0x0  }
0x26d: {  	[sflag:s1] =	ssyncadd.s32 $0xFFFFC800  }
0x26e: {  	_ =	swait.ge [sflag:s1], $0x3800  }
0x26f: {  	[sflag:s1] =	ssyncset.done $0x0  }
0x270: {  	[sflag:s1] =	ssyncadd.s32 $0xFFFFC800  }
0x271: {  	v6 =	vld [tilespmem:s31+$0x0]  }
0x272: {  	v7 =	vld [tilespmem:s28+$0x0];
	_ =	sdelay $0x1  }
0x273: {  	v8 =	vld [tilespmem:s10+$0x0];
	_ =	sdelay $0x1  }
0x274: {  	s31 =	simm.s32 $0xE000  }
0x275: {  	v63 =	vmov s31;
	vm11 =	veq.f32 v6, $0.0e+00;
	vm12 =	veq.f32 v7, $0.0e+00  }
0x276: {  	vm13 =	vlt.u32 v63, $0x186A0;
	vm0 =	vmand vm11, vm12  }
0x277: {  	vm14 =	vlt.s32 v8, v5;
	v6 =	vadd.s32 v4, v8;
	vm0 =	vmand vm13, vm0  }
0x278: {  	vm15 =	vlt.s32 v6, $0x1FFF;
	vm0 =	vmand vm14, vm0  }
0x279: {  	v6 =	vnsel vm15, $0x1FFF, v6;
	_ =	sdelay $0x3  }
0x27a: {  	v7 =	vor.u32 s31, v1  }
0x27b: {  	s28 =	simm.s32 $0x6810;
	[tilespmem:v6+s4+$0x0] =	vst.idx.msk vm0, v7  }
0x27c: {  	s29 =	simm.s32 $0xA010;
	v6 =	vld [tilespmem:s28+$0x0]  }
0x27d: {  	s30 =	simm.s32 $0xE020;
	s15 =	simm.s32 $0xE010;
	v7 =	vld [tilespmem:s29+$0x0]  }
.LBB2_33:
0x27e: {  	p2 =	sne.s32 s30, $0x117F0;
	s10 =	sadd.s32 $0x10, s10  }
0x27f: {  	v8 =	vld [tilespmem:s10+$0x0];
	_ =	sdelay $0x2  }
0x280: {  	v9 =	vmov s15;
	vm0 =	veq.f32 v6, $0.0e+00;
	vm1 =	veq.f32 v7, $0.0e+00  }
0x281: {  	vm0 =	vmand vm0, vm1;
	vm1 =	vlt.u32 v9, $0x186A0  }
0x282: {  	vm0 =	vmand vm1, vm0;
	vm1 =	vlt.s32 v8, v5;
	v6 =	vadd.s32 v4, v8  }
0x283: {  	vm0 =	vmand vm1, vm0;
	vm1 =	vlt.s32 v6, $0x1FFF  }
0x284: {  	v6 =	vnsel vm1, $0x1FFF, v6;
	_ =	sdelay $0x2  }
.Ltmp20:
0x285: {  	(pc) =	sbr.rel @p2 .LBB2_33-.Ltmp20, $4  }
0x286: {  	v7 =	vor.u32 s15, v1;
	s15 =	smov.u32 s30  }
0x287: {  	s28 =	sadd.s32 $0x10, s28;
	[tilespmem:v6+s4+$0x0] =	vst.idx.msk vm0, v7  }
0x288: {  	s29 =	sadd.s32 $0x10, s29;
	v6 =	vld [tilespmem:s28+$0x0]  }
0x289: {  	s30 =	sadd.s32 $0x10, s30;
	v7 =	vld [tilespmem:s29+$0x0]  }
0x28a: {  	s10 =	sadd.s32 $0x10, s10  }
0x28b: {  	v8 =	vld [tilespmem:s10+$0x0];
	_ =	sdelay $0x2  }
0x28c: {  	v9 =	vmov s15;
	vm0 =	veq.f32 v6, $0.0e+00;
	vm1 =	veq.f32 v7, $0.0e+00  }
0x28d: {  	vm8 =	vlt.u32 v9, $0x186A0;
	vm0 =	vmand vm0, vm1  }
0x28e: {  	vm0 =	vmand vm8, vm0;
	vm9 =	vlt.s32 v8, v5;
	v6 =	vadd.s32 v4, v8  }
0x28f: {  	vm0 =	vmand vm9, vm0;
	vm10 =	vlt.s32 v6, $0x1FFF  }
0x290: {  	v6 =	vnsel vm10, $0x1FFF, v6;
	_ =	sdelay $0x3  }
0x291: {  	v7 =	vor.u32 s15, v1  }
0x292: {  	s31 =	simm.s32 $0x6800;
	[tilespmem:v6+s4+$0x0] =	vst.idx.msk vm0, v7  }
0x293: {  	[tilespmem:s31], [sflag:$0x1] =	stream.linear.gather [hbm4b:s23+s5], $0x3800, $0x38;
	[tilespmem:$0x15500] =	vst v63  }
0x294: {  	s28 =	simm.s32 $0xA000  }
0x295: {  	[tilespmem:s28], [sflag:$0x1] =	stream.linear.gather [hbm4b:s24+s5], $0x3800, $0x38;
	[tilespmem:$0x15500] =	vst v63  }
0x296: {  	s29 =	rddreg [dreg:$0x1d];
	s10 =	simm.s32 $0xD800  }
0x297: {  	[tilespmem:s10], [sflag:$0x1] =	stream.linear.gather [hbm4b:s29+s5], $0x3800, $0x38;
	[tilespmem:$0x15500] =	vst v63  }
0x298: {  	_ =	swait.ge [sflag:s1], $0x3800  }
0x299: {  	[sflag:s1] =	ssyncset.done $0x0  }
0x29a: {  	[sflag:s1] =	ssyncadd.s32 $0xFFFFC800  }
0x29b: {  	_ =	swait.ge [sflag:s1], $0x3800  }
0x29c: {  	[sflag:s1] =	ssyncset.done $0x0  }
0x29d: {  	[sflag:s1] =	ssyncadd.s32 $0xFFFFC800  }
0x29e: {  	_ =	swait.ge [sflag:s1], $0x3800  }
0x29f: {  	[sflag:s1] =	ssyncset.done $0x0  }
0x2a0: {  	[sflag:s1] =	ssyncadd.s32 $0xFFFFC800  }
0x2a1: {  	v6 =	vld [tilespmem:s31+$0x0]  }
0x2a2: {  	v7 =	vld [tilespmem:s28+$0x0];
	_ =	sdelay $0x1  }
0x2a3: {  	v8 =	vld [tilespmem:s10+$0x0];
	_ =	sdelay $0x1  }
0x2a4: {  	s31 =	simm.s32 $0x11800  }
0x2a5: {  	v63 =	vmov s31;
	vm11 =	veq.f32 v6, $0.0e+00;
	vm12 =	veq.f32 v7, $0.0e+00  }
0x2a6: {  	vm13 =	vlt.u32 v63, $0x186A0;
	vm0 =	vmand vm11, vm12  }
0x2a7: {  	vm14 =	vlt.s32 v8, v5;
	v6 =	vadd.s32 v4, v8;
	vm0 =	vmand vm13, vm0  }
0x2a8: {  	vm15 =	vlt.s32 v6, $0x1FFF;
	vm0 =	vmand vm14, vm0  }
0x2a9: {  	v6 =	vnsel vm15, $0x1FFF, v6;
	_ =	sdelay $0x3  }
0x2aa: {  	v7 =	vor.u32 s31, v1  }
0x2ab: {  	s28 =	simm.s32 $0x6810;
	[tilespmem:v6+s4+$0x0] =	vst.idx.msk vm0, v7  }
0x2ac: {  	s29 =	simm.s32 $0xA010;
	v6 =	vld [tilespmem:s28+$0x0]  }
0x2ad: {  	s30 =	simm.s32 $0x11820;
	s15 =	simm.s32 $0x11810;
	v7 =	vld [tilespmem:s29+$0x0]  }
.LBB2_35:
0x2ae: {  	p2 =	sne.s32 s30, $0x14FF0;
	s10 =	sadd.s32 $0x10, s10  }
0x2af: {  	v8 =	vld [tilespmem:s10+$0x0];
	_ =	sdelay $0x2  }
0x2b0: {  	v9 =	vmov s15;
	vm0 =	veq.f32 v6, $0.0e+00;
	vm1 =	veq.f32 v7, $0.0e+00  }
0x2b1: {  	vm0 =	vmand vm0, vm1;
	vm1 =	vlt.u32 v9, $0x186A0  }
0x2b2: {  	vm0 =	vmand vm1, vm0;
	vm1 =	vlt.s32 v8, v5;
	v6 =	vadd.s32 v4, v8  }
0x2b3: {  	vm0 =	vmand vm1, vm0;
	vm1 =	vlt.s32 v6, $0x1FFF  }
0x2b4: {  	v6 =	vnsel vm1, $0x1FFF, v6;
	_ =	sdelay $0x2  }
.Ltmp21:
0x2b5: {  	(pc) =	sbr.rel @p2 .LBB2_35-.Ltmp21, $4  }
0x2b6: {  	v7 =	vor.u32 s15, v1;
	s15 =	smov.u32 s30  }
0x2b7: {  	s28 =	sadd.s32 $0x10, s28;
	[tilespmem:v6+s4+$0x0] =	vst.idx.msk vm0, v7  }
0x2b8: {  	s29 =	sadd.s32 $0x10, s29;
	v6 =	vld [tilespmem:s28+$0x0]  }
0x2b9: {  	s30 =	sadd.s32 $0x10, s30;
	v7 =	vld [tilespmem:s29+$0x0]  }
0x2ba: {  	s10 =	sadd.s32 $0x10, s10  }
0x2bb: {  	v8 =	vld [tilespmem:s10+$0x0];
	_ =	sdelay $0x2  }
0x2bc: {  	v9 =	vmov s15;
	vm0 =	veq.f32 v6, $0.0e+00;
	vm1 =	veq.f32 v7, $0.0e+00  }
0x2bd: {  	vm8 =	vlt.u32 v9, $0x186A0;
	vm0 =	vmand vm0, vm1  }
0x2be: {  	vm0 =	vmand vm8, vm0;
	vm9 =	vlt.s32 v8, v5;
	v6 =	vadd.s32 v4, v8  }
0x2bf: {  	vm0 =	vmand vm9, vm0;
	vm10 =	vlt.s32 v6, $0x1FFF  }
0x2c0: {  	v6 =	vnsel vm10, $0x1FFF, v6;
	_ =	sdelay $0x3  }
0x2c1: {  	v7 =	vor.u32 s15, v1  }
0x2c2: {  	s31 =	simm.s32 $0x6800;
	[tilespmem:v6+s4+$0x0] =	vst.idx.msk vm0, v7  }
0x2c3: {  	[tilespmem:s31], [sflag:$0x1] =	stream.linear.gather [hbm4b:s25+s5], $0x3800, $0x38;
	[tilespmem:$0x15500] =	vst v63  }
0x2c4: {  	s28 =	simm.s32 $0xA000  }
0x2c5: {  	[tilespmem:s28], [sflag:$0x1] =	stream.linear.gather [hbm4b:s26+s5], $0x3800, $0x38;
	[tilespmem:$0x15500] =	vst v63  }
0x2c6: {  	s10 =	simm.s32 $0xD800  }
0x2c7: {  	[tilespmem:s10], [sflag:$0x1] =	stream.linear.gather [hbm4b:s0+s5], $0x3800, $0x38;
	[tilespmem:$0x15500] =	vst v63  }
0x2c8: {  	_ =	swait.ge [sflag:s1], $0x3800  }
0x2c9: {  	[sflag:s1] =	ssyncset.done $0x0  }
0x2ca: {  	[sflag:s1] =	ssyncadd.s32 $0xFFFFC800  }
0x2cb: {  	_ =	swait.ge [sflag:s1], $0x3800  }
0x2cc: {  	[sflag:s1] =	ssyncset.done $0x0  }
0x2cd: {  	[sflag:s1] =	ssyncadd.s32 $0xFFFFC800  }
0x2ce: {  	_ =	swait.ge [sflag:s1], $0x3800  }
0x2cf: {  	[sflag:s1] =	ssyncset.done $0x0  }
0x2d0: {  	[sflag:s1] =	ssyncadd.s32 $0xFFFFC800  }
0x2d1: {  	v6 =	vld [tilespmem:s31+$0x0]  }
0x2d2: {  	v7 =	vld [tilespmem:s28+$0x0];
	_ =	sdelay $0x1  }
0x2d3: {  	v8 =	vld [tilespmem:s10+$0x0];
	_ =	sdelay $0x1  }
0x2d4: {  	s31 =	simm.s32 $0x15000  }
0x2d5: {  	v63 =	vmov s31;
	vm11 =	veq.f32 v6, $0.0e+00;
	vm12 =	veq.f32 v7, $0.0e+00  }
0x2d6: {  	vm13 =	vlt.u32 v63, $0x186A0;
	vm0 =	vmand vm11, vm12  }
0x2d7: {  	vm14 =	vlt.s32 v8, v5;
	v6 =	vadd.s32 v4, v8;
	vm0 =	vmand vm13, vm0  }
0x2d8: {  	vm15 =	vlt.s32 v6, $0x1FFF;
	vm0 =	vmand vm14, vm0  }
0x2d9: {  	v6 =	vnsel vm15, $0x1FFF, v6;
	_ =	sdelay $0x3  }
0x2da: {  	v7 =	vor.u32 s31, v1  }
0x2db: {  	s28 =	simm.s32 $0x6810;
	[tilespmem:v6+s4+$0x0] =	vst.idx.msk vm0, v7  }
0x2dc: {  	s29 =	simm.s32 $0xA010;
	v6 =	vld [tilespmem:s28+$0x0]  }
0x2dd: {  	s30 =	simm.s32 $0x15020;
	s15 =	simm.s32 $0x15010;
	v7 =	vld [tilespmem:s29+$0x0]  }
.LBB2_37:
0x2de: {  	p2 =	sne.s32 s30, $0x187F0;
	s10 =	sadd.s32 $0x10, s10  }
0x2df: {  	v8 =	vld [tilespmem:s10+$0x0];
	_ =	sdelay $0x2  }
0x2e0: {  	v9 =	vmov s15;
	vm0 =	veq.f32 v6, $0.0e+00;
	vm1 =	veq.f32 v7, $0.0e+00  }
0x2e1: {  	vm0 =	vmand vm0, vm1;
	vm1 =	vlt.u32 v9, $0x186A0  }
0x2e2: {  	vm0 =	vmand vm1, vm0;
	vm1 =	vlt.s32 v8, v5;
	v6 =	vadd.s32 v4, v8  }
0x2e3: {  	vm0 =	vmand vm1, vm0;
	vm1 =	vlt.s32 v6, $0x1FFF  }
0x2e4: {  	v6 =	vnsel vm1, $0x1FFF, v6;
	_ =	sdelay $0x2  }
.Ltmp22:
0x2e5: {  	(pc) =	sbr.rel @p2 .LBB2_37-.Ltmp22, $4  }
0x2e6: {  	v7 =	vor.u32 s15, v1;
	s15 =	smov.u32 s30  }
0x2e7: {  	s28 =	sadd.s32 $0x10, s28;
	[tilespmem:v6+s4+$0x0] =	vst.idx.msk vm0, v7  }
0x2e8: {  	s29 =	sadd.s32 $0x10, s29;
	v6 =	vld [tilespmem:s28+$0x0]  }
0x2e9: {  	s30 =	sadd.s32 $0x10, s30;
	v7 =	vld [tilespmem:s29+$0x0]  }
0x2ea: {  	s10 =	sadd.s32 $0x10, s10  }
0x2eb: {  	v8 =	vld [tilespmem:s10+$0x0];
	_ =	sdelay $0x2  }
0x2ec: {  	v9 =	vmov s15;
	vm0 =	veq.f32 v6, $0.0e+00;
	vm1 =	veq.f32 v7, $0.0e+00  }
0x2ed: {  	vm13 =	vlt.u32 v9, $0x186A0;
	vm0 =	vmand vm0, vm1  }
0x2ee: {  	vm0 =	vmand vm13, vm0;
	vm14 =	vlt.s32 v8, v5;
	v4 =	vadd.s32 v4, v8  }
0x2ef: {  	vm0 =	vmand vm14, vm0;
	vm15 =	vlt.s32 v4, $0x1FFF  }
0x2f0: {  	v4 =	vnsel vm15, $0x1FFF, v4;
	_ =	sdelay $0x3  }
0x2f1: {  	v5 =	vor.u32 s15, v1  }
.Ltmp23:
0x2f2: {  	s31 =	rddreg [dreg:$0xc];
	[tilespmem:v4+s4+$0x0] =	vst.idx.msk vm0, v5;
	(pc) =	sbr.rel .LBB2_39-.Ltmp23, $4  }
0x2f3: {  	[hbm4b:s31+s5] =	stream.linear.scatter [tilespmem:s4], [sflag:$0x2], $0x2000, $0x38;
	[tilespmem:$0x15500] =	vst v63  }
0x2f4: {  	_ =	swait.ge [sflag:s3], $0x2000  }
0x2f5: {  	[sflag:s3] =	ssyncset.done $0x0  }
0x2f6: {  	[sflag:s3] =	ssyncadd.s32 $0xFFFFE000  }
.LBB2_40:
0x2f7: {  	_ =	sfence.sel $0x180000  }
0x2f8: {  	[bflag:$0x0] =	sbarrier.arrive $0xFFFF  }
0x2f9: {  	_ =	strace $0x9000004D  }
0x2fa: {  	s0 =	stileid.u32;
	[bflag:$0x2] =	sbarrier.arrive $0xFFFF  }
0x2fb: {  	p0 =	sne.s32 s0, $0x0;
	s0 =	rddreg [dreg:$0x5]  }
0x2fc: {  	s0 =	sadd.s32 @!p0 $0x100000, s0  }
0x2fd: {  	[sflag:s0] =	ssyncadd.tile.s32 @!p0 $0x1;
	_ =	shalt  }
.Lfunc_end2:
_tile_overlayer_lowered:
.L_overlay_start_2:
0x2fe: {  	(tag) =	ssettag $0x2  }
0x2ff: {  	s0 =	rddreg [dreg:$0x0];
	s2 =	stileid.u32  }
0x300: {  	s1 =	rddreg [dreg:$0x1];
	p0 =	sne.s32 s2, $0x0  }
0x301: {  	s3 =	rddreg [dreg:$0x2];
	[bflag:$0x3] =	sbarrier.arrive $0xFFFF;
	s2 =	simm.s32 @!p0 $0x1C02  }
0x302: {  	[timem:s3], [sflag:s2] =	dma.local @!p0 [hbm:s0], s1  }
0x303: {  	s0 =	simm.s32 @!p0 $0x2  }
0x304: {  	_ =	swait.ge @!p0 [sflag:s0], s1  }
0x305: {  	s1 =	ssub.s32 @!p0 $0x0, s1;
	[sflag:s0] =	ssyncset.done @!p0 $0x0  }
0x306: {  	[sflag:s0] =	ssyncadd.s32 @!p0 s1  }
0x307: {  	[bflag:$0x3] =	sbarrier.arrive $0xFFFF  }
0x308: {  	_ =	shalt  }

// kernel: kernel.20.cloned.1.call-start
scs
__scs_entry_jumppad:
0x0: {  	(pc) =	sbr.rel $0x88, $3  }
0x1: {  	(tag) =	ssettag $0x0;
	lr =	simm.s32 $0x1  }
0x2: {  	[smem:$0x3F9E] =	sst lr;
	_ =	strace $0xD0000000  }
0x3: {  	_ = 	snop  }
0x4: {  	_ = 	snop  }
0x5: {  	_ = 	snop  }
0x6: {  	_ = 	snop  }
0x7: {  	_ = 	snop  }
__scs_overlays_trampoline_lowered:
0x8: {  	[smem:$0x3FAD] =	sst s0  }
0x9: {  	[smem:$0x3FAE] =	sst s1  }
0xa: {  	[smem:$0x3FAF] =	sst s2  }
0xb: {  	[smem:$0x3FB0] =	sst s3  }
0xc: {  	[smem:$0x3FB1] =	sst s4  }
0xd: {  	[smem:$0x3FB2] =	sst s5  }
0xe: {  	[smem:$0x3FB3] =	sst s6  }
0xf: {  	[smem:$0x3FB4] =	sst s7  }
0x10: {  	[smem:$0x3FB5] =	sst s8  }
0x11: {  	[smem:$0x3FB6] =	sst s9;
	s0 =	simm.s32 @!p0 $0x0  }
0x12: {  	s1 =	sld [smem:$0x3F9C];
	s0 =	simm.s32 @p0 $0x1  }
0x13: {  	[smem:$0x3FB7] =	sst s0;
	s0 =	simm.s32 @!p1 $0x0  }
0x14: {  	s2 =	sld [smem:$0x3F9B];
	s0 =	simm.s32 @p1 $0x1  }
0x15: {  	[smem:$0x3FB8] =	sst s0;
	s0 =	simm.s32 @!p2 $0x0  }
0x16: {  	s3 =	sld [smem:$0x3FDB];
	s0 =	simm.s32 @p2 $0x1  }
0x17: {  	s4 =	simm.s32 $0x1BF5;
	[smem:$0x3FBA] =	sst s0  }
0x18: {  	s0 =	sld [smem:$0x3F9D];
	_ =	swait.ge [sflag:s4], $0x0  }
0x19: {  	s7 =	sld [smem:$0x3F9E]  }
0x1a: {  	s8 =	sadd.s32 $0xFFFFE003, lr  }
0x1b: {  	s9 =	sadd.s32 $0xFFFFFEF7, lr;
	s5 =	simm.s32 $0xFFFFFFFF;
	p2 =	slt.u32 s8, $0xFFFFF086  }
0x1c: {  	p1 =	slt.u32 s9, $0xF7A;
	s5 =	simm.s32 @!p2 $0x0  }
0x1d: {  	s5 =	simm.s32 @p1 $0x1;
	p0 =	seq.s32 s7, s2  }
0x1e: {  	s7 =	smul.u32 @!p0 $0xF7A, s2;
	p2 =	seq.s32 @!p0 s5, $0x0  }
0x1f: {  	s9 =	smul.u32 $0xF7A, s1;
	s8 =	simm.s32 @!p0 $0x1BF5;
	p2 =	por !p2, p0  }
0x20: {  	[sflag:s8] =	ssyncset.s32 @!p0 $0xFFFFF086;
	s6 =	sadd.s32 @!p0 s3, s7;
	s7 =	simm.s32 @!p0 $0x108  }
0x21: {  	s3 =	sadd.s32 s3, s9;
	s6 =	sadd.s32 @!p0 $0x88, s6;
	s7 =	simm.s32 @p2 $0x1082  }
0x22: {  	[simem:s7], [sflag:s8] =	dma.local @!p0 [hbm:s6], $0xF7A  }
0x23: {  	s9 =	sor.u32 $0xD0000000, s2;
	s6 =	simm.s32 $0x108;
	_ =	swait.ge @!p0 [sflag:s8], $0x0  }
0x24: {  	s3 =	sadd.s32 $0x88, s3;
	s6 =	simm.s32 @!p1 $0x1082;
	[sflag:s4] =	ssyncset.s32 $0xFFFFF086  }
0x25: {  	[simem:s6], [sflag:s4] =	dma.local [hbm:s3], $0xF7A  }
0x26: {  	[smem:$0x3F9E] =	sst s1;
	(tag) =	ssettag s2;
	_ =	strace s9  }
0x27: {  	s1 =	sld [smem:$0x3FAE]  }
0x28: {  	s2 =	sld [smem:$0x3FAF]  }
0x29: {  	s4 =	sld [smem:$0x3FB1]  }
0x2a: {  	p0 =	seq.s32 s5, $0x0;
	s5 =	sld [smem:$0x3FB2]  }
0x2b: {  	s6 =	sld [smem:$0x3FB3]  }
0x2c: {  	s7 =	sld [smem:$0x3FB4]  }
0x2d: {  	s3 =	simm.s32 $0x108;
	s8 =	sld [smem:$0x3FB5]  }
0x2e: {  	s3 =	simm.s32 @!p0 $0x1082;
	s9 =	sld [smem:$0x3FB6]  }
0x2f: {  	lr =	sadd.s32 s0, s3;
	s0 =	sld [smem:$0x3FAD]  }
0x30: {  	s3 =	sld [smem:$0x3FB0]  }
0x31: {  	[smem:$0x3FB9] =	sst s10  }
0x32: {  	s10 =	sld [smem:$0x3FB7];
	_ =	sdelay $0x3  }
0x33: {  	p0 =	seq.s32 s10, $0x1;
	s10 =	sld [smem:$0x3FB9];
	_ =	sdelay $0x3  }
0x34: {  	[smem:$0x3FB9] =	sst s10  }
0x35: {  	s10 =	sld [smem:$0x3FB8];
	_ =	sdelay $0x3  }
0x36: {  	p1 =	seq.s32 s10, $0x1;
	s10 =	sld [smem:$0x3FB9];
	_ =	sdelay $0x3  }
0x37: {  	[smem:$0x3FB9] =	sst s10  }
0x38: {  	s10 =	sld [smem:$0x3FBA]  }
0x39: {  	_ = 	snop;
	(pc) =	sbr.ind lr, $3  }
0x3a: {  	_ = 	snop  }
0x3b: {  	_ = 	snop  }
0x3c: {  	p2 =	seq.s32 s10, $0x1;
	s10 =	sld [smem:$0x3FB9]  }
0x3d: {  	_ =	shalt  }
0x3e: {  	_ =	shalt  }
0x3f: {  	_ =	shalt  }
0x40: {  	_ =	shalt  }
0x41: {  	_ =	shalt  }
0x42: {  	_ =	shalt  }
0x43: {  	_ =	shalt  }
0x44: {  	_ =	shalt  }
0x45: {  	_ =	shalt  }
0x46: {  	_ =	shalt  }
0x47: {  	_ =	shalt  }
0x48: {  	_ =	shalt  }
0x49: {  	_ =	shalt  }
0x4a: {  	_ =	shalt  }
0x4b: {  	_ =	shalt  }
0x4c: {  	_ =	shalt  }
0x4d: {  	_ =	shalt  }
0x4e: {  	_ =	shalt  }
0x4f: {  	_ =	shalt  }
0x50: {  	_ =	shalt  }
0x51: {  	_ =	shalt  }
0x52: {  	_ =	shalt  }
0x53: {  	_ =	shalt  }
0x54: {  	_ =	shalt  }
0x55: {  	_ =	shalt  }
0x56: {  	_ =	shalt  }
0x57: {  	_ =	shalt  }
0x58: {  	_ =	shalt  }
0x59: {  	_ =	shalt  }
0x5a: {  	_ =	shalt  }
0x5b: {  	_ =	shalt  }
0x5c: {  	_ =	shalt  }
0x5d: {  	_ =	shalt  }
0x5e: {  	_ =	shalt  }
0x5f: {  	_ =	shalt  }
0x60: {  	_ =	shalt  }
0x61: {  	_ =	shalt  }
0x62: {  	_ =	shalt  }
0x63: {  	_ =	shalt  }
0x64: {  	_ =	shalt  }
0x65: {  	_ =	shalt  }
0x66: {  	_ =	shalt  }
0x67: {  	_ =	shalt  }
0x68: {  	_ =	shalt  }
0x69: {  	_ =	shalt  }
0x6a: {  	_ =	shalt  }
0x6b: {  	_ =	shalt  }
0x6c: {  	_ =	shalt  }
0x6d: {  	_ =	shalt  }
0x6e: {  	_ =	shalt  }
0x6f: {  	_ =	shalt  }
0x70: {  	_ =	shalt  }
0x71: {  	_ =	shalt  }
0x72: {  	_ =	shalt  }
0x73: {  	_ =	shalt  }
0x74: {  	_ =	shalt  }
0x75: {  	_ =	shalt  }
0x76: {  	_ =	shalt  }
0x77: {  	_ =	shalt  }
0x78: {  	_ =	shalt  }
0x79: {  	_ =	shalt  }
0x7a: {  	_ =	shalt  }
0x7b: {  	_ =	shalt  }
0x7c: {  	_ =	shalt  }
0x7d: {  	_ =	shalt  }
0x7e: {  	_ =	shalt  }
0x7f: {  	_ =	shalt  }
0x80: {  	_ =	shalt  }
0x81: {  	_ =	shalt  }
0x82: {  	_ =	shalt  }
0x83: {  	_ =	shalt  }
0x84: {  	_ =	shalt  }
0x85: {  	_ =	shalt  }
0x86: {  	_ =	shalt  }
0x87: {  	_ =	shalt  }
.Lfunc_end0:
.L_simem_size_0:
called_computation.3_lowered:
.L_overlay_start_0:
0x88: {  	s2 =	sld [smem:$0x3FD9]  }
0x89: {  	s3 =	sld [smem:$0x3FFE];
	_ =	sdelay $0x1  }
0x8a: {  	s1 =	srdreg.scid  }
0x8b: {  	s0 =	sand.u32 $0x1, s1  }
0x8c: {  	s14 =	sshll.u32 s0, $0xA;
	s2 =	sadd.s32 s3, s2  }
0x8d: {  	s2 =	sadd.s32 s2, s14  }
0x8e: {  	[smem:$0x3FC5] =	sst s2  }
0x8f: {  	_ = 	snop  }
0x90: {  	s2 =	sld [smem:$0x3FD0];
	_ =	sdelay $0x2  }
0x91: {  	s15 =	simm.s32 $0xA;
	s4 =	simm.s32 $0x10  }
0x92: {  	[smem:s4], [sflag:s15] =	dma.local [hbm:s2], $0x1  }
0x93: {  	_ =	swait.eq [sflag:s15], $0x1  }
0x94: {  	[sflag:s15] =	ssyncset.done $0x0  }
0x95: {  	s16 =	sld [smem:$0x10];
	[sflag:s15] =	ssyncadd.s32 $0xFFFFFFFF  }
0x96: {  	s17 =	sld [smem:$0x11];
	(tm) =	ssettm $0x1  }
0x97: {  	s18 =	sld [smem:$0x3FFB];
	_ =	sdelay $0x3  }
0x98: {  	_ =	strace s18  }
0x99: {  	s4 =	sld [smem:$0x3FFC];
	_ =	sdelay $0x3  }
0x9a: {  	_ =	strace s4  }
0x9b: {  	s4 =	sld [smem:$0x3FFD];
	_ =	sdelay $0x3  }
0x9c: {  	_ =	strace s4  }
0x9d: {  	_ =	strace $0x8FFFFFFF  }
0x9e: {  	s19 =	sld [smem:$0x3FDB];
	_ =	sdelay $0x1  }
0x9f: {  	s5 =	simm.s32 $_scs_section_size  }
0xa0: {  	s6 =	simm.s32 $_size__tile_overlayer_lowered;
	s7 =	simm.s32 $_tile_overlayer_lowered  }
0xa1: {  	s22 =	simm.s32 $0x1BFF;
	s21 =	sshll.u32 s7, $0x1;
	s4 =	sadd.s32 s5, s19  }
0xa2: {  	s8 =	simm.s32 $0x0;
	s20 =	sshll.u32 s6, $0x1;
	s6 =	sadd.s32 s21, s4  }
0xa3: {  	[timem:s8], [sflag:s22] =	dma.local [hbm:s6], s20  }
0xa4: {  	_ =	swait.ge [sflag:s22], s20  }
0xa5: {  	s5 =	ssub.s32 $0x0, s20;
	[sflag:s22] =	ssyncset.done $0x0  }
0xa6: {  	[sflag:s22] =	ssyncadd.s32 s5;
	_ =	sdelay $0x1  }
0xa7: {  	s23 =	simm.s32 $0x1B8B  }
0xa8: {  	_ =	swait.ge [sflag:s23], $0x1  }
0xa9: {  	[sflag:s23] =	ssyncset.done $0x0  }
0xaa: {  	s25 =	simm.s32 $0x1B8E;
	s24 =	sld [smem:$0x3FFE];
	[sflag:s23] =	ssyncadd.s32 $0xFFFFFFFF  }
0xab: {  	s26 =	simm.s32 $execute0_lowered;
	[smem:$0x3FD2] =	sst s25  }
0xac: {  	s6 =	sshll.u32 s26, $0x1;
	_ =	strace $0x8000004F;
	[dreg:$0x1] =	wrdreg $0xFFFFFFFF  }
0xad: {  	s28 =	simm.s32 $_size_execute0_lowered;
	s4 =	sadd.s32 s4, s6;
	[dreg:$0x0] =	wrdreg $0x0  }
0xae: {  	s6 =	sshll.u32 s28, $0x1;
	[dreg:$0x2] =	wrdreg s4  }
0xaf: {  	[dreg:$0x3] =	wrdreg s6  }
0xb0: {  	[dreg:$0x4] =	wrdreg $0xC0  }
0xb1: {  	_ =	task [dreg:s8], $0x5FFFF  }
0xb2: {  	[dreg:$0x1] =	wrdreg $0xFFFFFFFF  }
0xb3: {  	[dreg:$0x0] =	wrdreg $0x60  }
0xb4: {  	[dreg:$0x2] =	wrdreg s24  }
0xb5: {  	[dreg:$0x3] =	wrdreg s16  }
0xb6: {  	[dreg:$0x4] =	wrdreg s17  }
0xb7: {  	[dreg:$0x5] =	wrdreg $0x9  }
0xb8: {  	_ =	task.clear_ibuf [dreg:s8], $0x6FFFF;
	_ =	strace $0x9000004F  }
0xb9: {  	s29 =	simm.s32 $0x9;
	_ =	strace $0x80000051  }
0xba: {  	_ =	swait.ge [sflag:s29], $0x1  }
0xbb: {  	[sflag:s29] =	ssyncadd.s32 $0xFFFFFFFF  }
0xbc: {  	_ =	strace $0x90000051  }
0xbd: {  	_ =	sfence  }
0xbe: {  	s30 =	sld [smem:$0x0];
	_ =	sdelay $0x2  }
0xbf: {  	s31 =	sshll.u32 s1, $0xD;
	s1 =	sshrl.u32 s1, $0x2  }
0xc0: {  	s3 =	sand.u32 $0x4000, s31;
	s1 =	sadd.s32 s1, s30  }
0xc1: {  	s0 =	sor.u32 s3, s0;
	s1 =	sshll.u32 s1, $0x11  }
0xc2: {  	s0 =	sor.u32 s1, s0  }
0xc3: {  	s0 =	sadd.s32 $0x8F2B, s0  }
0xc4: {  	[sflag:s0] =	ssyncadd.remote.s32 $0x1  }
0xc5: {  	_ =	sfence.sel $0xFFFF  }
0xc6: {  	[dreg:$0x0] =	wrdreg $0xFFFFFFFF;
	(pc) =	sbr.abs _section_cstart, $3  }
0xc7: {  	[dreg:$0x1] =	wrdreg $0xFFFFFFFF  }
0xc8: {  	_ =	task.clear_ibuf [dreg:s8], $0x2FFFF;
	_ =	strace $0x9FFFFFFF  }
0xc9: {  	(tm) =	ssettm $0x7FFFFFFF  }
tec
execute0_lowered:
.L_overlay_start_1:
0x0: {  	(tag) =	ssettag $0x1  }
0x1: {  	s0 =	srdreg.scid  }
0x2: {  	s4 =	sand.u32 $0x1, s0;
	s0 =	stileid.u32  }
0x3: {  	s6 =	sshll.u32 s0, $0x1;
	s7 =	ssub.s32 $0x0, s4  }
0x4: {  	p0 =	sne.s32 s6, s7  }
.Ltmp0:
0x5: {  	_ = 	snop;
	(pc) =	sbr.rel @p0 .LBB2_5-.Ltmp0, $4  }
0x6: {  	s5 =	rddreg [dreg:$0x0]  }
0x7: {  	s2 =	rddreg [dreg:$0x1]  }
0x8: {  	s3 =	rddreg [dreg:$0x2]  }
0x9: {  	s1 =	rddreg [dreg:$0x3];
	_ =	strace $0x80000050  }
0xa: {  	s6 =	ssub.s32 $0x2, s4;
	s4 =	sadd.s32 $0xD000, s5  }
0xb: {  	s5 =	sadd.s32 $0xCA00, s5;
	s8 =	simm.s32 $0x1;
	s7 =	sshrl.u32 s6, $0x1  }
0xc: {  	s9 =	simm.s32 $0x2000;
	s10 =	simm.s32 $0x4400;
	s6 =	ssub.s32 s6, s7  }
0xd: {  	s11 =	simm.s32 $0x0;
	s7 =	simm.s32 $0x0;
	s6 =	smax.u32 s6, $0x1  }
.LBB2_2:
0xe: {  	[tilespmem:s7], [sflag:$0x1] =	stream.linear.gather [hbm4b:s4+s7], $0x2000, $0x38;
	[tilespmem:$0x6800] =	vst v63  }
0xf: {  	_ =	swait.ge [sflag:s8], $0x2000  }
0x10: {  	[sflag:s8] =	ssyncset.done $0x0  }
0x11: {  	[sflag:s8] =	ssyncadd.s32 $0xFFFFE000  }
0x12: {  	[tilespmem:s9], [sflag:$0x1] =	stream.linear.gather [hbm4b:s2+s7], $0x2400, $0x38;
	[tilespmem:$0x6800] =	vst v63  }
0x13: {  	_ =	swait.ge [sflag:s8], $0x2400  }
0x14: {  	[sflag:s8] =	ssyncset.done $0x0  }
0x15: {  	[sflag:s8] =	ssyncadd.s32 $0xFFFFDC00  }
0x16: {  	[tilespmem:s10], [sflag:$0x1] =	stream.linear.gather [hbm4b:s5+s7], $0x2400, $0x38;
	[tilespmem:$0x6800] =	vst v63  }
0x17: {  	_ =	swait.ge [sflag:s8], $0x2400  }
0x18: {  	[sflag:s8] =	ssyncset.done $0x0  }
0x19: {  	s13 =	simm.s32 $0x0;
	[sflag:s8] =	ssyncadd.s32 $0xFFFFDC00  }
0x1a: {  	s12 =	simm.s32 $0x40;
	v0 =	vld [tilespmem:s13+$0x4400]  }
.LBB2_3:
0x1b: {  	p0 =	sne.s32 s12, $0x8FC0;
	v1 =	vld [tilespmem:s13+$0x2000];
	_ =	sdelay $0x4  }
0x1c: {  	vm1 =	vgt.s32 v0, $0xFFFFFFFF;
	vm0 =	vlt.s32 v1, $0x1C00;
	vm2 =	vlt.s32 v1, $0x1BFF  }
0x1d: {  	vm0 =	vmand vm0, vm1;
	v1 =	vnsel vm2, $0x1BFF, v1  }
0x1e: {  	v1 =	vadd.s32 $0x400, v1;
	_ =	sdelay $0x1  }
.Ltmp1:
0x1f: {  	(pc) =	sbr.rel @p0 .LBB2_3-.Ltmp1, $3  }
0x20: {  	_ =	sdelay $0x1  }
0x21: {  	s13 =	sshra.s32 s12, $0x2;
	[tilespmem:v1+s7+$0x0] =	vst.idx.msk vm0, v0  }
0x22: {  	s12 =	sadd.s32 $0x40, s12;
	v0 =	vld [tilespmem:s13+$0x4400]  }
0x23: {  	v1 =	vld [tilespmem:s13+$0x2000];
	_ =	sdelay $0x4  }
0x24: {  	vm1 =	vgt.s32 v0, $0xFFFFFFFF;
	vm0 =	vlt.s32 v1, $0x1C00;
	vm2 =	vlt.s32 v1, $0x1BFF  }
0x25: {  	vm0 =	vmand vm0, vm1;
	v1 =	vnsel vm2, $0x1BFF, v1  }
0x26: {  	v1 =	vadd.s32 $0x400, v1;
	_ =	sdelay $0x2  }
0x27: {  	s11 =	sadd.s32 $0x1, s11  }
0x28: {  	p0 =	sne.s32 s11, s6  }
.Ltmp2:
0x29: {  	[tilespmem:v1+s7+$0x0] =	vst.idx.msk vm0, v0;
	(pc) =	sbr.rel @p0 .LBB2_2-.Ltmp2, $4  }
0x2a: {  	[hbm4b:s3+s7] =	stream.linear.scatter [tilespmem:s7], [sflag:$0x1], $0x2000, $0x38;
	[tilespmem:$0x6800] =	vst v63  }
0x2b: {  	_ =	swait.ge [sflag:s8], $0x2000  }
0x2c: {  	[sflag:s8] =	ssyncset.done $0x0  }
0x2d: {  	[sflag:s8] =	ssyncadd.s32 $0xFFFFE000  }
.LBB2_5:
0x2e: {  	_ =	sfence.sel $0x180000  }
0x2f: {  	[bflag:$0x0] =	sbarrier.arrive $0xFFFF  }
0x30: {  	p0 =	sne.s32 s0, $0x0;
	_ =	strace $0x90000050  }
0x31: {  	s0 =	sadd.s32 @!p0 $0x100000, s1;
	[bflag:$0x2] =	sbarrier.arrive $0xFFFF  }
0x32: {  	[sflag:s0] =	ssyncadd.tile.s32 @!p0 $0x1;
	_ =	shalt  }
.Lfunc_end2:
_tile_overlayer_lowered:
.L_overlay_start_2:
0x33: {  	(tag) =	ssettag $0x2  }
0x34: {  	s0 =	rddreg [dreg:$0x0];
	s2 =	stileid.u32  }
0x35: {  	s1 =	rddreg [dreg:$0x1];
	p0 =	sne.s32 s2, $0x0  }
0x36: {  	s3 =	rddreg [dreg:$0x2];
	[bflag:$0x3] =	sbarrier.arrive $0xFFFF;
	s2 =	simm.s32 @!p0 $0x1C01  }
0x37: {  	[timem:s3], [sflag:s2] =	dma.local @!p0 [hbm:s0], s1  }
0x38: {  	s0 =	simm.s32 @!p0 $0x1  }
0x39: {  	_ =	swait.ge @!p0 [sflag:s0], s1  }
0x3a: {  	s1 =	ssub.s32 @!p0 $0x0, s1;
	[sflag:s0] =	ssyncset.done @!p0 $0x0  }
0x3b: {  	[sflag:s0] =	ssyncadd.s32 @!p0 s1  }
0x3c: {  	[bflag:$0x3] =	sbarrier.arrive $0xFFFF  }
0x3d: {  	_ =	shalt  }

// kernel: kernel.23.cloned.1.call-start
scs
__scs_entry_jumppad:
0x0: {  	(pc) =	sbr.rel $0x88, $3  }
0x1: {  	(tag) =	ssettag $0x0;
	lr =	simm.s32 $0x1  }
0x2: {  	[smem:$0x3F9E] =	sst lr;
	_ =	strace $0xD0000000  }
0x3: {  	_ = 	snop  }
0x4: {  	_ = 	snop  }
0x5: {  	_ = 	snop  }
0x6: {  	_ = 	snop  }
0x7: {  	_ = 	snop  }
__scs_overlays_trampoline_lowered:
0x8: {  	[smem:$0x3FAD] =	sst s0  }
0x9: {  	[smem:$0x3FAE] =	sst s1  }
0xa: {  	[smem:$0x3FAF] =	sst s2  }
0xb: {  	[smem:$0x3FB0] =	sst s3  }
0xc: {  	[smem:$0x3FB1] =	sst s4  }
0xd: {  	[smem:$0x3FB2] =	sst s5  }
0xe: {  	[smem:$0x3FB3] =	sst s6  }
0xf: {  	[smem:$0x3FB4] =	sst s7  }
0x10: {  	[smem:$0x3FB5] =	sst s8  }
0x11: {  	[smem:$0x3FB6] =	sst s9;
	s0 =	simm.s32 @!p0 $0x0  }
0x12: {  	s1 =	sld [smem:$0x3F9C];
	s0 =	simm.s32 @p0 $0x1  }
0x13: {  	[smem:$0x3FB7] =	sst s0;
	s0 =	simm.s32 @!p1 $0x0  }
0x14: {  	s2 =	sld [smem:$0x3F9B];
	s0 =	simm.s32 @p1 $0x1  }
0x15: {  	[smem:$0x3FB8] =	sst s0;
	s0 =	simm.s32 @!p2 $0x0  }
0x16: {  	s3 =	sld [smem:$0x3FDB];
	s0 =	simm.s32 @p2 $0x1  }
0x17: {  	s4 =	simm.s32 $0x1BF5;
	[smem:$0x3FBA] =	sst s0  }
0x18: {  	s0 =	sld [smem:$0x3F9D];
	_ =	swait.ge [sflag:s4], $0x0  }
0x19: {  	s7 =	sld [smem:$0x3F9E]  }
0x1a: {  	s8 =	sadd.s32 $0xFFFFE003, lr  }
0x1b: {  	s9 =	sadd.s32 $0xFFFFFEF7, lr;
	s5 =	simm.s32 $0xFFFFFFFF;
	p2 =	slt.u32 s8, $0xFFFFF086  }
0x1c: {  	p1 =	slt.u32 s9, $0xF7A;
	s5 =	simm.s32 @!p2 $0x0  }
0x1d: {  	s5 =	simm.s32 @p1 $0x1;
	p0 =	seq.s32 s7, s2  }
0x1e: {  	s7 =	smul.u32 @!p0 $0xF7A, s2;
	p2 =	seq.s32 @!p0 s5, $0x0  }
0x1f: {  	s9 =	smul.u32 $0xF7A, s1;
	s8 =	simm.s32 @!p0 $0x1BF5;
	p2 =	por !p2, p0  }
0x20: {  	[sflag:s8] =	ssyncset.s32 @!p0 $0xFFFFF086;
	s6 =	sadd.s32 @!p0 s3, s7;
	s7 =	simm.s32 @!p0 $0x108  }
0x21: {  	s3 =	sadd.s32 s3, s9;
	s6 =	sadd.s32 @!p0 $0x88, s6;
	s7 =	simm.s32 @p2 $0x1082  }
0x22: {  	[simem:s7], [sflag:s8] =	dma.local @!p0 [hbm:s6], $0xF7A  }
0x23: {  	s9 =	sor.u32 $0xD0000000, s2;
	s6 =	simm.s32 $0x108;
	_ =	swait.ge @!p0 [sflag:s8], $0x0  }
0x24: {  	s3 =	sadd.s32 $0x88, s3;
	s6 =	simm.s32 @!p1 $0x1082;
	[sflag:s4] =	ssyncset.s32 $0xFFFFF086  }
0x25: {  	[simem:s6], [sflag:s4] =	dma.local [hbm:s3], $0xF7A  }
0x26: {  	[smem:$0x3F9E] =	sst s1;
	(tag) =	ssettag s2;
	_ =	strace s9  }
0x27: {  	s1 =	sld [smem:$0x3FAE]  }
0x28: {  	s2 =	sld [smem:$0x3FAF]  }
0x29: {  	s4 =	sld [smem:$0x3FB1]  }
0x2a: {  	p0 =	seq.s32 s5, $0x0;
	s5 =	sld [smem:$0x3FB2]  }
0x2b: {  	s6 =	sld [smem:$0x3FB3]  }
0x2c: {  	s7 =	sld [smem:$0x3FB4]  }
0x2d: {  	s3 =	simm.s32 $0x108;
	s8 =	sld [smem:$0x3FB5]  }
0x2e: {  	s3 =	simm.s32 @!p0 $0x1082;
	s9 =	sld [smem:$0x3FB6]  }
0x2f: {  	lr =	sadd.s32 s0, s3;
	s0 =	sld [smem:$0x3FAD]  }
0x30: {  	s3 =	sld [smem:$0x3FB0]  }
0x31: {  	[smem:$0x3FB9] =	sst s10  }
0x32: {  	s10 =	sld [smem:$0x3FB7];
	_ =	sdelay $0x3  }
0x33: {  	p0 =	seq.s32 s10, $0x1;
	s10 =	sld [smem:$0x3FB9];
	_ =	sdelay $0x3  }
0x34: {  	[smem:$0x3FB9] =	sst s10  }
0x35: {  	s10 =	sld [smem:$0x3FB8];
	_ =	sdelay $0x3  }
0x36: {  	p1 =	seq.s32 s10, $0x1;
	s10 =	sld [smem:$0x3FB9];
	_ =	sdelay $0x3  }
0x37: {  	[smem:$0x3FB9] =	sst s10  }
0x38: {  	s10 =	sld [smem:$0x3FBA]  }
0x39: {  	_ = 	snop;
	(pc) =	sbr.ind lr, $3  }
0x3a: {  	_ = 	snop  }
0x3b: {  	_ = 	snop  }
0x3c: {  	p2 =	seq.s32 s10, $0x1;
	s10 =	sld [smem:$0x3FB9]  }
0x3d: {  	_ =	shalt  }
0x3e: {  	_ =	shalt  }
0x3f: {  	_ =	shalt  }
0x40: {  	_ =	shalt  }
0x41: {  	_ =	shalt  }
0x42: {  	_ =	shalt  }
0x43: {  	_ =	shalt  }
0x44: {  	_ =	shalt  }
0x45: {  	_ =	shalt  }
0x46: {  	_ =	shalt  }
0x47: {  	_ =	shalt  }
0x48: {  	_ =	shalt  }
0x49: {  	_ =	shalt  }
0x4a: {  	_ =	shalt  }
0x4b: {  	_ =	shalt  }
0x4c: {  	_ =	shalt  }
0x4d: {  	_ =	shalt  }
0x4e: {  	_ =	shalt  }
0x4f: {  	_ =	shalt  }
0x50: {  	_ =	shalt  }
0x51: {  	_ =	shalt  }
0x52: {  	_ =	shalt  }
0x53: {  	_ =	shalt  }
0x54: {  	_ =	shalt  }
0x55: {  	_ =	shalt  }
0x56: {  	_ =	shalt  }
0x57: {  	_ =	shalt  }
0x58: {  	_ =	shalt  }
0x59: {  	_ =	shalt  }
0x5a: {  	_ =	shalt  }
0x5b: {  	_ =	shalt  }
0x5c: {  	_ =	shalt  }
0x5d: {  	_ =	shalt  }
0x5e: {  	_ =	shalt  }
0x5f: {  	_ =	shalt  }
0x60: {  	_ =	shalt  }
0x61: {  	_ =	shalt  }
0x62: {  	_ =	shalt  }
0x63: {  	_ =	shalt  }
0x64: {  	_ =	shalt  }
0x65: {  	_ =	shalt  }
0x66: {  	_ =	shalt  }
0x67: {  	_ =	shalt  }
0x68: {  	_ =	shalt  }
0x69: {  	_ =	shalt  }
0x6a: {  	_ =	shalt  }
0x6b: {  	_ =	shalt  }
0x6c: {  	_ =	shalt  }
0x6d: {  	_ =	shalt  }
0x6e: {  	_ =	shalt  }
0x6f: {  	_ =	shalt  }
0x70: {  	_ =	shalt  }
0x71: {  	_ =	shalt  }
0x72: {  	_ =	shalt  }
0x73: {  	_ =	shalt  }
0x74: {  	_ =	shalt  }
0x75: {  	_ =	shalt  }
0x76: {  	_ =	shalt  }
0x77: {  	_ =	shalt  }
0x78: {  	_ =	shalt  }
0x79: {  	_ =	shalt  }
0x7a: {  	_ =	shalt  }
0x7b: {  	_ =	shalt  }
0x7c: {  	_ =	shalt  }
0x7d: {  	_ =	shalt  }
0x7e: {  	_ =	shalt  }
0x7f: {  	_ =	shalt  }
0x80: {  	_ =	shalt  }
0x81: {  	_ =	shalt  }
0x82: {  	_ =	shalt  }
0x83: {  	_ =	shalt  }
0x84: {  	_ =	shalt  }
0x85: {  	_ =	shalt  }
0x86: {  	_ =	shalt  }
0x87: {  	_ =	shalt  }
.Lfunc_end0:
.L_simem_size_0:
called_computation.4_lowered:
.L_overlay_start_0:
0x88: {  	s2 =	sld [smem:$0x3FD9]  }
0x89: {  	s3 =	sld [smem:$0x3FFE];
	_ =	sdelay $0x1  }
0x8a: {  	s1 =	srdreg.scid  }
0x8b: {  	s0 =	sand.u32 $0x1, s1  }
0x8c: {  	s15 =	sshll.u32 s0, $0xA;
	s2 =	sadd.s32 s3, s2  }
0x8d: {  	s2 =	sadd.s32 s2, s15  }
0x8e: {  	[smem:$0x3FC5] =	sst s2  }
0x8f: {  	_ = 	snop  }
0x90: {  	s2 =	sld [smem:$0x3FD0];
	_ =	sdelay $0x2  }
0x91: {  	s4 =	simm.s32 $0xA;
	s5 =	simm.s32 $0x10;
	s16 =	sld [smem:$0x3FC7]  }
0x92: {  	[smem:s5], [sflag:s4] =	dma.local [hbm:s2], $0x1  }
0x93: {  	_ =	swait.eq [sflag:s4], $0x1  }
0x94: {  	[sflag:s4] =	ssyncset.done $0x0  }
0x95: {  	s17 =	sld [smem:$0x10];
	[sflag:s4] =	ssyncadd.s32 $0xFFFFFFFF  }
0x96: {  	s18 =	sld [smem:$0x11];
	(tm) =	ssettm $0x1  }
0x97: {  	s19 =	sld [smem:$0x3FFB];
	_ =	sdelay $0x3  }
0x98: {  	_ =	strace s19  }
0x99: {  	s5 =	sld [smem:$0x3FFC];
	_ =	sdelay $0x3  }
0x9a: {  	_ =	strace s5  }
0x9b: {  	s5 =	sld [smem:$0x3FFD];
	_ =	sdelay $0x3  }
0x9c: {  	_ =	strace s5  }
0x9d: {  	_ =	strace $0x8FFFFFFF  }
0x9e: {  	s20 =	sld [smem:$0x3FDB];
	_ =	sdelay $0x1  }
0x9f: {  	s6 =	simm.s32 $_scs_section_size  }
0xa0: {  	s7 =	simm.s32 $_size__tile_overlayer_lowered;
	s8 =	simm.s32 $_tile_overlayer_lowered  }
0xa1: {  	s23 =	simm.s32 $0x1BFF;
	s22 =	sshll.u32 s8, $0x1;
	s5 =	sadd.s32 s6, s20  }
0xa2: {  	s9 =	simm.s32 $0x0;
	s21 =	sshll.u32 s7, $0x1;
	s7 =	sadd.s32 s22, s5  }
0xa3: {  	[timem:s9], [sflag:s23] =	dma.local [hbm:s7], s21  }
0xa4: {  	_ =	swait.ge [sflag:s23], s21  }
0xa5: {  	s6 =	ssub.s32 $0x0, s21;
	[sflag:s23] =	ssyncset.done $0x0  }
0xa6: {  	[sflag:s23] =	ssyncadd.s32 s6;
	_ =	sdelay $0x1  }
0xa7: {  	s24 =	simm.s32 $0x1B8B  }
0xa8: {  	_ =	swait.ge [sflag:s24], $0x1  }
0xa9: {  	[sflag:s24] =	ssyncset.done $0x0  }
0xaa: {  	s25 =	simm.s32 $0x1B8E;
	[sflag:s24] =	ssyncadd.s32 $0xFFFFFFFF  }
0xab: {  	s26 =	simm.s32 $execute0_lowered;
	[smem:$0x3FD2] =	sst s25  }
0xac: {  	s6 =	sshll.u32 s26, $0x1;
	_ =	strace $0x80000052;
	[dreg:$0x1] =	wrdreg $0xFFFFFFFF  }
0xad: {  	s28 =	simm.s32 $_size_execute0_lowered;
	s5 =	sadd.s32 s5, s6;
	[dreg:$0x0] =	wrdreg $0x0  }
0xae: {  	s6 =	sshll.u32 s28, $0x1;
	[dreg:$0x2] =	wrdreg s5  }
0xaf: {  	[dreg:$0x3] =	wrdreg s6  }
0xb0: {  	[dreg:$0x4] =	wrdreg $0xC0  }
0xb1: {  	_ =	task [dreg:s9], $0x5FFFF  }
0xb2: {  	[dreg:$0x1] =	wrdreg $0xFFFFFFFF  }
0xb3: {  	[dreg:$0x0] =	wrdreg $0x60  }
0xb4: {  	[dreg:$0x2] =	wrdreg s16  }
0xb5: {  	[dreg:$0x3] =	wrdreg s18  }
0xb6: {  	[dreg:$0x4] =	wrdreg s17  }
0xb7: {  	[dreg:$0x5] =	wrdreg $0x9  }
0xb8: {  	_ =	task.clear_ibuf [dreg:s9], $0x6FFFF;
	_ =	strace $0x90000052  }
0xb9: {  	s29 =	simm.s32 $0x9;
	_ =	strace $0x80000054  }
0xba: {  	_ =	swait.ge [sflag:s29], $0x1  }
0xbb: {  	[sflag:s29] =	ssyncadd.s32 $0xFFFFFFFF  }
0xbc: {  	_ =	strace $0x90000054  }
0xbd: {  	_ =	sfence  }
0xbe: {  	s30 =	sld [smem:$0x0];
	_ =	sdelay $0x2  }
0xbf: {  	s31 =	sshll.u32 s1, $0xD;
	s1 =	sshrl.u32 s1, $0x2  }
0xc0: {  	s3 =	sand.u32 $0x4000, s31;
	s1 =	sadd.s32 s1, s30  }
0xc1: {  	s0 =	sor.u32 s3, s0;
	s1 =	sshll.u32 s1, $0x11  }
0xc2: {  	s0 =	sor.u32 s1, s0  }
0xc3: {  	s0 =	sadd.s32 $0x8F2B, s0  }
0xc4: {  	[sflag:s0] =	ssyncadd.remote.s32 $0x1  }
0xc5: {  	_ =	sfence.sel $0xFFFF  }
0xc6: {  	[dreg:$0x0] =	wrdreg $0xFFFFFFFF;
	(pc) =	sbr.abs _section_cstart, $3  }
0xc7: {  	[dreg:$0x1] =	wrdreg $0xFFFFFFFF  }
0xc8: {  	_ =	task.clear_ibuf [dreg:s9], $0x2FFFF;
	_ =	strace $0x9FFFFFFF  }
0xc9: {  	(tm) =	ssettm $0x7FFFFFFF  }
tec
execute0_lowered:
.L_overlay_start_1:
0x0: {  	(tag) =	ssettag $0x1  }
0x1: {  	s1 =	rddreg [dreg:$0x0]  }
0x2: {  	s2 =	srdreg.scid;
	s4 =	rddreg [dreg:$0x1]  }
0x3: {  	s0 =	stileid.u32;
	s8 =	rddreg [dreg:$0x2];
	s6 =	sand.u32 $0x1, s2  }
0x4: {  	s3 =	simm.s32 $0x0;
	s5 =	sshll.u32 s0, $0x9;
	s7 =	sshll.u32 s6, $0x8  }
0x5: {  	[smem:$0x7FF] =	sst s3;
	s9 =	sor.u32 s7, s5  }
0x6: {  	s2 =	rddreg [dreg:$0x3];
	_ =	strace $0x80000053;
	s5 =	sshrl.u32 s9, $0x3  }
0x7: {  	s10 =	ssub.s32 $0x2, s6;
	s5 =	sadd.s32 s4, s5;
	s4 =	simm.s32 $0x2  }
0x8: {  	[tilespmem:s3], [sflag:$0x2] =	stream.linear.gather [hbm4b:s5+s3], $0x100, $0x38;
	[tilespmem:$0x8100] =	vst v63  }
0x9: {  	s11 =	sshrl.u32 s10, $0x1;
	_ =	swait.ge [sflag:s4], $0x100  }
0xa: {  	s6 =	simm.s32 $0x100;
	s10 =	ssub.s32 s10, s11;
	[sflag:s4] =	ssyncset.done $0x0  }
0xb: {  	s7 =	simm.s32 $0x1;
	s31 =	smax.u32 s10, $0x1;
	[sflag:s4] =	ssyncadd.s32 $0xFFFFFF00  }
0xc: {  	[tilespmem:s6], [sflag:$0x1] =	stream.indirect.gather [hbm4b:s1+s6], $0x80, s3, s6, $0xb8;
	[tilespmem:$0x8100] =	vst v63  }
0xd: {  	p0 =	sne.s32 s31, $0x1;
	_ =	swait.ge [sflag:s7], $0x8000  }
.Ltmp0:
0xe: {  	s9 =	sshll.u32 s9, $0x4;
	[sflag:s7] =	ssyncset.done $0x0;
	(pc) =	sbr.rel @!p0 .LBB2_2-.Ltmp0, $4  }
0xf: {  	s8 =	sadd.s32 s8, s9;
	[sflag:s7] =	ssyncadd.s32 $0xFFFF8000  }
0x10: {  	[hbm4b:s8+s3] =	stream.linear.scatter [tilespmem:s6], [sflag:$0x2], $0x8000, $0x38;
	[tilespmem:$0x8100] =	vst v63  }
0x11: {  	_ =	swait.ge [sflag:s4], $0x8000  }
0x12: {  	s9 =	sadd.s32 $0xFFFFFFFF, s31;
	[sflag:s4] =	ssyncset.done $0x0  }
.LBB2_1:
0x13: {  	p0 =	sne.s32 s9, $0x1;
	s9 =	sadd.s32 $0xFFFFFFFF, s9;
	[sflag:s4] =	ssyncadd.s32 $0xFFFF8000  }
0x14: {  	[tilespmem:s3], [sflag:$0x2] =	stream.linear.gather [hbm4b:s5+s3], $0x100, $0x38;
	[tilespmem:$0x8100] =	vst v63  }
0x15: {  	_ =	swait.ge [sflag:s4], $0x100  }
0x16: {  	[sflag:s4] =	ssyncset.done $0x0  }
0x17: {  	[sflag:s4] =	ssyncadd.s32 $0xFFFFFF00  }
0x18: {  	[tilespmem:s6], [sflag:$0x1] =	stream.indirect.gather [hbm4b:s1+s6], $0x80, s3, s6, $0xb8;
	[tilespmem:$0x8100] =	vst v63  }
0x19: {  	_ =	swait.ge [sflag:s7], $0x8000  }
.Ltmp1:
0x1a: {  	[sflag:s7] =	ssyncset.done $0x0;
	(pc) =	sbr.rel @p0 .LBB2_1-.Ltmp1, $4  }
0x1b: {  	[sflag:s7] =	ssyncadd.s32 $0xFFFF8000  }
0x1c: {  	[hbm4b:s8+s3] =	stream.linear.scatter [tilespmem:s6], [sflag:$0x2], $0x8000, $0x38;
	[tilespmem:$0x8100] =	vst v63  }
0x1d: {  	_ =	swait.ge [sflag:s4], $0x8000  }
0x1e: {  	[sflag:s4] =	ssyncset.done $0x0  }
.LBB2_2:
0x1f: {  	[sflag:s4] =	ssyncadd.s32 $0xFFFF8000  }
0x20: {  	_ =	sfence.sel $0x180000  }
0x21: {  	[bflag:$0x0] =	sbarrier.arrive $0xFFFF  }
0x22: {  	p0 =	sne.s32 s0, $0x0;
	_ =	strace $0x90000053  }
0x23: {  	s0 =	sadd.s32 @!p0 $0x100000, s2;
	[bflag:$0x2] =	sbarrier.arrive $0xFFFF  }
0x24: {  	[sflag:s0] =	ssyncadd.tile.s32 @!p0 $0x1;
	_ =	shalt  }
.Lfunc_end2:
_tile_overlayer_lowered:
.L_overlay_start_2:
0x25: {  	(tag) =	ssettag $0x2  }
0x26: {  	s0 =	rddreg [dreg:$0x0];
	s2 =	stileid.u32  }
0x27: {  	s1 =	rddreg [dreg:$0x1];
	p0 =	sne.s32 s2, $0x0  }
0x28: {  	s3 =	rddreg [dreg:$0x2];
	[bflag:$0x3] =	sbarrier.arrive $0xFFFF;
	s2 =	simm.s32 @!p0 $0x1C02  }
0x29: {  	[timem:s3], [sflag:s2] =	dma.local @!p0 [hbm:s0], s1  }
0x2a: {  	s0 =	simm.s32 @!p0 $0x2  }
0x2b: {  	_ =	swait.ge @!p0 [sflag:s0], s1  }
0x2c: {  	s1 =	ssub.s32 @!p0 $0x0, s1;
	[sflag:s0] =	ssyncset.done @!p0 $0x0  }
0x2d: {  	[sflag:s0] =	ssyncadd.s32 @!p0 s1  }
0x2e: {  	[bflag:$0x3] =	sbarrier.arrive $0xFFFF  }
0x2f: {  	_ =	shalt  }

</sc_bundles>
